<compile_context>
chip_gen: v7x
topology: tpu7x:2x2x1
jax: 0.10.2.dev20260603
libtpu: 0.0.44.dev20260713+nightly
codegen_flags: <defaults>
</compile_context>

<pallas_src>
import functools

import jax
import jax.numpy as jnp
from jax import lax
from jax.experimental import pallas as pl
from jax.experimental.pallas import tpu as pltpu
from jax.experimental.pallas import tpu_sc as plsc

_Q = 4096
_K = 100000
_D = 256
_TOPK = 3

_BK = 2048
_NKB = 49
_KPAD = _NKB * _BK
_BQ = 128
_NQB = _Q // _BQ

_BIG = 1e30
_FBIG = float(2**30)


def _ce(a, b):
    keep = a[0] <= b[0]
    lo = (jnp.where(keep, a[0], b[0]), jnp.where(keep, a[1], b[1]))
    hi = (jnp.where(keep, b[0], a[0]), jnp.where(keep, b[1], a[1]))
    return lo, hi


def _lo(a, b):
    keep = a[0] <= b[0]
    return (jnp.where(keep, a[0], b[0]), jnp.where(keep, a[1], b[1]))


def _topk_body(q_ref, qsq_ref, m2_ref, msq_ref,
               v0_ref, v1_ref, v2_ref, i0_ref, i1_ref, i2_ref):
    kj = pl.program_id(0)

    @pl.when(kj == 0)
    def _init():
        for vr in (v0_ref, v1_ref, v2_ref):
            vr[...] = jnp.full((_Q, 1), _BIG, jnp.float32)
        for ir in (i0_ref, i1_ref, i2_ref):
            ir[...] = jnp.full((_Q, 1), _FBIG, jnp.float32)

    m2_blk = m2_ref[...]
    msq = msq_ref[...]
    kbase = kj * _BK
    colf = (lax.broadcasted_iota(jnp.int32, (_BQ, _BK), 1).astype(jnp.float32)
            + jnp.float32(kbase))

    for i in range(_NQB):
        rows = pl.ds(i * _BQ, _BQ)
        q = q_ref[rows, :]
        qsq = qsq_ref[rows, :]
        dot2 = lax.dot_general(q, m2_blk, (((1,), (1,)), ((), ())),
                               preferred_element_type=jnp.float32)
        s = (qsq + msq) + dot2

        cands = []
        for t in range(_TOPK):
            bmin = jnp.min(s, axis=1, keepdims=True)
            bidx = jnp.min(jnp.where(s == bmin, colf, _FBIG), axis=1,
                           keepdims=True)
            cands.append((bmin, bidx))
            if t < _TOPK - 1:
                s = jnp.where(colf == bidx, _BIG, s)

        a0 = (v0_ref[rows, :], i0_ref[rows, :])
        a1 = (v1_ref[rows, :], i1_ref[rows, :])
        a2 = (v2_ref[rows, :], i2_ref[rows, :])
        b0, b1, b2 = cands

        a2 = _lo(a2, b0)
        a1, a2 = _ce(a1, a2)
        a0, a1 = _ce(a0, a1)
        a2 = _lo(a2, b1)
        a1, a2 = _ce(a1, a2)
        a2 = _lo(a2, b2)

        v0_ref[rows, :], i0_ref[rows, :] = a0
        v1_ref[rows, :], i1_ref[rows, :] = a1
        v2_ref[rows, :], i2_ref[rows, :] = a2


def _tc_topk(h_query, qsq, m2_pad, msq_pad):
    out_specs = [pl.BlockSpec((_Q, 1), lambda kj: (0, 0)) for _ in range(6)]
    out_shape = [jax.ShapeDtypeStruct((_Q, 1), jnp.float32)] * 6
    return pl.pallas_call(
        _topk_body,
        grid=(_NKB,),
        in_specs=[
            pl.BlockSpec((_Q, _D), lambda kj: (0, 0)),
            pl.BlockSpec((_Q, 1), lambda kj: (0, 0)),
            pl.BlockSpec((_BK, _D), lambda kj: (kj, 0)),
            pl.BlockSpec((1, _BK), lambda kj: (0, kj)),
        ],
        out_specs=out_specs,
        out_shape=out_shape,
    )(h_query, qsq, m2_pad, msq_pad)


_NW = 32
_ROWS_PER_W = 3


@functools.lru_cache(maxsize=1)
def _sc_gather_sum_fn():
    mesh = plsc.VectorSubcoreMesh(core_axis_name="c", subcore_axis_name="s")

    @functools.partial(
        pl.kernel,
        mesh=mesh,
        out_type=jax.ShapeDtypeStruct((_NW * 16,), jnp.float32),
        scratch_types=[
            pltpu.VMEM((_ROWS_PER_W, 128), jnp.int32),
            pltpu.VMEM((_ROWS_PER_W, 128), jnp.float32),
            pltpu.VMEM((16,), jnp.float32),
            pltpu.SemaphoreType.DMA,
        ],
    )
    def _sc_gather_sum(idx_hbm, pred_hbm, out_hbm, idx_v, vals_v, acc_v, sem):
        c = lax.axis_index("c")
        s = lax.axis_index("s")
        wid = s * 2 + c
        base = wid * (_ROWS_PER_W * 128)
        for j in range(_ROWS_PER_W):
            pltpu.sync_copy(idx_hbm.at[pl.ds(base + j * 128, 128)],
                            idx_v.at[j])
        copies = [
            pltpu.async_copy(pred_hbm.at[idx_v.at[j]], vals_v.at[j], sem)
            for j in range(_ROWS_PER_W)
        ]
        for cp in copies:
            cp.wait()
        acc = jnp.zeros((16,), jnp.float32)
        for j in range(_ROWS_PER_W):
            for g in range(8):
                acc = acc + vals_v[j, pl.ds(g * 16, 16)]
        acc_v[...] = acc
        pltpu.sync_copy(acc_v, out_hbm.at[pl.ds(wid * 16, 16)])

    return _sc_gather_sum


def kernel(h_query, memory_embeds, pred_values):
    qsq = jnp.sum(h_query * h_query, axis=1, keepdims=True)
    msq = jnp.sum(memory_embeds * memory_embeds, axis=1)
    hq_bf = h_query.astype(jnp.bfloat16)
    m2_pad = jnp.pad((memory_embeds * -2.0).astype(jnp.bfloat16),
                     ((0, _KPAD - _K), (0, 0)))
    msq_pad = jnp.pad(msq, (0, _KPAD - _K),
                      constant_values=_BIG).reshape(1, _KPAD)
    outs = _tc_topk(hq_bf, qsq, m2_pad, msq_pad)
    i0, i1, i2 = outs[3], outs[4], outs[5]
    idx = jnp.concatenate([i0, i1, i2], axis=1).astype(jnp.int32).reshape(-1)

    parts = _sc_gather_sum_fn()(idx, pred_values)
    return jnp.sum(parts) / jnp.float32(_Q * _TOPK)

# --- scband reference (transcript-rebuilt; emitter-appended) ---
"""Pipeline reference for scband-correct-error-91199335563348 (READ-ONLY COPY).

The authoritative reference and input builder live on the scoring server;
editing this copy changes nothing except your own understanding.
"""

import jax, jax.numpy as jnp
import numpy as np

Q = 4096
K = 100000
D = 256  # args.dimension * 2
TOPK = 3


def setup_inputs(seed: int = 0) -> dict:
    key = jax.random.key(seed)
    k1, k2, k3 = jax.random.split(key, 3)
    h_query = jax.random.normal(k1, (Q, D), dtype=jnp.float32)
    # module state populated via add_memory(): stacked memory embeddings and their predicted values
    memory_embeds = jax.random.normal(k2, (K, D), dtype=jnp.float32)
    pred_values = jax.random.normal(k3, (K,), dtype=jnp.float32)
    return {"h_query": h_query, "memory_embeds": memory_embeds, "pred_values": pred_values}


def reference(h_query, memory_embeds, pred_values):
    # faiss.IndexFlatL2.search: k nearest neighbors by squared L2 distance
    q_sq = jnp.sum(h_query * h_query, axis=1, keepdims=True)          # [Q, 1]
    m_sq = jnp.sum(memory_embeds * memory_embeds, axis=1)[None, :]    # [1, K]
    dists = q_sq + m_sq - 2.0 * (h_query @ memory_embeds.T)           # [Q, K]
    # smallest distances -> top_k of negated distances
    _, topk_indices = jax.lax.top_k(-dists, TOPK)                     # [Q, 3]
    # gather pred_values at the top-k neighbor indices
    topk_values = jnp.take(pred_values, topk_indices, axis=0)         # [Q, 3]
    # forward: y_bar = mean over all top-k predicted values
    y_bar = jnp.mean(topk_values)
    return y_bar

if __name__ == "__main__":
    import jax
    _d = setup_inputs()
    print(jax.jit(kernel)(*tuple(_d.values())))

</pallas_src>

<mosaic_0001>
#map = affine_map<(d0, d1) -> (0)>
module attributes {stable_mosaic.version = 14 : i64} {
  func.func @_sc_gather_sum(%arg0: i32, %arg1: i32, %arg2: memref<12288xi32, #tpu.memory_space<hbm>>, %arg3: memref<100000xf32, #tpu.memory_space<hbm>>, %arg4: memref<512xf32, #tpu.memory_space<hbm>>, %arg5: memref<3x128xi32, #tpu.memory_space<vmem>>, %arg6: memref<3x128xf32, #tpu.memory_space<vmem>>, %arg7: memref<16xf32, #tpu.memory_space<vmem>>, %arg8: memref<!tpu.dma_semaphore, #tpu.memory_space<semaphore_mem>>) attributes {dimension_semantics = [#tpu.dimension_semantics<core_parallel>, #tpu.dimension_semantics<subcore_parallel>], iteration_bounds = array<i64: 2, 16>, scalar_prefetch = 0 : i64, scratch_operands = 4 : i64, tpu.core_type = #tpu.core_type<sc_vector_subcore>, window_params = [{transform_indices = #map}, {transform_indices = #map}, {transform_indices = #map}]} {
    %mul3A = arith.constant 2 : i32
    %mul3A_0 = arith.muli %arg1, %mul3A : i32
    %add3A = arith.addi %mul3A_0, %arg0 : i32
    %mul3A_1 = arith.constant 384 : i32
    %mul3A_2 = arith.muli %add3A, %mul3A_1 : i32
    %add3A_3 = arith.constant 0 : i32
    %add3A_4 = arith.addi %mul3A_2, %add3A_3 : i32
    %run_scoped3A = arith.constant 0 : i32
    "tpu.region"() ({
      %run_scoped3A_218 = tpu.sem_alloc : memref<!tpu.dma_semaphore, #tpu.memory_space<semaphore_mem>>
      %dma_start3A_219 = arith.constant 0 : i32
      %dma_start3A_220 = tpu.memref_slice %arg5[%run_scoped3A, %dma_start3A_219] : memref<3x128xi32, #tpu.memory_space<vmem>> -> memref<1x128xi32, #tpu.memory_space<vmem>>
      %dma_start3A_221 = tpu.memref_squeeze %dma_start3A_220 : memref<1x128xi32, #tpu.memory_space<vmem>> -> memref<128xi32, #tpu.memory_space<vmem>>
      %dma_start3A_222 = tpu.memref_slice %arg2[%add3A_4] : memref<12288xi32, #tpu.memory_space<hbm>> -> memref<128xi32, #tpu.memory_space<hbm>>
      %dma_start3A_223 = arith.constant 0 : i32
      %dma_start3A_224 = tpu.memref_slice %arg5[%run_scoped3A, %dma_start3A_223] : memref<3x128xi32, #tpu.memory_space<vmem>> -> memref<1x128xi32, #tpu.memory_space<vmem>>
      %dma_start3A_225 = tpu.memref_squeeze %dma_start3A_224 : memref<1x128xi32, #tpu.memory_space<vmem>> -> memref<128xi32, #tpu.memory_space<vmem>>
      %dma_start3A_226 = tpu.memref_slice %arg2[%add3A_4] : memref<12288xi32, #tpu.memory_space<hbm>> -> memref<128xi32, #tpu.memory_space<hbm>>
      tpu.enqueue_dma source(%dma_start3A_226 : memref<128xi32, #tpu.memory_space<hbm>>) target(%dma_start3A_225 : memref<128xi32, #tpu.memory_space<vmem>>) target_semaphore(%run_scoped3A_218 : memref<!tpu.dma_semaphore, #tpu.memory_space<semaphore_mem>>)
      %dma_wait3A_227 = arith.constant 0 : i32
      %dma_wait3A_228 = tpu.memref_slice %arg5[%run_scoped3A, %dma_wait3A_227] : memref<3x128xi32, #tpu.memory_space<vmem>> -> memref<1x128xi32, #tpu.memory_space<vmem>>
      %dma_wait3A_229 = tpu.memref_squeeze %dma_wait3A_228 : memref<1x128xi32, #tpu.memory_space<vmem>> -> memref<128xi32, #tpu.memory_space<vmem>>
      %dma_wait3A_230 = tpu.memref_slice %arg2[%add3A_4] : memref<12288xi32, #tpu.memory_space<hbm>> -> memref<128xi32, #tpu.memory_space<hbm>>
      %dma_wait3A_231 = arith.constant 0 : i32
      %dma_wait3A_232 = tpu.memref_slice %arg5[%run_scoped3A, %dma_wait3A_231] : memref<3x128xi32, #tpu.memory_space<vmem>> -> memref<1x128xi32, #tpu.memory_space<vmem>>
      %dma_wait3A_233 = tpu.memref_squeeze %dma_wait3A_232 : memref<1x128xi32, #tpu.memory_space<vmem>> -> memref<128xi32, #tpu.memory_space<vmem>>
      %dma_wait3A_234 = tpu.memref_slice %arg2[%add3A_4] : memref<12288xi32, #tpu.memory_space<hbm>> -> memref<128xi32, #tpu.memory_space<hbm>>
      tpu.wait_dma2 semaphore(%run_scoped3A_218 : memref<!tpu.dma_semaphore, #tpu.memory_space<semaphore_mem>>) src(%dma_wait3A_234 : memref<128xi32, #tpu.memory_space<hbm>>) dst(%dma_wait3A_233 : memref<128xi32, #tpu.memory_space<vmem>>)
      tpu.yield
    }) : () -> ()
    %add3A_5 = arith.constant 128 : i32
    %add3A_6 = arith.addi %mul3A_2, %add3A_5 : i32
    %run_scoped3A_7 = arith.constant 1 : i32
    "tpu.region"() ({
      %run_scoped3A_218 = tpu.sem_alloc : memref<!tpu.dma_semaphore, #tpu.memory_space<semaphore_mem>>
      %dma_start3A_219 = arith.constant 0 : i32
      %dma_start3A_220 = tpu.memref_slice %arg5[%run_scoped3A_7, %dma_start3A_219] : memref<3x128xi32, #tpu.memory_space<vmem>> -> memref<1x128xi32, #tpu.memory_space<vmem>>
      %dma_start3A_221 = tpu.memref_squeeze %dma_start3A_220 : memref<1x128xi32, #tpu.memory_space<vmem>> -> memref<128xi32, #tpu.memory_space<vmem>>
      %dma_start3A_222 = tpu.memref_slice %arg2[%add3A_6] : memref<12288xi32, #tpu.memory_space<hbm>> -> memref<128xi32, #tpu.memory_space<hbm>>
      %dma_start3A_223 = arith.constant 0 : i32
      %dma_start3A_224 = tpu.memref_slice %arg5[%run_scoped3A_7, %dma_start3A_223] : memref<3x128xi32, #tpu.memory_space<vmem>> -> memref<1x128xi32, #tpu.memory_space<vmem>>
      %dma_start3A_225 = tpu.memref_squeeze %dma_start3A_224 : memref<1x128xi32, #tpu.memory_space<vmem>> -> memref<128xi32, #tpu.memory_space<vmem>>
      %dma_start3A_226 = tpu.memref_slice %arg2[%add3A_6] : memref<12288xi32, #tpu.memory_space<hbm>> -> memref<128xi32, #tpu.memory_space<hbm>>
      tpu.enqueue_dma source(%dma_start3A_226 : memref<128xi32, #tpu.memory_space<hbm>>) target(%dma_start3A_225 : memref<128xi32, #tpu.memory_space<vmem>>) target_semaphore(%run_scoped3A_218 : memref<!tpu.dma_semaphore, #tpu.memory_space<semaphore_mem>>)
      %dma_wait3A_227 = arith.constant 0 : i32
      %dma_wait3A_228 = tpu.memref_slice %arg5[%run_scoped3A_7, %dma_wait3A_227] : memref<3x128xi32, #tpu.memory_space<vmem>> -> memref<1x128xi32, #tpu.memory_space<vmem>>
      %dma_wait3A_229 = tpu.memref_squeeze %dma_wait3A_228 : memref<1x128xi32, #tpu.memory_space<vmem>> -> memref<128xi32, #tpu.memory_space<vmem>>
      %dma_wait3A_230 = tpu.memref_slice %arg2[%add3A_6] : memref<12288xi32, #tpu.memory_space<hbm>> -> memref<128xi32, #tpu.memory_space<hbm>>
      %dma_wait3A_231 = arith.constant 0 : i32
      %dma_wait3A_232 = tpu.memref_slice %arg5[%run_scoped3A_7, %dma_wait3A_231] : memref<3x128xi32, #tpu.memory_space<vmem>> -> memref<1x128xi32, #tpu.memory_space<vmem>>
      %dma_wait3A_233 = tpu.memref_squeeze %dma_wait3A_232 : memref<1x128xi32, #tpu.memory_space<vmem>> -> memref<128xi32, #tpu.memory_space<vmem>>
      %dma_wait3A_234 = tpu.memref_slice %arg2[%add3A_6] : memref<12288xi32, #tpu.memory_space<hbm>> -> memref<128xi32, #tpu.memory_space<hbm>>
      tpu.wait_dma2 semaphore(%run_scoped3A_218 : memref<!tpu.dma_semaphore, #tpu.memory_space<semaphore_mem>>) src(%dma_wait3A_234 : memref<128xi32, #tpu.memory_space<hbm>>) dst(%dma_wait3A_233 : memref<128xi32, #tpu.memory_space<vmem>>)
      tpu.yield
    }) : () -> ()
    %add3A_8 = arith.constant 256 : i32
    %add3A_9 = arith.addi %mul3A_2, %add3A_8 : i32
    %run_scoped3A_10 = arith.constant 2 : i32
    "tpu.region"() ({
      %run_scoped3A_218 = tpu.sem_alloc : memref<!tpu.dma_semaphore, #tpu.memory_space<semaphore_mem>>
      %dma_start3A_219 = arith.constant 0 : i32
      %dma_start3A_220 = tpu.memref_slice %arg5[%run_scoped3A_10, %dma_start3A_219] : memref<3x128xi32, #tpu.memory_space<vmem>> -> memref<1x128xi32, #tpu.memory_space<vmem>>
      %dma_start3A_221 = tpu.memref_squeeze %dma_start3A_220 : memref<1x128xi32, #tpu.memory_space<vmem>> -> memref<128xi32, #tpu.memory_space<vmem>>
      %dma_start3A_222 = tpu.memref_slice %arg2[%add3A_9] : memref<12288xi32, #tpu.memory_space<hbm>> -> memref<128xi32, #tpu.memory_space<hbm>>
      %dma_start3A_223 = arith.constant 0 : i32
      %dma_start3A_224 = tpu.memref_slice %arg5[%run_scoped3A_10, %dma_start3A_223] : memref<3x128xi32, #tpu.memory_space<vmem>> -> memref<1x128xi32, #tpu.memory_space<vmem>>
      %dma_start3A_225 = tpu.memref_squeeze %dma_start3A_224 : memref<1x128xi32, #tpu.memory_space<vmem>> -> memref<128xi32, #tpu.memory_space<vmem>>
      %dma_start3A_226 = tpu.memref_slice %arg2[%add3A_9] : memref<12288xi32, #tpu.memory_space<hbm>> -> memref<128xi32, #tpu.memory_space<hbm>>
      tpu.enqueue_dma source(%dma_start3A_226 : memref<128xi32, #tpu.memory_space<hbm>>) target(%dma_start3A_225 : memref<128xi32, #tpu.memory_space<vmem>>) target_semaphore(%run_scoped3A_218 : memref<!tpu.dma_semaphore, #tpu.memory_space<semaphore_mem>>)
      %dma_wait3A_227 = arith.constant 0 : i32
      %dma_wait3A_228 = tpu.memref_slice %arg5[%run_scoped3A_10, %dma_wait3A_227] : memref<3x128xi32, #tpu.memory_space<vmem>> -> memref<1x128xi32, #tpu.memory_space<vmem>>
      %dma_wait3A_229 = tpu.memref_squeeze %dma_wait3A_228 : memref<1x128xi32, #tpu.memory_space<vmem>> -> memref<128xi32, #tpu.memory_space<vmem>>
      %dma_wait3A_230 = tpu.memref_slice %arg2[%add3A_9] : memref<12288xi32, #tpu.memory_space<hbm>> -> memref<128xi32, #tpu.memory_space<hbm>>
      %dma_wait3A_231 = arith.constant 0 : i32
      %dma_wait3A_232 = tpu.memref_slice %arg5[%run_scoped3A_10, %dma_wait3A_231] : memref<3x128xi32, #tpu.memory_space<vmem>> -> memref<1x128xi32, #tpu.memory_space<vmem>>
      %dma_wait3A_233 = tpu.memref_squeeze %dma_wait3A_232 : memref<1x128xi32, #tpu.memory_space<vmem>> -> memref<128xi32, #tpu.memory_space<vmem>>
      %dma_wait3A_234 = tpu.memref_slice %arg2[%add3A_9] : memref<12288xi32, #tpu.memory_space<hbm>> -> memref<128xi32, #tpu.memory_space<hbm>>
      tpu.wait_dma2 semaphore(%run_scoped3A_218 : memref<!tpu.dma_semaphore, #tpu.memory_space<semaphore_mem>>) src(%dma_wait3A_234 : memref<128xi32, #tpu.memory_space<hbm>>) dst(%dma_wait3A_233 : memref<128xi32, #tpu.memory_space<vmem>>)
      tpu.yield
    }) : () -> ()
    %dma_start3A = arith.constant 0 : i32
    %dma_start3A_11 = arith.constant 0 : i32
    %dma_start3A_12 = arith.constant 0 : i32
    %dma_start3A_13 = tpu.memref_slice %arg6[%dma_start3A_11, %dma_start3A_12] : memref<3x128xf32, #tpu.memory_space<vmem>> -> memref<1x128xf32, #tpu.memory_space<vmem>>
    %dma_start3A_14 = tpu.memref_squeeze %dma_start3A_13 : memref<1x128xf32, #tpu.memory_space<vmem>> -> memref<128xf32, #tpu.memory_space<vmem>>
    %dma_start3A_15 = arith.constant 0 : i32
    %dma_start3A_16 = tpu.memref_slice %arg5[%dma_start3A, %dma_start3A_15] : memref<3x128xi32, #tpu.memory_space<vmem>> -> memref<1x128xi32, #tpu.memory_space<vmem>>
    %dma_start3A_17 = tpu.memref_squeeze %dma_start3A_16 : memref<1x128xi32, #tpu.memory_space<vmem>> -> memref<128xi32, #tpu.memory_space<vmem>>
    %dma_start3A_18 = arith.constant 0 : i32
    %dma_start3A_19 = tpu.memref_slice %arg3[%dma_start3A_18] : memref<100000xf32, #tpu.memory_space<hbm>> -> memref<100000xf32, #tpu.memory_space<hbm>>
    tpu.enqueue_indirect_dma source(%dma_start3A_19 : memref<100000xf32, #tpu.memory_space<hbm>>) target(%dma_start3A_14 : memref<128xf32, #tpu.memory_space<vmem>>) offsets(%dma_start3A_17 : memref<128xi32, #tpu.memory_space<vmem>>) semaphore(%arg8 : memref<!tpu.dma_semaphore, #tpu.memory_space<semaphore_mem>>)
    %dma_start3A_20 = arith.constant 1 : i32
    %dma_start3A_21 = arith.constant 1 : i32
    %dma_start3A_22 = arith.constant 0 : i32
    %dma_start3A_23 = tpu.memref_slice %arg6[%dma_start3A_21, %dma_start3A_22] : memref<3x128xf32, #tpu.memory_space<vmem>> -> memref<1x128xf32, #tpu.memory_space<vmem>>
    %dma_start3A_24 = tpu.memref_squeeze %dma_start3A_23 : memref<1x128xf32, #tpu.memory_space<vmem>> -> memref<128xf32, #tpu.memory_space<vmem>>
    %dma_start3A_25 = arith.constant 0 : i32
    %dma_start3A_26 = tpu.memref_slice %arg5[%dma_start3A_20, %dma_start3A_25] : memref<3x128xi32, #tpu.memory_space<vmem>> -> memref<1x128xi32, #tpu.memory_space<vmem>>
    %dma_start3A_27 = tpu.memref_squeeze %dma_start3A_26 : memref<1x128xi32, #tpu.memory_space<vmem>> -> memref<128xi32, #tpu.memory_space<vmem>>
    %dma_start3A_28 = arith.constant 0 : i32
    %dma_start3A_29 = tpu.memref_slice %arg3[%dma_start3A_28] : memref<100000xf32, #tpu.memory_space<hbm>> -> memref<100000xf32, #tpu.memory_space<hbm>>
    tpu.enqueue_indirect_dma source(%dma_start3A_29 : memref<100000xf32, #tpu.memory_space<hbm>>) target(%dma_start3A_24 : memref<128xf32, #tpu.memory_space<vmem>>) offsets(%dma_start3A_27 : memref<128xi32, #tpu.memory_space<vmem>>) semaphore(%arg8 : memref<!tpu.dma_semaphore, #tpu.memory_space<semaphore_mem>>)
    %dma_start3A_30 = arith.constant 2 : i32
    %dma_start3A_31 = arith.constant 2 : i32
    %dma_start3A_32 = arith.constant 0 : i32
    %dma_start3A_33 = tpu.memref_slice %arg6[%dma_start3A_31, %dma_start3A_32] : memref<3x128xf32, #tpu.memory_space<vmem>> -> memref<1x128xf32, #tpu.memory_space<vmem>>
    %dma_start3A_34 = tpu.memref_squeeze %dma_start3A_33 : memref<1x128xf32, #tpu.memory_space<vmem>> -> memref<128xf32, #tpu.memory_space<vmem>>
    %dma_start3A_35 = arith.constant 0 : i32
    %dma_start3A_36 = tpu.memref_slice %arg5[%dma_start3A_30, %dma_start3A_35] : memref<3x128xi32, #tpu.memory_space<vmem>> -> memref<1x128xi32, #tpu.memory_space<vmem>>
    %dma_start3A_37 = tpu.memref_squeeze %dma_start3A_36 : memref<1x128xi32, #tpu.memory_space<vmem>> -> memref<128xi32, #tpu.memory_space<vmem>>
    %dma_start3A_38 = arith.constant 0 : i32
    %dma_start3A_39 = tpu.memref_slice %arg3[%dma_start3A_38] : memref<100000xf32, #tpu.memory_space<hbm>> -> memref<100000xf32, #tpu.memory_space<hbm>>
    tpu.enqueue_indirect_dma source(%dma_start3A_39 : memref<100000xf32, #tpu.memory_space<hbm>>) target(%dma_start3A_34 : memref<128xf32, #tpu.memory_space<vmem>>) offsets(%dma_start3A_37 : memref<128xi32, #tpu.memory_space<vmem>>) semaphore(%arg8 : memref<!tpu.dma_semaphore, #tpu.memory_space<semaphore_mem>>)
    %dma_wait3A = arith.constant 0 : i32
    %dma_wait3A_40 = arith.constant 0 : i32
    %dma_wait3A_41 = arith.constant 0 : i32
    %dma_wait3A_42 = tpu.memref_slice %arg6[%dma_wait3A_40, %dma_wait3A_41] : memref<3x128xf32, #tpu.memory_space<vmem>> -> memref<1x128xf32, #tpu.memory_space<vmem>>
    %dma_wait3A_43 = tpu.memref_squeeze %dma_wait3A_42 : memref<1x128xf32, #tpu.memory_space<vmem>> -> memref<128xf32, #tpu.memory_space<vmem>>
    %dma_wait3A_44 = arith.constant 0 : i32
    %dma_wait3A_45 = tpu.memref_slice %arg5[%dma_wait3A, %dma_wait3A_44] : memref<3x128xi32, #tpu.memory_space<vmem>> -> memref<1x128xi32, #tpu.memory_space<vmem>>
    %dma_wait3A_46 = tpu.memref_squeeze %dma_wait3A_45 : memref<1x128xi32, #tpu.memory_space<vmem>> -> memref<128xi32, #tpu.memory_space<vmem>>
    %dma_wait3A_47 = arith.constant 0 : i32
    %dma_wait3A_48 = tpu.memref_slice %arg3[%dma_wait3A_47] : memref<100000xf32, #tpu.memory_space<hbm>> -> memref<100000xf32, #tpu.memory_space<hbm>>
    tpu.wait_indirect_dma semaphore(%arg8 : memref<!tpu.dma_semaphore, #tpu.memory_space<semaphore_mem>>) src(%dma_wait3A_48 : memref<100000xf32, #tpu.memory_space<hbm>>) dst(%dma_wait3A_43 : memref<128xf32, #tpu.memory_space<vmem>>)
    %dma_wait3A_49 = arith.constant 1 : i32
    %dma_wait3A_50 = arith.constant 1 : i32
    %dma_wait3A_51 = arith.constant 0 : i32
    %dma_wait3A_52 = tpu.memref_slice %arg6[%dma_wait3A_50, %dma_wait3A_51] : memref<3x128xf32, #tpu.memory_space<vmem>> -> memref<1x128xf32, #tpu.memory_space<vmem>>
    %dma_wait3A_53 = tpu.memref_squeeze %dma_wait3A_52 : memref<1x128xf32, #tpu.memory_space<vmem>> -> memref<128xf32, #tpu.memory_space<vmem>>
    %dma_wait3A_54 = arith.constant 0 : i32
    %dma_wait3A_55 = tpu.memref_slice %arg5[%dma_wait3A_49, %dma_wait3A_54] : memref<3x128xi32, #tpu.memory_space<vmem>> -> memref<1x128xi32, #tpu.memory_space<vmem>>
    %dma_wait3A_56 = tpu.memref_squeeze %dma_wait3A_55 : memref<1x128xi32, #tpu.memory_space<vmem>> -> memref<128xi32, #tpu.memory_space<vmem>>
    %dma_wait3A_57 = arith.constant 0 : i32
    %dma_wait3A_58 = tpu.memref_slice %arg3[%dma_wait3A_57] : memref<100000xf32, #tpu.memory_space<hbm>> -> memref<100000xf32, #tpu.memory_space<hbm>>
    tpu.wait_indirect_dma semaphore(%arg8 : memref<!tpu.dma_semaphore, #tpu.memory_space<semaphore_mem>>) src(%dma_wait3A_58 : memref<100000xf32, #tpu.memory_space<hbm>>) dst(%dma_wait3A_53 : memref<128xf32, #tpu.memory_space<vmem>>)
    %dma_wait3A_59 = arith.constant 2 : i32
    %dma_wait3A_60 = arith.constant 2 : i32
    %dma_wait3A_61 = arith.constant 0 : i32
    %dma_wait3A_62 = tpu.memref_slice %arg6[%dma_wait3A_60, %dma_wait3A_61] : memref<3x128xf32, #tpu.memory_space<vmem>> -> memref<1x128xf32, #tpu.memory_space<vmem>>
    %dma_wait3A_63 = tpu.memref_squeeze %dma_wait3A_62 : memref<1x128xf32, #tpu.memory_space<vmem>> -> memref<128xf32, #tpu.memory_space<vmem>>
    %dma_wait3A_64 = arith.constant 0 : i32
    %dma_wait3A_65 = tpu.memref_slice %arg5[%dma_wait3A_59, %dma_wait3A_64] : memref<3x128xi32, #tpu.memory_space<vmem>> -> memref<1x128xi32, #tpu.memory_space<vmem>>
    %dma_wait3A_66 = tpu.memref_squeeze %dma_wait3A_65 : memref<1x128xi32, #tpu.memory_space<vmem>> -> memref<128xi32, #tpu.memory_space<vmem>>
    %dma_wait3A_67 = arith.constant 0 : i32
    %dma_wait3A_68 = tpu.memref_slice %arg3[%dma_wait3A_67] : memref<100000xf32, #tpu.memory_space<hbm>> -> memref<100000xf32, #tpu.memory_space<hbm>>
    tpu.wait_indirect_dma semaphore(%arg8 : memref<!tpu.dma_semaphore, #tpu.memory_space<semaphore_mem>>) src(%dma_wait3A_68 : memref<100000xf32, #tpu.memory_space<hbm>>) dst(%dma_wait3A_63 : memref<128xf32, #tpu.memory_space<vmem>>)
    %broadcast_in_dim3A = arith.constant 0.000000e+00 : f32
    %broadcast_in_dim3A_69 = vector.broadcast %broadcast_in_dim3A : f32 to vector<16xf32>
    %get3A = arith.constant 0 : i32
    %get3A_70 = arith.index_cast %get3A : i32 to index
    %get3A_71 = arith.constant 0 : index
    %get3A_72 = tpu.vector_load %arg6[%get3A_70, %get3A_71] {strides = array<i32>} : memref<3x128xf32, #tpu.memory_space<vmem>>, vector<1x16xf32>,
    %get3A_73 = vector.shape_cast %get3A_72 : vector<1x16xf32> to vector<16xf32>
    %add3A_74 = arith.addf %broadcast_in_dim3A_69, %get3A_73 : vector<16xf32>
    %get3A_75 = arith.constant 0 : i32
    %get3A_76 = arith.index_cast %get3A_75 : i32 to index
    %get3A_77 = arith.constant 16 : index
    %get3A_78 = tpu.vector_load %arg6[%get3A_76, %get3A_77] {strides = array<i32>} : memref<3x128xf32, #tpu.memory_space<vmem>>, vector<1x16xf32>,
    %get3A_79 = vector.shape_cast %get3A_78 : vector<1x16xf32> to vector<16xf32>
    %add3A_80 = arith.addf %add3A_74, %get3A_79 : vector<16xf32>
    %get3A_81 = arith.constant 0 : i32
    %get3A_82 = arith.index_cast %get3A_81 : i32 to index
    %get3A_83 = arith.constant 32 : index
    %get3A_84 = tpu.vector_load %arg6[%get3A_82, %get3A_83] {strides = array<i32>} : memref<3x128xf32, #tpu.memory_space<vmem>>, vector<1x16xf32>,
    %get3A_85 = vector.shape_cast %get3A_84 : vector<1x16xf32> to vector<16xf32>
    %add3A_86 = arith.addf %add3A_80, %get3A_85 : vector<16xf32>
    %get3A_87 = arith.constant 0 : i32
    %get3A_88 = arith.index_cast %get3A_87 : i32 to index
    %get3A_89 = arith.constant 48 : index
    %get3A_90 = tpu.vector_load %arg6[%get3A_88, %get3A_89] {strides = array<i32>} : memref<3x128xf32, #tpu.memory_space<vmem>>, vector<1x16xf32>,
    %get3A_91 = vector.shape_cast %get3A_90 : vector<1x16xf32> to vector<16xf32>
    %add3A_92 = arith.addf %add3A_86, %get3A_91 : vector<16xf32>
    %get3A_93 = arith.constant 0 : i32
    %get3A_94 = arith.index_cast %get3A_93 : i32 to index
    %get3A_95 = arith.constant 64 : index
    %get3A_96 = tpu.vector_load %arg6[%get3A_94, %get3A_95] {strides = array<i32>} : memref<3x128xf32, #tpu.memory_space<vmem>>, vector<1x16xf32>,
    %get3A_97 = vector.shape_cast %get3A_96 : vector<1x16xf32> to vector<16xf32>
    %add3A_98 = arith.addf %add3A_92, %get3A_97 : vector<16xf32>
    %get3A_99 = arith.constant 0 : i32
    %get3A_100 = arith.index_cast %get3A_99 : i32 to index
    %get3A_101 = arith.constant 80 : index
    %get3A_102 = tpu.vector_load %arg6[%get3A_100, %get3A_101] {strides = array<i32>} : memref<3x128xf32, #tpu.memory_space<vmem>>, vector<1x16xf32>,
    %get3A_103 = vector.shape_cast %get3A_102 : vector<1x16xf32> to vector<16xf32>
    %add3A_104 = arith.addf %add3A_98, %get3A_103 : vector<16xf32>
    %get3A_105 = arith.constant 0 : i32
    %get3A_106 = arith.index_cast %get3A_105 : i32 to index
    %get3A_107 = arith.constant 96 : index
    %get3A_108 = tpu.vector_load %arg6[%get3A_106, %get3A_107] {strides = array<i32>} : memref<3x128xf32, #tpu.memory_space<vmem>>, vector<1x16xf32>,
    %get3A_109 = vector.shape_cast %get3A_108 : vector<1x16xf32> to vector<16xf32>
    %add3A_110 = arith.addf %add3A_104, %get3A_109 : vector<16xf32>
    %get3A_111 = arith.constant 0 : i32
    %get3A_112 = arith.index_cast %get3A_111 : i32 to index
    %get3A_113 = arith.constant 112 : index
    %get3A_114 = tpu.vector_load %arg6[%get3A_112, %get3A_113] {strides = array<i32>} : memref<3x128xf32, #tpu.memory_space<vmem>>, vector<1x16xf32>,
    %get3A_115 = vector.shape_cast %get3A_114 : vector<1x16xf32> to vector<16xf32>
    %add3A_116 = arith.addf %add3A_110, %get3A_115 : vector<16xf32>
    %get3A_117 = arith.constant 1 : i32
    %get3A_118 = arith.index_cast %get3A_117 : i32 to index
    %get3A_119 = arith.constant 0 : index
    %get3A_120 = tpu.vector_load %arg6[%get3A_118, %get3A_119] {strides = array<i32>} : memref<3x128xf32, #tpu.memory_space<vmem>>, vector<1x16xf32>,
    %get3A_121 = vector.shape_cast %get3A_120 : vector<1x16xf32> to vector<16xf32>
    %add3A_122 = arith.addf %add3A_116, %get3A_121 : vector<16xf32>
    %get3A_123 = arith.constant 1 : i32
    %get3A_124 = arith.index_cast %get3A_123 : i32 to index
    %get3A_125 = arith.constant 16 : index
    %get3A_126 = tpu.vector_load %arg6[%get3A_124, %get3A_125] {strides = array<i32>} : memref<3x128xf32, #tpu.memory_space<vmem>>, vector<1x16xf32>,
    %get3A_127 = vector.shape_cast %get3A_126 : vector<1x16xf32> to vector<16xf32>
    %add3A_128 = arith.addf %add3A_122, %get3A_127 : vector<16xf32>
    %get3A_129 = arith.constant 1 : i32
    %get3A_130 = arith.index_cast %get3A_129 : i32 to index
    %get3A_131 = arith.constant 32 : index
    %get3A_132 = tpu.vector_load %arg6[%get3A_130, %get3A_131] {strides = array<i32>} : memref<3x128xf32, #tpu.memory_space<vmem>>, vector<1x16xf32>,
    %get3A_133 = vector.shape_cast %get3A_132 : vector<1x16xf32> to vector<16xf32>
    %add3A_134 = arith.addf %add3A_128, %get3A_133 : vector<16xf32>
    %get3A_135 = arith.constant 1 : i32
    %get3A_136 = arith.index_cast %get3A_135 : i32 to index
    %get3A_137 = arith.constant 48 : index
    %get3A_138 = tpu.vector_load %arg6[%get3A_136, %get3A_137] {strides = array<i32>} : memref<3x128xf32, #tpu.memory_space<vmem>>, vector<1x16xf32>,
    %get3A_139 = vector.shape_cast %get3A_138 : vector<1x16xf32> to vector<16xf32>
    %add3A_140 = arith.addf %add3A_134, %get3A_139 : vector<16xf32>
    %get3A_141 = arith.constant 1 : i32
    %get3A_142 = arith.index_cast %get3A_141 : i32 to index
    %get3A_143 = arith.constant 64 : index
    %get3A_144 = tpu.vector_load %arg6[%get3A_142, %get3A_143] {strides = array<i32>} : memref<3x128xf32, #tpu.memory_space<vmem>>, vector<1x16xf32>,
    %get3A_145 = vector.shape_cast %get3A_144 : vector<1x16xf32> to vector<16xf32>
    %add3A_146 = arith.addf %add3A_140, %get3A_145 : vector<16xf32>
    %get3A_147 = arith.constant 1 : i32
    %get3A_148 = arith.index_cast %get3A_147 : i32 to index
    %get3A_149 = arith.constant 80 : index
    %get3A_150 = tpu.vector_load %arg6[%get3A_148, %get3A_149] {strides = array<i32>} : memref<3x128xf32, #tpu.memory_space<vmem>>, vector<1x16xf32>,
    %get3A_151 = vector.shape_cast %get3A_150 : vector<1x16xf32> to vector<16xf32>
    %add3A_152 = arith.addf %add3A_146, %get3A_151 : vector<16xf32>
    %get3A_153 = arith.constant 1 : i32
    %get3A_154 = arith.index_cast %get3A_153 : i32 to index
    %get3A_155 = arith.constant 96 : index
    %get3A_156 = tpu.vector_load %arg6[%get3A_154, %get3A_155] {strides = array<i32>} : memref<3x128xf32, #tpu.memory_space<vmem>>, vector<1x16xf32>,
    %get3A_157 = vector.shape_cast %get3A_156 : vector<1x16xf32> to vector<16xf32>
    %add3A_158 = arith.addf %add3A_152, %get3A_157 : vector<16xf32>
    %get3A_159 = arith.constant 1 : i32
    %get3A_160 = arith.index_cast %get3A_159 : i32 to index
    %get3A_161 = arith.constant 112 : index
    %get3A_162 = tpu.vector_load %arg6[%get3A_160, %get3A_161] {strides = array<i32>} : memref<3x128xf32, #tpu.memory_space<vmem>>, vector<1x16xf32>,
    %get3A_163 = vector.shape_cast %get3A_162 : vector<1x16xf32> to vector<16xf32>
    %add3A_164 = arith.addf %add3A_158, %get3A_163 : vector<16xf32>
    %get3A_165 = arith.constant 2 : i32
    %get3A_166 = arith.index_cast %get3A_165 : i32 to index
    %get3A_167 = arith.constant 0 : index
    %get3A_168 = tpu.vector_load %arg6[%get3A_166, %get3A_167] {strides = array<i32>} : memref<3x128xf32, #tpu.memory_space<vmem>>, vector<1x16xf32>,
    %get3A_169 = vector.shape_cast %get3A_168 : vector<1x16xf32> to vector<16xf32>
    %add3A_170 = arith.addf %add3A_164, %get3A_169 : vector<16xf32>
    %get3A_171 = arith.constant 2 : i32
    %get3A_172 = arith.index_cast %get3A_171 : i32 to index
    %get3A_173 = arith.constant 16 : index
    %get3A_174 = tpu.vector_load %arg6[%get3A_172, %get3A_173] {strides = array<i32>} : memref<3x128xf32, #tpu.memory_space<vmem>>, vector<1x16xf32>,
    %get3A_175 = vector.shape_cast %get3A_174 : vector<1x16xf32> to vector<16xf32>
    %add3A_176 = arith.addf %add3A_170, %get3A_175 : vector<16xf32>
    %get3A_177 = arith.constant 2 : i32
    %get3A_178 = arith.index_cast %get3A_177 : i32 to index
    %get3A_179 = arith.constant 32 : index
    %get3A_180 = tpu.vector_load %arg6[%get3A_178, %get3A_179] {strides = array<i32>} : memref<3x128xf32, #tpu.memory_space<vmem>>, vector<1x16xf32>,
    %get3A_181 = vector.shape_cast %get3A_180 : vector<1x16xf32> to vector<16xf32>
    %add3A_182 = arith.addf %add3A_176, %get3A_181 : vector<16xf32>
    %get3A_183 = arith.constant 2 : i32
    %get3A_184 = arith.index_cast %get3A_183 : i32 to index
    %get3A_185 = arith.constant 48 : index
    %get3A_186 = tpu.vector_load %arg6[%get3A_184, %get3A_185] {strides = array<i32>} : memref<3x128xf32, #tpu.memory_space<vmem>>, vector<1x16xf32>,
    %get3A_187 = vector.shape_cast %get3A_186 : vector<1x16xf32> to vector<16xf32>
    %add3A_188 = arith.addf %add3A_182, %get3A_187 : vector<16xf32>
    %get3A_189 = arith.constant 2 : i32
    %get3A_190 = arith.index_cast %get3A_189 : i32 to index
    %get3A_191 = arith.constant 64 : index
    %get3A_192 = tpu.vector_load %arg6[%get3A_190, %get3A_191] {strides = array<i32>} : memref<3x128xf32, #tpu.memory_space<vmem>>, vector<1x16xf32>,
    %get3A_193 = vector.shape_cast %get3A_192 : vector<1x16xf32> to vector<16xf32>
    %add3A_194 = arith.addf %add3A_188, %get3A_193 : vector<16xf32>
    %get3A_195 = arith.constant 2 : i32
    %get3A_196 = arith.index_cast %get3A_195 : i32 to index
    %get3A_197 = arith.constant 80 : index
    %get3A_198 = tpu.vector_load %arg6[%get3A_196, %get3A_197] {strides = array<i32>} : memref<3x128xf32, #tpu.memory_space<vmem>>, vector<1x16xf32>,
    %get3A_199 = vector.shape_cast %get3A_198 : vector<1x16xf32> to vector<16xf32>
    %add3A_200 = arith.addf %add3A_194, %get3A_199 : vector<16xf32>
    %get3A_201 = arith.constant 2 : i32
    %get3A_202 = arith.index_cast %get3A_201 : i32 to index
    %get3A_203 = arith.constant 96 : index
    %get3A_204 = tpu.vector_load %arg6[%get3A_202, %get3A_203] {strides = array<i32>} : memref<3x128xf32, #tpu.memory_space<vmem>>, vector<1x16xf32>,
    %get3A_205 = vector.shape_cast %get3A_204 : vector<1x16xf32> to vector<16xf32>
    %add3A_206 = arith.addf %add3A_200, %get3A_205 : vector<16xf32>
    %get3A_207 = arith.constant 2 : i32
    %get3A_208 = arith.index_cast %get3A_207 : i32 to index
    %get3A_209 = arith.constant 112 : index
    %get3A_210 = tpu.vector_load %arg6[%get3A_208, %get3A_209] {strides = array<i32>} : memref<3x128xf32, #tpu.memory_space<vmem>>, vector<1x16xf32>,
    %get3A_211 = vector.shape_cast %get3A_210 : vector<1x16xf32> to vector<16xf32>
    %add3A_212 = arith.addf %add3A_206, %get3A_211 : vector<16xf32>
    %swap3A = arith.constant 0 : index
    %swap3A_213 = tpu.vector_load %arg7[%swap3A] {strides = array<i32>} : memref<16xf32, #tpu.memory_space<vmem>>, vector<16xf32>,
    %swap3A_214 = vector.shape_cast %swap3A_213 : vector<16xf32> to vector<16xf32>
    %swap3A_215 = vector.shape_cast %add3A_212 : vector<16xf32> to vector<16xf32>
    tpu.vector_store %arg7[%swap3A], %swap3A_215 {strides = array<i32>} : memref<16xf32, #tpu.memory_space<vmem>>, vector<16xf32>,
    %mul3A_216 = arith.constant 16 : i32
    %mul3A_217 = arith.muli %add3A, %mul3A_216 : i32
    "tpu.region"() ({
      %run_scoped3A_218 = tpu.sem_alloc : memref<!tpu.dma_semaphore, #tpu.memory_space<semaphore_mem>>
      %dma_start3A_219 = tpu.memref_slice %arg4[%mul3A_217] : memref<512xf32, #tpu.memory_space<hbm>> -> memref<16xf32, #tpu.memory_space<hbm>>
      %dma_start3A_220 = tpu.memref_slice %arg4[%mul3A_217] : memref<512xf32, #tpu.memory_space<hbm>> -> memref<16xf32, #tpu.memory_space<hbm>>
      tpu.enqueue_dma source(%arg7 : memref<16xf32, #tpu.memory_space<vmem>>) target(%dma_start3A_220 : memref<16xf32, #tpu.memory_space<hbm>>) target_semaphore(%run_scoped3A_218 : memref<!tpu.dma_semaphore, #tpu.memory_space<semaphore_mem>>)
      %dma_wait3A_221 = tpu.memref_slice %arg4[%mul3A_217] : memref<512xf32, #tpu.memory_space<hbm>> -> memref<16xf32, #tpu.memory_space<hbm>>
      %dma_wait3A_222 = tpu.memref_slice %arg4[%mul3A_217] : memref<512xf32, #tpu.memory_space<hbm>> -> memref<16xf32, #tpu.memory_space<hbm>>
      tpu.wait_dma2 semaphore(%run_scoped3A_218 : memref<!tpu.dma_semaphore, #tpu.memory_space<semaphore_mem>>) src(%arg7 : memref<16xf32, #tpu.memory_space<vmem>>) dst(%dma_wait3A_222 : memref<16xf32, #tpu.memory_space<hbm>>)
      tpu.yield
    }) : () -> ()
    return
  }
}

module attributes {stable_mosaic.version = 14 : i64} {
  func.func @_topk_body(%arg0: i32, %arg1: memref<4096x256xbf16, #tpu.memory_space<vmem>>, %arg2: memref<4096x1xf32, #tpu.memory_space<vmem>>, %arg3: memref<2048x256xbf16, #tpu.memory_space<vmem>>, %arg4: memref<1x2048xf32, #tpu.memory_space<vmem>>, %arg5: memref<4096x1xf32, #tpu.memory_space<vmem>>, %arg6: memref<4096x1xf32, #tpu.memory_space<vmem>>, %arg7: memref<4096x1xf32, #tpu.memory_space<vmem>>, %arg8: memref<4096x1xf32, #tpu.memory_space<vmem>>, %arg9: memref<4096x1xf32, #tpu.memory_space<vmem>>, %arg10: memref<4096x1xf32, #tpu.memory_space<vmem>>) attributes {dimension_semantics = [#tpu.dimension_semantics<arbitrary>], iteration_bounds = array<i64: 49>, scalar_prefetch = 0 : i64, scratch_operands = 0 : i64, tpu.core_type = #tpu.core_type<tc>, window_params = [{pipeline_mode = #tpu.pipeline_mode<synchronous>, transform_indices = @transform_0, window_bounds = array<i64: 4096, 256>}, {pipeline_mode = #tpu.pipeline_mode<synchronous>, transform_indices = @transform_1, window_bounds = array<i64: 4096, 1>}, {transform_indices = @transform_2, window_bounds = array<i64: 2048, 256>}, {transform_indices = @transform_3, window_bounds = array<i64: 1, 2048>}, {pipeline_mode = #tpu.pipeline_mode<synchronous>, transform_indices = @transform_4, window_bounds = array<i64: 4096, 1>}, {pipeline_mode = #tpu.pipeline_mode<synchronous>, transform_indices = @transform_5, window_bounds = array<i64: 4096, 1>}, {pipeline_mode = #tpu.pipeline_mode<synchronous>, transform_indices = @transform_6, window_bounds = array<i64: 4096, 1>}, {pipeline_mode = #tpu.pipeline_mode<synchronous>, transform_indices = @transform_7, window_bounds = array<i64: 4096, 1>}, {pipeline_mode = #tpu.pipeline_mode<synchronous>, transform_indices = @transform_8, window_bounds = array<i64: 4096, 1>}, {pipeline_mode = #tpu.pipeline_mode<synchronous>, transform_indices = @transform_9, window_bounds = array<i64: 4096, 1>}]} {
    %eq3A = arith.constant 0 : i32
    %eq3A_0 = arith.cmpi eq, %arg0, %eq3A : i32
    %convert_element_type3A = arith.extui %eq3A_0 : i1 to i32
    %cond3A = arith.constant 0 : i32
    %cond3A_1 = arith.cmpi ne, %convert_element_type3A, %cond3A : i32
    scf.if %cond3A_1 {
      %broadcast_in_dim3A_3684 = arith.constant 1.000000e+30 : f32
      %broadcast_in_dim3A_3685 = vector.broadcast %broadcast_in_dim3A_3684 : f32 to vector<4096x1xf32>
      %swap3A_3686 = arith.constant 0 : index
      %swap3A_3687 = arith.constant 0 : index
      %swap3A_3688 = vector.load %arg5[%swap3A_3686, %swap3A_3687] : memref<4096x1xf32, #tpu.memory_space<vmem>>, vector<4096x1xf32>
      tpu.vector_store %arg5[%swap3A_3686, %swap3A_3687], %broadcast_in_dim3A_3685 {strides = array<i32>} : memref<4096x1xf32, #tpu.memory_space<vmem>>, vector<4096x1xf32>,
      %broadcast_in_dim3A_3689 = arith.constant 1.000000e+30 : f32
      %broadcast_in_dim3A_3690 = vector.broadcast %broadcast_in_dim3A_3689 : f32 to vector<4096x1xf32>
      %swap3A_3691 = arith.constant 0 : index
      %swap3A_3692 = arith.constant 0 : index
      %swap3A_3693 = vector.load %arg6[%swap3A_3691, %swap3A_3692] : memref<4096x1xf32, #tpu.memory_space<vmem>>, vector<4096x1xf32>
      tpu.vector_store %arg6[%swap3A_3691, %swap3A_3692], %broadcast_in_dim3A_3690 {strides = array<i32>} : memref<4096x1xf32, #tpu.memory_space<vmem>>, vector<4096x1xf32>,
      %broadcast_in_dim3A_3694 = arith.constant 1.000000e+30 : f32
      %broadcast_in_dim3A_3695 = vector.broadcast %broadcast_in_dim3A_3694 : f32 to vector<4096x1xf32>
      %swap3A_3696 = arith.constant 0 : index
      %swap3A_3697 = arith.constant 0 : index
      %swap3A_3698 = vector.load %arg7[%swap3A_3696, %swap3A_3697] : memref<4096x1xf32, #tpu.memory_space<vmem>>, vector<4096x1xf32>
      tpu.vector_store %arg7[%swap3A_3696, %swap3A_3697], %broadcast_in_dim3A_3695 {strides = array<i32>} : memref<4096x1xf32, #tpu.memory_space<vmem>>, vector<4096x1xf32>,
      %broadcast_in_dim3A_3699 = arith.constant 1.07374182E+9 : f32
      %broadcast_in_dim3A_3700 = vector.broadcast %broadcast_in_dim3A_3699 : f32 to vector<4096x1xf32>
      %swap3A_3701 = arith.constant 0 : index
      %swap3A_3702 = arith.constant 0 : index
      %swap3A_3703 = vector.load %arg8[%swap3A_3701, %swap3A_3702] : memref<4096x1xf32, #tpu.memory_space<vmem>>, vector<4096x1xf32>
      tpu.vector_store %arg8[%swap3A_3701, %swap3A_3702], %broadcast_in_dim3A_3700 {strides = array<i32>} : memref<4096x1xf32, #tpu.memory_space<vmem>>, vector<4096x1xf32>,
      %broadcast_in_dim3A_3704 = arith.constant 1.07374182E+9 : f32
      %broadcast_in_dim3A_3705 = vector.broadcast %broadcast_in_dim3A_3704 : f32 to vector<4096x1xf32>
      %swap3A_3706 = arith.constant 0 : index
      %swap3A_3707 = arith.constant 0 : index
      %swap3A_3708 = vector.load %arg9[%swap3A_3706, %swap3A_3707] : memref<4096x1xf32, #tpu.memory_space<vmem>>, vector<4096x1xf32>
      tpu.vector_store %arg9[%swap3A_3706, %swap3A_3707], %broadcast_in_dim3A_3705 {strides = array<i32>} : memref<4096x1xf32, #tpu.memory_space<vmem>>, vector<4096x1xf32>,
      %broadcast_in_dim3A_3709 = arith.constant 1.07374182E+9 : f32
      %broadcast_in_dim3A_3710 = vector.broadcast %broadcast_in_dim3A_3709 : f32 to vector<4096x1xf32>
      %swap3A_3711 = arith.constant 0 : index
      %swap3A_3712 = arith.constant 0 : index
      %swap3A_3713 = vector.load %arg10[%swap3A_3711, %swap3A_3712] : memref<4096x1xf32, #tpu.memory_space<vmem>>, vector<4096x1xf32>
      tpu.vector_store %arg10[%swap3A_3711, %swap3A_3712], %broadcast_in_dim3A_3710 {strides = array<i32>} : memref<4096x1xf32, #tpu.memory_space<vmem>>, vector<4096x1xf32>,
    } else {
    }
    %get3A = arith.constant 0 : index
    %get3A_2 = arith.constant 0 : index
    %get3A_3 = vector.load %arg3[%get3A, %get3A_2] : memref<2048x256xbf16, #tpu.memory_space<vmem>>, vector<2048x256xbf16>
    %get3A_4 = arith.constant 0 : index
    %get3A_5 = arith.constant 0 : index
    %get3A_6 = vector.load %arg4[%get3A_4, %get3A_5] : memref<1x2048xf32, #tpu.memory_space<vmem>>, vector<1x2048xf32>
    %mul3A = arith.constant 2048 : i32
    %mul3A_7 = arith.muli %arg0, %mul3A : i32
    %iota3A = tpu.iota {dimensions = array<i32: 1>} : vector<128x2048xi32>
    %convert_element_type3A_8 = arith.sitofp %iota3A : vector<128x2048xi32> to vector<128x2048xf32>
    %convert_element_type3A_9 = arith.sitofp %mul3A_7 : i32 to f32
    %add3A = vector.broadcast %convert_element_type3A_9 : f32 to vector<128x2048xf32>
    %add3A_10 = arith.addf %convert_element_type3A_8, %add3A : vector<128x2048xf32>
    %get3A_11 = arith.constant 0 : index
    %get3A_12 = arith.constant 0 : index
    %get3A_13 = vector.load %arg1[%get3A_11, %get3A_12] : memref<4096x256xbf16, #tpu.memory_space<vmem>>, vector<128x256xbf16>
    %get3A_14 = arith.constant 0 : index
    %get3A_15 = arith.constant 0 : index
    %get3A_16 = vector.load %arg2[%get3A_14, %get3A_15] : memref<4096x1xf32, #tpu.memory_space<vmem>>, vector<128x1xf32>
    %dot_general3A = arith.constant dense<0.000000e+00> : vector<128x2048xf32>
    %dot_general3A_17 = tpu.matmul %get3A_13, %get3A_3, %dot_general3A {dimension_numbers = #tpu.dot_dimension_numbers<[1], [1], [0], [0], [0, 0, 1, 0], [], []>, transpose_lhs_hint = false} : vector<128x256xbf16>, vector<2048x256xbf16>, vector<128x2048xf32> -> vector<128x2048xf32>
    %add3A_18 = vector.broadcast %get3A_16 : vector<128x1xf32> to vector<128x2048xf32>
    %add3A_19 = vector.broadcast %get3A_6 : vector<1x2048xf32> to vector<128x2048xf32>
    %add3A_20 = arith.addf %add3A_18, %add3A_19 : vector<128x2048xf32>
    %add3A_21 = arith.addf %add3A_20, %dot_general3A_17 : vector<128x2048xf32>
    %reduce_min3A = arith.constant dense<0x7F800000> : vector<128xf32>
    %reduce_min3A_22 = vector.multi_reduction <minimumf>, %add3A_21, %reduce_min3A [1] : vector<128x2048xf32> to vector<128xf32>
    %broadcast_in_dim3A = vector.shape_cast %reduce_min3A_22 : vector<128xf32> to vector<128x1xf32>
    %eq3A_23 = vector.broadcast %broadcast_in_dim3A : vector<128x1xf32> to vector<128x2048xf32>
    %eq3A_24 = arith.cmpf oeq, %add3A_21, %eq3A_23 : vector<128x2048xf32>
    %jit3A = arith.constant 1.07374182E+9 : f32
    %broadcast_in_dim3A_25 = vector.broadcast %jit3A : f32 to vector<128x2048xf32>
    %select_n3A = arith.select %eq3A_24, %add3A_10, %broadcast_in_dim3A_25 : vector<128x2048xi1>, vector<128x2048xf32>
    %reduce_min3A_26 = arith.constant dense<0x7F800000> : vector<128xf32>
    %reduce_min3A_27 = vector.multi_reduction <minimumf>, %select_n3A, %reduce_min3A_26 [1] : vector<128x2048xf32> to vector<128xf32>
    %broadcast_in_dim3A_28 = vector.shape_cast %reduce_min3A_27 : vector<128xf32> to vector<128x1xf32>
    %eq3A_29 = vector.broadcast %broadcast_in_dim3A_28 : vector<128x1xf32> to vector<128x2048xf32>
    %eq3A_30 = arith.cmpf oeq, %add3A_10, %eq3A_29 : vector<128x2048xf32>
    %jit3A_31 = arith.constant 1.000000e+30 : f32
    %broadcast_in_dim3A_32 = vector.broadcast %jit3A_31 : f32 to vector<128x2048xf32>
    %select_n3A_33 = arith.select %eq3A_30, %broadcast_in_dim3A_32, %add3A_21 : vector<128x2048xi1>, vector<128x2048xf32>
    %reduce_min3A_34 = arith.constant dense<0x7F800000> : vector<128xf32>
    %reduce_min3A_35 = vector.multi_reduction <minimumf>, %select_n3A_33, %reduce_min3A_34 [1] : vector<128x2048xf32> to vector<128xf32>
    %broadcast_in_dim3A_36 = vector.shape_cast %reduce_min3A_35 : vector<128xf32> to vector<128x1xf32>
    %eq3A_37 = vector.broadcast %broadcast_in_dim3A_36 : vector<128x1xf32> to vector<128x2048xf32>
    %eq3A_38 = arith.cmpf oeq, %select_n3A_33, %eq3A_37 : vector<128x2048xf32>
    %jit3A_39 = arith.constant 1.07374182E+9 : f32
    %broadcast_in_dim3A_40 = vector.broadcast %jit3A_39 : f32 to vector<128x2048xf32>
    %select_n3A_41 = arith.select %eq3A_38, %add3A_10, %broadcast_in_dim3A_40 : vector<128x2048xi1>, vector<128x2048xf32>
    %reduce_min3A_42 = arith.constant dense<0x7F800000> : vector<128xf32>
    %reduce_min3A_43 = vector.multi_reduction <minimumf>, %select_n3A_41, %reduce_min3A_42 [1] : vector<128x2048xf32> to vector<128xf32>
    %broadcast_in_dim3A_44 = vector.shape_cast %reduce_min3A_43 : vector<128xf32> to vector<128x1xf32>
    %eq3A_45 = vector.broadcast %broadcast_in_dim3A_44 : vector<128x1xf32> to vector<128x2048xf32>
    %eq3A_46 = arith.cmpf oeq, %add3A_10, %eq3A_45 : vector<128x2048xf32>
    %jit3A_47 = arith.constant 1.000000e+30 : f32
    %broadcast_in_dim3A_48 = vector.broadcast %jit3A_47 : f32 to vector<128x2048xf32>
    %select_n3A_49 = arith.select %eq3A_46, %broadcast_in_dim3A_48, %select_n3A_33 : vector<128x2048xi1>, vector<128x2048xf32>
    %reduce_min3A_50 = arith.constant dense<0x7F800000> : vector<128xf32>
    %reduce_min3A_51 = vector.multi_reduction <minimumf>, %select_n3A_49, %reduce_min3A_50 [1] : vector<128x2048xf32> to vector<128xf32>
    %broadcast_in_dim3A_52 = vector.shape_cast %reduce_min3A_51 : vector<128xf32> to vector<128x1xf32>
    %eq3A_53 = vector.broadcast %broadcast_in_dim3A_52 : vector<128x1xf32> to vector<128x2048xf32>
    %eq3A_54 = arith.cmpf oeq, %select_n3A_49, %eq3A_53 : vector<128x2048xf32>
    %jit3A_55 = arith.constant 1.07374182E+9 : f32
    %broadcast_in_dim3A_56 = vector.broadcast %jit3A_55 : f32 to vector<128x2048xf32>
    %select_n3A_57 = arith.select %eq3A_54, %add3A_10, %broadcast_in_dim3A_56 : vector<128x2048xi1>, vector<128x2048xf32>
    %reduce_min3A_58 = arith.constant dense<0x7F800000> : vector<128xf32>
    %reduce_min3A_59 = vector.multi_reduction <minimumf>, %select_n3A_57, %reduce_min3A_58 [1] : vector<128x2048xf32> to vector<128xf32>
    %broadcast_in_dim3A_60 = vector.shape_cast %reduce_min3A_59 : vector<128xf32> to vector<128x1xf32>
    %get3A_61 = arith.constant 0 : index
    %get3A_62 = arith.constant 0 : index
    %get3A_63 = vector.load %arg5[%get3A_61, %get3A_62] : memref<4096x1xf32, #tpu.memory_space<vmem>>, vector<128x1xf32>
    %get3A_64 = arith.constant 0 : index
    %get3A_65 = arith.constant 0 : index
    %get3A_66 = vector.load %arg8[%get3A_64, %get3A_65] : memref<4096x1xf32, #tpu.memory_space<vmem>>, vector<128x1xf32>
    %get3A_67 = arith.constant 0 : index
    %get3A_68 = arith.constant 0 : index
    %get3A_69 = vector.load %arg6[%get3A_67, %get3A_68] : memref<4096x1xf32, #tpu.memory_space<vmem>>, vector<128x1xf32>
    %get3A_70 = arith.constant 0 : index
    %get3A_71 = arith.constant 0 : index
    %get3A_72 = vector.load %arg9[%get3A_70, %get3A_71] : memref<4096x1xf32, #tpu.memory_space<vmem>>, vector<128x1xf32>
    %get3A_73 = arith.constant 0 : index
    %get3A_74 = arith.constant 0 : index
    %get3A_75 = vector.load %arg7[%get3A_73, %get3A_74] : memref<4096x1xf32, #tpu.memory_space<vmem>>, vector<128x1xf32>
    %get3A_76 = arith.constant 0 : index
    %get3A_77 = arith.constant 0 : index
    %get3A_78 = vector.load %arg10[%get3A_76, %get3A_77] : memref<4096x1xf32, #tpu.memory_space<vmem>>, vector<128x1xf32>
    %le3A = arith.cmpf ole, %get3A_75, %broadcast_in_dim3A : vector<128x1xf32>
    %select_n3A_79 = arith.select %le3A, %get3A_75, %broadcast_in_dim3A : vector<128x1xi1>, vector<128x1xf32>
    %select_n3A_80 = arith.select %le3A, %get3A_78, %broadcast_in_dim3A_28 : vector<128x1xi1>, vector<128x1xf32>
    %le3A_81 = arith.cmpf ole, %get3A_69, %select_n3A_79 : vector<128x1xf32>
    %select_n3A_82 = arith.select %le3A_81, %get3A_69, %select_n3A_79 : vector<128x1xi1>, vector<128x1xf32>
    %select_n3A_83 = arith.select %le3A_81, %get3A_72, %select_n3A_80 : vector<128x1xi1>, vector<128x1xf32>
    %select_n3A_84 = arith.select %le3A_81, %select_n3A_79, %get3A_69 : vector<128x1xi1>, vector<128x1xf32>
    %select_n3A_85 = arith.select %le3A_81, %select_n3A_80, %get3A_72 : vector<128x1xi1>, vector<128x1xf32>
    %le3A_86 = arith.cmpf ole, %get3A_63, %select_n3A_82 : vector<128x1xf32>
    %select_n3A_87 = arith.select %le3A_86, %get3A_63, %select_n3A_82 : vector<128x1xi1>, vector<128x1xf32>
    %select_n3A_88 = arith.select %le3A_86, %get3A_66, %select_n3A_83 : vector<128x1xi1>, vector<128x1xf32>
    %select_n3A_89 = arith.select %le3A_86, %select_n3A_82, %get3A_63 : vector<128x1xi1>, vector<128x1xf32>
    %select_n3A_90 = arith.select %le3A_86, %select_n3A_83, %get3A_66 : vector<128x1xi1>, vector<128x1xf32>
    %le3A_91 = arith.cmpf ole, %select_n3A_84, %broadcast_in_dim3A_36 : vector<128x1xf32>
    %select_n3A_92 = arith.select %le3A_91, %select_n3A_84, %broadcast_in_dim3A_36 : vector<128x1xi1>, vector<128x1xf32>
    %select_n3A_93 = arith.select %le3A_91, %select_n3A_85, %broadcast_in_dim3A_44 : vector<128x1xi1>, vector<128x1xf32>
    %le3A_94 = arith.cmpf ole, %select_n3A_89, %select_n3A_92 : vector<128x1xf32>
    %select_n3A_95 = arith.select %le3A_94, %select_n3A_89, %select_n3A_92 : vector<128x1xi1>, vector<128x1xf32>
    %select_n3A_96 = arith.select %le3A_94, %select_n3A_90, %select_n3A_93 : vector<128x1xi1>, vector<128x1xf32>
    %select_n3A_97 = arith.select %le3A_94, %select_n3A_92, %select_n3A_89 : vector<128x1xi1>, vector<128x1xf32>
    %select_n3A_98 = arith.select %le3A_94, %select_n3A_93, %select_n3A_90 : vector<128x1xi1>, vector<128x1xf32>
    %le3A_99 = arith.cmpf ole, %select_n3A_97, %broadcast_in_dim3A_52 : vector<128x1xf32>
    %select_n3A_100 = arith.select %le3A_99, %select_n3A_97, %broadcast_in_dim3A_52 : vector<128x1xi1>, vector<128x1xf32>
    %select_n3A_101 = arith.select %le3A_99, %select_n3A_98, %broadcast_in_dim3A_60 : vector<128x1xi1>, vector<128x1xf32>
    %swap3A = arith.constant 0 : index
    %swap3A_102 = arith.constant 0 : index
    %swap3A_103 = vector.load %arg5[%swap3A, %swap3A_102] : memref<4096x1xf32, #tpu.memory_space<vmem>>, vector<128x1xf32>
    tpu.vector_store %arg5[%swap3A, %swap3A_102], %select_n3A_87 {strides = array<i32>} : memref<4096x1xf32, #tpu.memory_space<vmem>>, vector<128x1xf32>,
    %swap3A_104 = arith.constant 0 : index
    %swap3A_105 = arith.constant 0 : index
    %swap3A_106 = vector.load %arg8[%swap3A_104, %swap3A_105] : memref<4096x1xf32, #tpu.memory_space<vmem>>, vector<128x1xf32>
    tpu.vector_store %arg8[%swap3A_104, %swap3A_105], %select_n3A_88 {strides = array<i32>} : memref<4096x1xf32, #tpu.memory_space<vmem>>, vector<128x1xf32>,
    %swap3A_107 = arith.constant 0 : index
    %swap3A_108 = arith.constant 0 : index
    %swap3A_109 = vector.load %arg6[%swap3A_107, %swap3A_108] : memref<4096x1xf32, #tpu.memory_space<vmem>>, vector<128x1xf32>
    tpu.vector_store %arg6[%swap3A_107, %swap3A_108], %select_n3A_95 {strides = array<i32>} : memref<4096x1xf32, #tpu.memory_space<vmem>>, vector<128x1xf32>,
    %swap3A_110 = arith.constant 0 : index
    %swap3A_111 = arith.constant 0 : index
    %swap3A_112 = vector.load %arg9[%swap3A_110, %swap3A_111] : memref<4096x1xf32, #tpu.memory_space<vmem>>, vector<128x1xf32>
    tpu.vector_store %arg9[%swap3A_110, %swap3A_111], %select_n3A_96 {strides = array<i32>} : memref<4096x1xf32, #tpu.memory_space<vmem>>, vector<128x1xf32>,
    %swap3A_113 = arith.constant 0 : index
    %swap3A_114 = arith.constant 0 : index
    %swap3A_115 = vector.load %arg7[%swap3A_113, %swap3A_114] : memref<4096x1xf32, #tpu.memory_space<vmem>>, vector<128x1xf32>
    tpu.vector_store %arg7[%swap3A_113, %swap3A_114], %select_n3A_100 {strides = array<i32>} : memref<4096x1xf32, #tpu.memory_space<vmem>>, vector<128x1xf32>,
    %swap3A_116 = arith.constant 0 : index
    %swap3A_117 = arith.constant 0 : index
    %swap3A_118 = vector.load %arg10[%swap3A_116, %swap3A_117] : memref<4096x1xf32, #tpu.memory_space<vmem>>, vector<128x1xf32>
    tpu.vector_store %arg10[%swap3A_116, %swap3A_117], %select_n3A_101 {strides = array<i32>} : memref<4096x1xf32, #tpu.memory_space<vmem>>, vector<128x1xf32>,
    %get3A_119 = arith.constant 128 : index
    %get3A_120 = arith.constant 0 : index
    %get3A_121 = vector.load %arg1[%get3A_119, %get3A_120] : memref<4096x256xbf16, #tpu.memory_space<vmem>>, vector<128x256xbf16>
    %get3A_122 = arith.constant 128 : index
    %get3A_123 = arith.constant 0 : index
    %get3A_124 = vector.load %arg2[%get3A_122, %get3A_123] : memref<4096x1xf32, #tpu.memory_space<vmem>>, vector<128x1xf32>
    %dot_general3A_125 = arith.constant dense<0.000000e+00> : vector<128x2048xf32>
    %dot_general3A_126 = tpu.matmul %get3A_121, %get3A_3, %dot_general3A_125 {dimension_numbers = #tpu.dot_dimension_numbers<[1], [1], [0], [0], [0, 0, 1, 0], [], []>, transpose_lhs_hint = false} : vector<128x256xbf16>, vector<2048x256xbf16>, vector<128x2048xf32> -> vector<128x2048xf32>
    %add3A_127 = vector.broadcast %get3A_124 : vector<128x1xf32> to vector<128x2048xf32>
    %add3A_128 = vector.broadcast %get3A_6 : vector<1x2048xf32> to vector<128x2048xf32>
    %add3A_129 = arith.addf %add3A_127, %add3A_128 : vector<128x2048xf32>
    %add3A_130 = arith.addf %add3A_129, %dot_general3A_126 : vector<128x2048xf32>
    %reduce_min3A_131 = arith.constant dense<0x7F800000> : vector<128xf32>
    %reduce_min3A_132 = vector.multi_reduction <minimumf>, %add3A_130, %reduce_min3A_131 [1] : vector<128x2048xf32> to vector<128xf32>
    %broadcast_in_dim3A_133 = vector.shape_cast %reduce_min3A_132 : vector<128xf32> to vector<128x1xf32>
    %eq3A_134 = vector.broadcast %broadcast_in_dim3A_133 : vector<128x1xf32> to vector<128x2048xf32>
    %eq3A_135 = arith.cmpf oeq, %add3A_130, %eq3A_134 : vector<128x2048xf32>
    %jit3A_136 = arith.constant 1.07374182E+9 : f32
    %broadcast_in_dim3A_137 = vector.broadcast %jit3A_136 : f32 to vector<128x2048xf32>
    %select_n3A_138 = arith.select %eq3A_135, %add3A_10, %broadcast_in_dim3A_137 : vector<128x2048xi1>, vector<128x2048xf32>
    %reduce_min3A_139 = arith.constant dense<0x7F800000> : vector<128xf32>
    %reduce_min3A_140 = vector.multi_reduction <minimumf>, %select_n3A_138, %reduce_min3A_139 [1] : vector<128x2048xf32> to vector<128xf32>
    %broadcast_in_dim3A_141 = vector.shape_cast %reduce_min3A_140 : vector<128xf32> to vector<128x1xf32>
    %eq3A_142 = vector.broadcast %broadcast_in_dim3A_141 : vector<128x1xf32> to vector<128x2048xf32>
    %eq3A_143 = arith.cmpf oeq, %add3A_10, %eq3A_142 : vector<128x2048xf32>
    %jit3A_144 = arith.constant 1.000000e+30 : f32
    %broadcast_in_dim3A_145 = vector.broadcast %jit3A_144 : f32 to vector<128x2048xf32>
    %select_n3A_146 = arith.select %eq3A_143, %broadcast_in_dim3A_145, %add3A_130 : vector<128x2048xi1>, vector<128x2048xf32>
    %reduce_min3A_147 = arith.constant dense<0x7F800000> : vector<128xf32>
    %reduce_min3A_148 = vector.multi_reduction <minimumf>, %select_n3A_146, %reduce_min3A_147 [1] : vector<128x2048xf32> to vector<128xf32>
    %broadcast_in_dim3A_149 = vector.shape_cast %reduce_min3A_148 : vector<128xf32> to vector<128x1xf32>
    %eq3A_150 = vector.broadcast %broadcast_in_dim3A_149 : vector<128x1xf32> to vector<128x2048xf32>
    %eq3A_151 = arith.cmpf oeq, %select_n3A_146, %eq3A_150 : vector<128x2048xf32>
    %jit3A_152 = arith.constant 1.07374182E+9 : f32
    %broadcast_in_dim3A_153 = vector.broadcast %jit3A_152 : f32 to vector<128x2048xf32>
    %select_n3A_154 = arith.select %eq3A_151, %add3A_10, %broadcast_in_dim3A_153 : vector<128x2048xi1>, vector<128x2048xf32>
    %reduce_min3A_155 = arith.constant dense<0x7F800000> : vector<128xf32>
    %reduce_min3A_156 = vector.multi_reduction <minimumf>, %select_n3A_154, %reduce_min3A_155 [1] : vector<128x2048xf32> to vector<128xf32>
    %broadcast_in_dim3A_157 = vector.shape_cast %reduce_min3A_156 : vector<128xf32> to vector<128x1xf32>
    %eq3A_158 = vector.broadcast %broadcast_in_dim3A_157 : vector<128x1xf32> to vector<128x2048xf32>
    %eq3A_159 = arith.cmpf oeq, %add3A_10, %eq3A_158 : vector<128x2048xf32>
    %jit3A_160 = arith.constant 1.000000e+30 : f32
    %broadcast_in_dim3A_161 = vector.broadcast %jit3A_160 : f32 to vector<128x2048xf32>
    %select_n3A_162 = arith.select %eq3A_159, %broadcast_in_dim3A_161, %select_n3A_146 : vector<128x2048xi1>, vector<128x2048xf32>
    %reduce_min3A_163 = arith.constant dense<0x7F800000> : vector<128xf32>
    %reduce_min3A_164 = vector.multi_reduction <minimumf>, %select_n3A_162, %reduce_min3A_163 [1] : vector<128x2048xf32> to vector<128xf32>
    %broadcast_in_dim3A_165 = vector.shape_cast %reduce_min3A_164 : vector<128xf32> to vector<128x1xf32>
    %eq3A_166 = vector.broadcast %broadcast_in_dim3A_165 : vector<128x1xf32> to vector<128x2048xf32>
    %eq3A_167 = arith.cmpf oeq, %select_n3A_162, %eq3A_166 : vector<128x2048xf32>
    %jit3A_168 = arith.constant 1.07374182E+9 : f32
    %broadcast_in_dim3A_169 = vector.broadcast %jit3A_168 : f32 to vector<128x2048xf32>
    %select_n3A_170 = arith.select %eq3A_167, %add3A_10, %broadcast_in_dim3A_169 : vector<128x2048xi1>, vector<128x2048xf32>
    %reduce_min3A_171 = arith.constant dense<0x7F800000> : vector<128xf32>
    %reduce_min3A_172 = vector.multi_reduction <minimumf>, %select_n3A_170, %reduce_min3A_171 [1] : vector<128x2048xf32> to vector<128xf32>
    %broadcast_in_dim3A_173 = vector.shape_cast %reduce_min3A_172 : vector<128xf32> to vector<128x1xf32>
    %get3A_174 = arith.constant 128 : index
    %get3A_175 = arith.constant 0 : index
    %get3A_176 = vector.load %arg5[%get3A_174, %get3A_175] : memref<4096x1xf32, #tpu.memory_space<vmem>>, vector<128x1xf32>
    %get3A_177 = arith.constant 128 : index
    %get3A_178 = arith.constant 0 : index
    %get3A_179 = vector.load %arg8[%get3A_177, %get3A_178] : memref<4096x1xf32, #tpu.memory_space<vmem>>, vector<128x1xf32>
    %get3A_180 = arith.constant 128 : index
    %get3A_181 = arith.constant 0 : index
    %get3A_182 = vector.load %arg6[%get3A_180, %get3A_181] : memref<4096x1xf32, #tpu.memory_space<vmem>>, vector<128x1xf32>
    %get3A_183 = arith.constant 128 : index
    %get3A_184 = arith.constant 0 : index
    %get3A_185 = vector.load %arg9[%get3A_183, %get3A_184] : memref<4096x1xf32, #tpu.memory_space<vmem>>, vector<128x1xf32>
    %get3A_186 = arith.constant 128 : index
    %get3A_187 = arith.constant 0 : index
    %get3A_188 = vector.load %arg7[%get3A_186, %get3A_187] : memref<4096x1xf32, #tpu.memory_space<vmem>>, vector<128x1xf32>
    %get3A_189 = arith.constant 128 : index
    %get3A_190 = arith.constant 0 : index
    %get3A_191 = vector.load %arg10[%get3A_189, %get3A_190] : memref<4096x1xf32, #tpu.memory_space<vmem>>, vector<128x1xf32>
    %le3A_192 = arith.cmpf ole, %get3A_188, %broadcast_in_dim3A_133 : vector<128x1xf32>
    %select_n3A_193 = arith.select %le3A_192, %get3A_188, %broadcast_in_dim3A_133 : vector<128x1xi1>, vector<128x1xf32>
    %select_n3A_194 = arith.select %le3A_192, %get3A_191, %broadcast_in_dim3A_141 : vector<128x1xi1>, vector<128x1xf32>
    %le3A_195 = arith.cmpf ole, %get3A_182, %select_n3A_193 : vector<128x1xf32>
    %select_n3A_196 = arith.select %le3A_195, %get3A_182, %select_n3A_193 : vector<128x1xi1>, vector<128x1xf32>
    %select_n3A_197 = arith.select %le3A_195, %get3A_185, %select_n3A_194 : vector<128x1xi1>, vector<128x1xf32>
    %select_n3A_198 = arith.select %le3A_195, %select_n3A_193, %get3A_182 : vector<128x1xi1>, vector<128x1xf32>
    %select_n3A_199 = arith.select %le3A_195, %select_n3A_194, %get3A_185 : vector<128x1xi1>, vector<128x1xf32>
    %le3A_200 = arith.cmpf ole, %get3A_176, %select_n3A_196 : vector<128x1xf32>
    %select_n3A_201 = arith.select %le3A_200, %get3A_176, %select_n3A_196 : vector<128x1xi1>, vector<128x1xf32>
    %select_n3A_202 = arith.select %le3A_200, %get3A_179, %select_n3A_197 : vector<128x1xi1>, vector<128x1xf32>
    %select_n3A_203 = arith.select %le3A_200, %select_n3A_196, %get3A_176 : vector<128x1xi1>, vector<128x1xf32>
    %select_n3A_204 = arith.select %le3A_200, %select_n3A_197, %get3A_179 : vector<128x1xi1>, vector<128x1xf32>
    %le3A_205 = arith.cmpf ole, %select_n3A_198, %broadcast_in_dim3A_149 : vector<128x1xf32>
    %select_n3A_206 = arith.select %le3A_205, %select_n3A_198, %broadcast_in_dim3A_149 : vector<128x1xi1>, vector<128x1xf32>
    %select_n3A_207 = arith.select %le3A_205, %select_n3A_199, %broadcast_in_dim3A_157 : vector<128x1xi1>, vector<128x1xf32>
    %le3A_208 = arith.cmpf ole, %select_n3A_203, %select_n3A_206 : vector<128x1xf32>
    %select_n3A_209 = arith.select %le3A_208, %select_n3A_203, %select_n3A_206 : vector<128x1xi1>, vector<128x1xf32>
    %select_n3A_210 = arith.select %le3A_208, %select_n3A_204, %select_n3A_207 : vector<128x1xi1>, vector<128x1xf32>
    %select_n3A_211 = arith.select %le3A_208, %select_n3A_206, %select_n3A_203 : vector<128x1xi1>, vector<128x1xf32>
    %select_n3A_212 = arith.select %le3A_208, %select_n3A_207, %select_n3A_204 : vector<128x1xi1>, vector<128x1xf32>
    %le3A_213 = arith.cmpf ole, %select_n3A_211, %broadcast_in_dim3A_165 : vector<128x1xf32>
    %select_n3A_214 = arith.select %le3A_213, %select_n3A_211, %broadcast_in_dim3A_165 : vector<128x1xi1>, vector<128x1xf32>
    %select_n3A_215 = arith.select %le3A_213, %select_n3A_212, %broadcast_in_dim3A_173 : vector<128x1xi1>, vector<128x1xf32>
    %swap3A_216 = arith.constant 128 : index
    %swap3A_217 = arith.constant 0 : index
    %swap3A_218 = vector.load %arg5[%swap3A_216, %swap3A_217] : memref<4096x1xf32, #tpu.memory_space<vmem>>, vector<128x1xf32>
    tpu.vector_store %arg5[%swap3A_216, %swap3A_217], %select_n3A_201 {strides = array<i32>} : memref<4096x1xf32, #tpu.memory_space<vmem>>, vector<128x1xf32>,
    %swap3A_219 = arith.constant 128 : index
    %swap3A_220 = arith.constant 0 : index
    %swap3A_221 = vector.load %arg8[%swap3A_219, %swap3A_220] : memref<4096x1xf32, #tpu.memory_space<vmem>>, vector<128x1xf32>
    tpu.vector_store %arg8[%swap3A_219, %swap3A_220], %select_n3A_202 {strides = array<i32>} : memref<4096x1xf32, #tpu.memory_space<vmem>>, vector<128x1xf32>,
    %swap3A_222 = arith.constant 128 : index
    %swap3A_223 = arith.constant 0 : index
    %swap3A_224 = vector.load %arg6[%swap3A_222, %swap3A_223] : memref<4096x1xf32, #tpu.memory_space<vmem>>, vector<128x1xf32>
    tpu.vector_store %arg6[%swap3A_222, %swap3A_223], %select_n3A_209 {strides = array<i32>} : memref<4096x1xf32, #tpu.memory_space<vmem>>, vector<128x1xf32>,
    %swap3A_225 = arith.constant 128 : index
    %swap3A_226 = arith.constant 0 : index
    %swap3A_227 = vector.load %arg9[%swap3A_225, %swap3A_226] : memref<4096x1xf32, #tpu.memory_space<vmem>>, vector<128x1xf32>
    tpu.vector_store %arg9[%swap3A_225, %swap3A_226], %select_n3A_210 {strides = array<i32>} : memref<4096x1xf32, #tpu.memory_space<vmem>>, vector<128x1xf32>,
    %swap3A_228 = arith.constant 128 : index
    %swap3A_229 = arith.constant 0 : index
    %swap3A_230 = vector.load %arg7[%swap3A_228, %swap3A_229] : memref<4096x1xf32, #tpu.memory_space<vmem>>, vector<128x1xf32>
    tpu.vector_store %arg7[%swap3A_228, %swap3A_229], %select_n3A_214 {strides = array<i32>} : memref<4096x1xf32, #tpu.memory_space<vmem>>, vector<128x1xf32>,
    %swap3A_231 = arith.constant 128 : index
    %swap3A_232 = arith.constant 0 : index
    %swap3A_233 = vector.load %arg10[%swap3A_231, %swap3A_232] : memref<4096x1xf32, #tpu.memory_space<vmem>>, vector<128x1xf32>
    tpu.vector_store %arg10[%swap3A_231, %swap3A_232], %select_n3A_215 {strides = array<i32>} : memref<4096x1xf32, #tpu.memory_space<vmem>>, vector<128x1xf32>,
    %get3A_234 = arith.constant 256 : index
    %get3A_235 = arith.constant 0 : index
    %get3A_236 = vector.load %arg1[%get3A_234, %get3A_235] : memref<4096x256xbf16, #tpu.memory_space<vmem>>, vector<128x256xbf16>
    %get3A_237 = arith.constant 256 : index
    %get3A_238 = arith.constant 0 : index
    %get3A_239 = vector.load %arg2[%get3A_237, %get3A_238] : memref<4096x1xf32, #tpu.memory_space<vmem>>, vector<128x1xf32>
    %dot_general3A_240 = arith.constant dense<0.000000e+00> : vector<128x2048xf32>
    %dot_general3A_241 = tpu.matmul %get3A_236, %get3A_3, %dot_general3A_240 {dimension_numbers = #tpu.dot_dimension_numbers<[1], [1], [0], [0], [0, 0, 1, 0], [], []>, transpose_lhs_hint = false} : vector<128x256xbf16>, vector<2048x256xbf16>, vector<128x2048xf32> -> vector<128x2048xf32>
    %add3A_242 = vector.broadcast %get3A_239 : vector<128x1xf32> to vector<128x2048xf32>
    %add3A_243 = vector.broadcast %get3A_6 : vector<1x2048xf32> to vector<128x2048xf32>
    %add3A_244 = arith.addf %add3A_242, %add3A_243 : vector<128x2048xf32>
    %add3A_245 = arith.addf %add3A_244, %dot_general3A_241 : vector<128x2048xf32>
    %reduce_min3A_246 = arith.constant dense<0x7F800000> : vector<128xf32>
    %reduce_min3A_247 = vector.multi_reduction <minimumf>, %add3A_245, %reduce_min3A_246 [1] : vector<128x2048xf32> to vector<128xf32>
    %broadcast_in_dim3A_248 = vector.shape_cast %reduce_min3A_247 : vector<128xf32> to vector<128x1xf32>
    %eq3A_249 = vector.broadcast %broadcast_in_dim3A_248 : vector<128x1xf32> to vector<128x2048xf32>
    %eq3A_250 = arith.cmpf oeq, %add3A_245, %eq3A_249 : vector<128x2048xf32>
    %jit3A_251 = arith.constant 1.07374182E+9 : f32
    %broadcast_in_dim3A_252 = vector.broadcast %jit3A_251 : f32 to vector<128x2048xf32>
    %select_n3A_253 = arith.select %eq3A_250, %add3A_10, %broadcast_in_dim3A_252 : vector<128x2048xi1>, vector<128x2048xf32>
    %reduce_min3A_254 = arith.constant dense<0x7F800000> : vector<128xf32>
    %reduce_min3A_255 = vector.multi_reduction <minimumf>, %select_n3A_253, %reduce_min3A_254 [1] : vector<128x2048xf32> to vector<128xf32>
    %broadcast_in_dim3A_256 = vector.shape_cast %reduce_min3A_255 : vector<128xf32> to vector<128x1xf32>
    %eq3A_257 = vector.broadcast %broadcast_in_dim3A_256 : vector<128x1xf32> to vector<128x2048xf32>
    %eq3A_258 = arith.cmpf oeq, %add3A_10, %eq3A_257 : vector<128x2048xf32>
    %jit3A_259 = arith.constant 1.000000e+30 : f32
    %broadcast_in_dim3A_260 = vector.broadcast %jit3A_259 : f32 to vector<128x2048xf32>
    %select_n3A_261 = arith.select %eq3A_258, %broadcast_in_dim3A_260, %add3A_245 : vector<128x2048xi1>, vector<128x2048xf32>
    %reduce_min3A_262 = arith.constant dense<0x7F800000> : vector<128xf32>
    %reduce_min3A_263 = vector.multi_reduction <minimumf>, %select_n3A_261, %reduce_min3A_262 [1] : vector<128x2048xf32> to vector<128xf32>
    %broadcast_in_dim3A_264 = vector.shape_cast %reduce_min3A_263 : vector<128xf32> to vector<128x1xf32>
    %eq3A_265 = vector.broadcast %broadcast_in_dim3A_264 : vector<128x1xf32> to vector<128x2048xf32>
    %eq3A_266 = arith.cmpf oeq, %select_n3A_261, %eq3A_265 : vector<128x2048xf32>
    %jit3A_267 = arith.constant 1.07374182E+9 : f32
    %broadcast_in_dim3A_268 = vector.broadcast %jit3A_267 : f32 to vector<128x2048xf32>
    %select_n3A_269 = arith.select %eq3A_266, %add3A_10, %broadcast_in_dim3A_268 : vector<128x2048xi1>, vector<128x2048xf32>
    %reduce_min3A_270 = arith.constant dense<0x7F800000> : vector<128xf32>
    %reduce_min3A_271 = vector.multi_reduction <minimumf>, %select_n3A_269, %reduce_min3A_270 [1] : vector<128x2048xf32> to vector<128xf32>
    %broadcast_in_dim3A_272 = vector.shape_cast %reduce_min3A_271 : vector<128xf32> to vector<128x1xf32>
    %eq3A_273 = vector.broadcast %broadcast_in_dim3A_272 : vector<128x1xf32> to vector<128x2048xf32>
    %eq3A_274 = arith.cmpf oeq, %add3A_10, %eq3A_273 : vector<128x2048xf32>
    %jit3A_275 = arith.constant 1.000000e+30 : f32
    %broadcast_in_dim3A_276 = vector.broadcast %jit3A_275 : f32 to vector<128x2048xf32>
    %select_n3A_277 = arith.select %eq3A_274, %broadcast_in_dim3A_276, %select_n3A_261 : vector<128x2048xi1>, vector<128x2048xf32>
    %reduce_min3A_278 = arith.constant dense<0x7F800000> : vector<128xf32>
    %reduce_min3A_279 = vector.multi_reduction <minimumf>, %select_n3A_277, %reduce_min3A_278 [1] : vector<128x2048xf32> to vector<128xf32>
    %broadcast_in_dim3A_280 = vector.shape_cast %reduce_min3A_279 : vector<128xf32> to vector<128x1xf32>
    %eq3A_281 = vector.broadcast %broadcast_in_dim3A_280 : vector<128x1xf32> to vector<128x2048xf32>
    %eq3A_282 = arith.cmpf oeq, %select_n3A_277, %eq3A_281 : vector<128x2048xf32>
    %jit3A_283 = arith.constant 1.07374182E+9 : f32
    %broadcast_in_dim3A_284 = vector.broadcast %jit3A_283 : f32 to vector<128x2048xf32>
    %select_n3A_285 = arith.select %eq3A_282, %add3A_10, %broadcast_in_dim3A_284 : vector<128x2048xi1>, vector<128x2048xf32>
    %reduce_min3A_286 = arith.constant dense<0x7F800000> : vector<128xf32>
    %reduce_min3A_287 = vector.multi_reduction <minimumf>, %select_n3A_285, %reduce_min3A_286 [1] : vector<128x2048xf32> to vector<128xf32>
    %broadcast_in_dim3A_288 = vector.shape_cast %reduce_min3A_287 : vector<128xf32> to vector<128x1xf32>
    %get3A_289 = arith.constant 256 : index
    %get3A_290 = arith.constant 0 : index
    %get3A_291 = vector.load %arg5[%get3A_289, %get3A_290] : memref<4096x1xf32, #tpu.memory_space<vmem>>, vector<128x1xf32>
    %get3A_292 = arith.constant 256 : index
    %get3A_293 = arith.constant 0 : index
    %get3A_294 = vector.load %arg8[%get3A_292, %get3A_293] : memref<4096x1xf32, #tpu.memory_space<vmem>>, vector<128x1xf32>
    %get3A_295 = arith.constant 256 : index
    %get3A_296 = arith.constant 0 : index
    %get3A_297 = vector.load %arg6[%get3A_295, %get3A_296] : memref<4096x1xf32, #tpu.memory_space<vmem>>, vector<128x1xf32>
    %get3A_298 = arith.constant 256 : index
    %get3A_299 = arith.constant 0 : index
    %get3A_300 = vector.load %arg9[%get3A_298, %get3A_299] : memref<4096x1xf32, #tpu.memory_space<vmem>>, vector<128x1xf32>
    %get3A_301 = arith.constant 256 : index
    %get3A_302 = arith.constant 0 : index
    %get3A_303 = vector.load %arg7[%get3A_301, %get3A_302] : memref<4096x1xf32, #tpu.memory_space<vmem>>, vector<128x1xf32>
    %get3A_304 = arith.constant 256 : index
    %get3A_305 = arith.constant 0 : index
    %get3A_306 = vector.load %arg10[%get3A_304, %get3A_305] : memref<4096x1xf32, #tpu.memory_space<vmem>>, vector<128x1xf32>
    %le3A_307 = arith.cmpf ole, %get3A_303, %broadcast_in_dim3A_248 : vector<128x1xf32>
    %select_n3A_308 = arith.select %le3A_307, %get3A_303, %broadcast_in_dim3A_248 : vector<128x1xi1>, vector<128x1xf32>
    %select_n3A_309 = arith.select %le3A_307, %get3A_306, %broadcast_in_dim3A_256 : vector<128x1xi1>, vector<128x1xf32>
    %le3A_310 = arith.cmpf ole, %get3A_297, %select_n3A_308 : vector<128x1xf32>
    %select_n3A_311 = arith.select %le3A_310, %get3A_297, %select_n3A_308 : vector<128x1xi1>, vector<128x1xf32>
    %select_n3A_312 = arith.select %le3A_310, %get3A_300, %select_n3A_309 : vector<128x1xi1>, vector<128x1xf32>
    %select_n3A_313 = arith.select %le3A_310, %select_n3A_308, %get3A_297 : vector<128x1xi1>, vector<128x1xf32>
    %select_n3A_314 = arith.select %le3A_310, %select_n3A_309, %get3A_300 : vector<128x1xi1>, vector<128x1xf32>
    %le3A_315 = arith.cmpf ole, %get3A_291, %select_n3A_311 : vector<128x1xf32>
    %select_n3A_316 = arith.select %le3A_315, %get3A_291, %select_n3A_311 : vector<128x1xi1>, vector<128x1xf32>
    %select_n3A_317 = arith.select %le3A_315, %get3A_294, %select_n3A_312 : vector<128x1xi1>, vector<128x1xf32>
    %select_n3A_318 = arith.select %le3A_315, %select_n3A_311, %get3A_291 : vector<128x1xi1>, vector<128x1xf32>
    %select_n3A_319 = arith.select %le3A_315, %select_n3A_312, %get3A_294 : vector<128x1xi1>, vector<128x1xf32>
    %le3A_320 = arith.cmpf ole, %select_n3A_313, %broadcast_in_dim3A_264 : vector<128x1xf32>
    %select_n3A_321 = arith.select %le3A_320, %select_n3A_313, %broadcast_in_dim3A_264 : vector<128x1xi1>, vector<128x1xf32>
    %select_n3A_322 = arith.select %le3A_320, %select_n3A_314, %broadcast_in_dim3A_272 : vector<128x1xi1>, vector<128x1xf32>
    %le3A_323 = arith.cmpf ole, %select_n3A_318, %select_n3A_321 : vector<128x1xf32>
    %select_n3A_324 = arith.select %le3A_323, %select_n3A_318, %select_n3A_321 : vector<128x1xi1>, vector<128x1xf32>
    %select_n3A_325 = arith.select %le3A_323, %select_n3A_319, %select_n3A_322 : vector<128x1xi1>, vector<128x1xf32>
    %select_n3A_326 = arith.select %le3A_323, %select_n3A_321, %select_n3A_318 : vector<128x1xi1>, vector<128x1xf32>
    %select_n3A_327 = arith.select %le3A_323, %select_n3A_322, %select_n3A_319 : vector<128x1xi1>, vector<128x1xf32>
    %le3A_328 = arith.cmpf ole, %select_n3A_326, %broadcast_in_dim3A_280 : vector<128x1xf32>
    %select_n3A_329 = arith.select %le3A_328, %select_n3A_326, %broadcast_in_dim3A_280 : vector<128x1xi1>, vector<128x1xf32>
    %select_n3A_330 = arith.select %le3A_328, %select_n3A_327, %broadcast_in_dim3A_288 : vector<128x1xi1>, vector<128x1xf32>
    %swap3A_331 = arith.constant 256 : index
    %swap3A_332 = arith.constant 0 : index
    %swap3A_333 = vector.load %arg5[%swap3A_331, %swap3A_332] : memref<4096x1xf32, #tpu.memory_space<vmem>>, vector<128x1xf32>
    tpu.vector_store %arg5[%swap3A_331, %swap3A_332], %select_n3A_316 {strides = array<i32>} : memref<4096x1xf32, #tpu.memory_space<vmem>>, vector<128x1xf32>,
    %swap3A_334 = arith.constant 256 : index
    %swap3A_335 = arith.constant 0 : index
    %swap3A_336 = vector.load %arg8[%swap3A_334, %swap3A_335] : memref<4096x1xf32, #tpu.memory_space<vmem>>, vector<128x1xf32>
    tpu.vector_store %arg8[%swap3A_334, %swap3A_335], %select_n3A_317 {strides = array<i32>} : memref<4096x1xf32, #tpu.memory_space<vmem>>, vector<128x1xf32>,
    %swap3A_337 = arith.constant 256 : index
    %swap3A_338 = arith.constant 0 : index
    %swap3A_339 = vector.load %arg6[%swap3A_337, %swap3A_338] : memref<4096x1xf32, #tpu.memory_space<vmem>>, vector<128x1xf32>
    tpu.vector_store %arg6[%swap3A_337, %swap3A_338], %select_n3A_324 {strides = array<i32>} : memref<4096x1xf32, #tpu.memory_space<vmem>>, vector<128x1xf32>,
    %swap3A_340 = arith.constant 256 : index
    %swap3A_341 = arith.constant 0 : index
    %swap3A_342 = vector.load %arg9[%swap3A_340, %swap3A_341] : memref<4096x1xf32, #tpu.memory_space<vmem>>, vector<128x1xf32>
    tpu.vector_store %arg9[%swap3A_340, %swap3A_341], %select_n3A_325 {strides = array<i32>} : memref<4096x1xf32, #tpu.memory_space<vmem>>, vector<128x1xf32>,
    %swap3A_343 = arith.constant 256 : index
    %swap3A_344 = arith.constant 0 : index
    %swap3A_345 = vector.load %arg7[%swap3A_343, %swap3A_344] : memref<4096x1xf32, #tpu.memory_space<vmem>>, vector<128x1xf32>
    tpu.vector_store %arg7[%swap3A_343, %swap3A_344], %select_n3A_329 {strides = array<i32>} : memref<4096x1xf32, #tpu.memory_space<vmem>>, vector<128x1xf32>,
    %swap3A_346 = arith.constant 256 : index
    %swap3A_347 = arith.constant 0 : index
    %swap3A_348 = vector.load %arg10[%swap3A_346, %swap3A_347] : memref<4096x1xf32, #tpu.memory_space<vmem>>, vector<128x1xf32>
    tpu.vector_store %arg10[%swap3A_346, %swap3A_347], %select_n3A_330 {strides = array<i32>} : memref<4096x1xf32, #tpu.memory_space<vmem>>, vector<128x1xf32>,
    %get3A_349 = arith.constant 384 : index
    %get3A_350 = arith.constant 0 : index
    %get3A_351 = vector.load %arg1[%get3A_349, %get3A_350] : memref<4096x256xbf16, #tpu.memory_space<vmem>>, vector<128x256xbf16>
    %get3A_352 = arith.constant 384 : index
    %get3A_353 = arith.constant 0 : index
    %get3A_354 = vector.load %arg2[%get3A_352, %get3A_353] : memref<4096x1xf32, #tpu.memory_space<vmem>>, vector<128x1xf32>
    %dot_general3A_355 = arith.constant dense<0.000000e+00> : vector<128x2048xf32>
    %dot_general3A_356 = tpu.matmul %get3A_351, %get3A_3, %dot_general3A_355 {dimension_numbers = #tpu.dot_dimension_numbers<[1], [1], [0], [0], [0, 0, 1, 0], [], []>, transpose_lhs_hint = false} : vector<128x256xbf16>, vector<2048x256xbf16>, vector<128x2048xf32> -> vector<128x2048xf32>
    %add3A_357 = vector.broadcast %get3A_354 : vector<128x1xf32> to vector<128x2048xf32>
    %add3A_358 = vector.broadcast %get3A_6 : vector<1x2048xf32> to vector<128x2048xf32>
    %add3A_359 = arith.addf %add3A_357, %add3A_358 : vector<128x2048xf32>
    %add3A_360 = arith.addf %add3A_359, %dot_general3A_356 : vector<128x2048xf32>
    %reduce_min3A_361 = arith.constant dense<0x7F800000> : vector<128xf32>
    %reduce_min3A_362 = vector.multi_reduction <minimumf>, %add3A_360, %reduce_min3A_361 [1] : vector<128x2048xf32> to vector<128xf32>
    %broadcast_in_dim3A_363 = vector.shape_cast %reduce_min3A_362 : vector<128xf32> to vector<128x1xf32>
    %eq3A_364 = vector.broadcast %broadcast_in_dim3A_363 : vector<128x1xf32> to vector<128x2048xf32>
    %eq3A_365 = arith.cmpf oeq, %add3A_360, %eq3A_364 : vector<128x2048xf32>
    %jit3A_366 = arith.constant 1.07374182E+9 : f32
    %broadcast_in_dim3A_367 = vector.broadcast %jit3A_366 : f32 to vector<128x2048xf32>
    %select_n3A_368 = arith.select %eq3A_365, %add3A_10, %broadcast_in_dim3A_367 : vector<128x2048xi1>, vector<128x2048xf32>
    %reduce_min3A_369 = arith.constant dense<0x7F800000> : vector<128xf32>
    %reduce_min3A_370 = vector.multi_reduction <minimumf>, %select_n3A_368, %reduce_min3A_369 [1] : vector<128x2048xf32> to vector<128xf32>
    %broadcast_in_dim3A_371 = vector.shape_cast %reduce_min3A_370 : vector<128xf32> to vector<128x1xf32>
    %eq3A_372 = vector.broadcast %broadcast_in_dim3A_371 : vector<128x1xf32> to vector<128x2048xf32>
    %eq3A_373 = arith.cmpf oeq, %add3A_10, %eq3A_372 : vector<128x2048xf32>
    %jit3A_374 = arith.constant 1.000000e+30 : f32
    %broadcast_in_dim3A_375 = vector.broadcast %jit3A_374 : f32 to vector<128x2048xf32>
    %select_n3A_376 = arith.select %eq3A_373, %broadcast_in_dim3A_375, %add3A_360 : vector<128x2048xi1>, vector<128x2048xf32>
    %reduce_min3A_377 = arith.constant dense<0x7F800000> : vector<128xf32>
    %reduce_min3A_378 = vector.multi_reduction <minimumf>, %select_n3A_376, %reduce_min3A_377 [1] : vector<128x2048xf32> to vector<128xf32>
    %broadcast_in_dim3A_379 = vector.shape_cast %reduce_min3A_378 : vector<128xf32> to vector<128x1xf32>
    %eq3A_380 = vector.broadcast %broadcast_in_dim3A_379 : vector<128x1xf32> to vector<128x2048xf32>
    %eq3A_381 = arith.cmpf oeq, %select_n3A_376, %eq3A_380 : vector<128x2048xf32>
    %jit3A_382 = arith.constant 1.07374182E+9 : f32
    %broadcast_in_dim3A_383 = vector.broadcast %jit3A_382 : f32 to vector<128x2048xf32>
    %select_n3A_384 = arith.select %eq3A_381, %add3A_10, %broadcast_in_dim3A_383 : vector<128x2048xi1>, vector<128x2048xf32>
    %reduce_min3A_385 = arith.constant dense<0x7F800000> : vector<128xf32>
    %reduce_min3A_386 = vector.multi_reduction <minimumf>, %select_n3A_384, %reduce_min3A_385 [1] : vector<128x2048xf32> to vector<128xf32>
    %broadcast_in_dim3A_387 = vector.shape_cast %reduce_min3A_386 : vector<128xf32> to vector<128x1xf32>
    %eq3A_388 = vector.broadcast %broadcast_in_dim3A_387 : vector<128x1xf32> to vector<128x2048xf32>
    %eq3A_389 = arith.cmpf oeq, %add3A_10, %eq3A_388 : vector<128x2048xf32>
    %jit3A_390 = arith.constant 1.000000e+30 : f32
    %broadcast_in_dim3A_391 = vector.broadcast %jit3A_390 : f32 to vector<128x2048xf32>
    %select_n3A_392 = arith.select %eq3A_389, %broadcast_in_dim3A_391, %select_n3A_376 : vector<128x2048xi1>, vector<128x2048xf32>
    %reduce_min3A_393 = arith.constant dense<0x7F800000> : vector<128xf32>
    %reduce_min3A_394 = vector.multi_reduction <minimumf>, %select_n3A_392, %reduce_min3A_393 [1] : vector<128x2048xf32> to vector<128xf32>
    %broadcast_in_dim3A_395 = vector.shape_cast %reduce_min3A_394 : vector<128xf32> to vector<128x1xf32>
    %eq3A_396 = vector.broadcast %broadcast_in_dim3A_395 : vector<128x1xf32> to vector<128x2048xf32>
    %eq3A_397 = arith.cmpf oeq, %select_n3A_392, %eq3A_396 : vector<128x2048xf32>
    %jit3A_398 = arith.constant 1.07374182E+9 : f32
    %broadcast_in_dim3A_399 = vector.broadcast %jit3A_398 : f32 to vector<128x2048xf32>
    %select_n3A_400 = arith.select %eq3A_397, %add3A_10, %broadcast_in_dim3A_399 : vector<128x2048xi1>, vector<128x2048xf32>
    %reduce_min3A_401 = arith.constant dense<0x7F800000> : vector<128xf32>
    %reduce_min3A_402 = vector.multi_reduction <minimumf>, %select_n3A_400, %reduce_min3A_401 [1] : vector<128x2048xf32> to vector<128xf32>
    %broadcast_in_dim3A_403 = vector.shape_cast %reduce_min3A_402 : vector<128xf32> to vector<128x1xf32>
    %get3A_404 = arith.constant 384 : index
    %get3A_405 = arith.constant 0 : index
    %get3A_406 = vector.load %arg5[%get3A_404, %get3A_405] : memref<4096x1xf32, #tpu.memory_space<vmem>>, vector<128x1xf32>
    %get3A_407 = arith.constant 384 : index
    %get3A_408 = arith.constant 0 : index
    %get3A_409 = vector.load %arg8[%get3A_407, %get3A_408] : memref<4096x1xf32, #tpu.memory_space<vmem>>, vector<128x1xf32>
    %get3A_410 = arith.constant 384 : index
    %get3A_411 = arith.constant 0 : index
    %get3A_412 = vector.load %arg6[%get3A_410, %get3A_411] : memref<4096x1xf32, #tpu.memory_space<vmem>>, vector<128x1xf32>
    %get3A_413 = arith.constant 384 : index
    %get3A_414 = arith.constant 0 : index
    %get3A_415 = vector.load %arg9[%get3A_413, %get3A_414] : memref<4096x1xf32, #tpu.memory_space<vmem>>, vector<128x1xf32>
    %get3A_416 = arith.constant 384 : index
    %get3A_417 = arith.constant 0 : index
    %get3A_418 = vector.load %arg7[%get3A_416, %get3A_417] : memref<4096x1xf32, #tpu.memory_space<vmem>>, vector<128x1xf32>
    %get3A_419 = arith.constant 384 : index
    %get3A_420 = arith.constant 0 : index
    %get3A_421 = vector.load %arg10[%get3A_419, %get3A_420] : memref<4096x1xf32, #tpu.memory_space<vmem>>, vector<128x1xf32>
    %le3A_422 = arith.cmpf ole, %get3A_418, %broadcast_in_dim3A_363 : vector<128x1xf32>
    %select_n3A_423 = arith.select %le3A_422, %get3A_418, %broadcast_in_dim3A_363 : vector<128x1xi1>, vector<128x1xf32>
    %select_n3A_424 = arith.select %le3A_422, %get3A_421, %broadcast_in_dim3A_371 : vector<128x1xi1>, vector<128x1xf32>
    %le3A_425 = arith.cmpf ole, %get3A_412, %select_n3A_423 : vector<128x1xf32>
    %select_n3A_426 = arith.select %le3A_425, %get3A_412, %select_n3A_423 : vector<128x1xi1>, vector<128x1xf32>
    %select_n3A_427 = arith.select %le3A_425, %get3A_415, %select_n3A_424 : vector<128x1xi1>, vector<128x1xf32>
    %select_n3A_428 = arith.select %le3A_425, %select_n3A_423, %get3A_412 : vector<128x1xi1>, vector<128x1xf32>
    %select_n3A_429 = arith.select %le3A_425, %select_n3A_424, %get3A_415 : vector<128x1xi1>, vector<128x1xf32>
    %le3A_430 = arith.cmpf ole, %get3A_406, %select_n3A_426 : vector<128x1xf32>
    %select_n3A_431 = arith.select %le3A_430, %get3A_406, %select_n3A_426 : vector<128x1xi1>, vector<128x1xf32>
    %select_n3A_432 = arith.select %le3A_430, %get3A_409, %select_n3A_427 : vector<128x1xi1>, vector<128x1xf32>
    %select_n3A_433 = arith.select %le3A_430, %select_n3A_426, %get3A_406 : vector<128x1xi1>, vector<128x1xf32>
    %select_n3A_434 = arith.select %le3A_430, %select_n3A_427, %get3A_409 : vector<128x1xi1>, vector<128x1xf32>
    %le3A_435 = arith.cmpf ole, %select_n3A_428, %broadcast_in_dim3A_379 : vector<128x1xf32>
    %select_n3A_436 = arith.select %le3A_435, %select_n3A_428, %broadcast_in_dim3A_379 : vector<128x1xi1>, vector<128x1xf32>
    %select_n3A_437 = arith.select %le3A_435, %select_n3A_429, %broadcast_in_dim3A_387 : vector<128x1xi1>, vector<128x1xf32>
    %le3A_438 = arith.cmpf ole, %select_n3A_433, %select_n3A_436 : vector<128x1xf32>
    %select_n3A_439 = arith.select %le3A_438, %select_n3A_433, %select_n3A_436 : vector<128x1xi1>, vector<128x1xf32>
    %select_n3A_440 = arith.select %le3A_438, %select_n3A_434, %select_n3A_437 : vector<128x1xi1>, vector<128x1xf32>
    %select_n3A_441 = arith.select %le3A_438, %select_n3A_436, %select_n3A_433 : vector<128x1xi1>, vector<128x1xf32>
    %select_n3A_442 = arith.select %le3A_438, %select_n3A_437, %select_n3A_434 : vector<128x1xi1>, vector<128x1xf32>
    %le3A_443 = arith.cmpf ole, %select_n3A_441, %broadcast_in_dim3A_395 : vector<128x1xf32>
    %select_n3A_444 = arith.select %le3A_443, %select_n3A_441, %broadcast_in_dim3A_395 : vector<128x1xi1>, vector<128x1xf32>
    %select_n3A_445 = arith.select %le3A_443, %select_n3A_442, %broadcast_in_dim3A_403 : vector<128x1xi1>, vector<128x1xf32>
    %swap3A_446 = arith.constant 384 : index
    %swap3A_447 = arith.constant 0 : index
    %swap3A_448 = vector.load %arg5[%swap3A_446, %swap3A_447] : memref<4096x1xf32, #tpu.memory_space<vmem>>, vector<128x1xf32>
    tpu.vector_store %arg5[%swap3A_446, %swap3A_447], %select_n3A_431 {strides = array<i32>} : memref<4096x1xf32, #tpu.memory_space<vmem>>, vector<128x1xf32>,
    %swap3A_449 = arith.constant 384 : index
    %swap3A_450 = arith.constant 0 : index
    %swap3A_451 = vector.load %arg8[%swap3A_449, %swap3A_450] : memref<4096x1xf32, #tpu.memory_space<vmem>>, vector<128x1xf32>
    tpu.vector_store %arg8[%swap3A_449, %swap3A_450], %select_n3A_432 {strides = array<i32>} : memref<4096x1xf32, #tpu.memory_space<vmem>>, vector<128x1xf32>,
    %swap3A_452 = arith.constant 384 : index
    %swap3A_453 = arith.constant 0 : index
    %swap3A_454 = vector.load %arg6[%swap3A_452, %swap3A_453] : memref<4096x1xf32, #tpu.memory_space<vmem>>, vector<128x1xf32>
    tpu.vector_store %arg6[%swap3A_452, %swap3A_453], %select_n3A_439 {strides = array<i32>} : memref<4096x1xf32, #tpu.memory_space<vmem>>, vector<128x1xf32>,
    %swap3A_455 = arith.constant 384 : index
    %swap3A_456 = arith.constant 0 : index
    %swap3A_457 = vector.load %arg9[%swap3A_455, %swap3A_456] : memref<4096x1xf32, #tpu.memory_space<vmem>>, vector<128x1xf32>
    tpu.vector_store %arg9[%swap3A_455, %swap3A_456], %select_n3A_440 {strides = array<i32>} : memref<4096x1xf32, #tpu.memory_space<vmem>>, vector<128x1xf32>,
    %swap3A_458 = arith.constant 384 : index
    %swap3A_459 = arith.constant 0 : index
    %swap3A_460 = vector.load %arg7[%swap3A_458, %swap3A_459] : memref<4096x1xf32, #tpu.memory_space<vmem>>, vector<128x1xf32>
    tpu.vector_store %arg7[%swap3A_458, %swap3A_459], %select_n3A_444 {strides = array<i32>} : memref<4096x1xf32, #tpu.memory_space<vmem>>, vector<128x1xf32>,
    %swap3A_461 = arith.constant 384 : index
    %swap3A_462 = arith.constant 0 : index
    %swap3A_463 = vector.load %arg10[%swap3A_461, %swap3A_462] : memref<4096x1xf32, #tpu.memory_space<vmem>>, vector<128x1xf32>
    tpu.vector_store %arg10[%swap3A_461, %swap3A_462], %select_n3A_445 {strides = array<i32>} : memref<4096x1xf32, #tpu.memory_space<vmem>>, vector<128x1xf32>,
    %get3A_464 = arith.constant 512 : index
    %get3A_465 = arith.constant 0 : index
    %get3A_466 = vector.load %arg1[%get3A_464, %get3A_465] : memref<4096x256xbf16, #tpu.memory_space<vmem>>, vector<128x256xbf16>
    %get3A_467 = arith.constant 512 : index
    %get3A_468 = arith.constant 0 : index
    %get3A_469 = vector.load %arg2[%get3A_467, %get3A_468] : memref<4096x1xf32, #tpu.memory_space<vmem>>, vector<128x1xf32>
    %dot_general3A_470 = arith.constant dense<0.000000e+00> : vector<128x2048xf32>
    %dot_general3A_471 = tpu.matmul %get3A_466, %get3A_3, %dot_general3A_470 {dimension_numbers = #tpu.dot_dimension_numbers<[1], [1], [0], [0], [0, 0, 1, 0], [], []>, transpose_lhs_hint = false} : vector<128x256xbf16>, vector<2048x256xbf16>, vector<128x2048xf32> -> vector<128x2048xf32>
    %add3A_472 = vector.broadcast %get3A_469 : vector<128x1xf32> to vector<128x2048xf32>
    %add3A_473 = vector.broadcast %get3A_6 : vector<1x2048xf32> to vector<128x2048xf32>
    %add3A_474 = arith.addf %add3A_472, %add3A_473 : vector<128x2048xf32>
    %add3A_475 = arith.addf %add3A_474, %dot_general3A_471 : vector<128x2048xf32>
    %reduce_min3A_476 = arith.constant dense<0x7F800000> : vector<128xf32>
    %reduce_min3A_477 = vector.multi_reduction <minimumf>, %add3A_475, %reduce_min3A_476 [1] : vector<128x2048xf32> to vector<128xf32>
    %broadcast_in_dim3A_478 = vector.shape_cast %reduce_min3A_477 : vector<128xf32> to vector<128x1xf32>
    %eq3A_479 = vector.broadcast %broadcast_in_dim3A_478 : vector<128x1xf32> to vector<128x2048xf32>
    %eq3A_480 = arith.cmpf oeq, %add3A_475, %eq3A_479 : vector<128x2048xf32>
    %jit3A_481 = arith.constant 1.07374182E+9 : f32
    %broadcast_in_dim3A_482 = vector.broadcast %jit3A_481 : f32 to vector<128x2048xf32>
    %select_n3A_483 = arith.select %eq3A_480, %add3A_10, %broadcast_in_dim3A_482 : vector<128x2048xi1>, vector<128x2048xf32>
    %reduce_min3A_484 = arith.constant dense<0x7F800000> : vector<128xf32>
    %reduce_min3A_485 = vector.multi_reduction <minimumf>, %select_n3A_483, %reduce_min3A_484 [1] : vector<128x2048xf32> to vector<128xf32>
    %broadcast_in_dim3A_486 = vector.shape_cast %reduce_min3A_485 : vector<128xf32> to vector<128x1xf32>
    %eq3A_487 = vector.broadcast %broadcast_in_dim3A_486 : vector<128x1xf32> to vector<128x2048xf32>
    %eq3A_488 = arith.cmpf oeq, %add3A_10, %eq3A_487 : vector<128x2048xf32>
    %jit3A_489 = arith.constant 1.000000e+30 : f32
    %broadcast_in_dim3A_490 = vector.broadcast %jit3A_489 : f32 to vector<128x2048xf32>
    %select_n3A_491 = arith.select %eq3A_488, %broadcast_in_dim3A_490, %add3A_475 : vector<128x2048xi1>, vector<128x2048xf32>
    %reduce_min3A_492 = arith.constant dense<0x7F800000> : vector<128xf32>
    %reduce_min3A_493 = vector.multi_reduction <minimumf>, %select_n3A_491, %reduce_min3A_492 [1] : vector<128x2048xf32> to vector<128xf32>
    %broadcast_in_dim3A_494 = vector.shape_cast %reduce_min3A_493 : vector<128xf32> to vector<128x1xf32>
    %eq3A_495 = vector.broadcast %broadcast_in_dim3A_494 : vector<128x1xf32> to vector<128x2048xf32>
    %eq3A_496 = arith.cmpf oeq, %select_n3A_491, %eq3A_495 : vector<128x2048xf32>
    %jit3A_497 = arith.constant 1.07374182E+9 : f32
    %broadcast_in_dim3A_498 = vector.broadcast %jit3A_497 : f32 to vector<128x2048xf32>
    %select_n3A_499 = arith.select %eq3A_496, %add3A_10, %broadcast_in_dim3A_498 : vector<128x2048xi1>, vector<128x2048xf32>
    %reduce_min3A_500 = arith.constant dense<0x7F800000> : vector<128xf32>
    %reduce_min3A_501 = vector.multi_reduction <minimumf>, %select_n3A_499, %reduce_min3A_500 [1] : vector<128x2048xf32> to vector<128xf32>
    %broadcast_in_dim3A_502 = vector.shape_cast %reduce_min3A_501 : vector<128xf32> to vector<128x1xf32>
    %eq3A_503 = vector.broadcast %broadcast_in_dim3A_502 : vector<128x1xf32> to vector<128x2048xf32>
    %eq3A_504 = arith.cmpf oeq, %add3A_10, %eq3A_503 : vector<128x2048xf32>
    %jit3A_505 = arith.constant 1.000000e+30 : f32
    %broadcast_in_dim3A_506 = vector.broadcast %jit3A_505 : f32 to vector<128x2048xf32>
    %select_n3A_507 = arith.select %eq3A_504, %broadcast_in_dim3A_506, %select_n3A_491 : vector<128x2048xi1>, vector<128x2048xf32>
    %reduce_min3A_508 = arith.constant dense<0x7F800000> : vector<128xf32>
    %reduce_min3A_509 = vector.multi_reduction <minimumf>, %select_n3A_507, %reduce_min3A_508 [1] : vector<128x2048xf32> to vector<128xf32>
    %broadcast_in_dim3A_510 = vector.shape_cast %reduce_min3A_509 : vector<128xf32> to vector<128x1xf32>
    %eq3A_511 = vector.broadcast %broadcast_in_dim3A_510 : vector<128x1xf32> to vector<128x2048xf32>
    %eq3A_512 = arith.cmpf oeq, %select_n3A_507, %eq3A_511 : vector<128x2048xf32>
    %jit3A_513 = arith.constant 1.07374182E+9 : f32
    %broadcast_in_dim3A_514 = vector.broadcast %jit3A_513 : f32 to vector<128x2048xf32>
    %select_n3A_515 = arith.select %eq3A_512, %add3A_10, %broadcast_in_dim3A_514 : vector<128x2048xi1>, vector<128x2048xf32>
    %reduce_min3A_516 = arith.constant dense<0x7F800000> : vector<128xf32>
    %reduce_min3A_517 = vector.multi_reduction <minimumf>, %select_n3A_515, %reduce_min3A_516 [1] : vector<128x2048xf32> to vector<128xf32>
    %broadcast_in_dim3A_518 = vector.shape_cast %reduce_min3A_517 : vector<128xf32> to vector<128x1xf32>
    %get3A_519 = arith.constant 512 : index
    %get3A_520 = arith.constant 0 : index
    %get3A_521 = vector.load %arg5[%get3A_519, %get3A_520] : memref<4096x1xf32, #tpu.memory_space<vmem>>, vector<128x1xf32>
    %get3A_522 = arith.constant 512 : index
    %get3A_523 = arith.constant 0 : index
    %get3A_524 = vector.load %arg8[%get3A_522, %get3A_523] : memref<4096x1xf32, #tpu.memory_space<vmem>>, vector<128x1xf32>
    %get3A_525 = arith.constant 512 : index
    %get3A_526 = arith.constant 0 : index
    %get3A_527 = vector.load %arg6[%get3A_525, %get3A_526] : memref<4096x1xf32, #tpu.memory_space<vmem>>, vector<128x1xf32>
    %get3A_528 = arith.constant 512 : index
    %get3A_529 = arith.constant 0 : index
    %get3A_530 = vector.load %arg9[%get3A_528, %get3A_529] : memref<4096x1xf32, #tpu.memory_space<vmem>>, vector<128x1xf32>
    %get3A_531 = arith.constant 512 : index
    %get3A_532 = arith.constant 0 : index
    %get3A_533 = vector.load %arg7[%get3A_531, %get3A_532] : memref<4096x1xf32, #tpu.memory_space<vmem>>, vector<128x1xf32>
    %get3A_534 = arith.constant 512 : index
    %get3A_535 = arith.constant 0 : index
    %get3A_536 = vector.load %arg10[%get3A_534, %get3A_535] : memref<4096x1xf32, #tpu.memory_space<vmem>>, vector<128x1xf32>
    %le3A_537 = arith.cmpf ole, %get3A_533, %broadcast_in_dim3A_478 : vector<128x1xf32>
    %select_n3A_538 = arith.select %le3A_537, %get3A_533, %broadcast_in_dim3A_478 : vector<128x1xi1>, vector<128x1xf32>
    %select_n3A_539 = arith.select %le3A_537, %get3A_536, %broadcast_in_dim3A_486 : vector<128x1xi1>, vector<128x1xf32>
    %le3A_540 = arith.cmpf ole, %get3A_527, %select_n3A_538 : vector<128x1xf32>
    %select_n3A_541 = arith.select %le3A_540, %get3A_527, %select_n3A_538 : vector<128x1xi1>, vector<128x1xf32>
    %select_n3A_542 = arith.select %le3A_540, %get3A_530, %select_n3A_539 : vector<128x1xi1>, vector<128x1xf32>
    %select_n3A_543 = arith.select %le3A_540, %select_n3A_538, %get3A_527 : vector<128x1xi1>, vector<128x1xf32>
    %select_n3A_544 = arith.select %le3A_540, %select_n3A_539, %get3A_530 : vector<128x1xi1>, vector<128x1xf32>
    %le3A_545 = arith.cmpf ole, %get3A_521, %select_n3A_541 : vector<128x1xf32>
    %select_n3A_546 = arith.select %le3A_545, %get3A_521, %select_n3A_541 : vector<128x1xi1>, vector<128x1xf32>
    %select_n3A_547 = arith.select %le3A_545, %get3A_524, %select_n3A_542 : vector<128x1xi1>, vector<128x1xf32>
    %select_n3A_548 = arith.select %le3A_545, %select_n3A_541, %get3A_521 : vector<128x1xi1>, vector<128x1xf32>
    %select_n3A_549 = arith.select %le3A_545, %select_n3A_542, %get3A_524 : vector<128x1xi1>, vector<128x1xf32>
    %le3A_550 = arith.cmpf ole, %select_n3A_543, %broadcast_in_dim3A_494 : vector<128x1xf32>
    %select_n3A_551 = arith.select %le3A_550, %select_n3A_543, %broadcast_in_dim3A_494 : vector<128x1xi1>, vector<128x1xf32>
    %select_n3A_552 = arith.select %le3A_550, %select_n3A_544, %broadcast_in_dim3A_502 : vector<128x1xi1>, vector<128x1xf32>
    %le3A_553 = arith.cmpf ole, %select_n3A_548, %select_n3A_551 : vector<128x1xf32>
    %select_n3A_554 = arith.select %le3A_553, %select_n3A_548, %select_n3A_551 : vector<128x1xi1>, vector<128x1xf32>
    %select_n3A_555 = arith.select %le3A_553, %select_n3A_549, %select_n3A_552 : vector<128x1xi1>, vector<128x1xf32>
    %select_n3A_556 = arith.select %le3A_553, %select_n3A_551, %select_n3A_548 : vector<128x1xi1>, vector<128x1xf32>
    %select_n3A_557 = arith.select %le3A_553, %select_n3A_552, %select_n3A_549 : vector<128x1xi1>, vector<128x1xf32>
    %le3A_558 = arith.cmpf ole, %select_n3A_556, %broadcast_in_dim3A_510 : vector<128x1xf32>
    %select_n3A_559 = arith.select %le3A_558, %select_n3A_556, %broadcast_in_dim3A_510 : vector<128x1xi1>, vector<128x1xf32>
    %select_n3A_560 = arith.select %le3A_558, %select_n3A_557, %broadcast_in_dim3A_518 : vector<128x1xi1>, vector<128x1xf32>
    %swap3A_561 = arith.constant 512 : index
    %swap3A_562 = arith.constant 0 : index
    %swap3A_563 = vector.load %arg5[%swap3A_561, %swap3A_562] : memref<4096x1xf32, #tpu.memory_space<vmem>>, vector<128x1xf32>
    tpu.vector_store %arg5[%swap3A_561, %swap3A_562], %select_n3A_546 {strides = array<i32>} : memref<4096x1xf32, #tpu.memory_space<vmem>>, vector<128x1xf32>,
    %swap3A_564 = arith.constant 512 : index
    %swap3A_565 = arith.constant 0 : index
    %swap3A_566 = vector.load %arg8[%swap3A_564, %swap3A_565] : memref<4096x1xf32, #tpu.memory_space<vmem>>, vector<128x1xf32>
    tpu.vector_store %arg8[%swap3A_564, %swap3A_565], %select_n3A_547 {strides = array<i32>} : memref<4096x1xf32, #tpu.memory_space<vmem>>, vector<128x1xf32>,
    %swap3A_567 = arith.constant 512 : index
    %swap3A_568 = arith.constant 0 : index
    %swap3A_569 = vector.load %arg6[%swap3A_567, %swap3A_568] : memref<4096x1xf32, #tpu.memory_space<vmem>>, vector<128x1xf32>
    tpu.vector_store %arg6[%swap3A_567, %swap3A_568], %select_n3A_554 {strides = array<i32>} : memref<4096x1xf32, #tpu.memory_space<vmem>>, vector<128x1xf32>,
    %swap3A_570 = arith.constant 512 : index
    %swap3A_571 = arith.constant 0 : index
    %swap3A_572 = vector.load %arg9[%swap3A_570, %swap3A_571] : memref<4096x1xf32, #tpu.memory_space<vmem>>, vector<128x1xf32>
    tpu.vector_store %arg9[%swap3A_570, %swap3A_571], %select_n3A_555 {strides = array<i32>} : memref<4096x1xf32, #tpu.memory_space<vmem>>, vector<128x1xf32>,
    %swap3A_573 = arith.constant 512 : index
    %swap3A_574 = arith.constant 0 : index
    %swap3A_575 = vector.load %arg7[%swap3A_573, %swap3A_574] : memref<4096x1xf32, #tpu.memory_space<vmem>>, vector<128x1xf32>
    tpu.vector_store %arg7[%swap3A_573, %swap3A_574], %select_n3A_559 {strides = array<i32>} : memref<4096x1xf32, #tpu.memory_space<vmem>>, vector<128x1xf32>,
    %swap3A_576 = arith.constant 512 : index
    %swap3A_577 = arith.constant 0 : index
    %swap3A_578 = vector.load %arg10[%swap3A_576, %swap3A_577] : memref<4096x1xf32, #tpu.memory_space<vmem>>, vector<128x1xf32>
    tpu.vector_store %arg10[%swap3A_576, %swap3A_577], %select_n3A_560 {strides = array<i32>} : memref<4096x1xf32, #tpu.memory_space<vmem>>, vector<128x1xf32>,
    %get3A_579 = arith.constant 640 : index
    %get3A_580 = arith.constant 0 : index
    %get3A_581 = vector.load %arg1[%get3A_579, %get3A_580] : memref<4096x256xbf16, #tpu.memory_space<vmem>>, vector<128x256xbf16>
    %get3A_582 = arith.constant 640 : index
    %get3A_583 = arith.constant 0 : index
    %get3A_584 = vector.load %arg2[%get3A_582, %get3A_583] : memref<4096x1xf32, #tpu.memory_space<vmem>>, vector<128x1xf32>
    %dot_general3A_585 = arith.constant dense<0.000000e+00> : vector<128x2048xf32>
    %dot_general3A_586 = tpu.matmul %get3A_581, %get3A_3, %dot_general3A_585 {dimension_numbers = #tpu.dot_dimension_numbers<[1], [1], [0], [0], [0, 0, 1, 0], [], []>, transpose_lhs_hint = false} : vector<128x256xbf16>, vector<2048x256xbf16>, vector<128x2048xf32> -> vector<128x2048xf32>
    %add3A_587 = vector.broadcast %get3A_584 : vector<128x1xf32> to vector<128x2048xf32>
    %add3A_588 = vector.broadcast %get3A_6 : vector<1x2048xf32> to vector<128x2048xf32>
    %add3A_589 = arith.addf %add3A_587, %add3A_588 : vector<128x2048xf32>
    %add3A_590 = arith.addf %add3A_589, %dot_general3A_586 : vector<128x2048xf32>
    %reduce_min3A_591 = arith.constant dense<0x7F800000> : vector<128xf32>
    %reduce_min3A_592 = vector.multi_reduction <minimumf>, %add3A_590, %reduce_min3A_591 [1] : vector<128x2048xf32> to vector<128xf32>
    %broadcast_in_dim3A_593 = vector.shape_cast %reduce_min3A_592 : vector<128xf32> to vector<128x1xf32>
    %eq3A_594 = vector.broadcast %broadcast_in_dim3A_593 : vector<128x1xf32> to vector<128x2048xf32>
    %eq3A_595 = arith.cmpf oeq, %add3A_590, %eq3A_594 : vector<128x2048xf32>
    %jit3A_596 = arith.constant 1.07374182E+9 : f32
    %broadcast_in_dim3A_597 = vector.broadcast %jit3A_596 : f32 to vector<128x2048xf32>
    %select_n3A_598 = arith.select %eq3A_595, %add3A_10, %broadcast_in_dim3A_597 : vector<128x2048xi1>, vector<128x2048xf32>
    %reduce_min3A_599 = arith.constant dense<0x7F800000> : vector<128xf32>
    %reduce_min3A_600 = vector.multi_reduction <minimumf>, %select_n3A_598, %reduce_min3A_599 [1] : vector<128x2048xf32> to vector<128xf32>
    %broadcast_in_dim3A_601 = vector.shape_cast %reduce_min3A_600 : vector<128xf32> to vector<128x1xf32>
    %eq3A_602 = vector.broadcast %broadcast_in_dim3A_601 : vector<128x1xf32> to vector<128x2048xf32>
    %eq3A_603 = arith.cmpf oeq, %add3A_10, %eq3A_602 : vector<128x2048xf32>
    %jit3A_604 = arith.constant 1.000000e+30 : f32
    %broadcast_in_dim3A_605 = vector.broadcast %jit3A_604 : f32 to vector<128x2048xf32>
    %select_n3A_606 = arith.select %eq3A_603, %broadcast_in_dim3A_605, %add3A_590 : vector<128x2048xi1>, vector<128x2048xf32>
    %reduce_min3A_607 = arith.constant dense<0x7F800000> : vector<128xf32>
    %reduce_min3A_608 = vector.multi_reduction <minimumf>, %select_n3A_606, %reduce_min3A_607 [1] : vector<128x2048xf32> to vector<128xf32>
    %broadcast_in_dim3A_609 = vector.shape_cast %reduce_min3A_608 : vector<128xf32> to vector<128x1xf32>
    %eq3A_610 = vector.broadcast %broadcast_in_dim3A_609 : vector<128x1xf32> to vector<128x2048xf32>
    %eq3A_611 = arith.cmpf oeq, %select_n3A_606, %eq3A_610 : vector<128x2048xf32>
    %jit3A_612 = arith.constant 1.07374182E+9 : f32
    %broadcast_in_dim3A_613 = vector.broadcast %jit3A_612 : f32 to vector<128x2048xf32>
    %select_n3A_614 = arith.select %eq3A_611, %add3A_10, %broadcast_in_dim3A_613 : vector<128x2048xi1>, vector<128x2048xf32>
    %reduce_min3A_615 = arith.constant dense<0x7F800000> : vector<128xf32>
    %reduce_min3A_616 = vector.multi_reduction <minimumf>, %select_n3A_614, %reduce_min3A_615 [1] : vector<128x2048xf32> to vector<128xf32>
    %broadcast_in_dim3A_617 = vector.shape_cast %reduce_min3A_616 : vector<128xf32> to vector<128x1xf32>
    %eq3A_618 = vector.broadcast %broadcast_in_dim3A_617 : vector<128x1xf32> to vector<128x2048xf32>
    %eq3A_619 = arith.cmpf oeq, %add3A_10, %eq3A_618 : vector<128x2048xf32>
    %jit3A_620 = arith.constant 1.000000e+30 : f32
    %broadcast_in_dim3A_621 = vector.broadcast %jit3A_620 : f32 to vector<128x2048xf32>
    %select_n3A_622 = arith.select %eq3A_619, %broadcast_in_dim3A_621, %select_n3A_606 : vector<128x2048xi1>, vector<128x2048xf32>
    %reduce_min3A_623 = arith.constant dense<0x7F800000> : vector<128xf32>
    %reduce_min3A_624 = vector.multi_reduction <minimumf>, %select_n3A_622, %reduce_min3A_623 [1] : vector<128x2048xf32> to vector<128xf32>
    %broadcast_in_dim3A_625 = vector.shape_cast %reduce_min3A_624 : vector<128xf32> to vector<128x1xf32>
    %eq3A_626 = vector.broadcast %broadcast_in_dim3A_625 : vector<128x1xf32> to vector<128x2048xf32>
    %eq3A_627 = arith.cmpf oeq, %select_n3A_622, %eq3A_626 : vector<128x2048xf32>
    %jit3A_628 = arith.constant 1.07374182E+9 : f32
    %broadcast_in_dim3A_629 = vector.broadcast %jit3A_628 : f32 to vector<128x2048xf32>
    %select_n3A_630 = arith.select %eq3A_627, %add3A_10, %broadcast_in_dim3A_629 : vector<128x2048xi1>, vector<128x2048xf32>
    %reduce_min3A_631 = arith.constant dense<0x7F800000> : vector<128xf32>
    %reduce_min3A_632 = vector.multi_reduction <minimumf>, %select_n3A_630, %reduce_min3A_631 [1] : vector<128x2048xf32> to vector<128xf32>
    %broadcast_in_dim3A_633 = vector.shape_cast %reduce_min3A_632 : vector<128xf32> to vector<128x1xf32>
    %get3A_634 = arith.constant 640 : index
    %get3A_635 = arith.constant 0 : index
    %get3A_636 = vector.load %arg5[%get3A_634, %get3A_635] : memref<4096x1xf32, #tpu.memory_space<vmem>>, vector<128x1xf32>
    %get3A_637 = arith.constant 640 : index
    %get3A_638 = arith.constant 0 : index
    %get3A_639 = vector.load %arg8[%get3A_637, %get3A_638] : memref<4096x1xf32, #tpu.memory_space<vmem>>, vector<128x1xf32>
    %get3A_640 = arith.constant 640 : index
    %get3A_641 = arith.constant 0 : index
    %get3A_642 = vector.load %arg6[%get3A_640, %get3A_641] : memref<4096x1xf32, #tpu.memory_space<vmem>>, vector<128x1xf32>
    %get3A_643 = arith.constant 640 : index
    %get3A_644 = arith.constant 0 : index
    %get3A_645 = vector.load %arg9[%get3A_643, %get3A_644] : memref<4096x1xf32, #tpu.memory_space<vmem>>, vector<128x1xf32>
    %get3A_646 = arith.constant 640 : index
    %get3A_647 = arith.constant 0 : index
    %get3A_648 = vector.load %arg7[%get3A_646, %get3A_647] : memref<4096x1xf32, #tpu.memory_space<vmem>>, vector<128x1xf32>
    %get3A_649 = arith.constant 640 : index
    %get3A_650 = arith.constant 0 : index
    %get3A_651 = vector.load %arg10[%get3A_649, %get3A_650] : memref<4096x1xf32, #tpu.memory_space<vmem>>, vector<128x1xf32>
    %le3A_652 = arith.cmpf ole, %get3A_648, %broadcast_in_dim3A_593 : vector<128x1xf32>
    %select_n3A_653 = arith.select %le3A_652, %get3A_648, %broadcast_in_dim3A_593 : vector<128x1xi1>, vector<128x1xf32>
    %select_n3A_654 = arith.select %le3A_652, %get3A_651, %broadcast_in_dim3A_601 : vector<128x1xi1>, vector<128x1xf32>
    %le3A_655 = arith.cmpf ole, %get3A_642, %select_n3A_653 : vector<128x1xf32>
    %select_n3A_656 = arith.select %le3A_655, %get3A_642, %select_n3A_653 : vector<128x1xi1>, vector<128x1xf32>
    %select_n3A_657 = arith.select %le3A_655, %get3A_645, %select_n3A_654 : vector<128x1xi1>, vector<128x1xf32>
    %select_n3A_658 = arith.select %le3A_655, %select_n3A_653, %get3A_642 : vector<128x1xi1>, vector<128x1xf32>
    %select_n3A_659 = arith.select %le3A_655, %select_n3A_654, %get3A_645 : vector<128x1xi1>, vector<128x1xf32>
    %le3A_660 = arith.cmpf ole, %get3A_636, %select_n3A_656 : vector<128x1xf32>
    %select_n3A_661 = arith.select %le3A_660, %get3A_636, %select_n3A_656 : vector<128x1xi1>, vector<128x1xf32>
    %select_n3A_662 = arith.select %le3A_660, %get3A_639, %select_n3A_657 : vector<128x1xi1>, vector<128x1xf32>
    %select_n3A_663 = arith.select %le3A_660, %select_n3A_656, %get3A_636 : vector<128x1xi1>, vector<128x1xf32>
    %select_n3A_664 = arith.select %le3A_660, %select_n3A_657, %get3A_639 : vector<128x1xi1>, vector<128x1xf32>
    %le3A_665 = arith.cmpf ole, %select_n3A_658, %broadcast_in_dim3A_609 : vector<128x1xf32>
    %select_n3A_666 = arith.select %le3A_665, %select_n3A_658, %broadcast_in_dim3A_609 : vector<128x1xi1>, vector<128x1xf32>
    %select_n3A_667 = arith.select %le3A_665, %select_n3A_659, %broadcast_in_dim3A_617 : vector<128x1xi1>, vector<128x1xf32>
    %le3A_668 = arith.cmpf ole, %select_n3A_663, %select_n3A_666 : vector<128x1xf32>
    %select_n3A_669 = arith.select %le3A_668, %select_n3A_663, %select_n3A_666 : vector<128x1xi1>, vector<128x1xf32>
    %select_n3A_670 = arith.select %le3A_668, %select_n3A_664, %select_n3A_667 : vector<128x1xi1>, vector<128x1xf32>
    %select_n3A_671 = arith.select %le3A_668, %select_n3A_666, %select_n3A_663 : vector<128x1xi1>, vector<128x1xf32>
    %select_n3A_672 = arith.select %le3A_668, %select_n3A_667, %select_n3A_664 : vector<128x1xi1>, vector<128x1xf32>
    %le3A_673 = arith.cmpf ole, %select_n3A_671, %broadcast_in_dim3A_625 : vector<128x1xf32>
    %select_n3A_674 = arith.select %le3A_673, %select_n3A_671, %broadcast_in_dim3A_625 : vector<128x1xi1>, vector<128x1xf32>
    %select_n3A_675 = arith.select %le3A_673, %select_n3A_672, %broadcast_in_dim3A_633 : vector<128x1xi1>, vector<128x1xf32>
    %swap3A_676 = arith.constant 640 : index
    %swap3A_677 = arith.constant 0 : index
    %swap3A_678 = vector.load %arg5[%swap3A_676, %swap3A_677] : memref<4096x1xf32, #tpu.memory_space<vmem>>, vector<128x1xf32>
    tpu.vector_store %arg5[%swap3A_676, %swap3A_677], %select_n3A_661 {strides = array<i32>} : memref<4096x1xf32, #tpu.memory_space<vmem>>, vector<128x1xf32>,
    %swap3A_679 = arith.constant 640 : index
    %swap3A_680 = arith.constant 0 : index
    %swap3A_681 = vector.load %arg8[%swap3A_679, %swap3A_680] : memref<4096x1xf32, #tpu.memory_space<vmem>>, vector<128x1xf32>
    tpu.vector_store %arg8[%swap3A_679, %swap3A_680], %select_n3A_662 {strides = array<i32>} : memref<4096x1xf32, #tpu.memory_space<vmem>>, vector<128x1xf32>,
    %swap3A_682 = arith.constant 640 : index
    %swap3A_683 = arith.constant 0 : index
    %swap3A_684 = vector.load %arg6[%swap3A_682, %swap3A_683] : memref<4096x1xf32, #tpu.memory_space<vmem>>, vector<128x1xf32>
    tpu.vector_store %arg6[%swap3A_682, %swap3A_683], %select_n3A_669 {strides = array<i32>} : memref<4096x1xf32, #tpu.memory_space<vmem>>, vector<128x1xf32>,
    %swap3A_685 = arith.constant 640 : index
    %swap3A_686 = arith.constant 0 : index
    %swap3A_687 = vector.load %arg9[%swap3A_685, %swap3A_686] : memref<4096x1xf32, #tpu.memory_space<vmem>>, vector<128x1xf32>
    tpu.vector_store %arg9[%swap3A_685, %swap3A_686], %select_n3A_670 {strides = array<i32>} : memref<4096x1xf32, #tpu.memory_space<vmem>>, vector<128x1xf32>,
    %swap3A_688 = arith.constant 640 : index
    %swap3A_689 = arith.constant 0 : index
    %swap3A_690 = vector.load %arg7[%swap3A_688, %swap3A_689] : memref<4096x1xf32, #tpu.memory_space<vmem>>, vector<128x1xf32>
    tpu.vector_store %arg7[%swap3A_688, %swap3A_689], %select_n3A_674 {strides = array<i32>} : memref<4096x1xf32, #tpu.memory_space<vmem>>, vector<128x1xf32>,
    %swap3A_691 = arith.constant 640 : index
    %swap3A_692 = arith.constant 0 : index
    %swap3A_693 = vector.load %arg10[%swap3A_691, %swap3A_692] : memref<4096x1xf32, #tpu.memory_space<vmem>>, vector<128x1xf32>
    tpu.vector_store %arg10[%swap3A_691, %swap3A_692], %select_n3A_675 {strides = array<i32>} : memref<4096x1xf32, #tpu.memory_space<vmem>>, vector<128x1xf32>,
    %get3A_694 = arith.constant 768 : index
    %get3A_695 = arith.constant 0 : index
    %get3A_696 = vector.load %arg1[%get3A_694, %get3A_695] : memref<4096x256xbf16, #tpu.memory_space<vmem>>, vector<128x256xbf16>
    %get3A_697 = arith.constant 768 : index
    %get3A_698 = arith.constant 0 : index
    %get3A_699 = vector.load %arg2[%get3A_697, %get3A_698] : memref<4096x1xf32, #tpu.memory_space<vmem>>, vector<128x1xf32>
    %dot_general3A_700 = arith.constant dense<0.000000e+00> : vector<128x2048xf32>
    %dot_general3A_701 = tpu.matmul %get3A_696, %get3A_3, %dot_general3A_700 {dimension_numbers = #tpu.dot_dimension_numbers<[1], [1], [0], [0], [0, 0, 1, 0], [], []>, transpose_lhs_hint = false} : vector<128x256xbf16>, vector<2048x256xbf16>, vector<128x2048xf32> -> vector<128x2048xf32>
    %add3A_702 = vector.broadcast %get3A_699 : vector<128x1xf32> to vector<128x2048xf32>
    %add3A_703 = vector.broadcast %get3A_6 : vector<1x2048xf32> to vector<128x2048xf32>
    %add3A_704 = arith.addf %add3A_702, %add3A_703 : vector<128x2048xf32>
    %add3A_705 = arith.addf %add3A_704, %dot_general3A_701 : vector<128x2048xf32>
    %reduce_min3A_706 = arith.constant dense<0x7F800000> : vector<128xf32>
    %reduce_min3A_707 = vector.multi_reduction <minimumf>, %add3A_705, %reduce_min3A_706 [1] : vector<128x2048xf32> to vector<128xf32>
    %broadcast_in_dim3A_708 = vector.shape_cast %reduce_min3A_707 : vector<128xf32> to vector<128x1xf32>
    %eq3A_709 = vector.broadcast %broadcast_in_dim3A_708 : vector<128x1xf32> to vector<128x2048xf32>
    %eq3A_710 = arith.cmpf oeq, %add3A_705, %eq3A_709 : vector<128x2048xf32>
    %jit3A_711 = arith.constant 1.07374182E+9 : f32
    %broadcast_in_dim3A_712 = vector.broadcast %jit3A_711 : f32 to vector<128x2048xf32>
    %select_n3A_713 = arith.select %eq3A_710, %add3A_10, %broadcast_in_dim3A_712 : vector<128x2048xi1>, vector<128x2048xf32>
    %reduce_min3A_714 = arith.constant dense<0x7F800000> : vector<128xf32>
    %reduce_min3A_715 = vector.multi_reduction <minimumf>, %select_n3A_713, %reduce_min3A_714 [1] : vector<128x2048xf32> to vector<128xf32>
    %broadcast_in_dim3A_716 = vector.shape_cast %reduce_min3A_715 : vector<128xf32> to vector<128x1xf32>
    %eq3A_717 = vector.broadcast %broadcast_in_dim3A_716 : vector<128x1xf32> to vector<128x2048xf32>
    %eq3A_718 = arith.cmpf oeq, %add3A_10, %eq3A_717 : vector<128x2048xf32>
    %jit3A_719 = arith.constant 1.000000e+30 : f32
    %broadcast_in_dim3A_720 = vector.broadcast %jit3A_719 : f32 to vector<128x2048xf32>
    %select_n3A_721 = arith.select %eq3A_718, %broadcast_in_dim3A_720, %add3A_705 : vector<128x2048xi1>, vector<128x2048xf32>
    %reduce_min3A_722 = arith.constant dense<0x7F800000> : vector<128xf32>
    %reduce_min3A_723 = vector.multi_reduction <minimumf>, %select_n3A_721, %reduce_min3A_722 [1] : vector<128x2048xf32> to vector<128xf32>
    %broadcast_in_dim3A_724 = vector.shape_cast %reduce_min3A_723 : vector<128xf32> to vector<128x1xf32>
    %eq3A_725 = vector.broadcast %broadcast_in_dim3A_724 : vector<128x1xf32> to vector<128x2048xf32>
    %eq3A_726 = arith.cmpf oeq, %select_n3A_721, %eq3A_725 : vector<128x2048xf32>
    %jit3A_727 = arith.constant 1.07374182E+9 : f32
    %broadcast_in_dim3A_728 = vector.broadcast %jit3A_727 : f32 to vector<128x2048xf32>
    %select_n3A_729 = arith.select %eq3A_726, %add3A_10, %broadcast_in_dim3A_728 : vector<128x2048xi1>, vector<128x2048xf32>
    %reduce_min3A_730 = arith.constant dense<0x7F800000> : vector<128xf32>
    %reduce_min3A_731 = vector.multi_reduction <minimumf>, %select_n3A_729, %reduce_min3A_730 [1] : vector<128x2048xf32> to vector<128xf32>
    %broadcast_in_dim3A_732 = vector.shape_cast %reduce_min3A_731 : vector<128xf32> to vector<128x1xf32>
    %eq3A_733 = vector.broadcast %broadcast_in_dim3A_732 : vector<128x1xf32> to vector<128x2048xf32>
    %eq3A_734 = arith.cmpf oeq, %add3A_10, %eq3A_733 : vector<128x2048xf32>
    %jit3A_735 = arith.constant 1.000000e+30 : f32
    %broadcast_in_dim3A_736 = vector.broadcast %jit3A_735 : f32 to vector<128x2048xf32>
    %select_n3A_737 = arith.select %eq3A_734, %broadcast_in_dim3A_736, %select_n3A_721 : vector<128x2048xi1>, vector<128x2048xf32>
    %reduce_min3A_738 = arith.constant dense<0x7F800000> : vector<128xf32>
    %reduce_min3A_739 = vector.multi_reduction <minimumf>, %select_n3A_737, %reduce_min3A_738 [1] : vector<128x2048xf32> to vector<128xf32>
    %broadcast_in_dim3A_740 = vector.shape_cast %reduce_min3A_739 : vector<128xf32> to vector<128x1xf32>
    %eq3A_741 = vector.broadcast %broadcast_in_dim3A_740 : vector<128x1xf32> to vector<128x2048xf32>
    %eq3A_742 = arith.cmpf oeq, %select_n3A_737, %eq3A_741 : vector<128x2048xf32>
    %jit3A_743 = arith.constant 1.07374182E+9 : f32
    %broadcast_in_dim3A_744 = vector.broadcast %jit3A_743 : f32 to vector<128x2048xf32>
    %select_n3A_745 = arith.select %eq3A_742, %add3A_10, %broadcast_in_dim3A_744 : vector<128x2048xi1>, vector<128x2048xf32>
    %reduce_min3A_746 = arith.constant dense<0x7F800000> : vector<128xf32>
    %reduce_min3A_747 = vector.multi_reduction <minimumf>, %select_n3A_745, %reduce_min3A_746 [1] : vector<128x2048xf32> to vector<128xf32>
    %broadcast_in_dim3A_748 = vector.shape_cast %reduce_min3A_747 : vector<128xf32> to vector<128x1xf32>
    %get3A_749 = arith.constant 768 : index
    %get3A_750 = arith.constant 0 : index
    %get3A_751 = vector.load %arg5[%get3A_749, %get3A_750] : memref<4096x1xf32, #tpu.memory_space<vmem>>, vector<128x1xf32>
    %get3A_752 = arith.constant 768 : index
    %get3A_753 = arith.constant 0 : index
    %get3A_754 = vector.load %arg8[%get3A_752, %get3A_753] : memref<4096x1xf32, #tpu.memory_space<vmem>>, vector<128x1xf32>
    %get3A_755 = arith.constant 768 : index
    %get3A_756 = arith.constant 0 : index
    %get3A_757 = vector.load %arg6[%get3A_755, %get3A_756] : memref<4096x1xf32, #tpu.memory_space<vmem>>, vector<128x1xf32>
    %get3A_758 = arith.constant 768 : index
    %get3A_759 = arith.constant 0 : index
    %get3A_760 = vector.load %arg9[%get3A_758, %get3A_759] : memref<4096x1xf32, #tpu.memory_space<vmem>>, vector<128x1xf32>
    %get3A_761 = arith.constant 768 : index
    %get3A_762 = arith.constant 0 : index
    %get3A_763 = vector.load %arg7[%get3A_761, %get3A_762] : memref<4096x1xf32, #tpu.memory_space<vmem>>, vector<128x1xf32>
    %get3A_764 = arith.constant 768 : index
    %get3A_765 = arith.constant 0 : index
    %get3A_766 = vector.load %arg10[%get3A_764, %get3A_765] : memref<4096x1xf32, #tpu.memory_space<vmem>>, vector<128x1xf32>
    %le3A_767 = arith.cmpf ole, %get3A_763, %broadcast_in_dim3A_708 : vector<128x1xf32>
    %select_n3A_768 = arith.select %le3A_767, %get3A_763, %broadcast_in_dim3A_708 : vector<128x1xi1>, vector<128x1xf32>
    %select_n3A_769 = arith.select %le3A_767, %get3A_766, %broadcast_in_dim3A_716 : vector<128x1xi1>, vector<128x1xf32>
    %le3A_770 = arith.cmpf ole, %get3A_757, %select_n3A_768 : vector<128x1xf32>
    %select_n3A_771 = arith.select %le3A_770, %get3A_757, %select_n3A_768 : vector<128x1xi1>, vector<128x1xf32>
    %select_n3A_772 = arith.select %le3A_770, %get3A_760, %select_n3A_769 : vector<128x1xi1>, vector<128x1xf32>
    %select_n3A_773 = arith.select %le3A_770, %select_n3A_768, %get3A_757 : vector<128x1xi1>, vector<128x1xf32>
    %select_n3A_774 = arith.select %le3A_770, %select_n3A_769, %get3A_760 : vector<128x1xi1>, vector<128x1xf32>
    %le3A_775 = arith.cmpf ole, %get3A_751, %select_n3A_771 : vector<128x1xf32>
    %select_n3A_776 = arith.select %le3A_775, %get3A_751, %select_n3A_771 : vector<128x1xi1>, vector<128x1xf32>
    %select_n3A_777 = arith.select %le3A_775, %get3A_754, %select_n3A_772 : vector<128x1xi1>, vector<128x1xf32>
    %select_n3A_778 = arith.select %le3A_775, %select_n3A_771, %get3A_751 : vector<128x1xi1>, vector<128x1xf32>
    %select_n3A_779 = arith.select %le3A_775, %select_n3A_772, %get3A_754 : vector<128x1xi1>, vector<128x1xf32>
    %le3A_780 = arith.cmpf ole, %select_n3A_773, %broadcast_in_dim3A_724 : vector<128x1xf32>
    %select_n3A_781 = arith.select %le3A_780, %select_n3A_773, %broadcast_in_dim3A_724 : vector<128x1xi1>, vector<128x1xf32>
    %select_n3A_782 = arith.select %le3A_780, %select_n3A_774, %broadcast_in_dim3A_732 : vector<128x1xi1>, vector<128x1xf32>
    %le3A_783 = arith.cmpf ole, %select_n3A_778, %select_n3A_781 : vector<128x1xf32>
    %select_n3A_784 = arith.select %le3A_783, %select_n3A_778, %select_n3A_781 : vector<128x1xi1>, vector<128x1xf32>
    %select_n3A_785 = arith.select %le3A_783, %select_n3A_779, %select_n3A_782 : vector<128x1xi1>, vector<128x1xf32>
    %select_n3A_786 = arith.select %le3A_783, %select_n3A_781, %select_n3A_778 : vector<128x1xi1>, vector<128x1xf32>
    %select_n3A_787 = arith.select %le3A_783, %select_n3A_782, %select_n3A_779 : vector<128x1xi1>, vector<128x1xf32>
    %le3A_788 = arith.cmpf ole, %select_n3A_786, %broadcast_in_dim3A_740 : vector<128x1xf32>
    %select_n3A_789 = arith.select %le3A_788, %select_n3A_786, %broadcast_in_dim3A_740 : vector<128x1xi1>, vector<128x1xf32>
    %select_n3A_790 = arith.select %le3A_788, %select_n3A_787, %broadcast_in_dim3A_748 : vector<128x1xi1>, vector<128x1xf32>
    %swap3A_791 = arith.constant 768 : index
    %swap3A_792 = arith.constant 0 : index
    %swap3A_793 = vector.load %arg5[%swap3A_791, %swap3A_792] : memref<4096x1xf32, #tpu.memory_space<vmem>>, vector<128x1xf32>
    tpu.vector_store %arg5[%swap3A_791, %swap3A_792], %select_n3A_776 {strides = array<i32>} : memref<4096x1xf32, #tpu.memory_space<vmem>>, vector<128x1xf32>,
    %swap3A_794 = arith.constant 768 : index
    %swap3A_795 = arith.constant 0 : index
    %swap3A_796 = vector.load %arg8[%swap3A_794, %swap3A_795] : memref<4096x1xf32, #tpu.memory_space<vmem>>, vector<128x1xf32>
    tpu.vector_store %arg8[%swap3A_794, %swap3A_795], %select_n3A_777 {strides = array<i32>} : memref<4096x1xf32, #tpu.memory_space<vmem>>, vector<128x1xf32>,
    %swap3A_797 = arith.constant 768 : index
    %swap3A_798 = arith.constant 0 : index
    %swap3A_799 = vector.load %arg6[%swap3A_797, %swap3A_798] : memref<4096x1xf32, #tpu.memory_space<vmem>>, vector<128x1xf32>
    tpu.vector_store %arg6[%swap3A_797, %swap3A_798], %select_n3A_784 {strides = array<i32>} : memref<4096x1xf32, #tpu.memory_space<vmem>>, vector<128x1xf32>,
    %swap3A_800 = arith.constant 768 : index
    %swap3A_801 = arith.constant 0 : index
    %swap3A_802 = vector.load %arg9[%swap3A_800, %swap3A_801] : memref<4096x1xf32, #tpu.memory_space<vmem>>, vector<128x1xf32>
    tpu.vector_store %arg9[%swap3A_800, %swap3A_801], %select_n3A_785 {strides = array<i32>} : memref<4096x1xf32, #tpu.memory_space<vmem>>, vector<128x1xf32>,
    %swap3A_803 = arith.constant 768 : index
    %swap3A_804 = arith.constant 0 : index
    %swap3A_805 = vector.load %arg7[%swap3A_803, %swap3A_804] : memref<4096x1xf32, #tpu.memory_space<vmem>>, vector<128x1xf32>
    tpu.vector_store %arg7[%swap3A_803, %swap3A_804], %select_n3A_789 {strides = array<i32>} : memref<4096x1xf32, #tpu.memory_space<vmem>>, vector<128x1xf32>,
    %swap3A_806 = arith.constant 768 : index
    %swap3A_807 = arith.constant 0 : index
    %swap3A_808 = vector.load %arg10[%swap3A_806, %swap3A_807] : memref<4096x1xf32, #tpu.memory_space<vmem>>, vector<128x1xf32>
    tpu.vector_store %arg10[%swap3A_806, %swap3A_807], %select_n3A_790 {strides = array<i32>} : memref<4096x1xf32, #tpu.memory_space<vmem>>, vector<128x1xf32>,
    %get3A_809 = arith.constant 896 : index
    %get3A_810 = arith.constant 0 : index
    %get3A_811 = vector.load %arg1[%get3A_809, %get3A_810] : memref<4096x256xbf16, #tpu.memory_space<vmem>>, vector<128x256xbf16>
    %get3A_812 = arith.constant 896 : index
    %get3A_813 = arith.constant 0 : index
    %get3A_814 = vector.load %arg2[%get3A_812, %get3A_813] : memref<4096x1xf32, #tpu.memory_space<vmem>>, vector<128x1xf32>
    %dot_general3A_815 = arith.constant dense<0.000000e+00> : vector<128x2048xf32>
    %dot_general3A_816 = tpu.matmul %get3A_811, %get3A_3, %dot_general3A_815 {dimension_numbers = #tpu.dot_dimension_numbers<[1], [1], [0], [0], [0, 0, 1, 0], [], []>, transpose_lhs_hint = false} : vector<128x256xbf16>, vector<2048x256xbf16>, vector<128x2048xf32> -> vector<128x2048xf32>
    %add3A_817 = vector.broadcast %get3A_814 : vector<128x1xf32> to vector<128x2048xf32>
    %add3A_818 = vector.broadcast %get3A_6 : vector<1x2048xf32> to vector<128x2048xf32>
    %add3A_819 = arith.addf %add3A_817, %add3A_818 : vector<128x2048xf32>
    %add3A_820 = arith.addf %add3A_819, %dot_general3A_816 : vector<128x2048xf32>
    %reduce_min3A_821 = arith.constant dense<0x7F800000> : vector<128xf32>
    %reduce_min3A_822 = vector.multi_reduction <minimumf>, %add3A_820, %reduce_min3A_821 [1] : vector<128x2048xf32> to vector<128xf32>
    %broadcast_in_dim3A_823 = vector.shape_cast %reduce_min3A_822 : vector<128xf32> to vector<128x1xf32>
    %eq3A_824 = vector.broadcast %broadcast_in_dim3A_823 : vector<128x1xf32> to vector<128x2048xf32>
    %eq3A_825 = arith.cmpf oeq, %add3A_820, %eq3A_824 : vector<128x2048xf32>
    %jit3A_826 = arith.constant 1.07374182E+9 : f32
    %broadcast_in_dim3A_827 = vector.broadcast %jit3A_826 : f32 to vector<128x2048xf32>
    %select_n3A_828 = arith.select %eq3A_825, %add3A_10, %broadcast_in_dim3A_827 : vector<128x2048xi1>, vector<128x2048xf32>
    %reduce_min3A_829 = arith.constant dense<0x7F800000> : vector<128xf32>
    %reduce_min3A_830 = vector.multi_reduction <minimumf>, %select_n3A_828, %reduce_min3A_829 [1] : vector<128x2048xf32> to vector<128xf32>
    %broadcast_in_dim3A_831 = vector.shape_cast %reduce_min3A_830 : vector<128xf32> to vector<128x1xf32>
    %eq3A_832 = vector.broadcast %broadcast_in_dim3A_831 : vector<128x1xf32> to vector<128x2048xf32>
    %eq3A_833 = arith.cmpf oeq, %add3A_10, %eq3A_832 : vector<128x2048xf32>
    %jit3A_834 = arith.constant 1.000000e+30 : f32
    %broadcast_in_dim3A_835 = vector.broadcast %jit3A_834 : f32 to vector<128x2048xf32>
    %select_n3A_836 = arith.select %eq3A_833, %broadcast_in_dim3A_835, %add3A_820 : vector<128x2048xi1>, vector<128x2048xf32>
    %reduce_min3A_837 = arith.constant dense<0x7F800000> : vector<128xf32>
    %reduce_min3A_838 = vector.multi_reduction <minimumf>, %select_n3A_836, %reduce_min3A_837 [1] : vector<128x2048xf32> to vector<128xf32>
    %broadcast_in_dim3A_839 = vector.shape_cast %reduce_min3A_838 : vector<128xf32> to vector<128x1xf32>
    %eq3A_840 = vector.broadcast %broadcast_in_dim3A_839 : vector<128x1xf32> to vector<128x2048xf32>
    %eq3A_841 = arith.cmpf oeq, %select_n3A_836, %eq3A_840 : vector<128x2048xf32>
    %jit3A_842 = arith.constant 1.07374182E+9 : f32
    %broadcast_in_dim3A_843 = vector.broadcast %jit3A_842 : f32 to vector<128x2048xf32>
    %select_n3A_844 = arith.select %eq3A_841, %add3A_10, %broadcast_in_dim3A_843 : vector<128x2048xi1>, vector<128x2048xf32>
    %reduce_min3A_845 = arith.constant dense<0x7F800000> : vector<128xf32>
    %reduce_min3A_846 = vector.multi_reduction <minimumf>, %select_n3A_844, %reduce_min3A_845 [1] : vector<128x2048xf32> to vector<128xf32>
    %broadcast_in_dim3A_847 = vector.shape_cast %reduce_min3A_846 : vector<128xf32> to vector<128x1xf32>
    %eq3A_848 = vector.broadcast %broadcast_in_dim3A_847 : vector<128x1xf32> to vector<128x2048xf32>
    %eq3A_849 = arith.cmpf oeq, %add3A_10, %eq3A_848 : vector<128x2048xf32>
    %jit3A_850 = arith.constant 1.000000e+30 : f32
    %broadcast_in_dim3A_851 = vector.broadcast %jit3A_850 : f32 to vector<128x2048xf32>
    %select_n3A_852 = arith.select %eq3A_849, %broadcast_in_dim3A_851, %select_n3A_836 : vector<128x2048xi1>, vector<128x2048xf32>
    %reduce_min3A_853 = arith.constant dense<0x7F800000> : vector<128xf32>
    %reduce_min3A_854 = vector.multi_reduction <minimumf>, %select_n3A_852, %reduce_min3A_853 [1] : vector<128x2048xf32> to vector<128xf32>
    %broadcast_in_dim3A_855 = vector.shape_cast %reduce_min3A_854 : vector<128xf32> to vector<128x1xf32>
    %eq3A_856 = vector.broadcast %broadcast_in_dim3A_855 : vector<128x1xf32> to vector<128x2048xf32>
    %eq3A_857 = arith.cmpf oeq, %select_n3A_852, %eq3A_856 : vector<128x2048xf32>
    %jit3A_858 = arith.constant 1.07374182E+9 : f32
    %broadcast_in_dim3A_859 = vector.broadcast %jit3A_858 : f32 to vector<128x2048xf32>
    %select_n3A_860 = arith.select %eq3A_857, %add3A_10, %broadcast_in_dim3A_859 : vector<128x2048xi1>, vector<128x2048xf32>
    %reduce_min3A_861 = arith.constant dense<0x7F800000> : vector<128xf32>
    %reduce_min3A_862 = vector.multi_reduction <minimumf>, %select_n3A_860, %reduce_min3A_861 [1] : vector<128x2048xf32> to vector<128xf32>
    %broadcast_in_dim3A_863 = vector.shape_cast %reduce_min3A_862 : vector<128xf32> to vector<128x1xf32>
    %get3A_864 = arith.constant 896 : index
    %get3A_865 = arith.constant 0 : index
    %get3A_866 = vector.load %arg5[%get3A_864, %get3A_865] : memref<4096x1xf32, #tpu.memory_space<vmem>>, vector<128x1xf32>
    %get3A_867 = arith.constant 896 : index
    %get3A_868 = arith.constant 0 : index
    %get3A_869 = vector.load %arg8[%get3A_867, %get3A_868] : memref<4096x1xf32, #tpu.memory_space<vmem>>, vector<128x1xf32>
    %get3A_870 = arith.constant 896 : index
    %get3A_871 = arith.constant 0 : index
    %get3A_872 = vector.load %arg6[%get3A_870, %get3A_871] : memref<4096x1xf32, #tpu.memory_space<vmem>>, vector<128x1xf32>
    %get3A_873 = arith.constant 896 : index
    %get3A_874 = arith.constant 0 : index
    %get3A_875 = vector.load %arg9[%get3A_873, %get3A_874] : memref<4096x1xf32, #tpu.memory_space<vmem>>, vector<128x1xf32>
    %get3A_876 = arith.constant 896 : index
    %get3A_877 = arith.constant 0 : index
    %get3A_878 = vector.load %arg7[%get3A_876, %get3A_877] : memref<4096x1xf32, #tpu.memory_space<vmem>>, vector<128x1xf32>
    %get3A_879 = arith.constant 896 : index
    %get3A_880 = arith.constant 0 : index
    %get3A_881 = vector.load %arg10[%get3A_879, %get3A_880] : memref<4096x1xf32, #tpu.memory_space<vmem>>, vector<128x1xf32>
    %le3A_882 = arith.cmpf ole, %get3A_878, %broadcast_in_dim3A_823 : vector<128x1xf32>
    %select_n3A_883 = arith.select %le3A_882, %get3A_878, %broadcast_in_dim3A_823 : vector<128x1xi1>, vector<128x1xf32>
    %select_n3A_884 = arith.select %le3A_882, %get3A_881, %broadcast_in_dim3A_831 : vector<128x1xi1>, vector<128x1xf32>
    %le3A_885 = arith.cmpf ole, %get3A_872, %select_n3A_883 : vector<128x1xf32>
    %select_n3A_886 = arith.select %le3A_885, %get3A_872, %select_n3A_883 : vector<128x1xi1>, vector<128x1xf32>
    %select_n3A_887 = arith.select %le3A_885, %get3A_875, %select_n3A_884 : vector<128x1xi1>, vector<128x1xf32>
    %select_n3A_888 = arith.select %le3A_885, %select_n3A_883, %get3A_872 : vector<128x1xi1>, vector<128x1xf32>
    %select_n3A_889 = arith.select %le3A_885, %select_n3A_884, %get3A_875 : vector<128x1xi1>, vector<128x1xf32>
    %le3A_890 = arith.cmpf ole, %get3A_866, %select_n3A_886 : vector<128x1xf32>
    %select_n3A_891 = arith.select %le3A_890, %get3A_866, %select_n3A_886 : vector<128x1xi1>, vector<128x1xf32>
    %select_n3A_892 = arith.select %le3A_890, %get3A_869, %select_n3A_887 : vector<128x1xi1>, vector<128x1xf32>
    %select_n3A_893 = arith.select %le3A_890, %select_n3A_886, %get3A_866 : vector<128x1xi1>, vector<128x1xf32>
    %select_n3A_894 = arith.select %le3A_890, %select_n3A_887, %get3A_869 : vector<128x1xi1>, vector<128x1xf32>
    %le3A_895 = arith.cmpf ole, %select_n3A_888, %broadcast_in_dim3A_839 : vector<128x1xf32>
    %select_n3A_896 = arith.select %le3A_895, %select_n3A_888, %broadcast_in_dim3A_839 : vector<128x1xi1>, vector<128x1xf32>
    %select_n3A_897 = arith.select %le3A_895, %select_n3A_889, %broadcast_in_dim3A_847 : vector<128x1xi1>, vector<128x1xf32>
    %le3A_898 = arith.cmpf ole, %select_n3A_893, %select_n3A_896 : vector<128x1xf32>
    %select_n3A_899 = arith.select %le3A_898, %select_n3A_893, %select_n3A_896 : vector<128x1xi1>, vector<128x1xf32>
    %select_n3A_900 = arith.select %le3A_898, %select_n3A_894, %select_n3A_897 : vector<128x1xi1>, vector<128x1xf32>
    %select_n3A_901 = arith.select %le3A_898, %select_n3A_896, %select_n3A_893 : vector<128x1xi1>, vector<128x1xf32>
    %select_n3A_902 = arith.select %le3A_898, %select_n3A_897, %select_n3A_894 : vector<128x1xi1>, vector<128x1xf32>
    %le3A_903 = arith.cmpf ole, %select_n3A_901, %broadcast_in_dim3A_855 : vector<128x1xf32>
    %select_n3A_904 = arith.select %le3A_903, %select_n3A_901, %broadcast_in_dim3A_855 : vector<128x1xi1>, vector<128x1xf32>
    %select_n3A_905 = arith.select %le3A_903, %select_n3A_902, %broadcast_in_dim3A_863 : vector<128x1xi1>, vector<128x1xf32>
    %swap3A_906 = arith.constant 896 : index
    %swap3A_907 = arith.constant 0 : index
    %swap3A_908 = vector.load %arg5[%swap3A_906, %swap3A_907] : memref<4096x1xf32, #tpu.memory_space<vmem>>, vector<128x1xf32>
    tpu.vector_store %arg5[%swap3A_906, %swap3A_907], %select_n3A_891 {strides = array<i32>} : memref<4096x1xf32, #tpu.memory_space<vmem>>, vector<128x1xf32>,
    %swap3A_909 = arith.constant 896 : index
    %swap3A_910 = arith.constant 0 : index
    %swap3A_911 = vector.load %arg8[%swap3A_909, %swap3A_910] : memref<4096x1xf32, #tpu.memory_space<vmem>>, vector<128x1xf32>
    tpu.vector_store %arg8[%swap3A_909, %swap3A_910], %select_n3A_892 {strides = array<i32>} : memref<4096x1xf32, #tpu.memory_space<vmem>>, vector<128x1xf32>,
    %swap3A_912 = arith.constant 896 : index
    %swap3A_913 = arith.constant 0 : index
    %swap3A_914 = vector.load %arg6[%swap3A_912, %swap3A_913] : memref<4096x1xf32, #tpu.memory_space<vmem>>, vector<128x1xf32>
    tpu.vector_store %arg6[%swap3A_912, %swap3A_913], %select_n3A_899 {strides = array<i32>} : memref<4096x1xf32, #tpu.memory_space<vmem>>, vector<128x1xf32>,
    %swap3A_915 = arith.constant 896 : index
    %swap3A_916 = arith.constant 0 : index
    %swap3A_917 = vector.load %arg9[%swap3A_915, %swap3A_916] : memref<4096x1xf32, #tpu.memory_space<vmem>>, vector<128x1xf32>
    tpu.vector_store %arg9[%swap3A_915, %swap3A_916], %select_n3A_900 {strides = array<i32>} : memref<4096x1xf32, #tpu.memory_space<vmem>>, vector<128x1xf32>,
    %swap3A_918 = arith.constant 896 : index
    %swap3A_919 = arith.constant 0 : index
    %swap3A_920 = vector.load %arg7[%swap3A_918, %swap3A_919] : memref<4096x1xf32, #tpu.memory_space<vmem>>, vector<128x1xf32>
    tpu.vector_store %arg7[%swap3A_918, %swap3A_919], %select_n3A_904 {strides = array<i32>} : memref<4096x1xf32, #tpu.memory_space<vmem>>, vector<128x1xf32>,
    %swap3A_921 = arith.constant 896 : index
    %swap3A_922 = arith.constant 0 : index
    %swap3A_923 = vector.load %arg10[%swap3A_921, %swap3A_922] : memref<4096x1xf32, #tpu.memory_space<vmem>>, vector<128x1xf32>
    tpu.vector_store %arg10[%swap3A_921, %swap3A_922], %select_n3A_905 {strides = array<i32>} : memref<4096x1xf32, #tpu.memory_space<vmem>>, vector<128x1xf32>,
    %get3A_924 = arith.constant 1024 : index
    %get3A_925 = arith.constant 0 : index
    %get3A_926 = vector.load %arg1[%get3A_924, %get3A_925] : memref<4096x256xbf16, #tpu.memory_space<vmem>>, vector<128x256xbf16>
    %get3A_927 = arith.constant 1024 : index
    %get3A_928 = arith.constant 0 : index
    %get3A_929 = vector.load %arg2[%get3A_927, %get3A_928] : memref<4096x1xf32, #tpu.memory_space<vmem>>, vector<128x1xf32>
    %dot_general3A_930 = arith.constant dense<0.000000e+00> : vector<128x2048xf32>
    %dot_general3A_931 = tpu.matmul %get3A_926, %get3A_3, %dot_general3A_930 {dimension_numbers = #tpu.dot_dimension_numbers<[1], [1], [0], [0], [0, 0, 1, 0], [], []>, transpose_lhs_hint = false} : vector<128x256xbf16>, vector<2048x256xbf16>, vector<128x2048xf32> -> vector<128x2048xf32>
    %add3A_932 = vector.broadcast %get3A_929 : vector<128x1xf32> to vector<128x2048xf32>
    %add3A_933 = vector.broadcast %get3A_6 : vector<1x2048xf32> to vector<128x2048xf32>
    %add3A_934 = arith.addf %add3A_932, %add3A_933 : vector<128x2048xf32>
    %add3A_935 = arith.addf %add3A_934, %dot_general3A_931 : vector<128x2048xf32>
    %reduce_min3A_936 = arith.constant dense<0x7F800000> : vector<128xf32>
    %reduce_min3A_937 = vector.multi_reduction <minimumf>, %add3A_935, %reduce_min3A_936 [1] : vector<128x2048xf32> to vector<128xf32>
    %broadcast_in_dim3A_938 = vector.shape_cast %reduce_min3A_937 : vector<128xf32> to vector<128x1xf32>
    %eq3A_939 = vector.broadcast %broadcast_in_dim3A_938 : vector<128x1xf32> to vector<128x2048xf32>
    %eq3A_940 = arith.cmpf oeq, %add3A_935, %eq3A_939 : vector<128x2048xf32>
    %jit3A_941 = arith.constant 1.07374182E+9 : f32
    %broadcast_in_dim3A_942 = vector.broadcast %jit3A_941 : f32 to vector<128x2048xf32>
    %select_n3A_943 = arith.select %eq3A_940, %add3A_10, %broadcast_in_dim3A_942 : vector<128x2048xi1>, vector<128x2048xf32>
    %reduce_min3A_944 = arith.constant dense<0x7F800000> : vector<128xf32>
    %reduce_min3A_945 = vector.multi_reduction <minimumf>, %select_n3A_943, %reduce_min3A_944 [1] : vector<128x2048xf32> to vector<128xf32>
    %broadcast_in_dim3A_946 = vector.shape_cast %reduce_min3A_945 : vector<128xf32> to vector<128x1xf32>
    %eq3A_947 = vector.broadcast %broadcast_in_dim3A_946 : vector<128x1xf32> to vector<128x2048xf32>
    %eq3A_948 = arith.cmpf oeq, %add3A_10, %eq3A_947 : vector<128x2048xf32>
    %jit3A_949 = arith.constant 1.000000e+30 : f32
    %broadcast_in_dim3A_950 = vector.broadcast %jit3A_949 : f32 to vector<128x2048xf32>
    %select_n3A_951 = arith.select %eq3A_948, %broadcast_in_dim3A_950, %add3A_935 : vector<128x2048xi1>, vector<128x2048xf32>
    %reduce_min3A_952 = arith.constant dense<0x7F800000> : vector<128xf32>
    %reduce_min3A_953 = vector.multi_reduction <minimumf>, %select_n3A_951, %reduce_min3A_952 [1] : vector<128x2048xf32> to vector<128xf32>
    %broadcast_in_dim3A_954 = vector.shape_cast %reduce_min3A_953 : vector<128xf32> to vector<128x1xf32>
    %eq3A_955 = vector.broadcast %broadcast_in_dim3A_954 : vector<128x1xf32> to vector<128x2048xf32>
    %eq3A_956 = arith.cmpf oeq, %select_n3A_951, %eq3A_955 : vector<128x2048xf32>
    %jit3A_957 = arith.constant 1.07374182E+9 : f32
    %broadcast_in_dim3A_958 = vector.broadcast %jit3A_957 : f32 to vector<128x2048xf32>
    %select_n3A_959 = arith.select %eq3A_956, %add3A_10, %broadcast_in_dim3A_958 : vector<128x2048xi1>, vector<128x2048xf32>
    %reduce_min3A_960 = arith.constant dense<0x7F800000> : vector<128xf32>
    %reduce_min3A_961 = vector.multi_reduction <minimumf>, %select_n3A_959, %reduce_min3A_960 [1] : vector<128x2048xf32> to vector<128xf32>
    %broadcast_in_dim3A_962 = vector.shape_cast %reduce_min3A_961 : vector<128xf32> to vector<128x1xf32>
    %eq3A_963 = vector.broadcast %broadcast_in_dim3A_962 : vector<128x1xf32> to vector<128x2048xf32>
    %eq3A_964 = arith.cmpf oeq, %add3A_10, %eq3A_963 : vector<128x2048xf32>
    %jit3A_965 = arith.constant 1.000000e+30 : f32
    %broadcast_in_dim3A_966 = vector.broadcast %jit3A_965 : f32 to vector<128x2048xf32>
    %select_n3A_967 = arith.select %eq3A_964, %broadcast_in_dim3A_966, %select_n3A_951 : vector<128x2048xi1>, vector<128x2048xf32>
    %reduce_min3A_968 = arith.constant dense<0x7F800000> : vector<128xf32>
    %reduce_min3A_969 = vector.multi_reduction <minimumf>, %select_n3A_967, %reduce_min3A_968 [1] : vector<128x2048xf32> to vector<128xf32>
    %broadcast_in_dim3A_970 = vector.shape_cast %reduce_min3A_969 : vector<128xf32> to vector<128x1xf32>
    %eq3A_971 = vector.broadcast %broadcast_in_dim3A_970 : vector<128x1xf32> to vector<128x2048xf32>
    %eq3A_972 = arith.cmpf oeq, %select_n3A_967, %eq3A_971 : vector<128x2048xf32>
    %jit3A_973 = arith.constant 1.07374182E+9 : f32
    %broadcast_in_dim3A_974 = vector.broadcast %jit3A_973 : f32 to vector<128x2048xf32>
    %select_n3A_975 = arith.select %eq3A_972, %add3A_10, %broadcast_in_dim3A_974 : vector<128x2048xi1>, vector<128x2048xf32>
    %reduce_min3A_976 = arith.constant dense<0x7F800000> : vector<128xf32>
    %reduce_min3A_977 = vector.multi_reduction <minimumf>, %select_n3A_975, %reduce_min3A_976 [1] : vector<128x2048xf32> to vector<128xf32>
    %broadcast_in_dim3A_978 = vector.shape_cast %reduce_min3A_977 : vector<128xf32> to vector<128x1xf32>
    %get3A_979 = arith.constant 1024 : index
    %get3A_980 = arith.constant 0 : index
    %get3A_981 = vector.load %arg5[%get3A_979, %get3A_980] : memref<4096x1xf32, #tpu.memory_space<vmem>>, vector<128x1xf32>
    %get3A_982 = arith.constant 1024 : index
    %get3A_983 = arith.constant 0 : index
    %get3A_984 = vector.load %arg8[%get3A_982, %get3A_983] : memref<4096x1xf32, #tpu.memory_space<vmem>>, vector<128x1xf32>
    %get3A_985 = arith.constant 1024 : index
    %get3A_986 = arith.constant 0 : index
    %get3A_987 = vector.load %arg6[%get3A_985, %get3A_986] : memref<4096x1xf32, #tpu.memory_space<vmem>>, vector<128x1xf32>
    %get3A_988 = arith.constant 1024 : index
    %get3A_989 = arith.constant 0 : index
    %get3A_990 = vector.load %arg9[%get3A_988, %get3A_989] : memref<4096x1xf32, #tpu.memory_space<vmem>>, vector<128x1xf32>
    %get3A_991 = arith.constant 1024 : index
    %get3A_992 = arith.constant 0 : index
    %get3A_993 = vector.load %arg7[%get3A_991, %get3A_992] : memref<4096x1xf32, #tpu.memory_space<vmem>>, vector<128x1xf32>
    %get3A_994 = arith.constant 1024 : index
    %get3A_995 = arith.constant 0 : index
    %get3A_996 = vector.load %arg10[%get3A_994, %get3A_995] : memref<4096x1xf32, #tpu.memory_space<vmem>>, vector<128x1xf32>
    %le3A_997 = arith.cmpf ole, %get3A_993, %broadcast_in_dim3A_938 : vector<128x1xf32>
    %select_n3A_998 = arith.select %le3A_997, %get3A_993, %broadcast_in_dim3A_938 : vector<128x1xi1>, vector<128x1xf32>
    %select_n3A_999 = arith.select %le3A_997, %get3A_996, %broadcast_in_dim3A_946 : vector<128x1xi1>, vector<128x1xf32>
    %le3A_1000 = arith.cmpf ole, %get3A_987, %select_n3A_998 : vector<128x1xf32>
    %select_n3A_1001 = arith.select %le3A_1000, %get3A_987, %select_n3A_998 : vector<128x1xi1>, vector<128x1xf32>
    %select_n3A_1002 = arith.select %le3A_1000, %get3A_990, %select_n3A_999 : vector<128x1xi1>, vector<128x1xf32>
    %select_n3A_1003 = arith.select %le3A_1000, %select_n3A_998, %get3A_987 : vector<128x1xi1>, vector<128x1xf32>
    %select_n3A_1004 = arith.select %le3A_1000, %select_n3A_999, %get3A_990 : vector<128x1xi1>, vector<128x1xf32>
    %le3A_1005 = arith.cmpf ole, %get3A_981, %select_n3A_1001 : vector<128x1xf32>
    %select_n3A_1006 = arith.select %le3A_1005, %get3A_981, %select_n3A_1001 : vector<128x1xi1>, vector<128x1xf32>
    %select_n3A_1007 = arith.select %le3A_1005, %get3A_984, %select_n3A_1002 : vector<128x1xi1>, vector<128x1xf32>
    %select_n3A_1008 = arith.select %le3A_1005, %select_n3A_1001, %get3A_981 : vector<128x1xi1>, vector<128x1xf32>
    %select_n3A_1009 = arith.select %le3A_1005, %select_n3A_1002, %get3A_984 : vector<128x1xi1>, vector<128x1xf32>
    %le3A_1010 = arith.cmpf ole, %select_n3A_1003, %broadcast_in_dim3A_954 : vector<128x1xf32>
    %select_n3A_1011 = arith.select %le3A_1010, %select_n3A_1003, %broadcast_in_dim3A_954 : vector<128x1xi1>, vector<128x1xf32>
    %select_n3A_1012 = arith.select %le3A_1010, %select_n3A_1004, %broadcast_in_dim3A_962 : vector<128x1xi1>, vector<128x1xf32>
    %le3A_1013 = arith.cmpf ole, %select_n3A_1008, %select_n3A_1011 : vector<128x1xf32>
    %select_n3A_1014 = arith.select %le3A_1013, %select_n3A_1008, %select_n3A_1011 : vector<128x1xi1>, vector<128x1xf32>
    %select_n3A_1015 = arith.select %le3A_1013, %select_n3A_1009, %select_n3A_1012 : vector<128x1xi1>, vector<128x1xf32>
    %select_n3A_1016 = arith.select %le3A_1013, %select_n3A_1011, %select_n3A_1008 : vector<128x1xi1>, vector<128x1xf32>
    %select_n3A_1017 = arith.select %le3A_1013, %select_n3A_1012, %select_n3A_1009 : vector<128x1xi1>, vector<128x1xf32>
    %le3A_1018 = arith.cmpf ole, %select_n3A_1016, %broadcast_in_dim3A_970 : vector<128x1xf32>
    %select_n3A_1019 = arith.select %le3A_1018, %select_n3A_1016, %broadcast_in_dim3A_970 : vector<128x1xi1>, vector<128x1xf32>
    %select_n3A_1020 = arith.select %le3A_1018, %select_n3A_1017, %broadcast_in_dim3A_978 : vector<128x1xi1>, vector<128x1xf32>
    %swap3A_1021 = arith.constant 1024 : index
    %swap3A_1022 = arith.constant 0 : index
    %swap3A_1023 = vector.load %arg5[%swap3A_1021, %swap3A_1022] : memref<4096x1xf32, #tpu.memory_space<vmem>>, vector<128x1xf32>
    tpu.vector_store %arg5[%swap3A_1021, %swap3A_1022], %select_n3A_1006 {strides = array<i32>} : memref<4096x1xf32, #tpu.memory_space<vmem>>, vector<128x1xf32>,
    %swap3A_1024 = arith.constant 1024 : index
    %swap3A_1025 = arith.constant 0 : index
    %swap3A_1026 = vector.load %arg8[%swap3A_1024, %swap3A_1025] : memref<4096x1xf32, #tpu.memory_space<vmem>>, vector<128x1xf32>
    tpu.vector_store %arg8[%swap3A_1024, %swap3A_1025], %select_n3A_1007 {strides = array<i32>} : memref<4096x1xf32, #tpu.memory_space<vmem>>, vector<128x1xf32>,
    %swap3A_1027 = arith.constant 1024 : index
    %swap3A_1028 = arith.constant 0 : index
    %swap3A_1029 = vector.load %arg6[%swap3A_1027, %swap3A_1028] : memref<4096x1xf32, #tpu.memory_space<vmem>>, vector<128x1xf32>
    tpu.vector_store %arg6[%swap3A_1027, %swap3A_1028], %select_n3A_1014 {strides = array<i32>} : memref<4096x1xf32, #tpu.memory_space<vmem>>, vector<128x1xf32>,
    %swap3A_1030 = arith.constant 1024 : index
    %swap3A_1031 = arith.constant 0 : index
    %swap3A_1032 = vector.load %arg9[%swap3A_1030, %swap3A_1031] : memref<4096x1xf32, #tpu.memory_space<vmem>>, vector<128x1xf32>
    tpu.vector_store %arg9[%swap3A_1030, %swap3A_1031], %select_n3A_1015 {strides = array<i32>} : memref<4096x1xf32, #tpu.memory_space<vmem>>, vector<128x1xf32>,
    %swap3A_1033 = arith.constant 1024 : index
    %swap3A_1034 = arith.constant 0 : index
    %swap3A_1035 = vector.load %arg7[%swap3A_1033, %swap3A_1034] : memref<4096x1xf32, #tpu.memory_space<vmem>>, vector<128x1xf32>
    tpu.vector_store %arg7[%swap3A_1033, %swap3A_1034], %select_n3A_1019 {strides = array<i32>} : memref<4096x1xf32, #tpu.memory_space<vmem>>, vector<128x1xf32>,
    %swap3A_1036 = arith.constant 1024 : index
    %swap3A_1037 = arith.constant 0 : index
    %swap3A_1038 = vector.load %arg10[%swap3A_1036, %swap3A_1037] : memref<4096x1xf32, #tpu.memory_space<vmem>>, vector<128x1xf32>
    tpu.vector_store %arg10[%swap3A_1036, %swap3A_1037], %select_n3A_1020 {strides = array<i32>} : memref<4096x1xf32, #tpu.memory_space<vmem>>, vector<128x1xf32>,
    %get3A_1039 = arith.constant 1152 : index
    %get3A_1040 = arith.constant 0 : index
    %get3A_1041 = vector.load %arg1[%get3A_1039, %get3A_1040] : memref<4096x256xbf16, #tpu.memory_space<vmem>>, vector<128x256xbf16>
    %get3A_1042 = arith.constant 1152 : index
    %get3A_1043 = arith.constant 0 : index
    %get3A_1044 = vector.load %arg2[%get3A_1042, %get3A_1043] : memref<4096x1xf32, #tpu.memory_space<vmem>>, vector<128x1xf32>
    %dot_general3A_1045 = arith.constant dense<0.000000e+00> : vector<128x2048xf32>
    %dot_general3A_1046 = tpu.matmul %get3A_1041, %get3A_3, %dot_general3A_1045 {dimension_numbers = #tpu.dot_dimension_numbers<[1], [1], [0], [0], [0, 0, 1, 0], [], []>, transpose_lhs_hint = false} : vector<128x256xbf16>, vector<2048x256xbf16>, vector<128x2048xf32> -> vector<128x2048xf32>
    %add3A_1047 = vector.broadcast %get3A_1044 : vector<128x1xf32> to vector<128x2048xf32>
    %add3A_1048 = vector.broadcast %get3A_6 : vector<1x2048xf32> to vector<128x2048xf32>
    %add3A_1049 = arith.addf %add3A_1047, %add3A_1048 : vector<128x2048xf32>
    %add3A_1050 = arith.addf %add3A_1049, %dot_general3A_1046 : vector<128x2048xf32>
    %reduce_min3A_1051 = arith.constant dense<0x7F800000> : vector<128xf32>
    %reduce_min3A_1052 = vector.multi_reduction <minimumf>, %add3A_1050, %reduce_min3A_1051 [1] : vector<128x2048xf32> to vector<128xf32>
    %broadcast_in_dim3A_1053 = vector.shape_cast %reduce_min3A_1052 : vector<128xf32> to vector<128x1xf32>
    %eq3A_1054 = vector.broadcast %broadcast_in_dim3A_1053 : vector<128x1xf32> to vector<128x2048xf32>
    %eq3A_1055 = arith.cmpf oeq, %add3A_1050, %eq3A_1054 : vector<128x2048xf32>
    %jit3A_1056 = arith.constant 1.07374182E+9 : f32
    %broadcast_in_dim3A_1057 = vector.broadcast %jit3A_1056 : f32 to vector<128x2048xf32>
    %select_n3A_1058 = arith.select %eq3A_1055, %add3A_10, %broadcast_in_dim3A_1057 : vector<128x2048xi1>, vector<128x2048xf32>
    %reduce_min3A_1059 = arith.constant dense<0x7F800000> : vector<128xf32>
    %reduce_min3A_1060 = vector.multi_reduction <minimumf>, %select_n3A_1058, %reduce_min3A_1059 [1] : vector<128x2048xf32> to vector<128xf32>
    %broadcast_in_dim3A_1061 = vector.shape_cast %reduce_min3A_1060 : vector<128xf32> to vector<128x1xf32>
    %eq3A_1062 = vector.broadcast %broadcast_in_dim3A_1061 : vector<128x1xf32> to vector<128x2048xf32>
    %eq3A_1063 = arith.cmpf oeq, %add3A_10, %eq3A_1062 : vector<128x2048xf32>
    %jit3A_1064 = arith.constant 1.000000e+30 : f32
    %broadcast_in_dim3A_1065 = vector.broadcast %jit3A_1064 : f32 to vector<128x2048xf32>
    %select_n3A_1066 = arith.select %eq3A_1063, %broadcast_in_dim3A_1065, %add3A_1050 : vector<128x2048xi1>, vector<128x2048xf32>
    %reduce_min3A_1067 = arith.constant dense<0x7F800000> : vector<128xf32>
    %reduce_min3A_1068 = vector.multi_reduction <minimumf>, %select_n3A_1066, %reduce_min3A_1067 [1] : vector<128x2048xf32> to vector<128xf32>
    %broadcast_in_dim3A_1069 = vector.shape_cast %reduce_min3A_1068 : vector<128xf32> to vector<128x1xf32>
    %eq3A_1070 = vector.broadcast %broadcast_in_dim3A_1069 : vector<128x1xf32> to vector<128x2048xf32>
    %eq3A_1071 = arith.cmpf oeq, %select_n3A_1066, %eq3A_1070 : vector<128x2048xf32>
    %jit3A_1072 = arith.constant 1.07374182E+9 : f32
    %broadcast_in_dim3A_1073 = vector.broadcast %jit3A_1072 : f32 to vector<128x2048xf32>
    %select_n3A_1074 = arith.select %eq3A_1071, %add3A_10, %broadcast_in_dim3A_1073 : vector<128x2048xi1>, vector<128x2048xf32>
    %reduce_min3A_1075 = arith.constant dense<0x7F800000> : vector<128xf32>
    %reduce_min3A_1076 = vector.multi_reduction <minimumf>, %select_n3A_1074, %reduce_min3A_1075 [1] : vector<128x2048xf32> to vector<128xf32>
    %broadcast_in_dim3A_1077 = vector.shape_cast %reduce_min3A_1076 : vector<128xf32> to vector<128x1xf32>
    %eq3A_1078 = vector.broadcast %broadcast_in_dim3A_1077 : vector<128x1xf32> to vector<128x2048xf32>
    %eq3A_1079 = arith.cmpf oeq, %add3A_10, %eq3A_1078 : vector<128x2048xf32>
    %jit3A_1080 = arith.constant 1.000000e+30 : f32
    %broadcast_in_dim3A_1081 = vector.broadcast %jit3A_1080 : f32 to vector<128x2048xf32>
    %select_n3A_1082 = arith.select %eq3A_1079, %broadcast_in_dim3A_1081, %select_n3A_1066 : vector<128x2048xi1>, vector<128x2048xf32>
    %reduce_min3A_1083 = arith.constant dense<0x7F800000> : vector<128xf32>
    %reduce_min3A_1084 = vector.multi_reduction <minimumf>, %select_n3A_1082, %reduce_min3A_1083 [1] : vector<128x2048xf32> to vector<128xf32>
    %broadcast_in_dim3A_1085 = vector.shape_cast %reduce_min3A_1084 : vector<128xf32> to vector<128x1xf32>
    %eq3A_1086 = vector.broadcast %broadcast_in_dim3A_1085 : vector<128x1xf32> to vector<128x2048xf32>
    %eq3A_1087 = arith.cmpf oeq, %select_n3A_1082, %eq3A_1086 : vector<128x2048xf32>
    %jit3A_1088 = arith.constant 1.07374182E+9 : f32
    %broadcast_in_dim3A_1089 = vector.broadcast %jit3A_1088 : f32 to vector<128x2048xf32>
    %select_n3A_1090 = arith.select %eq3A_1087, %add3A_10, %broadcast_in_dim3A_1089 : vector<128x2048xi1>, vector<128x2048xf32>
    %reduce_min3A_1091 = arith.constant dense<0x7F800000> : vector<128xf32>
    %reduce_min3A_1092 = vector.multi_reduction <minimumf>, %select_n3A_1090, %reduce_min3A_1091 [1] : vector<128x2048xf32> to vector<128xf32>
    %broadcast_in_dim3A_1093 = vector.shape_cast %reduce_min3A_1092 : vector<128xf32> to vector<128x1xf32>
    %get3A_1094 = arith.constant 1152 : index
    %get3A_1095 = arith.constant 0 : index
    %get3A_1096 = vector.load %arg5[%get3A_1094, %get3A_1095] : memref<4096x1xf32, #tpu.memory_space<vmem>>, vector<128x1xf32>
    %get3A_1097 = arith.constant 1152 : index
    %get3A_1098 = arith.constant 0 : index
    %get3A_1099 = vector.load %arg8[%get3A_1097, %get3A_1098] : memref<4096x1xf32, #tpu.memory_space<vmem>>, vector<128x1xf32>
    %get3A_1100 = arith.constant 1152 : index
    %get3A_1101 = arith.constant 0 : index
    %get3A_1102 = vector.load %arg6[%get3A_1100, %get3A_1101] : memref<4096x1xf32, #tpu.memory_space<vmem>>, vector<128x1xf32>
    %get3A_1103 = arith.constant 1152 : index
    %get3A_1104 = arith.constant 0 : index
    %get3A_1105 = vector.load %arg9[%get3A_1103, %get3A_1104] : memref<4096x1xf32, #tpu.memory_space<vmem>>, vector<128x1xf32>
    %get3A_1106 = arith.constant 1152 : index
    %get3A_1107 = arith.constant 0 : index
    %get3A_1108 = vector.load %arg7[%get3A_1106, %get3A_1107] : memref<4096x1xf32, #tpu.memory_space<vmem>>, vector<128x1xf32>
    %get3A_1109 = arith.constant 1152 : index
    %get3A_1110 = arith.constant 0 : index
    %get3A_1111 = vector.load %arg10[%get3A_1109, %get3A_1110] : memref<4096x1xf32, #tpu.memory_space<vmem>>, vector<128x1xf32>
    %le3A_1112 = arith.cmpf ole, %get3A_1108, %broadcast_in_dim3A_1053 : vector<128x1xf32>
    %select_n3A_1113 = arith.select %le3A_1112, %get3A_1108, %broadcast_in_dim3A_1053 : vector<128x1xi1>, vector<128x1xf32>
    %select_n3A_1114 = arith.select %le3A_1112, %get3A_1111, %broadcast_in_dim3A_1061 : vector<128x1xi1>, vector<128x1xf32>
    %le3A_1115 = arith.cmpf ole, %get3A_1102, %select_n3A_1113 : vector<128x1xf32>
    %select_n3A_1116 = arith.select %le3A_1115, %get3A_1102, %select_n3A_1113 : vector<128x1xi1>, vector<128x1xf32>
    %select_n3A_1117 = arith.select %le3A_1115, %get3A_1105, %select_n3A_1114 : vector<128x1xi1>, vector<128x1xf32>
    %select_n3A_1118 = arith.select %le3A_1115, %select_n3A_1113, %get3A_1102 : vector<128x1xi1>, vector<128x1xf32>
    %select_n3A_1119 = arith.select %le3A_1115, %select_n3A_1114, %get3A_1105 : vector<128x1xi1>, vector<128x1xf32>
    %le3A_1120 = arith.cmpf ole, %get3A_1096, %select_n3A_1116 : vector<128x1xf32>
    %select_n3A_1121 = arith.select %le3A_1120, %get3A_1096, %select_n3A_1116 : vector<128x1xi1>, vector<128x1xf32>
    %select_n3A_1122 = arith.select %le3A_1120, %get3A_1099, %select_n3A_1117 : vector<128x1xi1>, vector<128x1xf32>
    %select_n3A_1123 = arith.select %le3A_1120, %select_n3A_1116, %get3A_1096 : vector<128x1xi1>, vector<128x1xf32>
    %select_n3A_1124 = arith.select %le3A_1120, %select_n3A_1117, %get3A_1099 : vector<128x1xi1>, vector<128x1xf32>
    %le3A_1125 = arith.cmpf ole, %select_n3A_1118, %broadcast_in_dim3A_1069 : vector<128x1xf32>
    %select_n3A_1126 = arith.select %le3A_1125, %select_n3A_1118, %broadcast_in_dim3A_1069 : vector<128x1xi1>, vector<128x1xf32>
    %select_n3A_1127 = arith.select %le3A_1125, %select_n3A_1119, %broadcast_in_dim3A_1077 : vector<128x1xi1>, vector<128x1xf32>
    %le3A_1128 = arith.cmpf ole, %select_n3A_1123, %select_n3A_1126 : vector<128x1xf32>
    %select_n3A_1129 = arith.select %le3A_1128, %select_n3A_1123, %select_n3A_1126 : vector<128x1xi1>, vector<128x1xf32>
    %select_n3A_1130 = arith.select %le3A_1128, %select_n3A_1124, %select_n3A_1127 : vector<128x1xi1>, vector<128x1xf32>
    %select_n3A_1131 = arith.select %le3A_1128, %select_n3A_1126, %select_n3A_1123 : vector<128x1xi1>, vector<128x1xf32>
    %select_n3A_1132 = arith.select %le3A_1128, %select_n3A_1127, %select_n3A_1124 : vector<128x1xi1>, vector<128x1xf32>
    %le3A_1133 = arith.cmpf ole, %select_n3A_1131, %broadcast_in_dim3A_1085 : vector<128x1xf32>
    %select_n3A_1134 = arith.select %le3A_1133, %select_n3A_1131, %broadcast_in_dim3A_1085 : vector<128x1xi1>, vector<128x1xf32>
    %select_n3A_1135 = arith.select %le3A_1133, %select_n3A_1132, %broadcast_in_dim3A_1093 : vector<128x1xi1>, vector<128x1xf32>
    %swap3A_1136 = arith.constant 1152 : index
    %swap3A_1137 = arith.constant 0 : index
    %swap3A_1138 = vector.load %arg5[%swap3A_1136, %swap3A_1137] : memref<4096x1xf32, #tpu.memory_space<vmem>>, vector<128x1xf32>
    tpu.vector_store %arg5[%swap3A_1136, %swap3A_1137], %select_n3A_1121 {strides = array<i32>} : memref<4096x1xf32, #tpu.memory_space<vmem>>, vector<128x1xf32>,
    %swap3A_1139 = arith.constant 1152 : index
    %swap3A_1140 = arith.constant 0 : index
    %swap3A_1141 = vector.load %arg8[%swap3A_1139, %swap3A_1140] : memref<4096x1xf32, #tpu.memory_space<vmem>>, vector<128x1xf32>
    tpu.vector_store %arg8[%swap3A_1139, %swap3A_1140], %select_n3A_1122 {strides = array<i32>} : memref<4096x1xf32, #tpu.memory_space<vmem>>, vector<128x1xf32>,
    %swap3A_1142 = arith.constant 1152 : index
    %swap3A_1143 = arith.constant 0 : index
    %swap3A_1144 = vector.load %arg6[%swap3A_1142, %swap3A_1143] : memref<4096x1xf32, #tpu.memory_space<vmem>>, vector<128x1xf32>
    tpu.vector_store %arg6[%swap3A_1142, %swap3A_1143], %select_n3A_1129 {strides = array<i32>} : memref<4096x1xf32, #tpu.memory_space<vmem>>, vector<128x1xf32>,
    %swap3A_1145 = arith.constant 1152 : index
    %swap3A_1146 = arith.constant 0 : index
    %swap3A_1147 = vector.load %arg9[%swap3A_1145, %swap3A_1146] : memref<4096x1xf32, #tpu.memory_space<vmem>>, vector<128x1xf32>
    tpu.vector_store %arg9[%swap3A_1145, %swap3A_1146], %select_n3A_1130 {strides = array<i32>} : memref<4096x1xf32, #tpu.memory_space<vmem>>, vector<128x1xf32>,
    %swap3A_1148 = arith.constant 1152 : index
    %swap3A_1149 = arith.constant 0 : index
    %swap3A_1150 = vector.load %arg7[%swap3A_1148, %swap3A_1149] : memref<4096x1xf32, #tpu.memory_space<vmem>>, vector<128x1xf32>
    tpu.vector_store %arg7[%swap3A_1148, %swap3A_1149], %select_n3A_1134 {strides = array<i32>} : memref<4096x1xf32, #tpu.memory_space<vmem>>, vector<128x1xf32>,
    %swap3A_1151 = arith.constant 1152 : index
    %swap3A_1152 = arith.constant 0 : index
    %swap3A_1153 = vector.load %arg10[%swap3A_1151, %swap3A_1152] : memref<4096x1xf32, #tpu.memory_space<vmem>>, vector<128x1xf32>
    tpu.vector_store %arg10[%swap3A_1151, %swap3A_1152], %select_n3A_1135 {strides = array<i32>} : memref<4096x1xf32, #tpu.memory_space<vmem>>, vector<128x1xf32>,
    %get3A_1154 = arith.constant 1280 : index
    %get3A_1155 = arith.constant 0 : index
    %get3A_1156 = vector.load %arg1[%get3A_1154, %get3A_1155] : memref<4096x256xbf16, #tpu.memory_space<vmem>>, vector<128x256xbf16>
    %get3A_1157 = arith.constant 1280 : index
    %get3A_1158 = arith.constant 0 : index
    %get3A_1159 = vector.load %arg2[%get3A_1157, %get3A_1158] : memref<4096x1xf32, #tpu.memory_space<vmem>>, vector<128x1xf32>
    %dot_general3A_1160 = arith.constant dense<0.000000e+00> : vector<128x2048xf32>
    %dot_general3A_1161 = tpu.matmul %get3A_1156, %get3A_3, %dot_general3A_1160 {dimension_numbers = #tpu.dot_dimension_numbers<[1], [1], [0], [0], [0, 0, 1, 0], [], []>, transpose_lhs_hint = false} : vector<128x256xbf16>, vector<2048x256xbf16>, vector<128x2048xf32> -> vector<128x2048xf32>
    %add3A_1162 = vector.broadcast %get3A_1159 : vector<128x1xf32> to vector<128x2048xf32>
    %add3A_1163 = vector.broadcast %get3A_6 : vector<1x2048xf32> to vector<128x2048xf32>
    %add3A_1164 = arith.addf %add3A_1162, %add3A_1163 : vector<128x2048xf32>
    %add3A_1165 = arith.addf %add3A_1164, %dot_general3A_1161 : vector<128x2048xf32>
    %reduce_min3A_1166 = arith.constant dense<0x7F800000> : vector<128xf32>
    %reduce_min3A_1167 = vector.multi_reduction <minimumf>, %add3A_1165, %reduce_min3A_1166 [1] : vector<128x2048xf32> to vector<128xf32>
    %broadcast_in_dim3A_1168 = vector.shape_cast %reduce_min3A_1167 : vector<128xf32> to vector<128x1xf32>
    %eq3A_1169 = vector.broadcast %broadcast_in_dim3A_1168 : vector<128x1xf32> to vector<128x2048xf32>
    %eq3A_1170 = arith.cmpf oeq, %add3A_1165, %eq3A_1169 : vector<128x2048xf32>
    %jit3A_1171 = arith.constant 1.07374182E+9 : f32
    %broadcast_in_dim3A_1172 = vector.broadcast %jit3A_1171 : f32 to vector<128x2048xf32>
    %select_n3A_1173 = arith.select %eq3A_1170, %add3A_10, %broadcast_in_dim3A_1172 : vector<128x2048xi1>, vector<128x2048xf32>
    %reduce_min3A_1174 = arith.constant dense<0x7F800000> : vector<128xf32>
    %reduce_min3A_1175 = vector.multi_reduction <minimumf>, %select_n3A_1173, %reduce_min3A_1174 [1] : vector<128x2048xf32> to vector<128xf32>
    %broadcast_in_dim3A_1176 = vector.shape_cast %reduce_min3A_1175 : vector<128xf32> to vector<128x1xf32>
    %eq3A_1177 = vector.broadcast %broadcast_in_dim3A_1176 : vector<128x1xf32> to vector<128x2048xf32>
    %eq3A_1178 = arith.cmpf oeq, %add3A_10, %eq3A_1177 : vector<128x2048xf32>
    %jit3A_1179 = arith.constant 1.000000e+30 : f32
    %broadcast_in_dim3A_1180 = vector.broadcast %jit3A_1179 : f32 to vector<128x2048xf32>
    %select_n3A_1181 = arith.select %eq3A_1178, %broadcast_in_dim3A_1180, %add3A_1165 : vector<128x2048xi1>, vector<128x2048xf32>
    %reduce_min3A_1182 = arith.constant dense<0x7F800000> : vector<128xf32>
    %reduce_min3A_1183 = vector.multi_reduction <minimumf>, %select_n3A_1181, %reduce_min3A_1182 [1] : vector<128x2048xf32> to vector<128xf32>
    %broadcast_in_dim3A_1184 = vector.shape_cast %reduce_min3A_1183 : vector<128xf32> to vector<128x1xf32>
    %eq3A_1185 = vector.broadcast %broadcast_in_dim3A_1184 : vector<128x1xf32> to vector<128x2048xf32>
    %eq3A_1186 = arith.cmpf oeq, %select_n3A_1181, %eq3A_1185 : vector<128x2048xf32>
    %jit3A_1187 = arith.constant 1.07374182E+9 : f32
    %broadcast_in_dim3A_1188 = vector.broadcast %jit3A_1187 : f32 to vector<128x2048xf32>
    %select_n3A_1189 = arith.select %eq3A_1186, %add3A_10, %broadcast_in_dim3A_1188 : vector<128x2048xi1>, vector<128x2048xf32>
    %reduce_min3A_1190 = arith.constant dense<0x7F800000> : vector<128xf32>
    %reduce_min3A_1191 = vector.multi_reduction <minimumf>, %select_n3A_1189, %reduce_min3A_1190 [1] : vector<128x2048xf32> to vector<128xf32>
    %broadcast_in_dim3A_1192 = vector.shape_cast %reduce_min3A_1191 : vector<128xf32> to vector<128x1xf32>
    %eq3A_1193 = vector.broadcast %broadcast_in_dim3A_1192 : vector<128x1xf32> to vector<128x2048xf32>
    %eq3A_1194 = arith.cmpf oeq, %add3A_10, %eq3A_1193 : vector<128x2048xf32>
    %jit3A_1195 = arith.constant 1.000000e+30 : f32
    %broadcast_in_dim3A_1196 = vector.broadcast %jit3A_1195 : f32 to vector<128x2048xf32>
    %select_n3A_1197 = arith.select %eq3A_1194, %broadcast_in_dim3A_1196, %select_n3A_1181 : vector<128x2048xi1>, vector<128x2048xf32>
    %reduce_min3A_1198 = arith.constant dense<0x7F800000> : vector<128xf32>
    %reduce_min3A_1199 = vector.multi_reduction <minimumf>, %select_n3A_1197, %reduce_min3A_1198 [1] : vector<128x2048xf32> to vector<128xf32>
    %broadcast_in_dim3A_1200 = vector.shape_cast %reduce_min3A_1199 : vector<128xf32> to vector<128x1xf32>
    %eq3A_1201 = vector.broadcast %broadcast_in_dim3A_1200 : vector<128x1xf32> to vector<128x2048xf32>
    %eq3A_1202 = arith.cmpf oeq, %select_n3A_1197, %eq3A_1201 : vector<128x2048xf32>
    %jit3A_1203 = arith.constant 1.07374182E+9 : f32
    %broadcast_in_dim3A_1204 = vector.broadcast %jit3A_1203 : f32 to vector<128x2048xf32>
    %select_n3A_1205 = arith.select %eq3A_1202, %add3A_10, %broadcast_in_dim3A_1204 : vector<128x2048xi1>, vector<128x2048xf32>
    %reduce_min3A_1206 = arith.constant dense<0x7F800000> : vector<128xf32>
    %reduce_min3A_1207 = vector.multi_reduction <minimumf>, %select_n3A_1205, %reduce_min3A_1206 [1] : vector<128x2048xf32> to vector<128xf32>
    %broadcast_in_dim3A_1208 = vector.shape_cast %reduce_min3A_1207 : vector<128xf32> to vector<128x1xf32>
    %get3A_1209 = arith.constant 1280 : index
    %get3A_1210 = arith.constant 0 : index
    %get3A_1211 = vector.load %arg5[%get3A_1209, %get3A_1210] : memref<4096x1xf32, #tpu.memory_space<vmem>>, vector<128x1xf32>
    %get3A_1212 = arith.constant 1280 : index
    %get3A_1213 = arith.constant 0 : index
    %get3A_1214 = vector.load %arg8[%get3A_1212, %get3A_1213] : memref<4096x1xf32, #tpu.memory_space<vmem>>, vector<128x1xf32>
    %get3A_1215 = arith.constant 1280 : index
    %get3A_1216 = arith.constant 0 : index
    %get3A_1217 = vector.load %arg6[%get3A_1215, %get3A_1216] : memref<4096x1xf32, #tpu.memory_space<vmem>>, vector<128x1xf32>
    %get3A_1218 = arith.constant 1280 : index
    %get3A_1219 = arith.constant 0 : index
    %get3A_1220 = vector.load %arg9[%get3A_1218, %get3A_1219] : memref<4096x1xf32, #tpu.memory_space<vmem>>, vector<128x1xf32>
    %get3A_1221 = arith.constant 1280 : index
    %get3A_1222 = arith.constant 0 : index
    %get3A_1223 = vector.load %arg7[%get3A_1221, %get3A_1222] : memref<4096x1xf32, #tpu.memory_space<vmem>>, vector<128x1xf32>
    %get3A_1224 = arith.constant 1280 : index
    %get3A_1225 = arith.constant 0 : index
    %get3A_1226 = vector.load %arg10[%get3A_1224, %get3A_1225] : memref<4096x1xf32, #tpu.memory_space<vmem>>, vector<128x1xf32>
    %le3A_1227 = arith.cmpf ole, %get3A_1223, %broadcast_in_dim3A_1168 : vector<128x1xf32>
    %select_n3A_1228 = arith.select %le3A_1227, %get3A_1223, %broadcast_in_dim3A_1168 : vector<128x1xi1>, vector<128x1xf32>
    %select_n3A_1229 = arith.select %le3A_1227, %get3A_1226, %broadcast_in_dim3A_1176 : vector<128x1xi1>, vector<128x1xf32>
    %le3A_1230 = arith.cmpf ole, %get3A_1217, %select_n3A_1228 : vector<128x1xf32>
    %select_n3A_1231 = arith.select %le3A_1230, %get3A_1217, %select_n3A_1228 : vector<128x1xi1>, vector<128x1xf32>
    %select_n3A_1232 = arith.select %le3A_1230, %get3A_1220, %select_n3A_1229 : vector<128x1xi1>, vector<128x1xf32>
    %select_n3A_1233 = arith.select %le3A_1230, %select_n3A_1228, %get3A_1217 : vector<128x1xi1>, vector<128x1xf32>
    %select_n3A_1234 = arith.select %le3A_1230, %select_n3A_1229, %get3A_1220 : vector<128x1xi1>, vector<128x1xf32>
    %le3A_1235 = arith.cmpf ole, %get3A_1211, %select_n3A_1231 : vector<128x1xf32>
    %select_n3A_1236 = arith.select %le3A_1235, %get3A_1211, %select_n3A_1231 : vector<128x1xi1>, vector<128x1xf32>
    %select_n3A_1237 = arith.select %le3A_1235, %get3A_1214, %select_n3A_1232 : vector<128x1xi1>, vector<128x1xf32>
    %select_n3A_1238 = arith.select %le3A_1235, %select_n3A_1231, %get3A_1211 : vector<128x1xi1>, vector<128x1xf32>
    %select_n3A_1239 = arith.select %le3A_1235, %select_n3A_1232, %get3A_1214 : vector<128x1xi1>, vector<128x1xf32>
    %le3A_1240 = arith.cmpf ole, %select_n3A_1233, %broadcast_in_dim3A_1184 : vector<128x1xf32>
    %select_n3A_1241 = arith.select %le3A_1240, %select_n3A_1233, %broadcast_in_dim3A_1184 : vector<128x1xi1>, vector<128x1xf32>
    %select_n3A_1242 = arith.select %le3A_1240, %select_n3A_1234, %broadcast_in_dim3A_1192 : vector<128x1xi1>, vector<128x1xf32>
    %le3A_1243 = arith.cmpf ole, %select_n3A_1238, %select_n3A_1241 : vector<128x1xf32>
    %select_n3A_1244 = arith.select %le3A_1243, %select_n3A_1238, %select_n3A_1241 : vector<128x1xi1>, vector<128x1xf32>
    %select_n3A_1245 = arith.select %le3A_1243, %select_n3A_1239, %select_n3A_1242 : vector<128x1xi1>, vector<128x1xf32>
    %select_n3A_1246 = arith.select %le3A_1243, %select_n3A_1241, %select_n3A_1238 : vector<128x1xi1>, vector<128x1xf32>
    %select_n3A_1247 = arith.select %le3A_1243, %select_n3A_1242, %select_n3A_1239 : vector<128x1xi1>, vector<128x1xf32>
    %le3A_1248 = arith.cmpf ole, %select_n3A_1246, %broadcast_in_dim3A_1200 : vector<128x1xf32>
    %select_n3A_1249 = arith.select %le3A_1248, %select_n3A_1246, %broadcast_in_dim3A_1200 : vector<128x1xi1>, vector<128x1xf32>
    %select_n3A_1250 = arith.select %le3A_1248, %select_n3A_1247, %broadcast_in_dim3A_1208 : vector<128x1xi1>, vector<128x1xf32>
    %swap3A_1251 = arith.constant 1280 : index
    %swap3A_1252 = arith.constant 0 : index
    %swap3A_1253 = vector.load %arg5[%swap3A_1251, %swap3A_1252] : memref<4096x1xf32, #tpu.memory_space<vmem>>, vector<128x1xf32>
    tpu.vector_store %arg5[%swap3A_1251, %swap3A_1252], %select_n3A_1236 {strides = array<i32>} : memref<4096x1xf32, #tpu.memory_space<vmem>>, vector<128x1xf32>,
    %swap3A_1254 = arith.constant 1280 : index
    %swap3A_1255 = arith.constant 0 : index
    %swap3A_1256 = vector.load %arg8[%swap3A_1254, %swap3A_1255] : memref<4096x1xf32, #tpu.memory_space<vmem>>, vector<128x1xf32>
    tpu.vector_store %arg8[%swap3A_1254, %swap3A_1255], %select_n3A_1237 {strides = array<i32>} : memref<4096x1xf32, #tpu.memory_space<vmem>>, vector<128x1xf32>,
    %swap3A_1257 = arith.constant 1280 : index
    %swap3A_1258 = arith.constant 0 : index
    %swap3A_1259 = vector.load %arg6[%swap3A_1257, %swap3A_1258] : memref<4096x1xf32, #tpu.memory_space<vmem>>, vector<128x1xf32>
    tpu.vector_store %arg6[%swap3A_1257, %swap3A_1258], %select_n3A_1244 {strides = array<i32>} : memref<4096x1xf32, #tpu.memory_space<vmem>>, vector<128x1xf32>,
    %swap3A_1260 = arith.constant 1280 : index
    %swap3A_1261 = arith.constant 0 : index
    %swap3A_1262 = vector.load %arg9[%swap3A_1260, %swap3A_1261] : memref<4096x1xf32, #tpu.memory_space<vmem>>, vector<128x1xf32>
    tpu.vector_store %arg9[%swap3A_1260, %swap3A_1261], %select_n3A_1245 {strides = array<i32>} : memref<4096x1xf32, #tpu.memory_space<vmem>>, vector<128x1xf32>,
    %swap3A_1263 = arith.constant 1280 : index
    %swap3A_1264 = arith.constant 0 : index
    %swap3A_1265 = vector.load %arg7[%swap3A_1263, %swap3A_1264] : memref<4096x1xf32, #tpu.memory_space<vmem>>, vector<128x1xf32>
    tpu.vector_store %arg7[%swap3A_1263, %swap3A_1264], %select_n3A_1249 {strides = array<i32>} : memref<4096x1xf32, #tpu.memory_space<vmem>>, vector<128x1xf32>,
    %swap3A_1266 = arith.constant 1280 : index
    %swap3A_1267 = arith.constant 0 : index
    %swap3A_1268 = vector.load %arg10[%swap3A_1266, %swap3A_1267] : memref<4096x1xf32, #tpu.memory_space<vmem>>, vector<128x1xf32>
    tpu.vector_store %arg10[%swap3A_1266, %swap3A_1267], %select_n3A_1250 {strides = array<i32>} : memref<4096x1xf32, #tpu.memory_space<vmem>>, vector<128x1xf32>,
    %get3A_1269 = arith.constant 1408 : index
    %get3A_1270 = arith.constant 0 : index
    %get3A_1271 = vector.load %arg1[%get3A_1269, %get3A_1270] : memref<4096x256xbf16, #tpu.memory_space<vmem>>, vector<128x256xbf16>
    %get3A_1272 = arith.constant 1408 : index
    %get3A_1273 = arith.constant 0 : index
    %get3A_1274 = vector.load %arg2[%get3A_1272, %get3A_1273] : memref<4096x1xf32, #tpu.memory_space<vmem>>, vector<128x1xf32>
    %dot_general3A_1275 = arith.constant dense<0.000000e+00> : vector<128x2048xf32>
    %dot_general3A_1276 = tpu.matmul %get3A_1271, %get3A_3, %dot_general3A_1275 {dimension_numbers = #tpu.dot_dimension_numbers<[1], [1], [0], [0], [0, 0, 1, 0], [], []>, transpose_lhs_hint = false} : vector<128x256xbf16>, vector<2048x256xbf16>, vector<128x2048xf32> -> vector<128x2048xf32>
    %add3A_1277 = vector.broadcast %get3A_1274 : vector<128x1xf32> to vector<128x2048xf32>
    %add3A_1278 = vector.broadcast %get3A_6 : vector<1x2048xf32> to vector<128x2048xf32>
    %add3A_1279 = arith.addf %add3A_1277, %add3A_1278 : vector<128x2048xf32>
    %add3A_1280 = arith.addf %add3A_1279, %dot_general3A_1276 : vector<128x2048xf32>
    %reduce_min3A_1281 = arith.constant dense<0x7F800000> : vector<128xf32>
    %reduce_min3A_1282 = vector.multi_reduction <minimumf>, %add3A_1280, %reduce_min3A_1281 [1] : vector<128x2048xf32> to vector<128xf32>
    %broadcast_in_dim3A_1283 = vector.shape_cast %reduce_min3A_1282 : vector<128xf32> to vector<128x1xf32>
    %eq3A_1284 = vector.broadcast %broadcast_in_dim3A_1283 : vector<128x1xf32> to vector<128x2048xf32>
    %eq3A_1285 = arith.cmpf oeq, %add3A_1280, %eq3A_1284 : vector<128x2048xf32>
    %jit3A_1286 = arith.constant 1.07374182E+9 : f32
    %broadcast_in_dim3A_1287 = vector.broadcast %jit3A_1286 : f32 to vector<128x2048xf32>
    %select_n3A_1288 = arith.select %eq3A_1285, %add3A_10, %broadcast_in_dim3A_1287 : vector<128x2048xi1>, vector<128x2048xf32>
    %reduce_min3A_1289 = arith.constant dense<0x7F800000> : vector<128xf32>
    %reduce_min3A_1290 = vector.multi_reduction <minimumf>, %select_n3A_1288, %reduce_min3A_1289 [1] : vector<128x2048xf32> to vector<128xf32>
    %broadcast_in_dim3A_1291 = vector.shape_cast %reduce_min3A_1290 : vector<128xf32> to vector<128x1xf32>
    %eq3A_1292 = vector.broadcast %broadcast_in_dim3A_1291 : vector<128x1xf32> to vector<128x2048xf32>
    %eq3A_1293 = arith.cmpf oeq, %add3A_10, %eq3A_1292 : vector<128x2048xf32>
    %jit3A_1294 = arith.constant 1.000000e+30 : f32
    %broadcast_in_dim3A_1295 = vector.broadcast %jit3A_1294 : f32 to vector<128x2048xf32>
    %select_n3A_1296 = arith.select %eq3A_1293, %broadcast_in_dim3A_1295, %add3A_1280 : vector<128x2048xi1>, vector<128x2048xf32>
    %reduce_min3A_1297 = arith.constant dense<0x7F800000> : vector<128xf32>
    %reduce_min3A_1298 = vector.multi_reduction <minimumf>, %select_n3A_1296, %reduce_min3A_1297 [1] : vector<128x2048xf32> to vector<128xf32>
    %broadcast_in_dim3A_1299 = vector.shape_cast %reduce_min3A_1298 : vector<128xf32> to vector<128x1xf32>
    %eq3A_1300 = vector.broadcast %broadcast_in_dim3A_1299 : vector<128x1xf32> to vector<128x2048xf32>
    %eq3A_1301 = arith.cmpf oeq, %select_n3A_1296, %eq3A_1300 : vector<128x2048xf32>
    %jit3A_1302 = arith.constant 1.07374182E+9 : f32
    %broadcast_in_dim3A_1303 = vector.broadcast %jit3A_1302 : f32 to vector<128x2048xf32>
    %select_n3A_1304 = arith.select %eq3A_1301, %add3A_10, %broadcast_in_dim3A_1303 : vector<128x2048xi1>, vector<128x2048xf32>
    %reduce_min3A_1305 = arith.constant dense<0x7F800000> : vector<128xf32>
    %reduce_min3A_1306 = vector.multi_reduction <minimumf>, %select_n3A_1304, %reduce_min3A_1305 [1] : vector<128x2048xf32> to vector<128xf32>
    %broadcast_in_dim3A_1307 = vector.shape_cast %reduce_min3A_1306 : vector<128xf32> to vector<128x1xf32>
    %eq3A_1308 = vector.broadcast %broadcast_in_dim3A_1307 : vector<128x1xf32> to vector<128x2048xf32>
    %eq3A_1309 = arith.cmpf oeq, %add3A_10, %eq3A_1308 : vector<128x2048xf32>
    %jit3A_1310 = arith.constant 1.000000e+30 : f32
    %broadcast_in_dim3A_1311 = vector.broadcast %jit3A_1310 : f32 to vector<128x2048xf32>
    %select_n3A_1312 = arith.select %eq3A_1309, %broadcast_in_dim3A_1311, %select_n3A_1296 : vector<128x2048xi1>, vector<128x2048xf32>
    %reduce_min3A_1313 = arith.constant dense<0x7F800000> : vector<128xf32>
    %reduce_min3A_1314 = vector.multi_reduction <minimumf>, %select_n3A_1312, %reduce_min3A_1313 [1] : vector<128x2048xf32> to vector<128xf32>
    %broadcast_in_dim3A_1315 = vector.shape_cast %reduce_min3A_1314 : vector<128xf32> to vector<128x1xf32>
    %eq3A_1316 = vector.broadcast %broadcast_in_dim3A_1315 : vector<128x1xf32> to vector<128x2048xf32>
    %eq3A_1317 = arith.cmpf oeq, %select_n3A_1312, %eq3A_1316 : vector<128x2048xf32>
    %jit3A_1318 = arith.constant 1.07374182E+9 : f32
    %broadcast_in_dim3A_1319 = vector.broadcast %jit3A_1318 : f32 to vector<128x2048xf32>
    %select_n3A_1320 = arith.select %eq3A_1317, %add3A_10, %broadcast_in_dim3A_1319 : vector<128x2048xi1>, vector<128x2048xf32>
    %reduce_min3A_1321 = arith.constant dense<0x7F800000> : vector<128xf32>
    %reduce_min3A_1322 = vector.multi_reduction <minimumf>, %select_n3A_1320, %reduce_min3A_1321 [1] : vector<128x2048xf32> to vector<128xf32>
    %broadcast_in_dim3A_1323 = vector.shape_cast %reduce_min3A_1322 : vector<128xf32> to vector<128x1xf32>
    %get3A_1324 = arith.constant 1408 : index
    %get3A_1325 = arith.constant 0 : index
    %get3A_1326 = vector.load %arg5[%get3A_1324, %get3A_1325] : memref<4096x1xf32, #tpu.memory_space<vmem>>, vector<128x1xf32>
    %get3A_1327 = arith.constant 1408 : index
    %get3A_1328 = arith.constant 0 : index
    %get3A_1329 = vector.load %arg8[%get3A_1327, %get3A_1328] : memref<4096x1xf32, #tpu.memory_space<vmem>>, vector<128x1xf32>
    %get3A_1330 = arith.constant 1408 : index
    %get3A_1331 = arith.constant 0 : index
    %get3A_1332 = vector.load %arg6[%get3A_1330, %get3A_1331] : memref<4096x1xf32, #tpu.memory_space<vmem>>, vector<128x1xf32>
    %get3A_1333 = arith.constant 1408 : index
    %get3A_1334 = arith.constant 0 : index
    %get3A_1335 = vector.load %arg9[%get3A_1333, %get3A_1334] : memref<4096x1xf32, #tpu.memory_space<vmem>>, vector<128x1xf32>
    %get3A_1336 = arith.constant 1408 : index
    %get3A_1337 = arith.constant 0 : index
    %get3A_1338 = vector.load %arg7[%get3A_1336, %get3A_1337] : memref<4096x1xf32, #tpu.memory_space<vmem>>, vector<128x1xf32>
    %get3A_1339 = arith.constant 1408 : index
    %get3A_1340 = arith.constant 0 : index
    %get3A_1341 = vector.load %arg10[%get3A_1339, %get3A_1340] : memref<4096x1xf32, #tpu.memory_space<vmem>>, vector<128x1xf32>
    %le3A_1342 = arith.cmpf ole, %get3A_1338, %broadcast_in_dim3A_1283 : vector<128x1xf32>
    %select_n3A_1343 = arith.select %le3A_1342, %get3A_1338, %broadcast_in_dim3A_1283 : vector<128x1xi1>, vector<128x1xf32>
    %select_n3A_1344 = arith.select %le3A_1342, %get3A_1341, %broadcast_in_dim3A_1291 : vector<128x1xi1>, vector<128x1xf32>
    %le3A_1345 = arith.cmpf ole, %get3A_1332, %select_n3A_1343 : vector<128x1xf32>
    %select_n3A_1346 = arith.select %le3A_1345, %get3A_1332, %select_n3A_1343 : vector<128x1xi1>, vector<128x1xf32>
    %select_n3A_1347 = arith.select %le3A_1345, %get3A_1335, %select_n3A_1344 : vector<128x1xi1>, vector<128x1xf32>
    %select_n3A_1348 = arith.select %le3A_1345, %select_n3A_1343, %get3A_1332 : vector<128x1xi1>, vector<128x1xf32>
    %select_n3A_1349 = arith.select %le3A_1345, %select_n3A_1344, %get3A_1335 : vector<128x1xi1>, vector<128x1xf32>
    %le3A_1350 = arith.cmpf ole, %get3A_1326, %select_n3A_1346 : vector<128x1xf32>
    %select_n3A_1351 = arith.select %le3A_1350, %get3A_1326, %select_n3A_1346 : vector<128x1xi1>, vector<128x1xf32>
    %select_n3A_1352 = arith.select %le3A_1350, %get3A_1329, %select_n3A_1347 : vector<128x1xi1>, vector<128x1xf32>
    %select_n3A_1353 = arith.select %le3A_1350, %select_n3A_1346, %get3A_1326 : vector<128x1xi1>, vector<128x1xf32>
    %select_n3A_1354 = arith.select %le3A_1350, %select_n3A_1347, %get3A_1329 : vector<128x1xi1>, vector<128x1xf32>
    %le3A_1355 = arith.cmpf ole, %select_n3A_1348, %broadcast_in_dim3A_1299 : vector<128x1xf32>
    %select_n3A_1356 = arith.select %le3A_1355, %select_n3A_1348, %broadcast_in_dim3A_1299 : vector<128x1xi1>, vector<128x1xf32>
    %select_n3A_1357 = arith.select %le3A_1355, %select_n3A_1349, %broadcast_in_dim3A_1307 : vector<128x1xi1>, vector<128x1xf32>
    %le3A_1358 = arith.cmpf ole, %select_n3A_1353, %select_n3A_1356 : vector<128x1xf32>
    %select_n3A_1359 = arith.select %le3A_1358, %select_n3A_1353, %select_n3A_1356 : vector<128x1xi1>, vector<128x1xf32>
    %select_n3A_1360 = arith.select %le3A_1358, %select_n3A_1354, %select_n3A_1357 : vector<128x1xi1>, vector<128x1xf32>
    %select_n3A_1361 = arith.select %le3A_1358, %select_n3A_1356, %select_n3A_1353 : vector<128x1xi1>, vector<128x1xf32>
    %select_n3A_1362 = arith.select %le3A_1358, %select_n3A_1357, %select_n3A_1354 : vector<128x1xi1>, vector<128x1xf32>
    %le3A_1363 = arith.cmpf ole, %select_n3A_1361, %broadcast_in_dim3A_1315 : vector<128x1xf32>
    %select_n3A_1364 = arith.select %le3A_1363, %select_n3A_1361, %broadcast_in_dim3A_1315 : vector<128x1xi1>, vector<128x1xf32>
    %select_n3A_1365 = arith.select %le3A_1363, %select_n3A_1362, %broadcast_in_dim3A_1323 : vector<128x1xi1>, vector<128x1xf32>
    %swap3A_1366 = arith.constant 1408 : index
    %swap3A_1367 = arith.constant 0 : index
    %swap3A_1368 = vector.load %arg5[%swap3A_1366, %swap3A_1367] : memref<4096x1xf32, #tpu.memory_space<vmem>>, vector<128x1xf32>
    tpu.vector_store %arg5[%swap3A_1366, %swap3A_1367], %select_n3A_1351 {strides = array<i32>} : memref<4096x1xf32, #tpu.memory_space<vmem>>, vector<128x1xf32>,
    %swap3A_1369 = arith.constant 1408 : index
    %swap3A_1370 = arith.constant 0 : index
    %swap3A_1371 = vector.load %arg8[%swap3A_1369, %swap3A_1370] : memref<4096x1xf32, #tpu.memory_space<vmem>>, vector<128x1xf32>
    tpu.vector_store %arg8[%swap3A_1369, %swap3A_1370], %select_n3A_1352 {strides = array<i32>} : memref<4096x1xf32, #tpu.memory_space<vmem>>, vector<128x1xf32>,
    %swap3A_1372 = arith.constant 1408 : index
    %swap3A_1373 = arith.constant 0 : index
    %swap3A_1374 = vector.load %arg6[%swap3A_1372, %swap3A_1373] : memref<4096x1xf32, #tpu.memory_space<vmem>>, vector<128x1xf32>
    tpu.vector_store %arg6[%swap3A_1372, %swap3A_1373], %select_n3A_1359 {strides = array<i32>} : memref<4096x1xf32, #tpu.memory_space<vmem>>, vector<128x1xf32>,
    %swap3A_1375 = arith.constant 1408 : index
    %swap3A_1376 = arith.constant 0 : index
    %swap3A_1377 = vector.load %arg9[%swap3A_1375, %swap3A_1376] : memref<4096x1xf32, #tpu.memory_space<vmem>>, vector<128x1xf32>
    tpu.vector_store %arg9[%swap3A_1375, %swap3A_1376], %select_n3A_1360 {strides = array<i32>} : memref<4096x1xf32, #tpu.memory_space<vmem>>, vector<128x1xf32>,
    %swap3A_1378 = arith.constant 1408 : index
    %swap3A_1379 = arith.constant 0 : index
    %swap3A_1380 = vector.load %arg7[%swap3A_1378, %swap3A_1379] : memref<4096x1xf32, #tpu.memory_space<vmem>>, vector<128x1xf32>
    tpu.vector_store %arg7[%swap3A_1378, %swap3A_1379], %select_n3A_1364 {strides = array<i32>} : memref<4096x1xf32, #tpu.memory_space<vmem>>, vector<128x1xf32>,
    %swap3A_1381 = arith.constant 1408 : index
    %swap3A_1382 = arith.constant 0 : index
    %swap3A_1383 = vector.load %arg10[%swap3A_1381, %swap3A_1382] : memref<4096x1xf32, #tpu.memory_space<vmem>>, vector<128x1xf32>
    tpu.vector_store %arg10[%swap3A_1381, %swap3A_1382], %select_n3A_1365 {strides = array<i32>} : memref<4096x1xf32, #tpu.memory_space<vmem>>, vector<128x1xf32>,
    %get3A_1384 = arith.constant 1536 : index
    %get3A_1385 = arith.constant 0 : index
    %get3A_1386 = vector.load %arg1[%get3A_1384, %get3A_1385] : memref<4096x256xbf16, #tpu.memory_space<vmem>>, vector<128x256xbf16>
    %get3A_1387 = arith.constant 1536 : index
    %get3A_1388 = arith.constant 0 : index
    %get3A_1389 = vector.load %arg2[%get3A_1387, %get3A_1388] : memref<4096x1xf32, #tpu.memory_space<vmem>>, vector<128x1xf32>
    %dot_general3A_1390 = arith.constant dense<0.000000e+00> : vector<128x2048xf32>
    %dot_general3A_1391 = tpu.matmul %get3A_1386, %get3A_3, %dot_general3A_1390 {dimension_numbers = #tpu.dot_dimension_numbers<[1], [1], [0], [0], [0, 0, 1, 0], [], []>, transpose_lhs_hint = false} : vector<128x256xbf16>, vector<2048x256xbf16>, vector<128x2048xf32> -> vector<128x2048xf32>
    %add3A_1392 = vector.broadcast %get3A_1389 : vector<128x1xf32> to vector<128x2048xf32>
    %add3A_1393 = vector.broadcast %get3A_6 : vector<1x2048xf32> to vector<128x2048xf32>
    %add3A_1394 = arith.addf %add3A_1392, %add3A_1393 : vector<128x2048xf32>
    %add3A_1395 = arith.addf %add3A_1394, %dot_general3A_1391 : vector<128x2048xf32>
    %reduce_min3A_1396 = arith.constant dense<0x7F800000> : vector<128xf32>
    %reduce_min3A_1397 = vector.multi_reduction <minimumf>, %add3A_1395, %reduce_min3A_1396 [1] : vector<128x2048xf32> to vector<128xf32>
    %broadcast_in_dim3A_1398 = vector.shape_cast %reduce_min3A_1397 : vector<128xf32> to vector<128x1xf32>
    %eq3A_1399 = vector.broadcast %broadcast_in_dim3A_1398 : vector<128x1xf32> to vector<128x2048xf32>
    %eq3A_1400 = arith.cmpf oeq, %add3A_1395, %eq3A_1399 : vector<128x2048xf32>
    %jit3A_1401 = arith.constant 1.07374182E+9 : f32
    %broadcast_in_dim3A_1402 = vector.broadcast %jit3A_1401 : f32 to vector<128x2048xf32>
    %select_n3A_1403 = arith.select %eq3A_1400, %add3A_10, %broadcast_in_dim3A_1402 : vector<128x2048xi1>, vector<128x2048xf32>
    %reduce_min3A_1404 = arith.constant dense<0x7F800000> : vector<128xf32>
    %reduce_min3A_1405 = vector.multi_reduction <minimumf>, %select_n3A_1403, %reduce_min3A_1404 [1] : vector<128x2048xf32> to vector<128xf32>
    %broadcast_in_dim3A_1406 = vector.shape_cast %reduce_min3A_1405 : vector<128xf32> to vector<128x1xf32>
    %eq3A_1407 = vector.broadcast %broadcast_in_dim3A_1406 : vector<128x1xf32> to vector<128x2048xf32>
    %eq3A_1408 = arith.cmpf oeq, %add3A_10, %eq3A_1407 : vector<128x2048xf32>
    %jit3A_1409 = arith.constant 1.000000e+30 : f32
    %broadcast_in_dim3A_1410 = vector.broadcast %jit3A_1409 : f32 to vector<128x2048xf32>
    %select_n3A_1411 = arith.select %eq3A_1408, %broadcast_in_dim3A_1410, %add3A_1395 : vector<128x2048xi1>, vector<128x2048xf32>
    %reduce_min3A_1412 = arith.constant dense<0x7F800000> : vector<128xf32>
    %reduce_min3A_1413 = vector.multi_reduction <minimumf>, %select_n3A_1411, %reduce_min3A_1412 [1] : vector<128x2048xf32> to vector<128xf32>
    %broadcast_in_dim3A_1414 = vector.shape_cast %reduce_min3A_1413 : vector<128xf32> to vector<128x1xf32>
    %eq3A_1415 = vector.broadcast %broadcast_in_dim3A_1414 : vector<128x1xf32> to vector<128x2048xf32>
    %eq3A_1416 = arith.cmpf oeq, %select_n3A_1411, %eq3A_1415 : vector<128x2048xf32>
    %jit3A_1417 = arith.constant 1.07374182E+9 : f32
    %broadcast_in_dim3A_1418 = vector.broadcast %jit3A_1417 : f32 to vector<128x2048xf32>
    %select_n3A_1419 = arith.select %eq3A_1416, %add3A_10, %broadcast_in_dim3A_1418 : vector<128x2048xi1>, vector<128x2048xf32>
    %reduce_min3A_1420 = arith.constant dense<0x7F800000> : vector<128xf32>
    %reduce_min3A_1421 = vector.multi_reduction <minimumf>, %select_n3A_1419, %reduce_min3A_1420 [1] : vector<128x2048xf32> to vector<128xf32>
    %broadcast_in_dim3A_1422 = vector.shape_cast %reduce_min3A_1421 : vector<128xf32> to vector<128x1xf32>
    %eq3A_1423 = vector.broadcast %broadcast_in_dim3A_1422 : vector<128x1xf32> to vector<128x2048xf32>
    %eq3A_1424 = arith.cmpf oeq, %add3A_10, %eq3A_1423 : vector<128x2048xf32>
    %jit3A_1425 = arith.constant 1.000000e+30 : f32
    %broadcast_in_dim3A_1426 = vector.broadcast %jit3A_1425 : f32 to vector<128x2048xf32>
    %select_n3A_1427 = arith.select %eq3A_1424, %broadcast_in_dim3A_1426, %select_n3A_1411 : vector<128x2048xi1>, vector<128x2048xf32>
    %reduce_min3A_1428 = arith.constant dense<0x7F800000> : vector<128xf32>
    %reduce_min3A_1429 = vector.multi_reduction <minimumf>, %select_n3A_1427, %reduce_min3A_1428 [1] : vector<128x2048xf32> to vector<128xf32>
    %broadcast_in_dim3A_1430 = vector.shape_cast %reduce_min3A_1429 : vector<128xf32> to vector<128x1xf32>
    %eq3A_1431 = vector.broadcast %broadcast_in_dim3A_1430 : vector<128x1xf32> to vector<128x2048xf32>
    %eq3A_1432 = arith.cmpf oeq, %select_n3A_1427, %eq3A_1431 : vector<128x2048xf32>
    %jit3A_1433 = arith.constant 1.07374182E+9 : f32
    %broadcast_in_dim3A_1434 = vector.broadcast %jit3A_1433 : f32 to vector<128x2048xf32>
    %select_n3A_1435 = arith.select %eq3A_1432, %add3A_10, %broadcast_in_dim3A_1434 : vector<128x2048xi1>, vector<128x2048xf32>
    %reduce_min3A_1436 = arith.constant dense<0x7F800000> : vector<128xf32>
    %reduce_min3A_1437 = vector.multi_reduction <minimumf>, %select_n3A_1435, %reduce_min3A_1436 [1] : vector<128x2048xf32> to vector<128xf32>
    %broadcast_in_dim3A_1438 = vector.shape_cast %reduce_min3A_1437 : vector<128xf32> to vector<128x1xf32>
    %get3A_1439 = arith.constant 1536 : index
    %get3A_1440 = arith.constant 0 : index
    %get3A_1441 = vector.load %arg5[%get3A_1439, %get3A_1440] : memref<4096x1xf32, #tpu.memory_space<vmem>>, vector<128x1xf32>
    %get3A_1442 = arith.constant 1536 : index
    %get3A_1443 = arith.constant 0 : index
    %get3A_1444 = vector.load %arg8[%get3A_1442, %get3A_1443] : memref<4096x1xf32, #tpu.memory_space<vmem>>, vector<128x1xf32>
    %get3A_1445 = arith.constant 1536 : index
    %get3A_1446 = arith.constant 0 : index
    %get3A_1447 = vector.load %arg6[%get3A_1445, %get3A_1446] : memref<4096x1xf32, #tpu.memory_space<vmem>>, vector<128x1xf32>
    %get3A_1448 = arith.constant 1536 : index
    %get3A_1449 = arith.constant 0 : index
    %get3A_1450 = vector.load %arg9[%get3A_1448, %get3A_1449] : memref<4096x1xf32, #tpu.memory_space<vmem>>, vector<128x1xf32>
    %get3A_1451 = arith.constant 1536 : index
    %get3A_1452 = arith.constant 0 : index
    %get3A_1453 = vector.load %arg7[%get3A_1451, %get3A_1452] : memref<4096x1xf32, #tpu.memory_space<vmem>>, vector<128x1xf32>
    %get3A_1454 = arith.constant 1536 : index
    %get3A_1455 = arith.constant 0 : index
    %get3A_1456 = vector.load %arg10[%get3A_1454, %get3A_1455] : memref<4096x1xf32, #tpu.memory_space<vmem>>, vector<128x1xf32>
    %le3A_1457 = arith.cmpf ole, %get3A_1453, %broadcast_in_dim3A_1398 : vector<128x1xf32>
    %select_n3A_1458 = arith.select %le3A_1457, %get3A_1453, %broadcast_in_dim3A_1398 : vector<128x1xi1>, vector<128x1xf32>
    %select_n3A_1459 = arith.select %le3A_1457, %get3A_1456, %broadcast_in_dim3A_1406 : vector<128x1xi1>, vector<128x1xf32>
    %le3A_1460 = arith.cmpf ole, %get3A_1447, %select_n3A_1458 : vector<128x1xf32>
    %select_n3A_1461 = arith.select %le3A_1460, %get3A_1447, %select_n3A_1458 : vector<128x1xi1>, vector<128x1xf32>
    %select_n3A_1462 = arith.select %le3A_1460, %get3A_1450, %select_n3A_1459 : vector<128x1xi1>, vector<128x1xf32>
    %select_n3A_1463 = arith.select %le3A_1460, %select_n3A_1458, %get3A_1447 : vector<128x1xi1>, vector<128x1xf32>
    %select_n3A_1464 = arith.select %le3A_1460, %select_n3A_1459, %get3A_1450 : vector<128x1xi1>, vector<128x1xf32>
    %le3A_1465 = arith.cmpf ole, %get3A_1441, %select_n3A_1461 : vector<128x1xf32>
    %select_n3A_1466 = arith.select %le3A_1465, %get3A_1441, %select_n3A_1461 : vector<128x1xi1>, vector<128x1xf32>
    %select_n3A_1467 = arith.select %le3A_1465, %get3A_1444, %select_n3A_1462 : vector<128x1xi1>, vector<128x1xf32>
    %select_n3A_1468 = arith.select %le3A_1465, %select_n3A_1461, %get3A_1441 : vector<128x1xi1>, vector<128x1xf32>
    %select_n3A_1469 = arith.select %le3A_1465, %select_n3A_1462, %get3A_1444 : vector<128x1xi1>, vector<128x1xf32>
    %le3A_1470 = arith.cmpf ole, %select_n3A_1463, %broadcast_in_dim3A_1414 : vector<128x1xf32>
    %select_n3A_1471 = arith.select %le3A_1470, %select_n3A_1463, %broadcast_in_dim3A_1414 : vector<128x1xi1>, vector<128x1xf32>
    %select_n3A_1472 = arith.select %le3A_1470, %select_n3A_1464, %broadcast_in_dim3A_1422 : vector<128x1xi1>, vector<128x1xf32>
    %le3A_1473 = arith.cmpf ole, %select_n3A_1468, %select_n3A_1471 : vector<128x1xf32>
    %select_n3A_1474 = arith.select %le3A_1473, %select_n3A_1468, %select_n3A_1471 : vector<128x1xi1>, vector<128x1xf32>
    %select_n3A_1475 = arith.select %le3A_1473, %select_n3A_1469, %select_n3A_1472 : vector<128x1xi1>, vector<128x1xf32>
    %select_n3A_1476 = arith.select %le3A_1473, %select_n3A_1471, %select_n3A_1468 : vector<128x1xi1>, vector<128x1xf32>
    %select_n3A_1477 = arith.select %le3A_1473, %select_n3A_1472, %select_n3A_1469 : vector<128x1xi1>, vector<128x1xf32>
    %le3A_1478 = arith.cmpf ole, %select_n3A_1476, %broadcast_in_dim3A_1430 : vector<128x1xf32>
    %select_n3A_1479 = arith.select %le3A_1478, %select_n3A_1476, %broadcast_in_dim3A_1430 : vector<128x1xi1>, vector<128x1xf32>
    %select_n3A_1480 = arith.select %le3A_1478, %select_n3A_1477, %broadcast_in_dim3A_1438 : vector<128x1xi1>, vector<128x1xf32>
    %swap3A_1481 = arith.constant 1536 : index
    %swap3A_1482 = arith.constant 0 : index
    %swap3A_1483 = vector.load %arg5[%swap3A_1481, %swap3A_1482] : memref<4096x1xf32, #tpu.memory_space<vmem>>, vector<128x1xf32>
    tpu.vector_store %arg5[%swap3A_1481, %swap3A_1482], %select_n3A_1466 {strides = array<i32>} : memref<4096x1xf32, #tpu.memory_space<vmem>>, vector<128x1xf32>,
    %swap3A_1484 = arith.constant 1536 : index
    %swap3A_1485 = arith.constant 0 : index
    %swap3A_1486 = vector.load %arg8[%swap3A_1484, %swap3A_1485] : memref<4096x1xf32, #tpu.memory_space<vmem>>, vector<128x1xf32>
    tpu.vector_store %arg8[%swap3A_1484, %swap3A_1485], %select_n3A_1467 {strides = array<i32>} : memref<4096x1xf32, #tpu.memory_space<vmem>>, vector<128x1xf32>,
    %swap3A_1487 = arith.constant 1536 : index
    %swap3A_1488 = arith.constant 0 : index
    %swap3A_1489 = vector.load %arg6[%swap3A_1487, %swap3A_1488] : memref<4096x1xf32, #tpu.memory_space<vmem>>, vector<128x1xf32>
    tpu.vector_store %arg6[%swap3A_1487, %swap3A_1488], %select_n3A_1474 {strides = array<i32>} : memref<4096x1xf32, #tpu.memory_space<vmem>>, vector<128x1xf32>,
    %swap3A_1490 = arith.constant 1536 : index
    %swap3A_1491 = arith.constant 0 : index
    %swap3A_1492 = vector.load %arg9[%swap3A_1490, %swap3A_1491] : memref<4096x1xf32, #tpu.memory_space<vmem>>, vector<128x1xf32>
    tpu.vector_store %arg9[%swap3A_1490, %swap3A_1491], %select_n3A_1475 {strides = array<i32>} : memref<4096x1xf32, #tpu.memory_space<vmem>>, vector<128x1xf32>,
    %swap3A_1493 = arith.constant 1536 : index
    %swap3A_1494 = arith.constant 0 : index
    %swap3A_1495 = vector.load %arg7[%swap3A_1493, %swap3A_1494] : memref<4096x1xf32, #tpu.memory_space<vmem>>, vector<128x1xf32>
    tpu.vector_store %arg7[%swap3A_1493, %swap3A_1494], %select_n3A_1479 {strides = array<i32>} : memref<4096x1xf32, #tpu.memory_space<vmem>>, vector<128x1xf32>,
    %swap3A_1496 = arith.constant 1536 : index
    %swap3A_1497 = arith.constant 0 : index
    %swap3A_1498 = vector.load %arg10[%swap3A_1496, %swap3A_1497] : memref<4096x1xf32, #tpu.memory_space<vmem>>, vector<128x1xf32>
    tpu.vector_store %arg10[%swap3A_1496, %swap3A_1497], %select_n3A_1480 {strides = array<i32>} : memref<4096x1xf32, #tpu.memory_space<vmem>>, vector<128x1xf32>,
    %get3A_1499 = arith.constant 1664 : index
    %get3A_1500 = arith.constant 0 : index
    %get3A_1501 = vector.load %arg1[%get3A_1499, %get3A_1500] : memref<4096x256xbf16, #tpu.memory_space<vmem>>, vector<128x256xbf16>
    %get3A_1502 = arith.constant 1664 : index
    %get3A_1503 = arith.constant 0 : index
    %get3A_1504 = vector.load %arg2[%get3A_1502, %get3A_1503] : memref<4096x1xf32, #tpu.memory_space<vmem>>, vector<128x1xf32>
    %dot_general3A_1505 = arith.constant dense<0.000000e+00> : vector<128x2048xf32>
    %dot_general3A_1506 = tpu.matmul %get3A_1501, %get3A_3, %dot_general3A_1505 {dimension_numbers = #tpu.dot_dimension_numbers<[1], [1], [0], [0], [0, 0, 1, 0], [], []>, transpose_lhs_hint = false} : vector<128x256xbf16>, vector<2048x256xbf16>, vector<128x2048xf32> -> vector<128x2048xf32>
    %add3A_1507 = vector.broadcast %get3A_1504 : vector<128x1xf32> to vector<128x2048xf32>
    %add3A_1508 = vector.broadcast %get3A_6 : vector<1x2048xf32> to vector<128x2048xf32>
    %add3A_1509 = arith.addf %add3A_1507, %add3A_1508 : vector<128x2048xf32>
    %add3A_1510 = arith.addf %add3A_1509, %dot_general3A_1506 : vector<128x2048xf32>
    %reduce_min3A_1511 = arith.constant dense<0x7F800000> : vector<128xf32>
    %reduce_min3A_1512 = vector.multi_reduction <minimumf>, %add3A_1510, %reduce_min3A_1511 [1] : vector<128x2048xf32> to vector<128xf32>
    %broadcast_in_dim3A_1513 = vector.shape_cast %reduce_min3A_1512 : vector<128xf32> to vector<128x1xf32>
    %eq3A_1514 = vector.broadcast %broadcast_in_dim3A_1513 : vector<128x1xf32> to vector<128x2048xf32>
    %eq3A_1515 = arith.cmpf oeq, %add3A_1510, %eq3A_1514 : vector<128x2048xf32>
    %jit3A_1516 = arith.constant 1.07374182E+9 : f32
    %broadcast_in_dim3A_1517 = vector.broadcast %jit3A_1516 : f32 to vector<128x2048xf32>
    %select_n3A_1518 = arith.select %eq3A_1515, %add3A_10, %broadcast_in_dim3A_1517 : vector<128x2048xi1>, vector<128x2048xf32>
    %reduce_min3A_1519 = arith.constant dense<0x7F800000> : vector<128xf32>
    %reduce_min3A_1520 = vector.multi_reduction <minimumf>, %select_n3A_1518, %reduce_min3A_1519 [1] : vector<128x2048xf32> to vector<128xf32>
    %broadcast_in_dim3A_1521 = vector.shape_cast %reduce_min3A_1520 : vector<128xf32> to vector<128x1xf32>
    %eq3A_1522 = vector.broadcast %broadcast_in_dim3A_1521 : vector<128x1xf32> to vector<128x2048xf32>
    %eq3A_1523 = arith.cmpf oeq, %add3A_10, %eq3A_1522 : vector<128x2048xf32>
    %jit3A_1524 = arith.constant 1.000000e+30 : f32
    %broadcast_in_dim3A_1525 = vector.broadcast %jit3A_1524 : f32 to vector<128x2048xf32>
    %select_n3A_1526 = arith.select %eq3A_1523, %broadcast_in_dim3A_1525, %add3A_1510 : vector<128x2048xi1>, vector<128x2048xf32>
    %reduce_min3A_1527 = arith.constant dense<0x7F800000> : vector<128xf32>
    %reduce_min3A_1528 = vector.multi_reduction <minimumf>, %select_n3A_1526, %reduce_min3A_1527 [1] : vector<128x2048xf32> to vector<128xf32>
    %broadcast_in_dim3A_1529 = vector.shape_cast %reduce_min3A_1528 : vector<128xf32> to vector<128x1xf32>
    %eq3A_1530 = vector.broadcast %broadcast_in_dim3A_1529 : vector<128x1xf32> to vector<128x2048xf32>
    %eq3A_1531 = arith.cmpf oeq, %select_n3A_1526, %eq3A_1530 : vector<128x2048xf32>
    %jit3A_1532 = arith.constant 1.07374182E+9 : f32
    %broadcast_in_dim3A_1533 = vector.broadcast %jit3A_1532 : f32 to vector<128x2048xf32>
    %select_n3A_1534 = arith.select %eq3A_1531, %add3A_10, %broadcast_in_dim3A_1533 : vector<128x2048xi1>, vector<128x2048xf32>
    %reduce_min3A_1535 = arith.constant dense<0x7F800000> : vector<128xf32>
    %reduce_min3A_1536 = vector.multi_reduction <minimumf>, %select_n3A_1534, %reduce_min3A_1535 [1] : vector<128x2048xf32> to vector<128xf32>
    %broadcast_in_dim3A_1537 = vector.shape_cast %reduce_min3A_1536 : vector<128xf32> to vector<128x1xf32>
    %eq3A_1538 = vector.broadcast %broadcast_in_dim3A_1537 : vector<128x1xf32> to vector<128x2048xf32>
    %eq3A_1539 = arith.cmpf oeq, %add3A_10, %eq3A_1538 : vector<128x2048xf32>
    %jit3A_1540 = arith.constant 1.000000e+30 : f32
    %broadcast_in_dim3A_1541 = vector.broadcast %jit3A_1540 : f32 to vector<128x2048xf32>
    %select_n3A_1542 = arith.select %eq3A_1539, %broadcast_in_dim3A_1541, %select_n3A_1526 : vector<128x2048xi1>, vector<128x2048xf32>
    %reduce_min3A_1543 = arith.constant dense<0x7F800000> : vector<128xf32>
    %reduce_min3A_1544 = vector.multi_reduction <minimumf>, %select_n3A_1542, %reduce_min3A_1543 [1] : vector<128x2048xf32> to vector<128xf32>
    %broadcast_in_dim3A_1545 = vector.shape_cast %reduce_min3A_1544 : vector<128xf32> to vector<128x1xf32>
    %eq3A_1546 = vector.broadcast %broadcast_in_dim3A_1545 : vector<128x1xf32> to vector<128x2048xf32>
    %eq3A_1547 = arith.cmpf oeq, %select_n3A_1542, %eq3A_1546 : vector<128x2048xf32>
    %jit3A_1548 = arith.constant 1.07374182E+9 : f32
    %broadcast_in_dim3A_1549 = vector.broadcast %jit3A_1548 : f32 to vector<128x2048xf32>
    %select_n3A_1550 = arith.select %eq3A_1547, %add3A_10, %broadcast_in_dim3A_1549 : vector<128x2048xi1>, vector<128x2048xf32>
    %reduce_min3A_1551 = arith.constant dense<0x7F800000> : vector<128xf32>
    %reduce_min3A_1552 = vector.multi_reduction <minimumf>, %select_n3A_1550, %reduce_min3A_1551 [1] : vector<128x2048xf32> to vector<128xf32>
    %broadcast_in_dim3A_1553 = vector.shape_cast %reduce_min3A_1552 : vector<128xf32> to vector<128x1xf32>
    %get3A_1554 = arith.constant 1664 : index
    %get3A_1555 = arith.constant 0 : index
    %get3A_1556 = vector.load %arg5[%get3A_1554, %get3A_1555] : memref<4096x1xf32, #tpu.memory_space<vmem>>, vector<128x1xf32>
    %get3A_1557 = arith.constant 1664 : index
    %get3A_1558 = arith.constant 0 : index
    %get3A_1559 = vector.load %arg8[%get3A_1557, %get3A_1558] : memref<4096x1xf32, #tpu.memory_space<vmem>>, vector<128x1xf32>
    %get3A_1560 = arith.constant 1664 : index
    %get3A_1561 = arith.constant 0 : index
    %get3A_1562 = vector.load %arg6[%get3A_1560, %get3A_1561] : memref<4096x1xf32, #tpu.memory_space<vmem>>, vector<128x1xf32>
    %get3A_1563 = arith.constant 1664 : index
    %get3A_1564 = arith.constant 0 : index
    %get3A_1565 = vector.load %arg9[%get3A_1563, %get3A_1564] : memref<4096x1xf32, #tpu.memory_space<vmem>>, vector<128x1xf32>
    %get3A_1566 = arith.constant 1664 : index
    %get3A_1567 = arith.constant 0 : index
    %get3A_1568 = vector.load %arg7[%get3A_1566, %get3A_1567] : memref<4096x1xf32, #tpu.memory_space<vmem>>, vector<128x1xf32>
    %get3A_1569 = arith.constant 1664 : index
    %get3A_1570 = arith.constant 0 : index
    %get3A_1571 = vector.load %arg10[%get3A_1569, %get3A_1570] : memref<4096x1xf32, #tpu.memory_space<vmem>>, vector<128x1xf32>
    %le3A_1572 = arith.cmpf ole, %get3A_1568, %broadcast_in_dim3A_1513 : vector<128x1xf32>
    %select_n3A_1573 = arith.select %le3A_1572, %get3A_1568, %broadcast_in_dim3A_1513 : vector<128x1xi1>, vector<128x1xf32>
    %select_n3A_1574 = arith.select %le3A_1572, %get3A_1571, %broadcast_in_dim3A_1521 : vector<128x1xi1>, vector<128x1xf32>
    %le3A_1575 = arith.cmpf ole, %get3A_1562, %select_n3A_1573 : vector<128x1xf32>
    %select_n3A_1576 = arith.select %le3A_1575, %get3A_1562, %select_n3A_1573 : vector<128x1xi1>, vector<128x1xf32>
    %select_n3A_1577 = arith.select %le3A_1575, %get3A_1565, %select_n3A_1574 : vector<128x1xi1>, vector<128x1xf32>
    %select_n3A_1578 = arith.select %le3A_1575, %select_n3A_1573, %get3A_1562 : vector<128x1xi1>, vector<128x1xf32>
    %select_n3A_1579 = arith.select %le3A_1575, %select_n3A_1574, %get3A_1565 : vector<128x1xi1>, vector<128x1xf32>
    %le3A_1580 = arith.cmpf ole, %get3A_1556, %select_n3A_1576 : vector<128x1xf32>
    %select_n3A_1581 = arith.select %le3A_1580, %get3A_1556, %select_n3A_1576 : vector<128x1xi1>, vector<128x1xf32>
    %select_n3A_1582 = arith.select %le3A_1580, %get3A_1559, %select_n3A_1577 : vector<128x1xi1>, vector<128x1xf32>
    %select_n3A_1583 = arith.select %le3A_1580, %select_n3A_1576, %get3A_1556 : vector<128x1xi1>, vector<128x1xf32>
    %select_n3A_1584 = arith.select %le3A_1580, %select_n3A_1577, %get3A_1559 : vector<128x1xi1>, vector<128x1xf32>
    %le3A_1585 = arith.cmpf ole, %select_n3A_1578, %broadcast_in_dim3A_1529 : vector<128x1xf32>
    %select_n3A_1586 = arith.select %le3A_1585, %select_n3A_1578, %broadcast_in_dim3A_1529 : vector<128x1xi1>, vector<128x1xf32>
    %select_n3A_1587 = arith.select %le3A_1585, %select_n3A_1579, %broadcast_in_dim3A_1537 : vector<128x1xi1>, vector<128x1xf32>
    %le3A_1588 = arith.cmpf ole, %select_n3A_1583, %select_n3A_1586 : vector<128x1xf32>
    %select_n3A_1589 = arith.select %le3A_1588, %select_n3A_1583, %select_n3A_1586 : vector<128x1xi1>, vector<128x1xf32>
    %select_n3A_1590 = arith.select %le3A_1588, %select_n3A_1584, %select_n3A_1587 : vector<128x1xi1>, vector<128x1xf32>
    %select_n3A_1591 = arith.select %le3A_1588, %select_n3A_1586, %select_n3A_1583 : vector<128x1xi1>, vector<128x1xf32>
    %select_n3A_1592 = arith.select %le3A_1588, %select_n3A_1587, %select_n3A_1584 : vector<128x1xi1>, vector<128x1xf32>
    %le3A_1593 = arith.cmpf ole, %select_n3A_1591, %broadcast_in_dim3A_1545 : vector<128x1xf32>
    %select_n3A_1594 = arith.select %le3A_1593, %select_n3A_1591, %broadcast_in_dim3A_1545 : vector<128x1xi1>, vector<128x1xf32>
    %select_n3A_1595 = arith.select %le3A_1593, %select_n3A_1592, %broadcast_in_dim3A_1553 : vector<128x1xi1>, vector<128x1xf32>
    %swap3A_1596 = arith.constant 1664 : index
    %swap3A_1597 = arith.constant 0 : index
    %swap3A_1598 = vector.load %arg5[%swap3A_1596, %swap3A_1597] : memref<4096x1xf32, #tpu.memory_space<vmem>>, vector<128x1xf32>
    tpu.vector_store %arg5[%swap3A_1596, %swap3A_1597], %select_n3A_1581 {strides = array<i32>} : memref<4096x1xf32, #tpu.memory_space<vmem>>, vector<128x1xf32>,
    %swap3A_1599 = arith.constant 1664 : index
    %swap3A_1600 = arith.constant 0 : index
    %swap3A_1601 = vector.load %arg8[%swap3A_1599, %swap3A_1600] : memref<4096x1xf32, #tpu.memory_space<vmem>>, vector<128x1xf32>
    tpu.vector_store %arg8[%swap3A_1599, %swap3A_1600], %select_n3A_1582 {strides = array<i32>} : memref<4096x1xf32, #tpu.memory_space<vmem>>, vector<128x1xf32>,
    %swap3A_1602 = arith.constant 1664 : index
    %swap3A_1603 = arith.constant 0 : index
    %swap3A_1604 = vector.load %arg6[%swap3A_1602, %swap3A_1603] : memref<4096x1xf32, #tpu.memory_space<vmem>>, vector<128x1xf32>
    tpu.vector_store %arg6[%swap3A_1602, %swap3A_1603], %select_n3A_1589 {strides = array<i32>} : memref<4096x1xf32, #tpu.memory_space<vmem>>, vector<128x1xf32>,
    %swap3A_1605 = arith.constant 1664 : index
    %swap3A_1606 = arith.constant 0 : index
    %swap3A_1607 = vector.load %arg9[%swap3A_1605, %swap3A_1606] : memref<4096x1xf32, #tpu.memory_space<vmem>>, vector<128x1xf32>
    tpu.vector_store %arg9[%swap3A_1605, %swap3A_1606], %select_n3A_1590 {strides = array<i32>} : memref<4096x1xf32, #tpu.memory_space<vmem>>, vector<128x1xf32>,
    %swap3A_1608 = arith.constant 1664 : index
    %swap3A_1609 = arith.constant 0 : index
    %swap3A_1610 = vector.load %arg7[%swap3A_1608, %swap3A_1609] : memref<4096x1xf32, #tpu.memory_space<vmem>>, vector<128x1xf32>
    tpu.vector_store %arg7[%swap3A_1608, %swap3A_1609], %select_n3A_1594 {strides = array<i32>} : memref<4096x1xf32, #tpu.memory_space<vmem>>, vector<128x1xf32>,
    %swap3A_1611 = arith.constant 1664 : index
    %swap3A_1612 = arith.constant 0 : index
    %swap3A_1613 = vector.load %arg10[%swap3A_1611, %swap3A_1612] : memref<4096x1xf32, #tpu.memory_space<vmem>>, vector<128x1xf32>
    tpu.vector_store %arg10[%swap3A_1611, %swap3A_1612], %select_n3A_1595 {strides = array<i32>} : memref<4096x1xf32, #tpu.memory_space<vmem>>, vector<128x1xf32>,
    %get3A_1614 = arith.constant 1792 : index
    %get3A_1615 = arith.constant 0 : index
    %get3A_1616 = vector.load %arg1[%get3A_1614, %get3A_1615] : memref<4096x256xbf16, #tpu.memory_space<vmem>>, vector<128x256xbf16>
    %get3A_1617 = arith.constant 1792 : index
    %get3A_1618 = arith.constant 0 : index
    %get3A_1619 = vector.load %arg2[%get3A_1617, %get3A_1618] : memref<4096x1xf32, #tpu.memory_space<vmem>>, vector<128x1xf32>
    %dot_general3A_1620 = arith.constant dense<0.000000e+00> : vector<128x2048xf32>
    %dot_general3A_1621 = tpu.matmul %get3A_1616, %get3A_3, %dot_general3A_1620 {dimension_numbers = #tpu.dot_dimension_numbers<[1], [1], [0], [0], [0, 0, 1, 0], [], []>, transpose_lhs_hint = false} : vector<128x256xbf16>, vector<2048x256xbf16>, vector<128x2048xf32> -> vector<128x2048xf32>
    %add3A_1622 = vector.broadcast %get3A_1619 : vector<128x1xf32> to vector<128x2048xf32>
    %add3A_1623 = vector.broadcast %get3A_6 : vector<1x2048xf32> to vector<128x2048xf32>
    %add3A_1624 = arith.addf %add3A_1622, %add3A_1623 : vector<128x2048xf32>
    %add3A_1625 = arith.addf %add3A_1624, %dot_general3A_1621 : vector<128x2048xf32>
    %reduce_min3A_1626 = arith.constant dense<0x7F800000> : vector<128xf32>
    %reduce_min3A_1627 = vector.multi_reduction <minimumf>, %add3A_1625, %reduce_min3A_1626 [1] : vector<128x2048xf32> to vector<128xf32>
    %broadcast_in_dim3A_1628 = vector.shape_cast %reduce_min3A_1627 : vector<128xf32> to vector<128x1xf32>
    %eq3A_1629 = vector.broadcast %broadcast_in_dim3A_1628 : vector<128x1xf32> to vector<128x2048xf32>
    %eq3A_1630 = arith.cmpf oeq, %add3A_1625, %eq3A_1629 : vector<128x2048xf32>
    %jit3A_1631 = arith.constant 1.07374182E+9 : f32
    %broadcast_in_dim3A_1632 = vector.broadcast %jit3A_1631 : f32 to vector<128x2048xf32>
    %select_n3A_1633 = arith.select %eq3A_1630, %add3A_10, %broadcast_in_dim3A_1632 : vector<128x2048xi1>, vector<128x2048xf32>
    %reduce_min3A_1634 = arith.constant dense<0x7F800000> : vector<128xf32>
    %reduce_min3A_1635 = vector.multi_reduction <minimumf>, %select_n3A_1633, %reduce_min3A_1634 [1] : vector<128x2048xf32> to vector<128xf32>
    %broadcast_in_dim3A_1636 = vector.shape_cast %reduce_min3A_1635 : vector<128xf32> to vector<128x1xf32>
    %eq3A_1637 = vector.broadcast %broadcast_in_dim3A_1636 : vector<128x1xf32> to vector<128x2048xf32>
    %eq3A_1638 = arith.cmpf oeq, %add3A_10, %eq3A_1637 : vector<128x2048xf32>
    %jit3A_1639 = arith.constant 1.000000e+30 : f32
    %broadcast_in_dim3A_1640 = vector.broadcast %jit3A_1639 : f32 to vector<128x2048xf32>
    %select_n3A_1641 = arith.select %eq3A_1638, %broadcast_in_dim3A_1640, %add3A_1625 : vector<128x2048xi1>, vector<128x2048xf32>
    %reduce_min3A_1642 = arith.constant dense<0x7F800000> : vector<128xf32>
    %reduce_min3A_1643 = vector.multi_reduction <minimumf>, %select_n3A_1641, %reduce_min3A_1642 [1] : vector<128x2048xf32> to vector<128xf32>
    %broadcast_in_dim3A_1644 = vector.shape_cast %reduce_min3A_1643 : vector<128xf32> to vector<128x1xf32>
    %eq3A_1645 = vector.broadcast %broadcast_in_dim3A_1644 : vector<128x1xf32> to vector<128x2048xf32>
    %eq3A_1646 = arith.cmpf oeq, %select_n3A_1641, %eq3A_1645 : vector<128x2048xf32>
    %jit3A_1647 = arith.constant 1.07374182E+9 : f32
    %broadcast_in_dim3A_1648 = vector.broadcast %jit3A_1647 : f32 to vector<128x2048xf32>
    %select_n3A_1649 = arith.select %eq3A_1646, %add3A_10, %broadcast_in_dim3A_1648 : vector<128x2048xi1>, vector<128x2048xf32>
    %reduce_min3A_1650 = arith.constant dense<0x7F800000> : vector<128xf32>
    %reduce_min3A_1651 = vector.multi_reduction <minimumf>, %select_n3A_1649, %reduce_min3A_1650 [1] : vector<128x2048xf32> to vector<128xf32>
    %broadcast_in_dim3A_1652 = vector.shape_cast %reduce_min3A_1651 : vector<128xf32> to vector<128x1xf32>
    %eq3A_1653 = vector.broadcast %broadcast_in_dim3A_1652 : vector<128x1xf32> to vector<128x2048xf32>
    %eq3A_1654 = arith.cmpf oeq, %add3A_10, %eq3A_1653 : vector<128x2048xf32>
    %jit3A_1655 = arith.constant 1.000000e+30 : f32
    %broadcast_in_dim3A_1656 = vector.broadcast %jit3A_1655 : f32 to vector<128x2048xf32>
    %select_n3A_1657 = arith.select %eq3A_1654, %broadcast_in_dim3A_1656, %select_n3A_1641 : vector<128x2048xi1>, vector<128x2048xf32>
    %reduce_min3A_1658 = arith.constant dense<0x7F800000> : vector<128xf32>
    %reduce_min3A_1659 = vector.multi_reduction <minimumf>, %select_n3A_1657, %reduce_min3A_1658 [1] : vector<128x2048xf32> to vector<128xf32>
    %broadcast_in_dim3A_1660 = vector.shape_cast %reduce_min3A_1659 : vector<128xf32> to vector<128x1xf32>
    %eq3A_1661 = vector.broadcast %broadcast_in_dim3A_1660 : vector<128x1xf32> to vector<128x2048xf32>
    %eq3A_1662 = arith.cmpf oeq, %select_n3A_1657, %eq3A_1661 : vector<128x2048xf32>
    %jit3A_1663 = arith.constant 1.07374182E+9 : f32
    %broadcast_in_dim3A_1664 = vector.broadcast %jit3A_1663 : f32 to vector<128x2048xf32>
    %select_n3A_1665 = arith.select %eq3A_1662, %add3A_10, %broadcast_in_dim3A_1664 : vector<128x2048xi1>, vector<128x2048xf32>
    %reduce_min3A_1666 = arith.constant dense<0x7F800000> : vector<128xf32>
    %reduce_min3A_1667 = vector.multi_reduction <minimumf>, %select_n3A_1665, %reduce_min3A_1666 [1] : vector<128x2048xf32> to vector<128xf32>
    %broadcast_in_dim3A_1668 = vector.shape_cast %reduce_min3A_1667 : vector<128xf32> to vector<128x1xf32>
    %get3A_1669 = arith.constant 1792 : index
    %get3A_1670 = arith.constant 0 : index
    %get3A_1671 = vector.load %arg5[%get3A_1669, %get3A_1670] : memref<4096x1xf32, #tpu.memory_space<vmem>>, vector<128x1xf32>
    %get3A_1672 = arith.constant 1792 : index
    %get3A_1673 = arith.constant 0 : index
    %get3A_1674 = vector.load %arg8[%get3A_1672, %get3A_1673] : memref<4096x1xf32, #tpu.memory_space<vmem>>, vector<128x1xf32>
    %get3A_1675 = arith.constant 1792 : index
    %get3A_1676 = arith.constant 0 : index
    %get3A_1677 = vector.load %arg6[%get3A_1675, %get3A_1676] : memref<4096x1xf32, #tpu.memory_space<vmem>>, vector<128x1xf32>
    %get3A_1678 = arith.constant 1792 : index
    %get3A_1679 = arith.constant 0 : index
    %get3A_1680 = vector.load %arg9[%get3A_1678, %get3A_1679] : memref<4096x1xf32, #tpu.memory_space<vmem>>, vector<128x1xf32>
    %get3A_1681 = arith.constant 1792 : index
    %get3A_1682 = arith.constant 0 : index
    %get3A_1683 = vector.load %arg7[%get3A_1681, %get3A_1682] : memref<4096x1xf32, #tpu.memory_space<vmem>>, vector<128x1xf32>
    %get3A_1684 = arith.constant 1792 : index
    %get3A_1685 = arith.constant 0 : index
    %get3A_1686 = vector.load %arg10[%get3A_1684, %get3A_1685] : memref<4096x1xf32, #tpu.memory_space<vmem>>, vector<128x1xf32>
    %le3A_1687 = arith.cmpf ole, %get3A_1683, %broadcast_in_dim3A_1628 : vector<128x1xf32>
    %select_n3A_1688 = arith.select %le3A_1687, %get3A_1683, %broadcast_in_dim3A_1628 : vector<128x1xi1>, vector<128x1xf32>
    %select_n3A_1689 = arith.select %le3A_1687, %get3A_1686, %broadcast_in_dim3A_1636 : vector<128x1xi1>, vector<128x1xf32>
    %le3A_1690 = arith.cmpf ole, %get3A_1677, %select_n3A_1688 : vector<128x1xf32>
    %select_n3A_1691 = arith.select %le3A_1690, %get3A_1677, %select_n3A_1688 : vector<128x1xi1>, vector<128x1xf32>
    %select_n3A_1692 = arith.select %le3A_1690, %get3A_1680, %select_n3A_1689 : vector<128x1xi1>, vector<128x1xf32>
    %select_n3A_1693 = arith.select %le3A_1690, %select_n3A_1688, %get3A_1677 : vector<128x1xi1>, vector<128x1xf32>
    %select_n3A_1694 = arith.select %le3A_1690, %select_n3A_1689, %get3A_1680 : vector<128x1xi1>, vector<128x1xf32>
    %le3A_1695 = arith.cmpf ole, %get3A_1671, %select_n3A_1691 : vector<128x1xf32>
    %select_n3A_1696 = arith.select %le3A_1695, %get3A_1671, %select_n3A_1691 : vector<128x1xi1>, vector<128x1xf32>
    %select_n3A_1697 = arith.select %le3A_1695, %get3A_1674, %select_n3A_1692 : vector<128x1xi1>, vector<128x1xf32>
    %select_n3A_1698 = arith.select %le3A_1695, %select_n3A_1691, %get3A_1671 : vector<128x1xi1>, vector<128x1xf32>
    %select_n3A_1699 = arith.select %le3A_1695, %select_n3A_1692, %get3A_1674 : vector<128x1xi1>, vector<128x1xf32>
    %le3A_1700 = arith.cmpf ole, %select_n3A_1693, %broadcast_in_dim3A_1644 : vector<128x1xf32>
    %select_n3A_1701 = arith.select %le3A_1700, %select_n3A_1693, %broadcast_in_dim3A_1644 : vector<128x1xi1>, vector<128x1xf32>
    %select_n3A_1702 = arith.select %le3A_1700, %select_n3A_1694, %broadcast_in_dim3A_1652 : vector<128x1xi1>, vector<128x1xf32>
    %le3A_1703 = arith.cmpf ole, %select_n3A_1698, %select_n3A_1701 : vector<128x1xf32>
    %select_n3A_1704 = arith.select %le3A_1703, %select_n3A_1698, %select_n3A_1701 : vector<128x1xi1>, vector<128x1xf32>
    %select_n3A_1705 = arith.select %le3A_1703, %select_n3A_1699, %select_n3A_1702 : vector<128x1xi1>, vector<128x1xf32>
    %select_n3A_1706 = arith.select %le3A_1703, %select_n3A_1701, %select_n3A_1698 : vector<128x1xi1>, vector<128x1xf32>
    %select_n3A_1707 = arith.select %le3A_1703, %select_n3A_1702, %select_n3A_1699 : vector<128x1xi1>, vector<128x1xf32>
    %le3A_1708 = arith.cmpf ole, %select_n3A_1706, %broadcast_in_dim3A_1660 : vector<128x1xf32>
    %select_n3A_1709 = arith.select %le3A_1708, %select_n3A_1706, %broadcast_in_dim3A_1660 : vector<128x1xi1>, vector<128x1xf32>
    %select_n3A_1710 = arith.select %le3A_1708, %select_n3A_1707, %broadcast_in_dim3A_1668 : vector<128x1xi1>, vector<128x1xf32>
    %swap3A_1711 = arith.constant 1792 : index
    %swap3A_1712 = arith.constant 0 : index
    %swap3A_1713 = vector.load %arg5[%swap3A_1711, %swap3A_1712] : memref<4096x1xf32, #tpu.memory_space<vmem>>, vector<128x1xf32>
    tpu.vector_store %arg5[%swap3A_1711, %swap3A_1712], %select_n3A_1696 {strides = array<i32>} : memref<4096x1xf32, #tpu.memory_space<vmem>>, vector<128x1xf32>,
    %swap3A_1714 = arith.constant 1792 : index
    %swap3A_1715 = arith.constant 0 : index
    %swap3A_1716 = vector.load %arg8[%swap3A_1714, %swap3A_1715] : memref<4096x1xf32, #tpu.memory_space<vmem>>, vector<128x1xf32>
    tpu.vector_store %arg8[%swap3A_1714, %swap3A_1715], %select_n3A_1697 {strides = array<i32>} : memref<4096x1xf32, #tpu.memory_space<vmem>>, vector<128x1xf32>,
    %swap3A_1717 = arith.constant 1792 : index
    %swap3A_1718 = arith.constant 0 : index
    %swap3A_1719 = vector.load %arg6[%swap3A_1717, %swap3A_1718] : memref<4096x1xf32, #tpu.memory_space<vmem>>, vector<128x1xf32>
    tpu.vector_store %arg6[%swap3A_1717, %swap3A_1718], %select_n3A_1704 {strides = array<i32>} : memref<4096x1xf32, #tpu.memory_space<vmem>>, vector<128x1xf32>,
    %swap3A_1720 = arith.constant 1792 : index
    %swap3A_1721 = arith.constant 0 : index
    %swap3A_1722 = vector.load %arg9[%swap3A_1720, %swap3A_1721] : memref<4096x1xf32, #tpu.memory_space<vmem>>, vector<128x1xf32>
    tpu.vector_store %arg9[%swap3A_1720, %swap3A_1721], %select_n3A_1705 {strides = array<i32>} : memref<4096x1xf32, #tpu.memory_space<vmem>>, vector<128x1xf32>,
    %swap3A_1723 = arith.constant 1792 : index
    %swap3A_1724 = arith.constant 0 : index
    %swap3A_1725 = vector.load %arg7[%swap3A_1723, %swap3A_1724] : memref<4096x1xf32, #tpu.memory_space<vmem>>, vector<128x1xf32>
    tpu.vector_store %arg7[%swap3A_1723, %swap3A_1724], %select_n3A_1709 {strides = array<i32>} : memref<4096x1xf32, #tpu.memory_space<vmem>>, vector<128x1xf32>,
    %swap3A_1726 = arith.constant 1792 : index
    %swap3A_1727 = arith.constant 0 : index
    %swap3A_1728 = vector.load %arg10[%swap3A_1726, %swap3A_1727] : memref<4096x1xf32, #tpu.memory_space<vmem>>, vector<128x1xf32>
    tpu.vector_store %arg10[%swap3A_1726, %swap3A_1727], %select_n3A_1710 {strides = array<i32>} : memref<4096x1xf32, #tpu.memory_space<vmem>>, vector<128x1xf32>,
    %get3A_1729 = arith.constant 1920 : index
    %get3A_1730 = arith.constant 0 : index
    %get3A_1731 = vector.load %arg1[%get3A_1729, %get3A_1730] : memref<4096x256xbf16, #tpu.memory_space<vmem>>, vector<128x256xbf16>
    %get3A_1732 = arith.constant 1920 : index
    %get3A_1733 = arith.constant 0 : index
    %get3A_1734 = vector.load %arg2[%get3A_1732, %get3A_1733] : memref<4096x1xf32, #tpu.memory_space<vmem>>, vector<128x1xf32>
    %dot_general3A_1735 = arith.constant dense<0.000000e+00> : vector<128x2048xf32>
    %dot_general3A_1736 = tpu.matmul %get3A_1731, %get3A_3, %dot_general3A_1735 {dimension_numbers = #tpu.dot_dimension_numbers<[1], [1], [0], [0], [0, 0, 1, 0], [], []>, transpose_lhs_hint = false} : vector<128x256xbf16>, vector<2048x256xbf16>, vector<128x2048xf32> -> vector<128x2048xf32>
    %add3A_1737 = vector.broadcast %get3A_1734 : vector<128x1xf32> to vector<128x2048xf32>
    %add3A_1738 = vector.broadcast %get3A_6 : vector<1x2048xf32> to vector<128x2048xf32>
    %add3A_1739 = arith.addf %add3A_1737, %add3A_1738 : vector<128x2048xf32>
    %add3A_1740 = arith.addf %add3A_1739, %dot_general3A_1736 : vector<128x2048xf32>
    %reduce_min3A_1741 = arith.constant dense<0x7F800000> : vector<128xf32>
    %reduce_min3A_1742 = vector.multi_reduction <minimumf>, %add3A_1740, %reduce_min3A_1741 [1] : vector<128x2048xf32> to vector<128xf32>
    %broadcast_in_dim3A_1743 = vector.shape_cast %reduce_min3A_1742 : vector<128xf32> to vector<128x1xf32>
    %eq3A_1744 = vector.broadcast %broadcast_in_dim3A_1743 : vector<128x1xf32> to vector<128x2048xf32>
    %eq3A_1745 = arith.cmpf oeq, %add3A_1740, %eq3A_1744 : vector<128x2048xf32>
    %jit3A_1746 = arith.constant 1.07374182E+9 : f32
    %broadcast_in_dim3A_1747 = vector.broadcast %jit3A_1746 : f32 to vector<128x2048xf32>
    %select_n3A_1748 = arith.select %eq3A_1745, %add3A_10, %broadcast_in_dim3A_1747 : vector<128x2048xi1>, vector<128x2048xf32>
    %reduce_min3A_1749 = arith.constant dense<0x7F800000> : vector<128xf32>
    %reduce_min3A_1750 = vector.multi_reduction <minimumf>, %select_n3A_1748, %reduce_min3A_1749 [1] : vector<128x2048xf32> to vector<128xf32>
    %broadcast_in_dim3A_1751 = vector.shape_cast %reduce_min3A_1750 : vector<128xf32> to vector<128x1xf32>
    %eq3A_1752 = vector.broadcast %broadcast_in_dim3A_1751 : vector<128x1xf32> to vector<128x2048xf32>
    %eq3A_1753 = arith.cmpf oeq, %add3A_10, %eq3A_1752 : vector<128x2048xf32>
    %jit3A_1754 = arith.constant 1.000000e+30 : f32
    %broadcast_in_dim3A_1755 = vector.broadcast %jit3A_1754 : f32 to vector<128x2048xf32>
    %select_n3A_1756 = arith.select %eq3A_1753, %broadcast_in_dim3A_1755, %add3A_1740 : vector<128x2048xi1>, vector<128x2048xf32>
    %reduce_min3A_1757 = arith.constant dense<0x7F800000> : vector<128xf32>
    %reduce_min3A_1758 = vector.multi_reduction <minimumf>, %select_n3A_1756, %reduce_min3A_1757 [1] : vector<128x2048xf32> to vector<128xf32>
    %broadcast_in_dim3A_1759 = vector.shape_cast %reduce_min3A_1758 : vector<128xf32> to vector<128x1xf32>
    %eq3A_1760 = vector.broadcast %broadcast_in_dim3A_1759 : vector<128x1xf32> to vector<128x2048xf32>
    %eq3A_1761 = arith.cmpf oeq, %select_n3A_1756, %eq3A_1760 : vector<128x2048xf32>
    %jit3A_1762 = arith.constant 1.07374182E+9 : f32
    %broadcast_in_dim3A_1763 = vector.broadcast %jit3A_1762 : f32 to vector<128x2048xf32>
    %select_n3A_1764 = arith.select %eq3A_1761, %add3A_10, %broadcast_in_dim3A_1763 : vector<128x2048xi1>, vector<128x2048xf32>
    %reduce_min3A_1765 = arith.constant dense<0x7F800000> : vector<128xf32>
    %reduce_min3A_1766 = vector.multi_reduction <minimumf>, %select_n3A_1764, %reduce_min3A_1765 [1] : vector<128x2048xf32> to vector<128xf32>
    %broadcast_in_dim3A_1767 = vector.shape_cast %reduce_min3A_1766 : vector<128xf32> to vector<128x1xf32>
    %eq3A_1768 = vector.broadcast %broadcast_in_dim3A_1767 : vector<128x1xf32> to vector<128x2048xf32>
    %eq3A_1769 = arith.cmpf oeq, %add3A_10, %eq3A_1768 : vector<128x2048xf32>
    %jit3A_1770 = arith.constant 1.000000e+30 : f32
    %broadcast_in_dim3A_1771 = vector.broadcast %jit3A_1770 : f32 to vector<128x2048xf32>
    %select_n3A_1772 = arith.select %eq3A_1769, %broadcast_in_dim3A_1771, %select_n3A_1756 : vector<128x2048xi1>, vector<128x2048xf32>
    %reduce_min3A_1773 = arith.constant dense<0x7F800000> : vector<128xf32>
    %reduce_min3A_1774 = vector.multi_reduction <minimumf>, %select_n3A_1772, %reduce_min3A_1773 [1] : vector<128x2048xf32> to vector<128xf32>
    %broadcast_in_dim3A_1775 = vector.shape_cast %reduce_min3A_1774 : vector<128xf32> to vector<128x1xf32>
    %eq3A_1776 = vector.broadcast %broadcast_in_dim3A_1775 : vector<128x1xf32> to vector<128x2048xf32>
    %eq3A_1777 = arith.cmpf oeq, %select_n3A_1772, %eq3A_1776 : vector<128x2048xf32>
    %jit3A_1778 = arith.constant 1.07374182E+9 : f32
    %broadcast_in_dim3A_1779 = vector.broadcast %jit3A_1778 : f32 to vector<128x2048xf32>
    %select_n3A_1780 = arith.select %eq3A_1777, %add3A_10, %broadcast_in_dim3A_1779 : vector<128x2048xi1>, vector<128x2048xf32>
    %reduce_min3A_1781 = arith.constant dense<0x7F800000> : vector<128xf32>
    %reduce_min3A_1782 = vector.multi_reduction <minimumf>, %select_n3A_1780, %reduce_min3A_1781 [1] : vector<128x2048xf32> to vector<128xf32>
    %broadcast_in_dim3A_1783 = vector.shape_cast %reduce_min3A_1782 : vector<128xf32> to vector<128x1xf32>
    %get3A_1784 = arith.constant 1920 : index
    %get3A_1785 = arith.constant 0 : index
    %get3A_1786 = vector.load %arg5[%get3A_1784, %get3A_1785] : memref<4096x1xf32, #tpu.memory_space<vmem>>, vector<128x1xf32>
    %get3A_1787 = arith.constant 1920 : index
    %get3A_1788 = arith.constant 0 : index
    %get3A_1789 = vector.load %arg8[%get3A_1787, %get3A_1788] : memref<4096x1xf32, #tpu.memory_space<vmem>>, vector<128x1xf32>
    %get3A_1790 = arith.constant 1920 : index
    %get3A_1791 = arith.constant 0 : index
    %get3A_1792 = vector.load %arg6[%get3A_1790, %get3A_1791] : memref<4096x1xf32, #tpu.memory_space<vmem>>, vector<128x1xf32>
    %get3A_1793 = arith.constant 1920 : index
    %get3A_1794 = arith.constant 0 : index
    %get3A_1795 = vector.load %arg9[%get3A_1793, %get3A_1794] : memref<4096x1xf32, #tpu.memory_space<vmem>>, vector<128x1xf32>
    %get3A_1796 = arith.constant 1920 : index
    %get3A_1797 = arith.constant 0 : index
    %get3A_1798 = vector.load %arg7[%get3A_1796, %get3A_1797] : memref<4096x1xf32, #tpu.memory_space<vmem>>, vector<128x1xf32>
    %get3A_1799 = arith.constant 1920 : index
    %get3A_1800 = arith.constant 0 : index
    %get3A_1801 = vector.load %arg10[%get3A_1799, %get3A_1800] : memref<4096x1xf32, #tpu.memory_space<vmem>>, vector<128x1xf32>
    %le3A_1802 = arith.cmpf ole, %get3A_1798, %broadcast_in_dim3A_1743 : vector<128x1xf32>
    %select_n3A_1803 = arith.select %le3A_1802, %get3A_1798, %broadcast_in_dim3A_1743 : vector<128x1xi1>, vector<128x1xf32>
    %select_n3A_1804 = arith.select %le3A_1802, %get3A_1801, %broadcast_in_dim3A_1751 : vector<128x1xi1>, vector<128x1xf32>
    %le3A_1805 = arith.cmpf ole, %get3A_1792, %select_n3A_1803 : vector<128x1xf32>
    %select_n3A_1806 = arith.select %le3A_1805, %get3A_1792, %select_n3A_1803 : vector<128x1xi1>, vector<128x1xf32>
    %select_n3A_1807 = arith.select %le3A_1805, %get3A_1795, %select_n3A_1804 : vector<128x1xi1>, vector<128x1xf32>
    %select_n3A_1808 = arith.select %le3A_1805, %select_n3A_1803, %get3A_1792 : vector<128x1xi1>, vector<128x1xf32>
    %select_n3A_1809 = arith.select %le3A_1805, %select_n3A_1804, %get3A_1795 : vector<128x1xi1>, vector<128x1xf32>
    %le3A_1810 = arith.cmpf ole, %get3A_1786, %select_n3A_1806 : vector<128x1xf32>
    %select_n3A_1811 = arith.select %le3A_1810, %get3A_1786, %select_n3A_1806 : vector<128x1xi1>, vector<128x1xf32>
    %select_n3A_1812 = arith.select %le3A_1810, %get3A_1789, %select_n3A_1807 : vector<128x1xi1>, vector<128x1xf32>
    %select_n3A_1813 = arith.select %le3A_1810, %select_n3A_1806, %get3A_1786 : vector<128x1xi1>, vector<128x1xf32>
    %select_n3A_1814 = arith.select %le3A_1810, %select_n3A_1807, %get3A_1789 : vector<128x1xi1>, vector<128x1xf32>
    %le3A_1815 = arith.cmpf ole, %select_n3A_1808, %broadcast_in_dim3A_1759 : vector<128x1xf32>
    %select_n3A_1816 = arith.select %le3A_1815, %select_n3A_1808, %broadcast_in_dim3A_1759 : vector<128x1xi1>, vector<128x1xf32>
    %select_n3A_1817 = arith.select %le3A_1815, %select_n3A_1809, %broadcast_in_dim3A_1767 : vector<128x1xi1>, vector<128x1xf32>
    %le3A_1818 = arith.cmpf ole, %select_n3A_1813, %select_n3A_1816 : vector<128x1xf32>
    %select_n3A_1819 = arith.select %le3A_1818, %select_n3A_1813, %select_n3A_1816 : vector<128x1xi1>, vector<128x1xf32>
    %select_n3A_1820 = arith.select %le3A_1818, %select_n3A_1814, %select_n3A_1817 : vector<128x1xi1>, vector<128x1xf32>
    %select_n3A_1821 = arith.select %le3A_1818, %select_n3A_1816, %select_n3A_1813 : vector<128x1xi1>, vector<128x1xf32>
    %select_n3A_1822 = arith.select %le3A_1818, %select_n3A_1817, %select_n3A_1814 : vector<128x1xi1>, vector<128x1xf32>
    %le3A_1823 = arith.cmpf ole, %select_n3A_1821, %broadcast_in_dim3A_1775 : vector<128x1xf32>
    %select_n3A_1824 = arith.select %le3A_1823, %select_n3A_1821, %broadcast_in_dim3A_1775 : vector<128x1xi1>, vector<128x1xf32>
    %select_n3A_1825 = arith.select %le3A_1823, %select_n3A_1822, %broadcast_in_dim3A_1783 : vector<128x1xi1>, vector<128x1xf32>
    %swap3A_1826 = arith.constant 1920 : index
    %swap3A_1827 = arith.constant 0 : index
    %swap3A_1828 = vector.load %arg5[%swap3A_1826, %swap3A_1827] : memref<4096x1xf32, #tpu.memory_space<vmem>>, vector<128x1xf32>
    tpu.vector_store %arg5[%swap3A_1826, %swap3A_1827], %select_n3A_1811 {strides = array<i32>} : memref<4096x1xf32, #tpu.memory_space<vmem>>, vector<128x1xf32>,
    %swap3A_1829 = arith.constant 1920 : index
    %swap3A_1830 = arith.constant 0 : index
    %swap3A_1831 = vector.load %arg8[%swap3A_1829, %swap3A_1830] : memref<4096x1xf32, #tpu.memory_space<vmem>>, vector<128x1xf32>
    tpu.vector_store %arg8[%swap3A_1829, %swap3A_1830], %select_n3A_1812 {strides = array<i32>} : memref<4096x1xf32, #tpu.memory_space<vmem>>, vector<128x1xf32>,
    %swap3A_1832 = arith.constant 1920 : index
    %swap3A_1833 = arith.constant 0 : index
    %swap3A_1834 = vector.load %arg6[%swap3A_1832, %swap3A_1833] : memref<4096x1xf32, #tpu.memory_space<vmem>>, vector<128x1xf32>
    tpu.vector_store %arg6[%swap3A_1832, %swap3A_1833], %select_n3A_1819 {strides = array<i32>} : memref<4096x1xf32, #tpu.memory_space<vmem>>, vector<128x1xf32>,
    %swap3A_1835 = arith.constant 1920 : index
    %swap3A_1836 = arith.constant 0 : index
    %swap3A_1837 = vector.load %arg9[%swap3A_1835, %swap3A_1836] : memref<4096x1xf32, #tpu.memory_space<vmem>>, vector<128x1xf32>
    tpu.vector_store %arg9[%swap3A_1835, %swap3A_1836], %select_n3A_1820 {strides = array<i32>} : memref<4096x1xf32, #tpu.memory_space<vmem>>, vector<128x1xf32>,
    %swap3A_1838 = arith.constant 1920 : index
    %swap3A_1839 = arith.constant 0 : index
    %swap3A_1840 = vector.load %arg7[%swap3A_1838, %swap3A_1839] : memref<4096x1xf32, #tpu.memory_space<vmem>>, vector<128x1xf32>
    tpu.vector_store %arg7[%swap3A_1838, %swap3A_1839], %select_n3A_1824 {strides = array<i32>} : memref<4096x1xf32, #tpu.memory_space<vmem>>, vector<128x1xf32>,
    %swap3A_1841 = arith.constant 1920 : index
    %swap3A_1842 = arith.constant 0 : index
    %swap3A_1843 = vector.load %arg10[%swap3A_1841, %swap3A_1842] : memref<4096x1xf32, #tpu.memory_space<vmem>>, vector<128x1xf32>
    tpu.vector_store %arg10[%swap3A_1841, %swap3A_1842], %select_n3A_1825 {strides = array<i32>} : memref<4096x1xf32, #tpu.memory_space<vmem>>, vector<128x1xf32>,
    %get3A_1844 = arith.constant 2048 : index
    %get3A_1845 = arith.constant 0 : index
    %get3A_1846 = vector.load %arg1[%get3A_1844, %get3A_1845] : memref<4096x256xbf16, #tpu.memory_space<vmem>>, vector<128x256xbf16>
    %get3A_1847 = arith.constant 2048 : index
    %get3A_1848 = arith.constant 0 : index
    %get3A_1849 = vector.load %arg2[%get3A_1847, %get3A_1848] : memref<4096x1xf32, #tpu.memory_space<vmem>>, vector<128x1xf32>
    %dot_general3A_1850 = arith.constant dense<0.000000e+00> : vector<128x2048xf32>
    %dot_general3A_1851 = tpu.matmul %get3A_1846, %get3A_3, %dot_general3A_1850 {dimension_numbers = #tpu.dot_dimension_numbers<[1], [1], [0], [0], [0, 0, 1, 0], [], []>, transpose_lhs_hint = false} : vector<128x256xbf16>, vector<2048x256xbf16>, vector<128x2048xf32> -> vector<128x2048xf32>
    %add3A_1852 = vector.broadcast %get3A_1849 : vector<128x1xf32> to vector<128x2048xf32>
    %add3A_1853 = vector.broadcast %get3A_6 : vector<1x2048xf32> to vector<128x2048xf32>
    %add3A_1854 = arith.addf %add3A_1852, %add3A_1853 : vector<128x2048xf32>
    %add3A_1855 = arith.addf %add3A_1854, %dot_general3A_1851 : vector<128x2048xf32>
    %reduce_min3A_1856 = arith.constant dense<0x7F800000> : vector<128xf32>
    %reduce_min3A_1857 = vector.multi_reduction <minimumf>, %add3A_1855, %reduce_min3A_1856 [1] : vector<128x2048xf32> to vector<128xf32>
    %broadcast_in_dim3A_1858 = vector.shape_cast %reduce_min3A_1857 : vector<128xf32> to vector<128x1xf32>
    %eq3A_1859 = vector.broadcast %broadcast_in_dim3A_1858 : vector<128x1xf32> to vector<128x2048xf32>
    %eq3A_1860 = arith.cmpf oeq, %add3A_1855, %eq3A_1859 : vector<128x2048xf32>
    %jit3A_1861 = arith.constant 1.07374182E+9 : f32
    %broadcast_in_dim3A_1862 = vector.broadcast %jit3A_1861 : f32 to vector<128x2048xf32>
    %select_n3A_1863 = arith.select %eq3A_1860, %add3A_10, %broadcast_in_dim3A_1862 : vector<128x2048xi1>, vector<128x2048xf32>
    %reduce_min3A_1864 = arith.constant dense<0x7F800000> : vector<128xf32>
    %reduce_min3A_1865 = vector.multi_reduction <minimumf>, %select_n3A_1863, %reduce_min3A_1864 [1] : vector<128x2048xf32> to vector<128xf32>
    %broadcast_in_dim3A_1866 = vector.shape_cast %reduce_min3A_1865 : vector<128xf32> to vector<128x1xf32>
    %eq3A_1867 = vector.broadcast %broadcast_in_dim3A_1866 : vector<128x1xf32> to vector<128x2048xf32>
    %eq3A_1868 = arith.cmpf oeq, %add3A_10, %eq3A_1867 : vector<128x2048xf32>
    %jit3A_1869 = arith.constant 1.000000e+30 : f32
    %broadcast_in_dim3A_1870 = vector.broadcast %jit3A_1869 : f32 to vector<128x2048xf32>
    %select_n3A_1871 = arith.select %eq3A_1868, %broadcast_in_dim3A_1870, %add3A_1855 : vector<128x2048xi1>, vector<128x2048xf32>
    %reduce_min3A_1872 = arith.constant dense<0x7F800000> : vector<128xf32>
    %reduce_min3A_1873 = vector.multi_reduction <minimumf>, %select_n3A_1871, %reduce_min3A_1872 [1] : vector<128x2048xf32> to vector<128xf32>
    %broadcast_in_dim3A_1874 = vector.shape_cast %reduce_min3A_1873 : vector<128xf32> to vector<128x1xf32>
    %eq3A_1875 = vector.broadcast %broadcast_in_dim3A_1874 : vector<128x1xf32> to vector<128x2048xf32>
    %eq3A_1876 = arith.cmpf oeq, %select_n3A_1871, %eq3A_1875 : vector<128x2048xf32>
    %jit3A_1877 = arith.constant 1.07374182E+9 : f32
    %broadcast_in_dim3A_1878 = vector.broadcast %jit3A_1877 : f32 to vector<128x2048xf32>
    %select_n3A_1879 = arith.select %eq3A_1876, %add3A_10, %broadcast_in_dim3A_1878 : vector<128x2048xi1>, vector<128x2048xf32>
    %reduce_min3A_1880 = arith.constant dense<0x7F800000> : vector<128xf32>
    %reduce_min3A_1881 = vector.multi_reduction <minimumf>, %select_n3A_1879, %reduce_min3A_1880 [1] : vector<128x2048xf32> to vector<128xf32>
    %broadcast_in_dim3A_1882 = vector.shape_cast %reduce_min3A_1881 : vector<128xf32> to vector<128x1xf32>
    %eq3A_1883 = vector.broadcast %broadcast_in_dim3A_1882 : vector<128x1xf32> to vector<128x2048xf32>
    %eq3A_1884 = arith.cmpf oeq, %add3A_10, %eq3A_1883 : vector<128x2048xf32>
    %jit3A_1885 = arith.constant 1.000000e+30 : f32
    %broadcast_in_dim3A_1886 = vector.broadcast %jit3A_1885 : f32 to vector<128x2048xf32>
    %select_n3A_1887 = arith.select %eq3A_1884, %broadcast_in_dim3A_1886, %select_n3A_1871 : vector<128x2048xi1>, vector<128x2048xf32>
    %reduce_min3A_1888 = arith.constant dense<0x7F800000> : vector<128xf32>
    %reduce_min3A_1889 = vector.multi_reduction <minimumf>, %select_n3A_1887, %reduce_min3A_1888 [1] : vector<128x2048xf32> to vector<128xf32>
    %broadcast_in_dim3A_1890 = vector.shape_cast %reduce_min3A_1889 : vector<128xf32> to vector<128x1xf32>
    %eq3A_1891 = vector.broadcast %broadcast_in_dim3A_1890 : vector<128x1xf32> to vector<128x2048xf32>
    %eq3A_1892 = arith.cmpf oeq, %select_n3A_1887, %eq3A_1891 : vector<128x2048xf32>
    %jit3A_1893 = arith.constant 1.07374182E+9 : f32
    %broadcast_in_dim3A_1894 = vector.broadcast %jit3A_1893 : f32 to vector<128x2048xf32>
    %select_n3A_1895 = arith.select %eq3A_1892, %add3A_10, %broadcast_in_dim3A_1894 : vector<128x2048xi1>, vector<128x2048xf32>
    %reduce_min3A_1896 = arith.constant dense<0x7F800000> : vector<128xf32>
    %reduce_min3A_1897 = vector.multi_reduction <minimumf>, %select_n3A_1895, %reduce_min3A_1896 [1] : vector<128x2048xf32> to vector<128xf32>
    %broadcast_in_dim3A_1898 = vector.shape_cast %reduce_min3A_1897 : vector<128xf32> to vector<128x1xf32>
    %get3A_1899 = arith.constant 2048 : index
    %get3A_1900 = arith.constant 0 : index
    %get3A_1901 = vector.load %arg5[%get3A_1899, %get3A_1900] : memref<4096x1xf32, #tpu.memory_space<vmem>>, vector<128x1xf32>
    %get3A_1902 = arith.constant 2048 : index
    %get3A_1903 = arith.constant 0 : index
    %get3A_1904 = vector.load %arg8[%get3A_1902, %get3A_1903] : memref<4096x1xf32, #tpu.memory_space<vmem>>, vector<128x1xf32>
    %get3A_1905 = arith.constant 2048 : index
    %get3A_1906 = arith.constant 0 : index
    %get3A_1907 = vector.load %arg6[%get3A_1905, %get3A_1906] : memref<4096x1xf32, #tpu.memory_space<vmem>>, vector<128x1xf32>
    %get3A_1908 = arith.constant 2048 : index
    %get3A_1909 = arith.constant 0 : index
    %get3A_1910 = vector.load %arg9[%get3A_1908, %get3A_1909] : memref<4096x1xf32, #tpu.memory_space<vmem>>, vector<128x1xf32>
    %get3A_1911 = arith.constant 2048 : index
    %get3A_1912 = arith.constant 0 : index
    %get3A_1913 = vector.load %arg7[%get3A_1911, %get3A_1912] : memref<4096x1xf32, #tpu.memory_space<vmem>>, vector<128x1xf32>
    %get3A_1914 = arith.constant 2048 : index
    %get3A_1915 = arith.constant 0 : index
    %get3A_1916 = vector.load %arg10[%get3A_1914, %get3A_1915] : memref<4096x1xf32, #tpu.memory_space<vmem>>, vector<128x1xf32>
    %le3A_1917 = arith.cmpf ole, %get3A_1913, %broadcast_in_dim3A_1858 : vector<128x1xf32>
    %select_n3A_1918 = arith.select %le3A_1917, %get3A_1913, %broadcast_in_dim3A_1858 : vector<128x1xi1>, vector<128x1xf32>
    %select_n3A_1919 = arith.select %le3A_1917, %get3A_1916, %broadcast_in_dim3A_1866 : vector<128x1xi1>, vector<128x1xf32>
    %le3A_1920 = arith.cmpf ole, %get3A_1907, %select_n3A_1918 : vector<128x1xf32>
    %select_n3A_1921 = arith.select %le3A_1920, %get3A_1907, %select_n3A_1918 : vector<128x1xi1>, vector<128x1xf32>
    %select_n3A_1922 = arith.select %le3A_1920, %get3A_1910, %select_n3A_1919 : vector<128x1xi1>, vector<128x1xf32>
    %select_n3A_1923 = arith.select %le3A_1920, %select_n3A_1918, %get3A_1907 : vector<128x1xi1>, vector<128x1xf32>
    %select_n3A_1924 = arith.select %le3A_1920, %select_n3A_1919, %get3A_1910 : vector<128x1xi1>, vector<128x1xf32>
    %le3A_1925 = arith.cmpf ole, %get3A_1901, %select_n3A_1921 : vector<128x1xf32>
    %select_n3A_1926 = arith.select %le3A_1925, %get3A_1901, %select_n3A_1921 : vector<128x1xi1>, vector<128x1xf32>
    %select_n3A_1927 = arith.select %le3A_1925, %get3A_1904, %select_n3A_1922 : vector<128x1xi1>, vector<128x1xf32>
    %select_n3A_1928 = arith.select %le3A_1925, %select_n3A_1921, %get3A_1901 : vector<128x1xi1>, vector<128x1xf32>
    %select_n3A_1929 = arith.select %le3A_1925, %select_n3A_1922, %get3A_1904 : vector<128x1xi1>, vector<128x1xf32>
    %le3A_1930 = arith.cmpf ole, %select_n3A_1923, %broadcast_in_dim3A_1874 : vector<128x1xf32>
    %select_n3A_1931 = arith.select %le3A_1930, %select_n3A_1923, %broadcast_in_dim3A_1874 : vector<128x1xi1>, vector<128x1xf32>
    %select_n3A_1932 = arith.select %le3A_1930, %select_n3A_1924, %broadcast_in_dim3A_1882 : vector<128x1xi1>, vector<128x1xf32>
    %le3A_1933 = arith.cmpf ole, %select_n3A_1928, %select_n3A_1931 : vector<128x1xf32>
    %select_n3A_1934 = arith.select %le3A_1933, %select_n3A_1928, %select_n3A_1931 : vector<128x1xi1>, vector<128x1xf32>
    %select_n3A_1935 = arith.select %le3A_1933, %select_n3A_1929, %select_n3A_1932 : vector<128x1xi1>, vector<128x1xf32>
    %select_n3A_1936 = arith.select %le3A_1933, %select_n3A_1931, %select_n3A_1928 : vector<128x1xi1>, vector<128x1xf32>
    %select_n3A_1937 = arith.select %le3A_1933, %select_n3A_1932, %select_n3A_1929 : vector<128x1xi1>, vector<128x1xf32>
    %le3A_1938 = arith.cmpf ole, %select_n3A_1936, %broadcast_in_dim3A_1890 : vector<128x1xf32>
    %select_n3A_1939 = arith.select %le3A_1938, %select_n3A_1936, %broadcast_in_dim3A_1890 : vector<128x1xi1>, vector<128x1xf32>
    %select_n3A_1940 = arith.select %le3A_1938, %select_n3A_1937, %broadcast_in_dim3A_1898 : vector<128x1xi1>, vector<128x1xf32>
    %swap3A_1941 = arith.constant 2048 : index
    %swap3A_1942 = arith.constant 0 : index
    %swap3A_1943 = vector.load %arg5[%swap3A_1941, %swap3A_1942] : memref<4096x1xf32, #tpu.memory_space<vmem>>, vector<128x1xf32>
    tpu.vector_store %arg5[%swap3A_1941, %swap3A_1942], %select_n3A_1926 {strides = array<i32>} : memref<4096x1xf32, #tpu.memory_space<vmem>>, vector<128x1xf32>,
    %swap3A_1944 = arith.constant 2048 : index
    %swap3A_1945 = arith.constant 0 : index
    %swap3A_1946 = vector.load %arg8[%swap3A_1944, %swap3A_1945] : memref<4096x1xf32, #tpu.memory_space<vmem>>, vector<128x1xf32>
    tpu.vector_store %arg8[%swap3A_1944, %swap3A_1945], %select_n3A_1927 {strides = array<i32>} : memref<4096x1xf32, #tpu.memory_space<vmem>>, vector<128x1xf32>,
    %swap3A_1947 = arith.constant 2048 : index
    %swap3A_1948 = arith.constant 0 : index
    %swap3A_1949 = vector.load %arg6[%swap3A_1947, %swap3A_1948] : memref<4096x1xf32, #tpu.memory_space<vmem>>, vector<128x1xf32>
    tpu.vector_store %arg6[%swap3A_1947, %swap3A_1948], %select_n3A_1934 {strides = array<i32>} : memref<4096x1xf32, #tpu.memory_space<vmem>>, vector<128x1xf32>,
    %swap3A_1950 = arith.constant 2048 : index
    %swap3A_1951 = arith.constant 0 : index
    %swap3A_1952 = vector.load %arg9[%swap3A_1950, %swap3A_1951] : memref<4096x1xf32, #tpu.memory_space<vmem>>, vector<128x1xf32>
    tpu.vector_store %arg9[%swap3A_1950, %swap3A_1951], %select_n3A_1935 {strides = array<i32>} : memref<4096x1xf32, #tpu.memory_space<vmem>>, vector<128x1xf32>,
    %swap3A_1953 = arith.constant 2048 : index
    %swap3A_1954 = arith.constant 0 : index
    %swap3A_1955 = vector.load %arg7[%swap3A_1953, %swap3A_1954] : memref<4096x1xf32, #tpu.memory_space<vmem>>, vector<128x1xf32>
    tpu.vector_store %arg7[%swap3A_1953, %swap3A_1954], %select_n3A_1939 {strides = array<i32>} : memref<4096x1xf32, #tpu.memory_space<vmem>>, vector<128x1xf32>,
    %swap3A_1956 = arith.constant 2048 : index
    %swap3A_1957 = arith.constant 0 : index
    %swap3A_1958 = vector.load %arg10[%swap3A_1956, %swap3A_1957] : memref<4096x1xf32, #tpu.memory_space<vmem>>, vector<128x1xf32>
    tpu.vector_store %arg10[%swap3A_1956, %swap3A_1957], %select_n3A_1940 {strides = array<i32>} : memref<4096x1xf32, #tpu.memory_space<vmem>>, vector<128x1xf32>,
    %get3A_1959 = arith.constant 2176 : index
    %get3A_1960 = arith.constant 0 : index
    %get3A_1961 = vector.load %arg1[%get3A_1959, %get3A_1960] : memref<4096x256xbf16, #tpu.memory_space<vmem>>, vector<128x256xbf16>
    %get3A_1962 = arith.constant 2176 : index
    %get3A_1963 = arith.constant 0 : index
    %get3A_1964 = vector.load %arg2[%get3A_1962, %get3A_1963] : memref<4096x1xf32, #tpu.memory_space<vmem>>, vector<128x1xf32>
    %dot_general3A_1965 = arith.constant dense<0.000000e+00> : vector<128x2048xf32>
    %dot_general3A_1966 = tpu.matmul %get3A_1961, %get3A_3, %dot_general3A_1965 {dimension_numbers = #tpu.dot_dimension_numbers<[1], [1], [0], [0], [0, 0, 1, 0], [], []>, transpose_lhs_hint = false} : vector<128x256xbf16>, vector<2048x256xbf16>, vector<128x2048xf32> -> vector<128x2048xf32>
    %add3A_1967 = vector.broadcast %get3A_1964 : vector<128x1xf32> to vector<128x2048xf32>
    %add3A_1968 = vector.broadcast %get3A_6 : vector<1x2048xf32> to vector<128x2048xf32>
    %add3A_1969 = arith.addf %add3A_1967, %add3A_1968 : vector<128x2048xf32>
    %add3A_1970 = arith.addf %add3A_1969, %dot_general3A_1966 : vector<128x2048xf32>
    %reduce_min3A_1971 = arith.constant dense<0x7F800000> : vector<128xf32>
    %reduce_min3A_1972 = vector.multi_reduction <minimumf>, %add3A_1970, %reduce_min3A_1971 [1] : vector<128x2048xf32> to vector<128xf32>
    %broadcast_in_dim3A_1973 = vector.shape_cast %reduce_min3A_1972 : vector<128xf32> to vector<128x1xf32>
    %eq3A_1974 = vector.broadcast %broadcast_in_dim3A_1973 : vector<128x1xf32> to vector<128x2048xf32>
    %eq3A_1975 = arith.cmpf oeq, %add3A_1970, %eq3A_1974 : vector<128x2048xf32>
    %jit3A_1976 = arith.constant 1.07374182E+9 : f32
    %broadcast_in_dim3A_1977 = vector.broadcast %jit3A_1976 : f32 to vector<128x2048xf32>
    %select_n3A_1978 = arith.select %eq3A_1975, %add3A_10, %broadcast_in_dim3A_1977 : vector<128x2048xi1>, vector<128x2048xf32>
    %reduce_min3A_1979 = arith.constant dense<0x7F800000> : vector<128xf32>
    %reduce_min3A_1980 = vector.multi_reduction <minimumf>, %select_n3A_1978, %reduce_min3A_1979 [1] : vector<128x2048xf32> to vector<128xf32>
    %broadcast_in_dim3A_1981 = vector.shape_cast %reduce_min3A_1980 : vector<128xf32> to vector<128x1xf32>
    %eq3A_1982 = vector.broadcast %broadcast_in_dim3A_1981 : vector<128x1xf32> to vector<128x2048xf32>
    %eq3A_1983 = arith.cmpf oeq, %add3A_10, %eq3A_1982 : vector<128x2048xf32>
    %jit3A_1984 = arith.constant 1.000000e+30 : f32
    %broadcast_in_dim3A_1985 = vector.broadcast %jit3A_1984 : f32 to vector<128x2048xf32>
    %select_n3A_1986 = arith.select %eq3A_1983, %broadcast_in_dim3A_1985, %add3A_1970 : vector<128x2048xi1>, vector<128x2048xf32>
    %reduce_min3A_1987 = arith.constant dense<0x7F800000> : vector<128xf32>
    %reduce_min3A_1988 = vector.multi_reduction <minimumf>, %select_n3A_1986, %reduce_min3A_1987 [1] : vector<128x2048xf32> to vector<128xf32>
    %broadcast_in_dim3A_1989 = vector.shape_cast %reduce_min3A_1988 : vector<128xf32> to vector<128x1xf32>
    %eq3A_1990 = vector.broadcast %broadcast_in_dim3A_1989 : vector<128x1xf32> to vector<128x2048xf32>
    %eq3A_1991 = arith.cmpf oeq, %select_n3A_1986, %eq3A_1990 : vector<128x2048xf32>
    %jit3A_1992 = arith.constant 1.07374182E+9 : f32
    %broadcast_in_dim3A_1993 = vector.broadcast %jit3A_1992 : f32 to vector<128x2048xf32>
    %select_n3A_1994 = arith.select %eq3A_1991, %add3A_10, %broadcast_in_dim3A_1993 : vector<128x2048xi1>, vector<128x2048xf32>
    %reduce_min3A_1995 = arith.constant dense<0x7F800000> : vector<128xf32>
    %reduce_min3A_1996 = vector.multi_reduction <minimumf>, %select_n3A_1994, %reduce_min3A_1995 [1] : vector<128x2048xf32> to vector<128xf32>
    %broadcast_in_dim3A_1997 = vector.shape_cast %reduce_min3A_1996 : vector<128xf32> to vector<128x1xf32>
    %eq3A_1998 = vector.broadcast %broadcast_in_dim3A_1997 : vector<128x1xf32> to vector<128x2048xf32>
    %eq3A_1999 = arith.cmpf oeq, %add3A_10, %eq3A_1998 : vector<128x2048xf32>
    %jit3A_2000 = arith.constant 1.000000e+30 : f32
    %broadcast_in_dim3A_2001 = vector.broadcast %jit3A_2000 : f32 to vector<128x2048xf32>
    %select_n3A_2002 = arith.select %eq3A_1999, %broadcast_in_dim3A_2001, %select_n3A_1986 : vector<128x2048xi1>, vector<128x2048xf32>
    %reduce_min3A_2003 = arith.constant dense<0x7F800000> : vector<128xf32>
    %reduce_min3A_2004 = vector.multi_reduction <minimumf>, %select_n3A_2002, %reduce_min3A_2003 [1] : vector<128x2048xf32> to vector<128xf32>
    %broadcast_in_dim3A_2005 = vector.shape_cast %reduce_min3A_2004 : vector<128xf32> to vector<128x1xf32>
    %eq3A_2006 = vector.broadcast %broadcast_in_dim3A_2005 : vector<128x1xf32> to vector<128x2048xf32>
    %eq3A_2007 = arith.cmpf oeq, %select_n3A_2002, %eq3A_2006 : vector<128x2048xf32>
    %jit3A_2008 = arith.constant 1.07374182E+9 : f32
    %broadcast_in_dim3A_2009 = vector.broadcast %jit3A_2008 : f32 to vector<128x2048xf32>
    %select_n3A_2010 = arith.select %eq3A_2007, %add3A_10, %broadcast_in_dim3A_2009 : vector<128x2048xi1>, vector<128x2048xf32>
    %reduce_min3A_2011 = arith.constant dense<0x7F800000> : vector<128xf32>
    %reduce_min3A_2012 = vector.multi_reduction <minimumf>, %select_n3A_2010, %reduce_min3A_2011 [1] : vector<128x2048xf32> to vector<128xf32>
    %broadcast_in_dim3A_2013 = vector.shape_cast %reduce_min3A_2012 : vector<128xf32> to vector<128x1xf32>
    %get3A_2014 = arith.constant 2176 : index
    %get3A_2015 = arith.constant 0 : index
    %get3A_2016 = vector.load %arg5[%get3A_2014, %get3A_2015] : memref<4096x1xf32, #tpu.memory_space<vmem>>, vector<128x1xf32>
    %get3A_2017 = arith.constant 2176 : index
    %get3A_2018 = arith.constant 0 : index
    %get3A_2019 = vector.load %arg8[%get3A_2017, %get3A_2018] : memref<4096x1xf32, #tpu.memory_space<vmem>>, vector<128x1xf32>
    %get3A_2020 = arith.constant 2176 : index
    %get3A_2021 = arith.constant 0 : index
    %get3A_2022 = vector.load %arg6[%get3A_2020, %get3A_2021] : memref<4096x1xf32, #tpu.memory_space<vmem>>, vector<128x1xf32>
    %get3A_2023 = arith.constant 2176 : index
    %get3A_2024 = arith.constant 0 : index
    %get3A_2025 = vector.load %arg9[%get3A_2023, %get3A_2024] : memref<4096x1xf32, #tpu.memory_space<vmem>>, vector<128x1xf32>
    %get3A_2026 = arith.constant 2176 : index
    %get3A_2027 = arith.constant 0 : index
    %get3A_2028 = vector.load %arg7[%get3A_2026, %get3A_2027] : memref<4096x1xf32, #tpu.memory_space<vmem>>, vector<128x1xf32>
    %get3A_2029 = arith.constant 2176 : index
    %get3A_2030 = arith.constant 0 : index
    %get3A_2031 = vector.load %arg10[%get3A_2029, %get3A_2030] : memref<4096x1xf32, #tpu.memory_space<vmem>>, vector<128x1xf32>
    %le3A_2032 = arith.cmpf ole, %get3A_2028, %broadcast_in_dim3A_1973 : vector<128x1xf32>
    %select_n3A_2033 = arith.select %le3A_2032, %get3A_2028, %broadcast_in_dim3A_1973 : vector<128x1xi1>, vector<128x1xf32>
    %select_n3A_2034 = arith.select %le3A_2032, %get3A_2031, %broadcast_in_dim3A_1981 : vector<128x1xi1>, vector<128x1xf32>
    %le3A_2035 = arith.cmpf ole, %get3A_2022, %select_n3A_2033 : vector<128x1xf32>
    %select_n3A_2036 = arith.select %le3A_2035, %get3A_2022, %select_n3A_2033 : vector<128x1xi1>, vector<128x1xf32>
    %select_n3A_2037 = arith.select %le3A_2035, %get3A_2025, %select_n3A_2034 : vector<128x1xi1>, vector<128x1xf32>
    %select_n3A_2038 = arith.select %le3A_2035, %select_n3A_2033, %get3A_2022 : vector<128x1xi1>, vector<128x1xf32>
    %select_n3A_2039 = arith.select %le3A_2035, %select_n3A_2034, %get3A_2025 : vector<128x1xi1>, vector<128x1xf32>
    %le3A_2040 = arith.cmpf ole, %get3A_2016, %select_n3A_2036 : vector<128x1xf32>
    %select_n3A_2041 = arith.select %le3A_2040, %get3A_2016, %select_n3A_2036 : vector<128x1xi1>, vector<128x1xf32>
    %select_n3A_2042 = arith.select %le3A_2040, %get3A_2019, %select_n3A_2037 : vector<128x1xi1>, vector<128x1xf32>
    %select_n3A_2043 = arith.select %le3A_2040, %select_n3A_2036, %get3A_2016 : vector<128x1xi1>, vector<128x1xf32>
    %select_n3A_2044 = arith.select %le3A_2040, %select_n3A_2037, %get3A_2019 : vector<128x1xi1>, vector<128x1xf32>
    %le3A_2045 = arith.cmpf ole, %select_n3A_2038, %broadcast_in_dim3A_1989 : vector<128x1xf32>
    %select_n3A_2046 = arith.select %le3A_2045, %select_n3A_2038, %broadcast_in_dim3A_1989 : vector<128x1xi1>, vector<128x1xf32>
    %select_n3A_2047 = arith.select %le3A_2045, %select_n3A_2039, %broadcast_in_dim3A_1997 : vector<128x1xi1>, vector<128x1xf32>
    %le3A_2048 = arith.cmpf ole, %select_n3A_2043, %select_n3A_2046 : vector<128x1xf32>
    %select_n3A_2049 = arith.select %le3A_2048, %select_n3A_2043, %select_n3A_2046 : vector<128x1xi1>, vector<128x1xf32>
    %select_n3A_2050 = arith.select %le3A_2048, %select_n3A_2044, %select_n3A_2047 : vector<128x1xi1>, vector<128x1xf32>
    %select_n3A_2051 = arith.select %le3A_2048, %select_n3A_2046, %select_n3A_2043 : vector<128x1xi1>, vector<128x1xf32>
    %select_n3A_2052 = arith.select %le3A_2048, %select_n3A_2047, %select_n3A_2044 : vector<128x1xi1>, vector<128x1xf32>
    %le3A_2053 = arith.cmpf ole, %select_n3A_2051, %broadcast_in_dim3A_2005 : vector<128x1xf32>
    %select_n3A_2054 = arith.select %le3A_2053, %select_n3A_2051, %broadcast_in_dim3A_2005 : vector<128x1xi1>, vector<128x1xf32>
    %select_n3A_2055 = arith.select %le3A_2053, %select_n3A_2052, %broadcast_in_dim3A_2013 : vector<128x1xi1>, vector<128x1xf32>
    %swap3A_2056 = arith.constant 2176 : index
    %swap3A_2057 = arith.constant 0 : index
    %swap3A_2058 = vector.load %arg5[%swap3A_2056, %swap3A_2057] : memref<4096x1xf32, #tpu.memory_space<vmem>>, vector<128x1xf32>
    tpu.vector_store %arg5[%swap3A_2056, %swap3A_2057], %select_n3A_2041 {strides = array<i32>} : memref<4096x1xf32, #tpu.memory_space<vmem>>, vector<128x1xf32>,
    %swap3A_2059 = arith.constant 2176 : index
    %swap3A_2060 = arith.constant 0 : index
    %swap3A_2061 = vector.load %arg8[%swap3A_2059, %swap3A_2060] : memref<4096x1xf32, #tpu.memory_space<vmem>>, vector<128x1xf32>
    tpu.vector_store %arg8[%swap3A_2059, %swap3A_2060], %select_n3A_2042 {strides = array<i32>} : memref<4096x1xf32, #tpu.memory_space<vmem>>, vector<128x1xf32>,
    %swap3A_2062 = arith.constant 2176 : index
    %swap3A_2063 = arith.constant 0 : index
    %swap3A_2064 = vector.load %arg6[%swap3A_2062, %swap3A_2063] : memref<4096x1xf32, #tpu.memory_space<vmem>>, vector<128x1xf32>
    tpu.vector_store %arg6[%swap3A_2062, %swap3A_2063], %select_n3A_2049 {strides = array<i32>} : memref<4096x1xf32, #tpu.memory_space<vmem>>, vector<128x1xf32>,
    %swap3A_2065 = arith.constant 2176 : index
    %swap3A_2066 = arith.constant 0 : index
    %swap3A_2067 = vector.load %arg9[%swap3A_2065, %swap3A_2066] : memref<4096x1xf32, #tpu.memory_space<vmem>>, vector<128x1xf32>
    tpu.vector_store %arg9[%swap3A_2065, %swap3A_2066], %select_n3A_2050 {strides = array<i32>} : memref<4096x1xf32, #tpu.memory_space<vmem>>, vector<128x1xf32>,
    %swap3A_2068 = arith.constant 2176 : index
    %swap3A_2069 = arith.constant 0 : index
    %swap3A_2070 = vector.load %arg7[%swap3A_2068, %swap3A_2069] : memref<4096x1xf32, #tpu.memory_space<vmem>>, vector<128x1xf32>
    tpu.vector_store %arg7[%swap3A_2068, %swap3A_2069], %select_n3A_2054 {strides = array<i32>} : memref<4096x1xf32, #tpu.memory_space<vmem>>, vector<128x1xf32>,
    %swap3A_2071 = arith.constant 2176 : index
    %swap3A_2072 = arith.constant 0 : index
    %swap3A_2073 = vector.load %arg10[%swap3A_2071, %swap3A_2072] : memref<4096x1xf32, #tpu.memory_space<vmem>>, vector<128x1xf32>
    tpu.vector_store %arg10[%swap3A_2071, %swap3A_2072], %select_n3A_2055 {strides = array<i32>} : memref<4096x1xf32, #tpu.memory_space<vmem>>, vector<128x1xf32>,
    %get3A_2074 = arith.constant 2304 : index
    %get3A_2075 = arith.constant 0 : index
    %get3A_2076 = vector.load %arg1[%get3A_2074, %get3A_2075] : memref<4096x256xbf16, #tpu.memory_space<vmem>>, vector<128x256xbf16>
    %get3A_2077 = arith.constant 2304 : index
    %get3A_2078 = arith.constant 0 : index
    %get3A_2079 = vector.load %arg2[%get3A_2077, %get3A_2078] : memref<4096x1xf32, #tpu.memory_space<vmem>>, vector<128x1xf32>
    %dot_general3A_2080 = arith.constant dense<0.000000e+00> : vector<128x2048xf32>
    %dot_general3A_2081 = tpu.matmul %get3A_2076, %get3A_3, %dot_general3A_2080 {dimension_numbers = #tpu.dot_dimension_numbers<[1], [1], [0], [0], [0, 0, 1, 0], [], []>, transpose_lhs_hint = false} : vector<128x256xbf16>, vector<2048x256xbf16>, vector<128x2048xf32> -> vector<128x2048xf32>
    %add3A_2082 = vector.broadcast %get3A_2079 : vector<128x1xf32> to vector<128x2048xf32>
    %add3A_2083 = vector.broadcast %get3A_6 : vector<1x2048xf32> to vector<128x2048xf32>
    %add3A_2084 = arith.addf %add3A_2082, %add3A_2083 : vector<128x2048xf32>
    %add3A_2085 = arith.addf %add3A_2084, %dot_general3A_2081 : vector<128x2048xf32>
    %reduce_min3A_2086 = arith.constant dense<0x7F800000> : vector<128xf32>
    %reduce_min3A_2087 = vector.multi_reduction <minimumf>, %add3A_2085, %reduce_min3A_2086 [1] : vector<128x2048xf32> to vector<128xf32>
    %broadcast_in_dim3A_2088 = vector.shape_cast %reduce_min3A_2087 : vector<128xf32> to vector<128x1xf32>
    %eq3A_2089 = vector.broadcast %broadcast_in_dim3A_2088 : vector<128x1xf32> to vector<128x2048xf32>
    %eq3A_2090 = arith.cmpf oeq, %add3A_2085, %eq3A_2089 : vector<128x2048xf32>
    %jit3A_2091 = arith.constant 1.07374182E+9 : f32
    %broadcast_in_dim3A_2092 = vector.broadcast %jit3A_2091 : f32 to vector<128x2048xf32>
    %select_n3A_2093 = arith.select %eq3A_2090, %add3A_10, %broadcast_in_dim3A_2092 : vector<128x2048xi1>, vector<128x2048xf32>
    %reduce_min3A_2094 = arith.constant dense<0x7F800000> : vector<128xf32>
    %reduce_min3A_2095 = vector.multi_reduction <minimumf>, %select_n3A_2093, %reduce_min3A_2094 [1] : vector<128x2048xf32> to vector<128xf32>
    %broadcast_in_dim3A_2096 = vector.shape_cast %reduce_min3A_2095 : vector<128xf32> to vector<128x1xf32>
    %eq3A_2097 = vector.broadcast %broadcast_in_dim3A_2096 : vector<128x1xf32> to vector<128x2048xf32>
    %eq3A_2098 = arith.cmpf oeq, %add3A_10, %eq3A_2097 : vector<128x2048xf32>
    %jit3A_2099 = arith.constant 1.000000e+30 : f32
    %broadcast_in_dim3A_2100 = vector.broadcast %jit3A_2099 : f32 to vector<128x2048xf32>
    %select_n3A_2101 = arith.select %eq3A_2098, %broadcast_in_dim3A_2100, %add3A_2085 : vector<128x2048xi1>, vector<128x2048xf32>
    %reduce_min3A_2102 = arith.constant dense<0x7F800000> : vector<128xf32>
    %reduce_min3A_2103 = vector.multi_reduction <minimumf>, %select_n3A_2101, %reduce_min3A_2102 [1] : vector<128x2048xf32> to vector<128xf32>
    %broadcast_in_dim3A_2104 = vector.shape_cast %reduce_min3A_2103 : vector<128xf32> to vector<128x1xf32>
    %eq3A_2105 = vector.broadcast %broadcast_in_dim3A_2104 : vector<128x1xf32> to vector<128x2048xf32>
    %eq3A_2106 = arith.cmpf oeq, %select_n3A_2101, %eq3A_2105 : vector<128x2048xf32>
    %jit3A_2107 = arith.constant 1.07374182E+9 : f32
    %broadcast_in_dim3A_2108 = vector.broadcast %jit3A_2107 : f32 to vector<128x2048xf32>
    %select_n3A_2109 = arith.select %eq3A_2106, %add3A_10, %broadcast_in_dim3A_2108 : vector<128x2048xi1>, vector<128x2048xf32>
    %reduce_min3A_2110 = arith.constant dense<0x7F800000> : vector<128xf32>
    %reduce_min3A_2111 = vector.multi_reduction <minimumf>, %select_n3A_2109, %reduce_min3A_2110 [1] : vector<128x2048xf32> to vector<128xf32>
    %broadcast_in_dim3A_2112 = vector.shape_cast %reduce_min3A_2111 : vector<128xf32> to vector<128x1xf32>
    %eq3A_2113 = vector.broadcast %broadcast_in_dim3A_2112 : vector<128x1xf32> to vector<128x2048xf32>
    %eq3A_2114 = arith.cmpf oeq, %add3A_10, %eq3A_2113 : vector<128x2048xf32>
    %jit3A_2115 = arith.constant 1.000000e+30 : f32
    %broadcast_in_dim3A_2116 = vector.broadcast %jit3A_2115 : f32 to vector<128x2048xf32>
    %select_n3A_2117 = arith.select %eq3A_2114, %broadcast_in_dim3A_2116, %select_n3A_2101 : vector<128x2048xi1>, vector<128x2048xf32>
    %reduce_min3A_2118 = arith.constant dense<0x7F800000> : vector<128xf32>
    %reduce_min3A_2119 = vector.multi_reduction <minimumf>, %select_n3A_2117, %reduce_min3A_2118 [1] : vector<128x2048xf32> to vector<128xf32>
    %broadcast_in_dim3A_2120 = vector.shape_cast %reduce_min3A_2119 : vector<128xf32> to vector<128x1xf32>
    %eq3A_2121 = vector.broadcast %broadcast_in_dim3A_2120 : vector<128x1xf32> to vector<128x2048xf32>
    %eq3A_2122 = arith.cmpf oeq, %select_n3A_2117, %eq3A_2121 : vector<128x2048xf32>
    %jit3A_2123 = arith.constant 1.07374182E+9 : f32
    %broadcast_in_dim3A_2124 = vector.broadcast %jit3A_2123 : f32 to vector<128x2048xf32>
    %select_n3A_2125 = arith.select %eq3A_2122, %add3A_10, %broadcast_in_dim3A_2124 : vector<128x2048xi1>, vector<128x2048xf32>
    %reduce_min3A_2126 = arith.constant dense<0x7F800000> : vector<128xf32>
    %reduce_min3A_2127 = vector.multi_reduction <minimumf>, %select_n3A_2125, %reduce_min3A_2126 [1] : vector<128x2048xf32> to vector<128xf32>
    %broadcast_in_dim3A_2128 = vector.shape_cast %reduce_min3A_2127 : vector<128xf32> to vector<128x1xf32>
    %get3A_2129 = arith.constant 2304 : index
    %get3A_2130 = arith.constant 0 : index
    %get3A_2131 = vector.load %arg5[%get3A_2129, %get3A_2130] : memref<4096x1xf32, #tpu.memory_space<vmem>>, vector<128x1xf32>
    %get3A_2132 = arith.constant 2304 : index
    %get3A_2133 = arith.constant 0 : index
    %get3A_2134 = vector.load %arg8[%get3A_2132, %get3A_2133] : memref<4096x1xf32, #tpu.memory_space<vmem>>, vector<128x1xf32>
    %get3A_2135 = arith.constant 2304 : index
    %get3A_2136 = arith.constant 0 : index
    %get3A_2137 = vector.load %arg6[%get3A_2135, %get3A_2136] : memref<4096x1xf32, #tpu.memory_space<vmem>>, vector<128x1xf32>
    %get3A_2138 = arith.constant 2304 : index
    %get3A_2139 = arith.constant 0 : index
    %get3A_2140 = vector.load %arg9[%get3A_2138, %get3A_2139] : memref<4096x1xf32, #tpu.memory_space<vmem>>, vector<128x1xf32>
    %get3A_2141 = arith.constant 2304 : index
    %get3A_2142 = arith.constant 0 : index
    %get3A_2143 = vector.load %arg7[%get3A_2141, %get3A_2142] : memref<4096x1xf32, #tpu.memory_space<vmem>>, vector<128x1xf32>
    %get3A_2144 = arith.constant 2304 : index
    %get3A_2145 = arith.constant 0 : index
    %get3A_2146 = vector.load %arg10[%get3A_2144, %get3A_2145] : memref<4096x1xf32, #tpu.memory_space<vmem>>, vector<128x1xf32>
    %le3A_2147 = arith.cmpf ole, %get3A_2143, %broadcast_in_dim3A_2088 : vector<128x1xf32>
    %select_n3A_2148 = arith.select %le3A_2147, %get3A_2143, %broadcast_in_dim3A_2088 : vector<128x1xi1>, vector<128x1xf32>
    %select_n3A_2149 = arith.select %le3A_2147, %get3A_2146, %broadcast_in_dim3A_2096 : vector<128x1xi1>, vector<128x1xf32>
    %le3A_2150 = arith.cmpf ole, %get3A_2137, %select_n3A_2148 : vector<128x1xf32>
    %select_n3A_2151 = arith.select %le3A_2150, %get3A_2137, %select_n3A_2148 : vector<128x1xi1>, vector<128x1xf32>
    %select_n3A_2152 = arith.select %le3A_2150, %get3A_2140, %select_n3A_2149 : vector<128x1xi1>, vector<128x1xf32>
    %select_n3A_2153 = arith.select %le3A_2150, %select_n3A_2148, %get3A_2137 : vector<128x1xi1>, vector<128x1xf32>
    %select_n3A_2154 = arith.select %le3A_2150, %select_n3A_2149, %get3A_2140 : vector<128x1xi1>, vector<128x1xf32>
    %le3A_2155 = arith.cmpf ole, %get3A_2131, %select_n3A_2151 : vector<128x1xf32>
    %select_n3A_2156 = arith.select %le3A_2155, %get3A_2131, %select_n3A_2151 : vector<128x1xi1>, vector<128x1xf32>
    %select_n3A_2157 = arith.select %le3A_2155, %get3A_2134, %select_n3A_2152 : vector<128x1xi1>, vector<128x1xf32>
    %select_n3A_2158 = arith.select %le3A_2155, %select_n3A_2151, %get3A_2131 : vector<128x1xi1>, vector<128x1xf32>
    %select_n3A_2159 = arith.select %le3A_2155, %select_n3A_2152, %get3A_2134 : vector<128x1xi1>, vector<128x1xf32>
    %le3A_2160 = arith.cmpf ole, %select_n3A_2153, %broadcast_in_dim3A_2104 : vector<128x1xf32>
    %select_n3A_2161 = arith.select %le3A_2160, %select_n3A_2153, %broadcast_in_dim3A_2104 : vector<128x1xi1>, vector<128x1xf32>
    %select_n3A_2162 = arith.select %le3A_2160, %select_n3A_2154, %broadcast_in_dim3A_2112 : vector<128x1xi1>, vector<128x1xf32>
    %le3A_2163 = arith.cmpf ole, %select_n3A_2158, %select_n3A_2161 : vector<128x1xf32>
    %select_n3A_2164 = arith.select %le3A_2163, %select_n3A_2158, %select_n3A_2161 : vector<128x1xi1>, vector<128x1xf32>
    %select_n3A_2165 = arith.select %le3A_2163, %select_n3A_2159, %select_n3A_2162 : vector<128x1xi1>, vector<128x1xf32>
    %select_n3A_2166 = arith.select %le3A_2163, %select_n3A_2161, %select_n3A_2158 : vector<128x1xi1>, vector<128x1xf32>
    %select_n3A_2167 = arith.select %le3A_2163, %select_n3A_2162, %select_n3A_2159 : vector<128x1xi1>, vector<128x1xf32>
    %le3A_2168 = arith.cmpf ole, %select_n3A_2166, %broadcast_in_dim3A_2120 : vector<128x1xf32>
    %select_n3A_2169 = arith.select %le3A_2168, %select_n3A_2166, %broadcast_in_dim3A_2120 : vector<128x1xi1>, vector<128x1xf32>
    %select_n3A_2170 = arith.select %le3A_2168, %select_n3A_2167, %broadcast_in_dim3A_2128 : vector<128x1xi1>, vector<128x1xf32>
    %swap3A_2171 = arith.constant 2304 : index
    %swap3A_2172 = arith.constant 0 : index
    %swap3A_2173 = vector.load %arg5[%swap3A_2171, %swap3A_2172] : memref<4096x1xf32, #tpu.memory_space<vmem>>, vector<128x1xf32>
    tpu.vector_store %arg5[%swap3A_2171, %swap3A_2172], %select_n3A_2156 {strides = array<i32>} : memref<4096x1xf32, #tpu.memory_space<vmem>>, vector<128x1xf32>,
    %swap3A_2174 = arith.constant 2304 : index
    %swap3A_2175 = arith.constant 0 : index
    %swap3A_2176 = vector.load %arg8[%swap3A_2174, %swap3A_2175] : memref<4096x1xf32, #tpu.memory_space<vmem>>, vector<128x1xf32>
    tpu.vector_store %arg8[%swap3A_2174, %swap3A_2175], %select_n3A_2157 {strides = array<i32>} : memref<4096x1xf32, #tpu.memory_space<vmem>>, vector<128x1xf32>,
    %swap3A_2177 = arith.constant 2304 : index
    %swap3A_2178 = arith.constant 0 : index
    %swap3A_2179 = vector.load %arg6[%swap3A_2177, %swap3A_2178] : memref<4096x1xf32, #tpu.memory_space<vmem>>, vector<128x1xf32>
    tpu.vector_store %arg6[%swap3A_2177, %swap3A_2178], %select_n3A_2164 {strides = array<i32>} : memref<4096x1xf32, #tpu.memory_space<vmem>>, vector<128x1xf32>,
    %swap3A_2180 = arith.constant 2304 : index
    %swap3A_2181 = arith.constant 0 : index
    %swap3A_2182 = vector.load %arg9[%swap3A_2180, %swap3A_2181] : memref<4096x1xf32, #tpu.memory_space<vmem>>, vector<128x1xf32>
    tpu.vector_store %arg9[%swap3A_2180, %swap3A_2181], %select_n3A_2165 {strides = array<i32>} : memref<4096x1xf32, #tpu.memory_space<vmem>>, vector<128x1xf32>,
    %swap3A_2183 = arith.constant 2304 : index
    %swap3A_2184 = arith.constant 0 : index
    %swap3A_2185 = vector.load %arg7[%swap3A_2183, %swap3A_2184] : memref<4096x1xf32, #tpu.memory_space<vmem>>, vector<128x1xf32>
    tpu.vector_store %arg7[%swap3A_2183, %swap3A_2184], %select_n3A_2169 {strides = array<i32>} : memref<4096x1xf32, #tpu.memory_space<vmem>>, vector<128x1xf32>,
    %swap3A_2186 = arith.constant 2304 : index
    %swap3A_2187 = arith.constant 0 : index
    %swap3A_2188 = vector.load %arg10[%swap3A_2186, %swap3A_2187] : memref<4096x1xf32, #tpu.memory_space<vmem>>, vector<128x1xf32>
    tpu.vector_store %arg10[%swap3A_2186, %swap3A_2187], %select_n3A_2170 {strides = array<i32>} : memref<4096x1xf32, #tpu.memory_space<vmem>>, vector<128x1xf32>,
    %get3A_2189 = arith.constant 2432 : index
    %get3A_2190 = arith.constant 0 : index
    %get3A_2191 = vector.load %arg1[%get3A_2189, %get3A_2190] : memref<4096x256xbf16, #tpu.memory_space<vmem>>, vector<128x256xbf16>
    %get3A_2192 = arith.constant 2432 : index
    %get3A_2193 = arith.constant 0 : index
    %get3A_2194 = vector.load %arg2[%get3A_2192, %get3A_2193] : memref<4096x1xf32, #tpu.memory_space<vmem>>, vector<128x1xf32>
    %dot_general3A_2195 = arith.constant dense<0.000000e+00> : vector<128x2048xf32>
    %dot_general3A_2196 = tpu.matmul %get3A_2191, %get3A_3, %dot_general3A_2195 {dimension_numbers = #tpu.dot_dimension_numbers<[1], [1], [0], [0], [0, 0, 1, 0], [], []>, transpose_lhs_hint = false} : vector<128x256xbf16>, vector<2048x256xbf16>, vector<128x2048xf32> -> vector<128x2048xf32>
    %add3A_2197 = vector.broadcast %get3A_2194 : vector<128x1xf32> to vector<128x2048xf32>
    %add3A_2198 = vector.broadcast %get3A_6 : vector<1x2048xf32> to vector<128x2048xf32>
    %add3A_2199 = arith.addf %add3A_2197, %add3A_2198 : vector<128x2048xf32>
    %add3A_2200 = arith.addf %add3A_2199, %dot_general3A_2196 : vector<128x2048xf32>
    %reduce_min3A_2201 = arith.constant dense<0x7F800000> : vector<128xf32>
    %reduce_min3A_2202 = vector.multi_reduction <minimumf>, %add3A_2200, %reduce_min3A_2201 [1] : vector<128x2048xf32> to vector<128xf32>
    %broadcast_in_dim3A_2203 = vector.shape_cast %reduce_min3A_2202 : vector<128xf32> to vector<128x1xf32>
    %eq3A_2204 = vector.broadcast %broadcast_in_dim3A_2203 : vector<128x1xf32> to vector<128x2048xf32>
    %eq3A_2205 = arith.cmpf oeq, %add3A_2200, %eq3A_2204 : vector<128x2048xf32>
    %jit3A_2206 = arith.constant 1.07374182E+9 : f32
    %broadcast_in_dim3A_2207 = vector.broadcast %jit3A_2206 : f32 to vector<128x2048xf32>
    %select_n3A_2208 = arith.select %eq3A_2205, %add3A_10, %broadcast_in_dim3A_2207 : vector<128x2048xi1>, vector<128x2048xf32>
    %reduce_min3A_2209 = arith.constant dense<0x7F800000> : vector<128xf32>
    %reduce_min3A_2210 = vector.multi_reduction <minimumf>, %select_n3A_2208, %reduce_min3A_2209 [1] : vector<128x2048xf32> to vector<128xf32>
    %broadcast_in_dim3A_2211 = vector.shape_cast %reduce_min3A_2210 : vector<128xf32> to vector<128x1xf32>
    %eq3A_2212 = vector.broadcast %broadcast_in_dim3A_2211 : vector<128x1xf32> to vector<128x2048xf32>
    %eq3A_2213 = arith.cmpf oeq, %add3A_10, %eq3A_2212 : vector<128x2048xf32>
    %jit3A_2214 = arith.constant 1.000000e+30 : f32
    %broadcast_in_dim3A_2215 = vector.broadcast %jit3A_2214 : f32 to vector<128x2048xf32>
    %select_n3A_2216 = arith.select %eq3A_2213, %broadcast_in_dim3A_2215, %add3A_2200 : vector<128x2048xi1>, vector<128x2048xf32>
    %reduce_min3A_2217 = arith.constant dense<0x7F800000> : vector<128xf32>
    %reduce_min3A_2218 = vector.multi_reduction <minimumf>, %select_n3A_2216, %reduce_min3A_2217 [1] : vector<128x2048xf32> to vector<128xf32>
    %broadcast_in_dim3A_2219 = vector.shape_cast %reduce_min3A_2218 : vector<128xf32> to vector<128x1xf32>
    %eq3A_2220 = vector.broadcast %broadcast_in_dim3A_2219 : vector<128x1xf32> to vector<128x2048xf32>
    %eq3A_2221 = arith.cmpf oeq, %select_n3A_2216, %eq3A_2220 : vector<128x2048xf32>
    %jit3A_2222 = arith.constant 1.07374182E+9 : f32
    %broadcast_in_dim3A_2223 = vector.broadcast %jit3A_2222 : f32 to vector<128x2048xf32>
    %select_n3A_2224 = arith.select %eq3A_2221, %add3A_10, %broadcast_in_dim3A_2223 : vector<128x2048xi1>, vector<128x2048xf32>
    %reduce_min3A_2225 = arith.constant dense<0x7F800000> : vector<128xf32>
    %reduce_min3A_2226 = vector.multi_reduction <minimumf>, %select_n3A_2224, %reduce_min3A_2225 [1] : vector<128x2048xf32> to vector<128xf32>
    %broadcast_in_dim3A_2227 = vector.shape_cast %reduce_min3A_2226 : vector<128xf32> to vector<128x1xf32>
    %eq3A_2228 = vector.broadcast %broadcast_in_dim3A_2227 : vector<128x1xf32> to vector<128x2048xf32>
    %eq3A_2229 = arith.cmpf oeq, %add3A_10, %eq3A_2228 : vector<128x2048xf32>
    %jit3A_2230 = arith.constant 1.000000e+30 : f32
    %broadcast_in_dim3A_2231 = vector.broadcast %jit3A_2230 : f32 to vector<128x2048xf32>
    %select_n3A_2232 = arith.select %eq3A_2229, %broadcast_in_dim3A_2231, %select_n3A_2216 : vector<128x2048xi1>, vector<128x2048xf32>
    %reduce_min3A_2233 = arith.constant dense<0x7F800000> : vector<128xf32>
    %reduce_min3A_2234 = vector.multi_reduction <minimumf>, %select_n3A_2232, %reduce_min3A_2233 [1] : vector<128x2048xf32> to vector<128xf32>
    %broadcast_in_dim3A_2235 = vector.shape_cast %reduce_min3A_2234 : vector<128xf32> to vector<128x1xf32>
    %eq3A_2236 = vector.broadcast %broadcast_in_dim3A_2235 : vector<128x1xf32> to vector<128x2048xf32>
    %eq3A_2237 = arith.cmpf oeq, %select_n3A_2232, %eq3A_2236 : vector<128x2048xf32>
    %jit3A_2238 = arith.constant 1.07374182E+9 : f32
    %broadcast_in_dim3A_2239 = vector.broadcast %jit3A_2238 : f32 to vector<128x2048xf32>
    %select_n3A_2240 = arith.select %eq3A_2237, %add3A_10, %broadcast_in_dim3A_2239 : vector<128x2048xi1>, vector<128x2048xf32>
    %reduce_min3A_2241 = arith.constant dense<0x7F800000> : vector<128xf32>
    %reduce_min3A_2242 = vector.multi_reduction <minimumf>, %select_n3A_2240, %reduce_min3A_2241 [1] : vector<128x2048xf32> to vector<128xf32>
    %broadcast_in_dim3A_2243 = vector.shape_cast %reduce_min3A_2242 : vector<128xf32> to vector<128x1xf32>
    %get3A_2244 = arith.constant 2432 : index
    %get3A_2245 = arith.constant 0 : index
    %get3A_2246 = vector.load %arg5[%get3A_2244, %get3A_2245] : memref<4096x1xf32, #tpu.memory_space<vmem>>, vector<128x1xf32>
    %get3A_2247 = arith.constant 2432 : index
    %get3A_2248 = arith.constant 0 : index
    %get3A_2249 = vector.load %arg8[%get3A_2247, %get3A_2248] : memref<4096x1xf32, #tpu.memory_space<vmem>>, vector<128x1xf32>
    %get3A_2250 = arith.constant 2432 : index
    %get3A_2251 = arith.constant 0 : index
    %get3A_2252 = vector.load %arg6[%get3A_2250, %get3A_2251] : memref<4096x1xf32, #tpu.memory_space<vmem>>, vector<128x1xf32>
    %get3A_2253 = arith.constant 2432 : index
    %get3A_2254 = arith.constant 0 : index
    %get3A_2255 = vector.load %arg9[%get3A_2253, %get3A_2254] : memref<4096x1xf32, #tpu.memory_space<vmem>>, vector<128x1xf32>
    %get3A_2256 = arith.constant 2432 : index
    %get3A_2257 = arith.constant 0 : index
    %get3A_2258 = vector.load %arg7[%get3A_2256, %get3A_2257] : memref<4096x1xf32, #tpu.memory_space<vmem>>, vector<128x1xf32>
    %get3A_2259 = arith.constant 2432 : index
    %get3A_2260 = arith.constant 0 : index
    %get3A_2261 = vector.load %arg10[%get3A_2259, %get3A_2260] : memref<4096x1xf32, #tpu.memory_space<vmem>>, vector<128x1xf32>
    %le3A_2262 = arith.cmpf ole, %get3A_2258, %broadcast_in_dim3A_2203 : vector<128x1xf32>
    %select_n3A_2263 = arith.select %le3A_2262, %get3A_2258, %broadcast_in_dim3A_2203 : vector<128x1xi1>, vector<128x1xf32>
    %select_n3A_2264 = arith.select %le3A_2262, %get3A_2261, %broadcast_in_dim3A_2211 : vector<128x1xi1>, vector<128x1xf32>
    %le3A_2265 = arith.cmpf ole, %get3A_2252, %select_n3A_2263 : vector<128x1xf32>
    %select_n3A_2266 = arith.select %le3A_2265, %get3A_2252, %select_n3A_2263 : vector<128x1xi1>, vector<128x1xf32>
    %select_n3A_2267 = arith.select %le3A_2265, %get3A_2255, %select_n3A_2264 : vector<128x1xi1>, vector<128x1xf32>
    %select_n3A_2268 = arith.select %le3A_2265, %select_n3A_2263, %get3A_2252 : vector<128x1xi1>, vector<128x1xf32>
    %select_n3A_2269 = arith.select %le3A_2265, %select_n3A_2264, %get3A_2255 : vector<128x1xi1>, vector<128x1xf32>
    %le3A_2270 = arith.cmpf ole, %get3A_2246, %select_n3A_2266 : vector<128x1xf32>
    %select_n3A_2271 = arith.select %le3A_2270, %get3A_2246, %select_n3A_2266 : vector<128x1xi1>, vector<128x1xf32>
    %select_n3A_2272 = arith.select %le3A_2270, %get3A_2249, %select_n3A_2267 : vector<128x1xi1>, vector<128x1xf32>
    %select_n3A_2273 = arith.select %le3A_2270, %select_n3A_2266, %get3A_2246 : vector<128x1xi1>, vector<128x1xf32>
    %select_n3A_2274 = arith.select %le3A_2270, %select_n3A_2267, %get3A_2249 : vector<128x1xi1>, vector<128x1xf32>
    %le3A_2275 = arith.cmpf ole, %select_n3A_2268, %broadcast_in_dim3A_2219 : vector<128x1xf32>
    %select_n3A_2276 = arith.select %le3A_2275, %select_n3A_2268, %broadcast_in_dim3A_2219 : vector<128x1xi1>, vector<128x1xf32>
    %select_n3A_2277 = arith.select %le3A_2275, %select_n3A_2269, %broadcast_in_dim3A_2227 : vector<128x1xi1>, vector<128x1xf32>
    %le3A_2278 = arith.cmpf ole, %select_n3A_2273, %select_n3A_2276 : vector<128x1xf32>
    %select_n3A_2279 = arith.select %le3A_2278, %select_n3A_2273, %select_n3A_2276 : vector<128x1xi1>, vector<128x1xf32>
    %select_n3A_2280 = arith.select %le3A_2278, %select_n3A_2274, %select_n3A_2277 : vector<128x1xi1>, vector<128x1xf32>
    %select_n3A_2281 = arith.select %le3A_2278, %select_n3A_2276, %select_n3A_2273 : vector<128x1xi1>, vector<128x1xf32>
    %select_n3A_2282 = arith.select %le3A_2278, %select_n3A_2277, %select_n3A_2274 : vector<128x1xi1>, vector<128x1xf32>
    %le3A_2283 = arith.cmpf ole, %select_n3A_2281, %broadcast_in_dim3A_2235 : vector<128x1xf32>
    %select_n3A_2284 = arith.select %le3A_2283, %select_n3A_2281, %broadcast_in_dim3A_2235 : vector<128x1xi1>, vector<128x1xf32>
    %select_n3A_2285 = arith.select %le3A_2283, %select_n3A_2282, %broadcast_in_dim3A_2243 : vector<128x1xi1>, vector<128x1xf32>
    %swap3A_2286 = arith.constant 2432 : index
    %swap3A_2287 = arith.constant 0 : index
    %swap3A_2288 = vector.load %arg5[%swap3A_2286, %swap3A_2287] : memref<4096x1xf32, #tpu.memory_space<vmem>>, vector<128x1xf32>
    tpu.vector_store %arg5[%swap3A_2286, %swap3A_2287], %select_n3A_2271 {strides = array<i32>} : memref<4096x1xf32, #tpu.memory_space<vmem>>, vector<128x1xf32>,
    %swap3A_2289 = arith.constant 2432 : index
    %swap3A_2290 = arith.constant 0 : index
    %swap3A_2291 = vector.load %arg8[%swap3A_2289, %swap3A_2290] : memref<4096x1xf32, #tpu.memory_space<vmem>>, vector<128x1xf32>
    tpu.vector_store %arg8[%swap3A_2289, %swap3A_2290], %select_n3A_2272 {strides = array<i32>} : memref<4096x1xf32, #tpu.memory_space<vmem>>, vector<128x1xf32>,
    %swap3A_2292 = arith.constant 2432 : index
    %swap3A_2293 = arith.constant 0 : index
    %swap3A_2294 = vector.load %arg6[%swap3A_2292, %swap3A_2293] : memref<4096x1xf32, #tpu.memory_space<vmem>>, vector<128x1xf32>
    tpu.vector_store %arg6[%swap3A_2292, %swap3A_2293], %select_n3A_2279 {strides = array<i32>} : memref<4096x1xf32, #tpu.memory_space<vmem>>, vector<128x1xf32>,
    %swap3A_2295 = arith.constant 2432 : index
    %swap3A_2296 = arith.constant 0 : index
    %swap3A_2297 = vector.load %arg9[%swap3A_2295, %swap3A_2296] : memref<4096x1xf32, #tpu.memory_space<vmem>>, vector<128x1xf32>
    tpu.vector_store %arg9[%swap3A_2295, %swap3A_2296], %select_n3A_2280 {strides = array<i32>} : memref<4096x1xf32, #tpu.memory_space<vmem>>, vector<128x1xf32>,
    %swap3A_2298 = arith.constant 2432 : index
    %swap3A_2299 = arith.constant 0 : index
    %swap3A_2300 = vector.load %arg7[%swap3A_2298, %swap3A_2299] : memref<4096x1xf32, #tpu.memory_space<vmem>>, vector<128x1xf32>
    tpu.vector_store %arg7[%swap3A_2298, %swap3A_2299], %select_n3A_2284 {strides = array<i32>} : memref<4096x1xf32, #tpu.memory_space<vmem>>, vector<128x1xf32>,
    %swap3A_2301 = arith.constant 2432 : index
    %swap3A_2302 = arith.constant 0 : index
    %swap3A_2303 = vector.load %arg10[%swap3A_2301, %swap3A_2302] : memref<4096x1xf32, #tpu.memory_space<vmem>>, vector<128x1xf32>
    tpu.vector_store %arg10[%swap3A_2301, %swap3A_2302], %select_n3A_2285 {strides = array<i32>} : memref<4096x1xf32, #tpu.memory_space<vmem>>, vector<128x1xf32>,
    %get3A_2304 = arith.constant 2560 : index
    %get3A_2305 = arith.constant 0 : index
    %get3A_2306 = vector.load %arg1[%get3A_2304, %get3A_2305] : memref<4096x256xbf16, #tpu.memory_space<vmem>>, vector<128x256xbf16>
    %get3A_2307 = arith.constant 2560 : index
    %get3A_2308 = arith.constant 0 : index
    %get3A_2309 = vector.load %arg2[%get3A_2307, %get3A_2308] : memref<4096x1xf32, #tpu.memory_space<vmem>>, vector<128x1xf32>
    %dot_general3A_2310 = arith.constant dense<0.000000e+00> : vector<128x2048xf32>
    %dot_general3A_2311 = tpu.matmul %get3A_2306, %get3A_3, %dot_general3A_2310 {dimension_numbers = #tpu.dot_dimension_numbers<[1], [1], [0], [0], [0, 0, 1, 0], [], []>, transpose_lhs_hint = false} : vector<128x256xbf16>, vector<2048x256xbf16>, vector<128x2048xf32> -> vector<128x2048xf32>
    %add3A_2312 = vector.broadcast %get3A_2309 : vector<128x1xf32> to vector<128x2048xf32>
    %add3A_2313 = vector.broadcast %get3A_6 : vector<1x2048xf32> to vector<128x2048xf32>
    %add3A_2314 = arith.addf %add3A_2312, %add3A_2313 : vector<128x2048xf32>
    %add3A_2315 = arith.addf %add3A_2314, %dot_general3A_2311 : vector<128x2048xf32>
    %reduce_min3A_2316 = arith.constant dense<0x7F800000> : vector<128xf32>
    %reduce_min3A_2317 = vector.multi_reduction <minimumf>, %add3A_2315, %reduce_min3A_2316 [1] : vector<128x2048xf32> to vector<128xf32>
    %broadcast_in_dim3A_2318 = vector.shape_cast %reduce_min3A_2317 : vector<128xf32> to vector<128x1xf32>
    %eq3A_2319 = vector.broadcast %broadcast_in_dim3A_2318 : vector<128x1xf32> to vector<128x2048xf32>
    %eq3A_2320 = arith.cmpf oeq, %add3A_2315, %eq3A_2319 : vector<128x2048xf32>
    %jit3A_2321 = arith.constant 1.07374182E+9 : f32
    %broadcast_in_dim3A_2322 = vector.broadcast %jit3A_2321 : f32 to vector<128x2048xf32>
    %select_n3A_2323 = arith.select %eq3A_2320, %add3A_10, %broadcast_in_dim3A_2322 : vector<128x2048xi1>, vector<128x2048xf32>
    %reduce_min3A_2324 = arith.constant dense<0x7F800000> : vector<128xf32>
    %reduce_min3A_2325 = vector.multi_reduction <minimumf>, %select_n3A_2323, %reduce_min3A_2324 [1] : vector<128x2048xf32> to vector<128xf32>
    %broadcast_in_dim3A_2326 = vector.shape_cast %reduce_min3A_2325 : vector<128xf32> to vector<128x1xf32>
    %eq3A_2327 = vector.broadcast %broadcast_in_dim3A_2326 : vector<128x1xf32> to vector<128x2048xf32>
    %eq3A_2328 = arith.cmpf oeq, %add3A_10, %eq3A_2327 : vector<128x2048xf32>
    %jit3A_2329 = arith.constant 1.000000e+30 : f32
    %broadcast_in_dim3A_2330 = vector.broadcast %jit3A_2329 : f32 to vector<128x2048xf32>
    %select_n3A_2331 = arith.select %eq3A_2328, %broadcast_in_dim3A_2330, %add3A_2315 : vector<128x2048xi1>, vector<128x2048xf32>
    %reduce_min3A_2332 = arith.constant dense<0x7F800000> : vector<128xf32>
    %reduce_min3A_2333 = vector.multi_reduction <minimumf>, %select_n3A_2331, %reduce_min3A_2332 [1] : vector<128x2048xf32> to vector<128xf32>
    %broadcast_in_dim3A_2334 = vector.shape_cast %reduce_min3A_2333 : vector<128xf32> to vector<128x1xf32>
    %eq3A_2335 = vector.broadcast %broadcast_in_dim3A_2334 : vector<128x1xf32> to vector<128x2048xf32>
    %eq3A_2336 = arith.cmpf oeq, %select_n3A_2331, %eq3A_2335 : vector<128x2048xf32>
    %jit3A_2337 = arith.constant 1.07374182E+9 : f32
    %broadcast_in_dim3A_2338 = vector.broadcast %jit3A_2337 : f32 to vector<128x2048xf32>
    %select_n3A_2339 = arith.select %eq3A_2336, %add3A_10, %broadcast_in_dim3A_2338 : vector<128x2048xi1>, vector<128x2048xf32>
    %reduce_min3A_2340 = arith.constant dense<0x7F800000> : vector<128xf32>
    %reduce_min3A_2341 = vector.multi_reduction <minimumf>, %select_n3A_2339, %reduce_min3A_2340 [1] : vector<128x2048xf32> to vector<128xf32>
    %broadcast_in_dim3A_2342 = vector.shape_cast %reduce_min3A_2341 : vector<128xf32> to vector<128x1xf32>
    %eq3A_2343 = vector.broadcast %broadcast_in_dim3A_2342 : vector<128x1xf32> to vector<128x2048xf32>
    %eq3A_2344 = arith.cmpf oeq, %add3A_10, %eq3A_2343 : vector<128x2048xf32>
    %jit3A_2345 = arith.constant 1.000000e+30 : f32
    %broadcast_in_dim3A_2346 = vector.broadcast %jit3A_2345 : f32 to vector<128x2048xf32>
    %select_n3A_2347 = arith.select %eq3A_2344, %broadcast_in_dim3A_2346, %select_n3A_2331 : vector<128x2048xi1>, vector<128x2048xf32>
    %reduce_min3A_2348 = arith.constant dense<0x7F800000> : vector<128xf32>
    %reduce_min3A_2349 = vector.multi_reduction <minimumf>, %select_n3A_2347, %reduce_min3A_2348 [1] : vector<128x2048xf32> to vector<128xf32>
    %broadcast_in_dim3A_2350 = vector.shape_cast %reduce_min3A_2349 : vector<128xf32> to vector<128x1xf32>
    %eq3A_2351 = vector.broadcast %broadcast_in_dim3A_2350 : vector<128x1xf32> to vector<128x2048xf32>
    %eq3A_2352 = arith.cmpf oeq, %select_n3A_2347, %eq3A_2351 : vector<128x2048xf32>
    %jit3A_2353 = arith.constant 1.07374182E+9 : f32
    %broadcast_in_dim3A_2354 = vector.broadcast %jit3A_2353 : f32 to vector<128x2048xf32>
    %select_n3A_2355 = arith.select %eq3A_2352, %add3A_10, %broadcast_in_dim3A_2354 : vector<128x2048xi1>, vector<128x2048xf32>
    %reduce_min3A_2356 = arith.constant dense<0x7F800000> : vector<128xf32>
    %reduce_min3A_2357 = vector.multi_reduction <minimumf>, %select_n3A_2355, %reduce_min3A_2356 [1] : vector<128x2048xf32> to vector<128xf32>
    %broadcast_in_dim3A_2358 = vector.shape_cast %reduce_min3A_2357 : vector<128xf32> to vector<128x1xf32>
    %get3A_2359 = arith.constant 2560 : index
    %get3A_2360 = arith.constant 0 : index
    %get3A_2361 = vector.load %arg5[%get3A_2359, %get3A_2360] : memref<4096x1xf32, #tpu.memory_space<vmem>>, vector<128x1xf32>
    %get3A_2362 = arith.constant 2560 : index
    %get3A_2363 = arith.constant 0 : index
    %get3A_2364 = vector.load %arg8[%get3A_2362, %get3A_2363] : memref<4096x1xf32, #tpu.memory_space<vmem>>, vector<128x1xf32>
    %get3A_2365 = arith.constant 2560 : index
    %get3A_2366 = arith.constant 0 : index
    %get3A_2367 = vector.load %arg6[%get3A_2365, %get3A_2366] : memref<4096x1xf32, #tpu.memory_space<vmem>>, vector<128x1xf32>
    %get3A_2368 = arith.constant 2560 : index
    %get3A_2369 = arith.constant 0 : index
    %get3A_2370 = vector.load %arg9[%get3A_2368, %get3A_2369] : memref<4096x1xf32, #tpu.memory_space<vmem>>, vector<128x1xf32>
    %get3A_2371 = arith.constant 2560 : index
    %get3A_2372 = arith.constant 0 : index
    %get3A_2373 = vector.load %arg7[%get3A_2371, %get3A_2372] : memref<4096x1xf32, #tpu.memory_space<vmem>>, vector<128x1xf32>
    %get3A_2374 = arith.constant 2560 : index
    %get3A_2375 = arith.constant 0 : index
    %get3A_2376 = vector.load %arg10[%get3A_2374, %get3A_2375] : memref<4096x1xf32, #tpu.memory_space<vmem>>, vector<128x1xf32>
    %le3A_2377 = arith.cmpf ole, %get3A_2373, %broadcast_in_dim3A_2318 : vector<128x1xf32>
    %select_n3A_2378 = arith.select %le3A_2377, %get3A_2373, %broadcast_in_dim3A_2318 : vector<128x1xi1>, vector<128x1xf32>
    %select_n3A_2379 = arith.select %le3A_2377, %get3A_2376, %broadcast_in_dim3A_2326 : vector<128x1xi1>, vector<128x1xf32>
    %le3A_2380 = arith.cmpf ole, %get3A_2367, %select_n3A_2378 : vector<128x1xf32>
    %select_n3A_2381 = arith.select %le3A_2380, %get3A_2367, %select_n3A_2378 : vector<128x1xi1>, vector<128x1xf32>
    %select_n3A_2382 = arith.select %le3A_2380, %get3A_2370, %select_n3A_2379 : vector<128x1xi1>, vector<128x1xf32>
    %select_n3A_2383 = arith.select %le3A_2380, %select_n3A_2378, %get3A_2367 : vector<128x1xi1>, vector<128x1xf32>
    %select_n3A_2384 = arith.select %le3A_2380, %select_n3A_2379, %get3A_2370 : vector<128x1xi1>, vector<128x1xf32>
    %le3A_2385 = arith.cmpf ole, %get3A_2361, %select_n3A_2381 : vector<128x1xf32>
    %select_n3A_2386 = arith.select %le3A_2385, %get3A_2361, %select_n3A_2381 : vector<128x1xi1>, vector<128x1xf32>
    %select_n3A_2387 = arith.select %le3A_2385, %get3A_2364, %select_n3A_2382 : vector<128x1xi1>, vector<128x1xf32>
    %select_n3A_2388 = arith.select %le3A_2385, %select_n3A_2381, %get3A_2361 : vector<128x1xi1>, vector<128x1xf32>
    %select_n3A_2389 = arith.select %le3A_2385, %select_n3A_2382, %get3A_2364 : vector<128x1xi1>, vector<128x1xf32>
    %le3A_2390 = arith.cmpf ole, %select_n3A_2383, %broadcast_in_dim3A_2334 : vector<128x1xf32>
    %select_n3A_2391 = arith.select %le3A_2390, %select_n3A_2383, %broadcast_in_dim3A_2334 : vector<128x1xi1>, vector<128x1xf32>
    %select_n3A_2392 = arith.select %le3A_2390, %select_n3A_2384, %broadcast_in_dim3A_2342 : vector<128x1xi1>, vector<128x1xf32>
    %le3A_2393 = arith.cmpf ole, %select_n3A_2388, %select_n3A_2391 : vector<128x1xf32>
    %select_n3A_2394 = arith.select %le3A_2393, %select_n3A_2388, %select_n3A_2391 : vector<128x1xi1>, vector<128x1xf32>
    %select_n3A_2395 = arith.select %le3A_2393, %select_n3A_2389, %select_n3A_2392 : vector<128x1xi1>, vector<128x1xf32>
    %select_n3A_2396 = arith.select %le3A_2393, %select_n3A_2391, %select_n3A_2388 : vector<128x1xi1>, vector<128x1xf32>
    %select_n3A_2397 = arith.select %le3A_2393, %select_n3A_2392, %select_n3A_2389 : vector<128x1xi1>, vector<128x1xf32>
    %le3A_2398 = arith.cmpf ole, %select_n3A_2396, %broadcast_in_dim3A_2350 : vector<128x1xf32>
    %select_n3A_2399 = arith.select %le3A_2398, %select_n3A_2396, %broadcast_in_dim3A_2350 : vector<128x1xi1>, vector<128x1xf32>
    %select_n3A_2400 = arith.select %le3A_2398, %select_n3A_2397, %broadcast_in_dim3A_2358 : vector<128x1xi1>, vector<128x1xf32>
    %swap3A_2401 = arith.constant 2560 : index
    %swap3A_2402 = arith.constant 0 : index
    %swap3A_2403 = vector.load %arg5[%swap3A_2401, %swap3A_2402] : memref<4096x1xf32, #tpu.memory_space<vmem>>, vector<128x1xf32>
    tpu.vector_store %arg5[%swap3A_2401, %swap3A_2402], %select_n3A_2386 {strides = array<i32>} : memref<4096x1xf32, #tpu.memory_space<vmem>>, vector<128x1xf32>,
    %swap3A_2404 = arith.constant 2560 : index
    %swap3A_2405 = arith.constant 0 : index
    %swap3A_2406 = vector.load %arg8[%swap3A_2404, %swap3A_2405] : memref<4096x1xf32, #tpu.memory_space<vmem>>, vector<128x1xf32>
    tpu.vector_store %arg8[%swap3A_2404, %swap3A_2405], %select_n3A_2387 {strides = array<i32>} : memref<4096x1xf32, #tpu.memory_space<vmem>>, vector<128x1xf32>,
    %swap3A_2407 = arith.constant 2560 : index
    %swap3A_2408 = arith.constant 0 : index
    %swap3A_2409 = vector.load %arg6[%swap3A_2407, %swap3A_2408] : memref<4096x1xf32, #tpu.memory_space<vmem>>, vector<128x1xf32>
    tpu.vector_store %arg6[%swap3A_2407, %swap3A_2408], %select_n3A_2394 {strides = array<i32>} : memref<4096x1xf32, #tpu.memory_space<vmem>>, vector<128x1xf32>,
    %swap3A_2410 = arith.constant 2560 : index
    %swap3A_2411 = arith.constant 0 : index
    %swap3A_2412 = vector.load %arg9[%swap3A_2410, %swap3A_2411] : memref<4096x1xf32, #tpu.memory_space<vmem>>, vector<128x1xf32>
    tpu.vector_store %arg9[%swap3A_2410, %swap3A_2411], %select_n3A_2395 {strides = array<i32>} : memref<4096x1xf32, #tpu.memory_space<vmem>>, vector<128x1xf32>,
    %swap3A_2413 = arith.constant 2560 : index
    %swap3A_2414 = arith.constant 0 : index
    %swap3A_2415 = vector.load %arg7[%swap3A_2413, %swap3A_2414] : memref<4096x1xf32, #tpu.memory_space<vmem>>, vector<128x1xf32>
    tpu.vector_store %arg7[%swap3A_2413, %swap3A_2414], %select_n3A_2399 {strides = array<i32>} : memref<4096x1xf32, #tpu.memory_space<vmem>>, vector<128x1xf32>,
    %swap3A_2416 = arith.constant 2560 : index
    %swap3A_2417 = arith.constant 0 : index
    %swap3A_2418 = vector.load %arg10[%swap3A_2416, %swap3A_2417] : memref<4096x1xf32, #tpu.memory_space<vmem>>, vector<128x1xf32>
    tpu.vector_store %arg10[%swap3A_2416, %swap3A_2417], %select_n3A_2400 {strides = array<i32>} : memref<4096x1xf32, #tpu.memory_space<vmem>>, vector<128x1xf32>,
    %get3A_2419 = arith.constant 2688 : index
    %get3A_2420 = arith.constant 0 : index
    %get3A_2421 = vector.load %arg1[%get3A_2419, %get3A_2420] : memref<4096x256xbf16, #tpu.memory_space<vmem>>, vector<128x256xbf16>
    %get3A_2422 = arith.constant 2688 : index
    %get3A_2423 = arith.constant 0 : index
    %get3A_2424 = vector.load %arg2[%get3A_2422, %get3A_2423] : memref<4096x1xf32, #tpu.memory_space<vmem>>, vector<128x1xf32>
    %dot_general3A_2425 = arith.constant dense<0.000000e+00> : vector<128x2048xf32>
    %dot_general3A_2426 = tpu.matmul %get3A_2421, %get3A_3, %dot_general3A_2425 {dimension_numbers = #tpu.dot_dimension_numbers<[1], [1], [0], [0], [0, 0, 1, 0], [], []>, transpose_lhs_hint = false} : vector<128x256xbf16>, vector<2048x256xbf16>, vector<128x2048xf32> -> vector<128x2048xf32>
    %add3A_2427 = vector.broadcast %get3A_2424 : vector<128x1xf32> to vector<128x2048xf32>
    %add3A_2428 = vector.broadcast %get3A_6 : vector<1x2048xf32> to vector<128x2048xf32>
    %add3A_2429 = arith.addf %add3A_2427, %add3A_2428 : vector<128x2048xf32>
    %add3A_2430 = arith.addf %add3A_2429, %dot_general3A_2426 : vector<128x2048xf32>
    %reduce_min3A_2431 = arith.constant dense<0x7F800000> : vector<128xf32>
    %reduce_min3A_2432 = vector.multi_reduction <minimumf>, %add3A_2430, %reduce_min3A_2431 [1] : vector<128x2048xf32> to vector<128xf32>
    %broadcast_in_dim3A_2433 = vector.shape_cast %reduce_min3A_2432 : vector<128xf32> to vector<128x1xf32>
    %eq3A_2434 = vector.broadcast %broadcast_in_dim3A_2433 : vector<128x1xf32> to vector<128x2048xf32>
    %eq3A_2435 = arith.cmpf oeq, %add3A_2430, %eq3A_2434 : vector<128x2048xf32>
    %jit3A_2436 = arith.constant 1.07374182E+9 : f32
    %broadcast_in_dim3A_2437 = vector.broadcast %jit3A_2436 : f32 to vector<128x2048xf32>
    %select_n3A_2438 = arith.select %eq3A_2435, %add3A_10, %broadcast_in_dim3A_2437 : vector<128x2048xi1>, vector<128x2048xf32>
    %reduce_min3A_2439 = arith.constant dense<0x7F800000> : vector<128xf32>
    %reduce_min3A_2440 = vector.multi_reduction <minimumf>, %select_n3A_2438, %reduce_min3A_2439 [1] : vector<128x2048xf32> to vector<128xf32>
    %broadcast_in_dim3A_2441 = vector.shape_cast %reduce_min3A_2440 : vector<128xf32> to vector<128x1xf32>
    %eq3A_2442 = vector.broadcast %broadcast_in_dim3A_2441 : vector<128x1xf32> to vector<128x2048xf32>
    %eq3A_2443 = arith.cmpf oeq, %add3A_10, %eq3A_2442 : vector<128x2048xf32>
    %jit3A_2444 = arith.constant 1.000000e+30 : f32
    %broadcast_in_dim3A_2445 = vector.broadcast %jit3A_2444 : f32 to vector<128x2048xf32>
    %select_n3A_2446 = arith.select %eq3A_2443, %broadcast_in_dim3A_2445, %add3A_2430 : vector<128x2048xi1>, vector<128x2048xf32>
    %reduce_min3A_2447 = arith.constant dense<0x7F800000> : vector<128xf32>
    %reduce_min3A_2448 = vector.multi_reduction <minimumf>, %select_n3A_2446, %reduce_min3A_2447 [1] : vector<128x2048xf32> to vector<128xf32>
    %broadcast_in_dim3A_2449 = vector.shape_cast %reduce_min3A_2448 : vector<128xf32> to vector<128x1xf32>
    %eq3A_2450 = vector.broadcast %broadcast_in_dim3A_2449 : vector<128x1xf32> to vector<128x2048xf32>
    %eq3A_2451 = arith.cmpf oeq, %select_n3A_2446, %eq3A_2450 : vector<128x2048xf32>
    %jit3A_2452 = arith.constant 1.07374182E+9 : f32
    %broadcast_in_dim3A_2453 = vector.broadcast %jit3A_2452 : f32 to vector<128x2048xf32>
    %select_n3A_2454 = arith.select %eq3A_2451, %add3A_10, %broadcast_in_dim3A_2453 : vector<128x2048xi1>, vector<128x2048xf32>
    %reduce_min3A_2455 = arith.constant dense<0x7F800000> : vector<128xf32>
    %reduce_min3A_2456 = vector.multi_reduction <minimumf>, %select_n3A_2454, %reduce_min3A_2455 [1] : vector<128x2048xf32> to vector<128xf32>
    %broadcast_in_dim3A_2457 = vector.shape_cast %reduce_min3A_2456 : vector<128xf32> to vector<128x1xf32>
    %eq3A_2458 = vector.broadcast %broadcast_in_dim3A_2457 : vector<128x1xf32> to vector<128x2048xf32>
    %eq3A_2459 = arith.cmpf oeq, %add3A_10, %eq3A_2458 : vector<128x2048xf32>
    %jit3A_2460 = arith.constant 1.000000e+30 : f32
    %broadcast_in_dim3A_2461 = vector.broadcast %jit3A_2460 : f32 to vector<128x2048xf32>
    %select_n3A_2462 = arith.select %eq3A_2459, %broadcast_in_dim3A_2461, %select_n3A_2446 : vector<128x2048xi1>, vector<128x2048xf32>
    %reduce_min3A_2463 = arith.constant dense<0x7F800000> : vector<128xf32>
    %reduce_min3A_2464 = vector.multi_reduction <minimumf>, %select_n3A_2462, %reduce_min3A_2463 [1] : vector<128x2048xf32> to vector<128xf32>
    %broadcast_in_dim3A_2465 = vector.shape_cast %reduce_min3A_2464 : vector<128xf32> to vector<128x1xf32>
    %eq3A_2466 = vector.broadcast %broadcast_in_dim3A_2465 : vector<128x1xf32> to vector<128x2048xf32>
    %eq3A_2467 = arith.cmpf oeq, %select_n3A_2462, %eq3A_2466 : vector<128x2048xf32>
    %jit3A_2468 = arith.constant 1.07374182E+9 : f32
    %broadcast_in_dim3A_2469 = vector.broadcast %jit3A_2468 : f32 to vector<128x2048xf32>
    %select_n3A_2470 = arith.select %eq3A_2467, %add3A_10, %broadcast_in_dim3A_2469 : vector<128x2048xi1>, vector<128x2048xf32>
    %reduce_min3A_2471 = arith.constant dense<0x7F800000> : vector<128xf32>
    %reduce_min3A_2472 = vector.multi_reduction <minimumf>, %select_n3A_2470, %reduce_min3A_2471 [1] : vector<128x2048xf32> to vector<128xf32>
    %broadcast_in_dim3A_2473 = vector.shape_cast %reduce_min3A_2472 : vector<128xf32> to vector<128x1xf32>
    %get3A_2474 = arith.constant 2688 : index
    %get3A_2475 = arith.constant 0 : index
    %get3A_2476 = vector.load %arg5[%get3A_2474, %get3A_2475] : memref<4096x1xf32, #tpu.memory_space<vmem>>, vector<128x1xf32>
    %get3A_2477 = arith.constant 2688 : index
    %get3A_2478 = arith.constant 0 : index
    %get3A_2479 = vector.load %arg8[%get3A_2477, %get3A_2478] : memref<4096x1xf32, #tpu.memory_space<vmem>>, vector<128x1xf32>
    %get3A_2480 = arith.constant 2688 : index
    %get3A_2481 = arith.constant 0 : index
    %get3A_2482 = vector.load %arg6[%get3A_2480, %get3A_2481] : memref<4096x1xf32, #tpu.memory_space<vmem>>, vector<128x1xf32>
    %get3A_2483 = arith.constant 2688 : index
    %get3A_2484 = arith.constant 0 : index
    %get3A_2485 = vector.load %arg9[%get3A_2483, %get3A_2484] : memref<4096x1xf32, #tpu.memory_space<vmem>>, vector<128x1xf32>
    %get3A_2486 = arith.constant 2688 : index
    %get3A_2487 = arith.constant 0 : index
    %get3A_2488 = vector.load %arg7[%get3A_2486, %get3A_2487] : memref<4096x1xf32, #tpu.memory_space<vmem>>, vector<128x1xf32>
    %get3A_2489 = arith.constant 2688 : index
    %get3A_2490 = arith.constant 0 : index
    %get3A_2491 = vector.load %arg10[%get3A_2489, %get3A_2490] : memref<4096x1xf32, #tpu.memory_space<vmem>>, vector<128x1xf32>
    %le3A_2492 = arith.cmpf ole, %get3A_2488, %broadcast_in_dim3A_2433 : vector<128x1xf32>
    %select_n3A_2493 = arith.select %le3A_2492, %get3A_2488, %broadcast_in_dim3A_2433 : vector<128x1xi1>, vector<128x1xf32>
    %select_n3A_2494 = arith.select %le3A_2492, %get3A_2491, %broadcast_in_dim3A_2441 : vector<128x1xi1>, vector<128x1xf32>
    %le3A_2495 = arith.cmpf ole, %get3A_2482, %select_n3A_2493 : vector<128x1xf32>
    %select_n3A_2496 = arith.select %le3A_2495, %get3A_2482, %select_n3A_2493 : vector<128x1xi1>, vector<128x1xf32>
    %select_n3A_2497 = arith.select %le3A_2495, %get3A_2485, %select_n3A_2494 : vector<128x1xi1>, vector<128x1xf32>
    %select_n3A_2498 = arith.select %le3A_2495, %select_n3A_2493, %get3A_2482 : vector<128x1xi1>, vector<128x1xf32>
    %select_n3A_2499 = arith.select %le3A_2495, %select_n3A_2494, %get3A_2485 : vector<128x1xi1>, vector<128x1xf32>
    %le3A_2500 = arith.cmpf ole, %get3A_2476, %select_n3A_2496 : vector<128x1xf32>
    %select_n3A_2501 = arith.select %le3A_2500, %get3A_2476, %select_n3A_2496 : vector<128x1xi1>, vector<128x1xf32>
    %select_n3A_2502 = arith.select %le3A_2500, %get3A_2479, %select_n3A_2497 : vector<128x1xi1>, vector<128x1xf32>
    %select_n3A_2503 = arith.select %le3A_2500, %select_n3A_2496, %get3A_2476 : vector<128x1xi1>, vector<128x1xf32>
    %select_n3A_2504 = arith.select %le3A_2500, %select_n3A_2497, %get3A_2479 : vector<128x1xi1>, vector<128x1xf32>
    %le3A_2505 = arith.cmpf ole, %select_n3A_2498, %broadcast_in_dim3A_2449 : vector<128x1xf32>
    %select_n3A_2506 = arith.select %le3A_2505, %select_n3A_2498, %broadcast_in_dim3A_2449 : vector<128x1xi1>, vector<128x1xf32>
    %select_n3A_2507 = arith.select %le3A_2505, %select_n3A_2499, %broadcast_in_dim3A_2457 : vector<128x1xi1>, vector<128x1xf32>
    %le3A_2508 = arith.cmpf ole, %select_n3A_2503, %select_n3A_2506 : vector<128x1xf32>
    %select_n3A_2509 = arith.select %le3A_2508, %select_n3A_2503, %select_n3A_2506 : vector<128x1xi1>, vector<128x1xf32>
    %select_n3A_2510 = arith.select %le3A_2508, %select_n3A_2504, %select_n3A_2507 : vector<128x1xi1>, vector<128x1xf32>
    %select_n3A_2511 = arith.select %le3A_2508, %select_n3A_2506, %select_n3A_2503 : vector<128x1xi1>, vector<128x1xf32>
    %select_n3A_2512 = arith.select %le3A_2508, %select_n3A_2507, %select_n3A_2504 : vector<128x1xi1>, vector<128x1xf32>
    %le3A_2513 = arith.cmpf ole, %select_n3A_2511, %broadcast_in_dim3A_2465 : vector<128x1xf32>
    %select_n3A_2514 = arith.select %le3A_2513, %select_n3A_2511, %broadcast_in_dim3A_2465 : vector<128x1xi1>, vector<128x1xf32>
    %select_n3A_2515 = arith.select %le3A_2513, %select_n3A_2512, %broadcast_in_dim3A_2473 : vector<128x1xi1>, vector<128x1xf32>
    %swap3A_2516 = arith.constant 2688 : index
    %swap3A_2517 = arith.constant 0 : index
    %swap3A_2518 = vector.load %arg5[%swap3A_2516, %swap3A_2517] : memref<4096x1xf32, #tpu.memory_space<vmem>>, vector<128x1xf32>
    tpu.vector_store %arg5[%swap3A_2516, %swap3A_2517], %select_n3A_2501 {strides = array<i32>} : memref<4096x1xf32, #tpu.memory_space<vmem>>, vector<128x1xf32>,
    %swap3A_2519 = arith.constant 2688 : index
    %swap3A_2520 = arith.constant 0 : index
    %swap3A_2521 = vector.load %arg8[%swap3A_2519, %swap3A_2520] : memref<4096x1xf32, #tpu.memory_space<vmem>>, vector<128x1xf32>
    tpu.vector_store %arg8[%swap3A_2519, %swap3A_2520], %select_n3A_2502 {strides = array<i32>} : memref<4096x1xf32, #tpu.memory_space<vmem>>, vector<128x1xf32>,
    %swap3A_2522 = arith.constant 2688 : index
    %swap3A_2523 = arith.constant 0 : index
    %swap3A_2524 = vector.load %arg6[%swap3A_2522, %swap3A_2523] : memref<4096x1xf32, #tpu.memory_space<vmem>>, vector<128x1xf32>
    tpu.vector_store %arg6[%swap3A_2522, %swap3A_2523], %select_n3A_2509 {strides = array<i32>} : memref<4096x1xf32, #tpu.memory_space<vmem>>, vector<128x1xf32>,
    %swap3A_2525 = arith.constant 2688 : index
    %swap3A_2526 = arith.constant 0 : index
    %swap3A_2527 = vector.load %arg9[%swap3A_2525, %swap3A_2526] : memref<4096x1xf32, #tpu.memory_space<vmem>>, vector<128x1xf32>
    tpu.vector_store %arg9[%swap3A_2525, %swap3A_2526], %select_n3A_2510 {strides = array<i32>} : memref<4096x1xf32, #tpu.memory_space<vmem>>, vector<128x1xf32>,
    %swap3A_2528 = arith.constant 2688 : index
    %swap3A_2529 = arith.constant 0 : index
    %swap3A_2530 = vector.load %arg7[%swap3A_2528, %swap3A_2529] : memref<4096x1xf32, #tpu.memory_space<vmem>>, vector<128x1xf32>
    tpu.vector_store %arg7[%swap3A_2528, %swap3A_2529], %select_n3A_2514 {strides = array<i32>} : memref<4096x1xf32, #tpu.memory_space<vmem>>, vector<128x1xf32>,
    %swap3A_2531 = arith.constant 2688 : index
    %swap3A_2532 = arith.constant 0 : index
    %swap3A_2533 = vector.load %arg10[%swap3A_2531, %swap3A_2532] : memref<4096x1xf32, #tpu.memory_space<vmem>>, vector<128x1xf32>
    tpu.vector_store %arg10[%swap3A_2531, %swap3A_2532], %select_n3A_2515 {strides = array<i32>} : memref<4096x1xf32, #tpu.memory_space<vmem>>, vector<128x1xf32>,
    %get3A_2534 = arith.constant 2816 : index
    %get3A_2535 = arith.constant 0 : index
    %get3A_2536 = vector.load %arg1[%get3A_2534, %get3A_2535] : memref<4096x256xbf16, #tpu.memory_space<vmem>>, vector<128x256xbf16>
    %get3A_2537 = arith.constant 2816 : index
    %get3A_2538 = arith.constant 0 : index
    %get3A_2539 = vector.load %arg2[%get3A_2537, %get3A_2538] : memref<4096x1xf32, #tpu.memory_space<vmem>>, vector<128x1xf32>
    %dot_general3A_2540 = arith.constant dense<0.000000e+00> : vector<128x2048xf32>
    %dot_general3A_2541 = tpu.matmul %get3A_2536, %get3A_3, %dot_general3A_2540 {dimension_numbers = #tpu.dot_dimension_numbers<[1], [1], [0], [0], [0, 0, 1, 0], [], []>, transpose_lhs_hint = false} : vector<128x256xbf16>, vector<2048x256xbf16>, vector<128x2048xf32> -> vector<128x2048xf32>
    %add3A_2542 = vector.broadcast %get3A_2539 : vector<128x1xf32> to vector<128x2048xf32>
    %add3A_2543 = vector.broadcast %get3A_6 : vector<1x2048xf32> to vector<128x2048xf32>
    %add3A_2544 = arith.addf %add3A_2542, %add3A_2543 : vector<128x2048xf32>
    %add3A_2545 = arith.addf %add3A_2544, %dot_general3A_2541 : vector<128x2048xf32>
    %reduce_min3A_2546 = arith.constant dense<0x7F800000> : vector<128xf32>
    %reduce_min3A_2547 = vector.multi_reduction <minimumf>, %add3A_2545, %reduce_min3A_2546 [1] : vector<128x2048xf32> to vector<128xf32>
    %broadcast_in_dim3A_2548 = vector.shape_cast %reduce_min3A_2547 : vector<128xf32> to vector<128x1xf32>
    %eq3A_2549 = vector.broadcast %broadcast_in_dim3A_2548 : vector<128x1xf32> to vector<128x2048xf32>
    %eq3A_2550 = arith.cmpf oeq, %add3A_2545, %eq3A_2549 : vector<128x2048xf32>
    %jit3A_2551 = arith.constant 1.07374182E+9 : f32
    %broadcast_in_dim3A_2552 = vector.broadcast %jit3A_2551 : f32 to vector<128x2048xf32>
    %select_n3A_2553 = arith.select %eq3A_2550, %add3A_10, %broadcast_in_dim3A_2552 : vector<128x2048xi1>, vector<128x2048xf32>
    %reduce_min3A_2554 = arith.constant dense<0x7F800000> : vector<128xf32>
    %reduce_min3A_2555 = vector.multi_reduction <minimumf>, %select_n3A_2553, %reduce_min3A_2554 [1] : vector<128x2048xf32> to vector<128xf32>
    %broadcast_in_dim3A_2556 = vector.shape_cast %reduce_min3A_2555 : vector<128xf32> to vector<128x1xf32>
    %eq3A_2557 = vector.broadcast %broadcast_in_dim3A_2556 : vector<128x1xf32> to vector<128x2048xf32>
    %eq3A_2558 = arith.cmpf oeq, %add3A_10, %eq3A_2557 : vector<128x2048xf32>
    %jit3A_2559 = arith.constant 1.000000e+30 : f32
    %broadcast_in_dim3A_2560 = vector.broadcast %jit3A_2559 : f32 to vector<128x2048xf32>
    %select_n3A_2561 = arith.select %eq3A_2558, %broadcast_in_dim3A_2560, %add3A_2545 : vector<128x2048xi1>, vector<128x2048xf32>
    %reduce_min3A_2562 = arith.constant dense<0x7F800000> : vector<128xf32>
    %reduce_min3A_2563 = vector.multi_reduction <minimumf>, %select_n3A_2561, %reduce_min3A_2562 [1] : vector<128x2048xf32> to vector<128xf32>
    %broadcast_in_dim3A_2564 = vector.shape_cast %reduce_min3A_2563 : vector<128xf32> to vector<128x1xf32>
    %eq3A_2565 = vector.broadcast %broadcast_in_dim3A_2564 : vector<128x1xf32> to vector<128x2048xf32>
    %eq3A_2566 = arith.cmpf oeq, %select_n3A_2561, %eq3A_2565 : vector<128x2048xf32>
    %jit3A_2567 = arith.constant 1.07374182E+9 : f32
    %broadcast_in_dim3A_2568 = vector.broadcast %jit3A_2567 : f32 to vector<128x2048xf32>
    %select_n3A_2569 = arith.select %eq3A_2566, %add3A_10, %broadcast_in_dim3A_2568 : vector<128x2048xi1>, vector<128x2048xf32>
    %reduce_min3A_2570 = arith.constant dense<0x7F800000> : vector<128xf32>
    %reduce_min3A_2571 = vector.multi_reduction <minimumf>, %select_n3A_2569, %reduce_min3A_2570 [1] : vector<128x2048xf32> to vector<128xf32>
    %broadcast_in_dim3A_2572 = vector.shape_cast %reduce_min3A_2571 : vector<128xf32> to vector<128x1xf32>
    %eq3A_2573 = vector.broadcast %broadcast_in_dim3A_2572 : vector<128x1xf32> to vector<128x2048xf32>
    %eq3A_2574 = arith.cmpf oeq, %add3A_10, %eq3A_2573 : vector<128x2048xf32>
    %jit3A_2575 = arith.constant 1.000000e+30 : f32
    %broadcast_in_dim3A_2576 = vector.broadcast %jit3A_2575 : f32 to vector<128x2048xf32>
    %select_n3A_2577 = arith.select %eq3A_2574, %broadcast_in_dim3A_2576, %select_n3A_2561 : vector<128x2048xi1>, vector<128x2048xf32>
    %reduce_min3A_2578 = arith.constant dense<0x7F800000> : vector<128xf32>
    %reduce_min3A_2579 = vector.multi_reduction <minimumf>, %select_n3A_2577, %reduce_min3A_2578 [1] : vector<128x2048xf32> to vector<128xf32>
    %broadcast_in_dim3A_2580 = vector.shape_cast %reduce_min3A_2579 : vector<128xf32> to vector<128x1xf32>
    %eq3A_2581 = vector.broadcast %broadcast_in_dim3A_2580 : vector<128x1xf32> to vector<128x2048xf32>
    %eq3A_2582 = arith.cmpf oeq, %select_n3A_2577, %eq3A_2581 : vector<128x2048xf32>
    %jit3A_2583 = arith.constant 1.07374182E+9 : f32
    %broadcast_in_dim3A_2584 = vector.broadcast %jit3A_2583 : f32 to vector<128x2048xf32>
    %select_n3A_2585 = arith.select %eq3A_2582, %add3A_10, %broadcast_in_dim3A_2584 : vector<128x2048xi1>, vector<128x2048xf32>
    %reduce_min3A_2586 = arith.constant dense<0x7F800000> : vector<128xf32>
    %reduce_min3A_2587 = vector.multi_reduction <minimumf>, %select_n3A_2585, %reduce_min3A_2586 [1] : vector<128x2048xf32> to vector<128xf32>
    %broadcast_in_dim3A_2588 = vector.shape_cast %reduce_min3A_2587 : vector<128xf32> to vector<128x1xf32>
    %get3A_2589 = arith.constant 2816 : index
    %get3A_2590 = arith.constant 0 : index
    %get3A_2591 = vector.load %arg5[%get3A_2589, %get3A_2590] : memref<4096x1xf32, #tpu.memory_space<vmem>>, vector<128x1xf32>
    %get3A_2592 = arith.constant 2816 : index
    %get3A_2593 = arith.constant 0 : index
    %get3A_2594 = vector.load %arg8[%get3A_2592, %get3A_2593] : memref<4096x1xf32, #tpu.memory_space<vmem>>, vector<128x1xf32>
    %get3A_2595 = arith.constant 2816 : index
    %get3A_2596 = arith.constant 0 : index
    %get3A_2597 = vector.load %arg6[%get3A_2595, %get3A_2596] : memref<4096x1xf32, #tpu.memory_space<vmem>>, vector<128x1xf32>
    %get3A_2598 = arith.constant 2816 : index
    %get3A_2599 = arith.constant 0 : index
    %get3A_2600 = vector.load %arg9[%get3A_2598, %get3A_2599] : memref<4096x1xf32, #tpu.memory_space<vmem>>, vector<128x1xf32>
    %get3A_2601 = arith.constant 2816 : index
    %get3A_2602 = arith.constant 0 : index
    %get3A_2603 = vector.load %arg7[%get3A_2601, %get3A_2602] : memref<4096x1xf32, #tpu.memory_space<vmem>>, vector<128x1xf32>
    %get3A_2604 = arith.constant 2816 : index
    %get3A_2605 = arith.constant 0 : index
    %get3A_2606 = vector.load %arg10[%get3A_2604, %get3A_2605] : memref<4096x1xf32, #tpu.memory_space<vmem>>, vector<128x1xf32>
    %le3A_2607 = arith.cmpf ole, %get3A_2603, %broadcast_in_dim3A_2548 : vector<128x1xf32>
    %select_n3A_2608 = arith.select %le3A_2607, %get3A_2603, %broadcast_in_dim3A_2548 : vector<128x1xi1>, vector<128x1xf32>
    %select_n3A_2609 = arith.select %le3A_2607, %get3A_2606, %broadcast_in_dim3A_2556 : vector<128x1xi1>, vector<128x1xf32>
    %le3A_2610 = arith.cmpf ole, %get3A_2597, %select_n3A_2608 : vector<128x1xf32>
    %select_n3A_2611 = arith.select %le3A_2610, %get3A_2597, %select_n3A_2608 : vector<128x1xi1>, vector<128x1xf32>
    %select_n3A_2612 = arith.select %le3A_2610, %get3A_2600, %select_n3A_2609 : vector<128x1xi1>, vector<128x1xf32>
    %select_n3A_2613 = arith.select %le3A_2610, %select_n3A_2608, %get3A_2597 : vector<128x1xi1>, vector<128x1xf32>
    %select_n3A_2614 = arith.select %le3A_2610, %select_n3A_2609, %get3A_2600 : vector<128x1xi1>, vector<128x1xf32>
    %le3A_2615 = arith.cmpf ole, %get3A_2591, %select_n3A_2611 : vector<128x1xf32>
    %select_n3A_2616 = arith.select %le3A_2615, %get3A_2591, %select_n3A_2611 : vector<128x1xi1>, vector<128x1xf32>
    %select_n3A_2617 = arith.select %le3A_2615, %get3A_2594, %select_n3A_2612 : vector<128x1xi1>, vector<128x1xf32>
    %select_n3A_2618 = arith.select %le3A_2615, %select_n3A_2611, %get3A_2591 : vector<128x1xi1>, vector<128x1xf32>
    %select_n3A_2619 = arith.select %le3A_2615, %select_n3A_2612, %get3A_2594 : vector<128x1xi1>, vector<128x1xf32>
    %le3A_2620 = arith.cmpf ole, %select_n3A_2613, %broadcast_in_dim3A_2564 : vector<128x1xf32>
    %select_n3A_2621 = arith.select %le3A_2620, %select_n3A_2613, %broadcast_in_dim3A_2564 : vector<128x1xi1>, vector<128x1xf32>
    %select_n3A_2622 = arith.select %le3A_2620, %select_n3A_2614, %broadcast_in_dim3A_2572 : vector<128x1xi1>, vector<128x1xf32>
    %le3A_2623 = arith.cmpf ole, %select_n3A_2618, %select_n3A_2621 : vector<128x1xf32>
    %select_n3A_2624 = arith.select %le3A_2623, %select_n3A_2618, %select_n3A_2621 : vector<128x1xi1>, vector<128x1xf32>
    %select_n3A_2625 = arith.select %le3A_2623, %select_n3A_2619, %select_n3A_2622 : vector<128x1xi1>, vector<128x1xf32>
    %select_n3A_2626 = arith.select %le3A_2623, %select_n3A_2621, %select_n3A_2618 : vector<128x1xi1>, vector<128x1xf32>
    %select_n3A_2627 = arith.select %le3A_2623, %select_n3A_2622, %select_n3A_2619 : vector<128x1xi1>, vector<128x1xf32>
    %le3A_2628 = arith.cmpf ole, %select_n3A_2626, %broadcast_in_dim3A_2580 : vector<128x1xf32>
    %select_n3A_2629 = arith.select %le3A_2628, %select_n3A_2626, %broadcast_in_dim3A_2580 : vector<128x1xi1>, vector<128x1xf32>
    %select_n3A_2630 = arith.select %le3A_2628, %select_n3A_2627, %broadcast_in_dim3A_2588 : vector<128x1xi1>, vector<128x1xf32>
    %swap3A_2631 = arith.constant 2816 : index
    %swap3A_2632 = arith.constant 0 : index
    %swap3A_2633 = vector.load %arg5[%swap3A_2631, %swap3A_2632] : memref<4096x1xf32, #tpu.memory_space<vmem>>, vector<128x1xf32>
    tpu.vector_store %arg5[%swap3A_2631, %swap3A_2632], %select_n3A_2616 {strides = array<i32>} : memref<4096x1xf32, #tpu.memory_space<vmem>>, vector<128x1xf32>,
    %swap3A_2634 = arith.constant 2816 : index
    %swap3A_2635 = arith.constant 0 : index
    %swap3A_2636 = vector.load %arg8[%swap3A_2634, %swap3A_2635] : memref<4096x1xf32, #tpu.memory_space<vmem>>, vector<128x1xf32>
    tpu.vector_store %arg8[%swap3A_2634, %swap3A_2635], %select_n3A_2617 {strides = array<i32>} : memref<4096x1xf32, #tpu.memory_space<vmem>>, vector<128x1xf32>,
    %swap3A_2637 = arith.constant 2816 : index
    %swap3A_2638 = arith.constant 0 : index
    %swap3A_2639 = vector.load %arg6[%swap3A_2637, %swap3A_2638] : memref<4096x1xf32, #tpu.memory_space<vmem>>, vector<128x1xf32>
    tpu.vector_store %arg6[%swap3A_2637, %swap3A_2638], %select_n3A_2624 {strides = array<i32>} : memref<4096x1xf32, #tpu.memory_space<vmem>>, vector<128x1xf32>,
    %swap3A_2640 = arith.constant 2816 : index
    %swap3A_2641 = arith.constant 0 : index
    %swap3A_2642 = vector.load %arg9[%swap3A_2640, %swap3A_2641] : memref<4096x1xf32, #tpu.memory_space<vmem>>, vector<128x1xf32>
    tpu.vector_store %arg9[%swap3A_2640, %swap3A_2641], %select_n3A_2625 {strides = array<i32>} : memref<4096x1xf32, #tpu.memory_space<vmem>>, vector<128x1xf32>,
    %swap3A_2643 = arith.constant 2816 : index
    %swap3A_2644 = arith.constant 0 : index
    %swap3A_2645 = vector.load %arg7[%swap3A_2643, %swap3A_2644] : memref<4096x1xf32, #tpu.memory_space<vmem>>, vector<128x1xf32>
    tpu.vector_store %arg7[%swap3A_2643, %swap3A_2644], %select_n3A_2629 {strides = array<i32>} : memref<4096x1xf32, #tpu.memory_space<vmem>>, vector<128x1xf32>,
    %swap3A_2646 = arith.constant 2816 : index
    %swap3A_2647 = arith.constant 0 : index
    %swap3A_2648 = vector.load %arg10[%swap3A_2646, %swap3A_2647] : memref<4096x1xf32, #tpu.memory_space<vmem>>, vector<128x1xf32>
    tpu.vector_store %arg10[%swap3A_2646, %swap3A_2647], %select_n3A_2630 {strides = array<i32>} : memref<4096x1xf32, #tpu.memory_space<vmem>>, vector<128x1xf32>,
    %get3A_2649 = arith.constant 2944 : index
    %get3A_2650 = arith.constant 0 : index
    %get3A_2651 = vector.load %arg1[%get3A_2649, %get3A_2650] : memref<4096x256xbf16, #tpu.memory_space<vmem>>, vector<128x256xbf16>
    %get3A_2652 = arith.constant 2944 : index
    %get3A_2653 = arith.constant 0 : index
    %get3A_2654 = vector.load %arg2[%get3A_2652, %get3A_2653] : memref<4096x1xf32, #tpu.memory_space<vmem>>, vector<128x1xf32>
    %dot_general3A_2655 = arith.constant dense<0.000000e+00> : vector<128x2048xf32>
    %dot_general3A_2656 = tpu.matmul %get3A_2651, %get3A_3, %dot_general3A_2655 {dimension_numbers = #tpu.dot_dimension_numbers<[1], [1], [0], [0], [0, 0, 1, 0], [], []>, transpose_lhs_hint = false} : vector<128x256xbf16>, vector<2048x256xbf16>, vector<128x2048xf32> -> vector<128x2048xf32>
    %add3A_2657 = vector.broadcast %get3A_2654 : vector<128x1xf32> to vector<128x2048xf32>
    %add3A_2658 = vector.broadcast %get3A_6 : vector<1x2048xf32> to vector<128x2048xf32>
    %add3A_2659 = arith.addf %add3A_2657, %add3A_2658 : vector<128x2048xf32>
    %add3A_2660 = arith.addf %add3A_2659, %dot_general3A_2656 : vector<128x2048xf32>
    %reduce_min3A_2661 = arith.constant dense<0x7F800000> : vector<128xf32>
    %reduce_min3A_2662 = vector.multi_reduction <minimumf>, %add3A_2660, %reduce_min3A_2661 [1] : vector<128x2048xf32> to vector<128xf32>
    %broadcast_in_dim3A_2663 = vector.shape_cast %reduce_min3A_2662 : vector<128xf32> to vector<128x1xf32>
    %eq3A_2664 = vector.broadcast %broadcast_in_dim3A_2663 : vector<128x1xf32> to vector<128x2048xf32>
    %eq3A_2665 = arith.cmpf oeq, %add3A_2660, %eq3A_2664 : vector<128x2048xf32>
    %jit3A_2666 = arith.constant 1.07374182E+9 : f32
    %broadcast_in_dim3A_2667 = vector.broadcast %jit3A_2666 : f32 to vector<128x2048xf32>
    %select_n3A_2668 = arith.select %eq3A_2665, %add3A_10, %broadcast_in_dim3A_2667 : vector<128x2048xi1>, vector<128x2048xf32>
    %reduce_min3A_2669 = arith.constant dense<0x7F800000> : vector<128xf32>
    %reduce_min3A_2670 = vector.multi_reduction <minimumf>, %select_n3A_2668, %reduce_min3A_2669 [1] : vector<128x2048xf32> to vector<128xf32>
    %broadcast_in_dim3A_2671 = vector.shape_cast %reduce_min3A_2670 : vector<128xf32> to vector<128x1xf32>
    %eq3A_2672 = vector.broadcast %broadcast_in_dim3A_2671 : vector<128x1xf32> to vector<128x2048xf32>
    %eq3A_2673 = arith.cmpf oeq, %add3A_10, %eq3A_2672 : vector<128x2048xf32>
    %jit3A_2674 = arith.constant 1.000000e+30 : f32
    %broadcast_in_dim3A_2675 = vector.broadcast %jit3A_2674 : f32 to vector<128x2048xf32>
    %select_n3A_2676 = arith.select %eq3A_2673, %broadcast_in_dim3A_2675, %add3A_2660 : vector<128x2048xi1>, vector<128x2048xf32>
    %reduce_min3A_2677 = arith.constant dense<0x7F800000> : vector<128xf32>
    %reduce_min3A_2678 = vector.multi_reduction <minimumf>, %select_n3A_2676, %reduce_min3A_2677 [1] : vector<128x2048xf32> to vector<128xf32>
    %broadcast_in_dim3A_2679 = vector.shape_cast %reduce_min3A_2678 : vector<128xf32> to vector<128x1xf32>
    %eq3A_2680 = vector.broadcast %broadcast_in_dim3A_2679 : vector<128x1xf32> to vector<128x2048xf32>
    %eq3A_2681 = arith.cmpf oeq, %select_n3A_2676, %eq3A_2680 : vector<128x2048xf32>
    %jit3A_2682 = arith.constant 1.07374182E+9 : f32
    %broadcast_in_dim3A_2683 = vector.broadcast %jit3A_2682 : f32 to vector<128x2048xf32>
    %select_n3A_2684 = arith.select %eq3A_2681, %add3A_10, %broadcast_in_dim3A_2683 : vector<128x2048xi1>, vector<128x2048xf32>
    %reduce_min3A_2685 = arith.constant dense<0x7F800000> : vector<128xf32>
    %reduce_min3A_2686 = vector.multi_reduction <minimumf>, %select_n3A_2684, %reduce_min3A_2685 [1] : vector<128x2048xf32> to vector<128xf32>
    %broadcast_in_dim3A_2687 = vector.shape_cast %reduce_min3A_2686 : vector<128xf32> to vector<128x1xf32>
    %eq3A_2688 = vector.broadcast %broadcast_in_dim3A_2687 : vector<128x1xf32> to vector<128x2048xf32>
    %eq3A_2689 = arith.cmpf oeq, %add3A_10, %eq3A_2688 : vector<128x2048xf32>
    %jit3A_2690 = arith.constant 1.000000e+30 : f32
    %broadcast_in_dim3A_2691 = vector.broadcast %jit3A_2690 : f32 to vector<128x2048xf32>
    %select_n3A_2692 = arith.select %eq3A_2689, %broadcast_in_dim3A_2691, %select_n3A_2676 : vector<128x2048xi1>, vector<128x2048xf32>
    %reduce_min3A_2693 = arith.constant dense<0x7F800000> : vector<128xf32>
    %reduce_min3A_2694 = vector.multi_reduction <minimumf>, %select_n3A_2692, %reduce_min3A_2693 [1] : vector<128x2048xf32> to vector<128xf32>
    %broadcast_in_dim3A_2695 = vector.shape_cast %reduce_min3A_2694 : vector<128xf32> to vector<128x1xf32>
    %eq3A_2696 = vector.broadcast %broadcast_in_dim3A_2695 : vector<128x1xf32> to vector<128x2048xf32>
    %eq3A_2697 = arith.cmpf oeq, %select_n3A_2692, %eq3A_2696 : vector<128x2048xf32>
    %jit3A_2698 = arith.constant 1.07374182E+9 : f32
    %broadcast_in_dim3A_2699 = vector.broadcast %jit3A_2698 : f32 to vector<128x2048xf32>
    %select_n3A_2700 = arith.select %eq3A_2697, %add3A_10, %broadcast_in_dim3A_2699 : vector<128x2048xi1>, vector<128x2048xf32>
    %reduce_min3A_2701 = arith.constant dense<0x7F800000> : vector<128xf32>
    %reduce_min3A_2702 = vector.multi_reduction <minimumf>, %select_n3A_2700, %reduce_min3A_2701 [1] : vector<128x2048xf32> to vector<128xf32>
    %broadcast_in_dim3A_2703 = vector.shape_cast %reduce_min3A_2702 : vector<128xf32> to vector<128x1xf32>
    %get3A_2704 = arith.constant 2944 : index
    %get3A_2705 = arith.constant 0 : index
    %get3A_2706 = vector.load %arg5[%get3A_2704, %get3A_2705] : memref<4096x1xf32, #tpu.memory_space<vmem>>, vector<128x1xf32>
    %get3A_2707 = arith.constant 2944 : index
    %get3A_2708 = arith.constant 0 : index
    %get3A_2709 = vector.load %arg8[%get3A_2707, %get3A_2708] : memref<4096x1xf32, #tpu.memory_space<vmem>>, vector<128x1xf32>
    %get3A_2710 = arith.constant 2944 : index
    %get3A_2711 = arith.constant 0 : index
    %get3A_2712 = vector.load %arg6[%get3A_2710, %get3A_2711] : memref<4096x1xf32, #tpu.memory_space<vmem>>, vector<128x1xf32>
    %get3A_2713 = arith.constant 2944 : index
    %get3A_2714 = arith.constant 0 : index
    %get3A_2715 = vector.load %arg9[%get3A_2713, %get3A_2714] : memref<4096x1xf32, #tpu.memory_space<vmem>>, vector<128x1xf32>
    %get3A_2716 = arith.constant 2944 : index
    %get3A_2717 = arith.constant 0 : index
    %get3A_2718 = vector.load %arg7[%get3A_2716, %get3A_2717] : memref<4096x1xf32, #tpu.memory_space<vmem>>, vector<128x1xf32>
    %get3A_2719 = arith.constant 2944 : index
    %get3A_2720 = arith.constant 0 : index
    %get3A_2721 = vector.load %arg10[%get3A_2719, %get3A_2720] : memref<4096x1xf32, #tpu.memory_space<vmem>>, vector<128x1xf32>
    %le3A_2722 = arith.cmpf ole, %get3A_2718, %broadcast_in_dim3A_2663 : vector<128x1xf32>
    %select_n3A_2723 = arith.select %le3A_2722, %get3A_2718, %broadcast_in_dim3A_2663 : vector<128x1xi1>, vector<128x1xf32>
    %select_n3A_2724 = arith.select %le3A_2722, %get3A_2721, %broadcast_in_dim3A_2671 : vector<128x1xi1>, vector<128x1xf32>
    %le3A_2725 = arith.cmpf ole, %get3A_2712, %select_n3A_2723 : vector<128x1xf32>
    %select_n3A_2726 = arith.select %le3A_2725, %get3A_2712, %select_n3A_2723 : vector<128x1xi1>, vector<128x1xf32>
    %select_n3A_2727 = arith.select %le3A_2725, %get3A_2715, %select_n3A_2724 : vector<128x1xi1>, vector<128x1xf32>
    %select_n3A_2728 = arith.select %le3A_2725, %select_n3A_2723, %get3A_2712 : vector<128x1xi1>, vector<128x1xf32>
    %select_n3A_2729 = arith.select %le3A_2725, %select_n3A_2724, %get3A_2715 : vector<128x1xi1>, vector<128x1xf32>
    %le3A_2730 = arith.cmpf ole, %get3A_2706, %select_n3A_2726 : vector<128x1xf32>
    %select_n3A_2731 = arith.select %le3A_2730, %get3A_2706, %select_n3A_2726 : vector<128x1xi1>, vector<128x1xf32>
    %select_n3A_2732 = arith.select %le3A_2730, %get3A_2709, %select_n3A_2727 : vector<128x1xi1>, vector<128x1xf32>
    %select_n3A_2733 = arith.select %le3A_2730, %select_n3A_2726, %get3A_2706 : vector<128x1xi1>, vector<128x1xf32>
    %select_n3A_2734 = arith.select %le3A_2730, %select_n3A_2727, %get3A_2709 : vector<128x1xi1>, vector<128x1xf32>
    %le3A_2735 = arith.cmpf ole, %select_n3A_2728, %broadcast_in_dim3A_2679 : vector<128x1xf32>
    %select_n3A_2736 = arith.select %le3A_2735, %select_n3A_2728, %broadcast_in_dim3A_2679 : vector<128x1xi1>, vector<128x1xf32>
    %select_n3A_2737 = arith.select %le3A_2735, %select_n3A_2729, %broadcast_in_dim3A_2687 : vector<128x1xi1>, vector<128x1xf32>
    %le3A_2738 = arith.cmpf ole, %select_n3A_2733, %select_n3A_2736 : vector<128x1xf32>
    %select_n3A_2739 = arith.select %le3A_2738, %select_n3A_2733, %select_n3A_2736 : vector<128x1xi1>, vector<128x1xf32>
    %select_n3A_2740 = arith.select %le3A_2738, %select_n3A_2734, %select_n3A_2737 : vector<128x1xi1>, vector<128x1xf32>
    %select_n3A_2741 = arith.select %le3A_2738, %select_n3A_2736, %select_n3A_2733 : vector<128x1xi1>, vector<128x1xf32>
    %select_n3A_2742 = arith.select %le3A_2738, %select_n3A_2737, %select_n3A_2734 : vector<128x1xi1>, vector<128x1xf32>
    %le3A_2743 = arith.cmpf ole, %select_n3A_2741, %broadcast_in_dim3A_2695 : vector<128x1xf32>
    %select_n3A_2744 = arith.select %le3A_2743, %select_n3A_2741, %broadcast_in_dim3A_2695 : vector<128x1xi1>, vector<128x1xf32>
    %select_n3A_2745 = arith.select %le3A_2743, %select_n3A_2742, %broadcast_in_dim3A_2703 : vector<128x1xi1>, vector<128x1xf32>
    %swap3A_2746 = arith.constant 2944 : index
    %swap3A_2747 = arith.constant 0 : index
    %swap3A_2748 = vector.load %arg5[%swap3A_2746, %swap3A_2747] : memref<4096x1xf32, #tpu.memory_space<vmem>>, vector<128x1xf32>
    tpu.vector_store %arg5[%swap3A_2746, %swap3A_2747], %select_n3A_2731 {strides = array<i32>} : memref<4096x1xf32, #tpu.memory_space<vmem>>, vector<128x1xf32>,
    %swap3A_2749 = arith.constant 2944 : index
    %swap3A_2750 = arith.constant 0 : index
    %swap3A_2751 = vector.load %arg8[%swap3A_2749, %swap3A_2750] : memref<4096x1xf32, #tpu.memory_space<vmem>>, vector<128x1xf32>
    tpu.vector_store %arg8[%swap3A_2749, %swap3A_2750], %select_n3A_2732 {strides = array<i32>} : memref<4096x1xf32, #tpu.memory_space<vmem>>, vector<128x1xf32>,
    %swap3A_2752 = arith.constant 2944 : index
    %swap3A_2753 = arith.constant 0 : index
    %swap3A_2754 = vector.load %arg6[%swap3A_2752, %swap3A_2753] : memref<4096x1xf32, #tpu.memory_space<vmem>>, vector<128x1xf32>
    tpu.vector_store %arg6[%swap3A_2752, %swap3A_2753], %select_n3A_2739 {strides = array<i32>} : memref<4096x1xf32, #tpu.memory_space<vmem>>, vector<128x1xf32>,
    %swap3A_2755 = arith.constant 2944 : index
    %swap3A_2756 = arith.constant 0 : index
    %swap3A_2757 = vector.load %arg9[%swap3A_2755, %swap3A_2756] : memref<4096x1xf32, #tpu.memory_space<vmem>>, vector<128x1xf32>
    tpu.vector_store %arg9[%swap3A_2755, %swap3A_2756], %select_n3A_2740 {strides = array<i32>} : memref<4096x1xf32, #tpu.memory_space<vmem>>, vector<128x1xf32>,
    %swap3A_2758 = arith.constant 2944 : index
    %swap3A_2759 = arith.constant 0 : index
    %swap3A_2760 = vector.load %arg7[%swap3A_2758, %swap3A_2759] : memref<4096x1xf32, #tpu.memory_space<vmem>>, vector<128x1xf32>
    tpu.vector_store %arg7[%swap3A_2758, %swap3A_2759], %select_n3A_2744 {strides = array<i32>} : memref<4096x1xf32, #tpu.memory_space<vmem>>, vector<128x1xf32>,
    %swap3A_2761 = arith.constant 2944 : index
    %swap3A_2762 = arith.constant 0 : index
    %swap3A_2763 = vector.load %arg10[%swap3A_2761, %swap3A_2762] : memref<4096x1xf32, #tpu.memory_space<vmem>>, vector<128x1xf32>
    tpu.vector_store %arg10[%swap3A_2761, %swap3A_2762], %select_n3A_2745 {strides = array<i32>} : memref<4096x1xf32, #tpu.memory_space<vmem>>, vector<128x1xf32>,
    %get3A_2764 = arith.constant 3072 : index
    %get3A_2765 = arith.constant 0 : index
    %get3A_2766 = vector.load %arg1[%get3A_2764, %get3A_2765] : memref<4096x256xbf16, #tpu.memory_space<vmem>>, vector<128x256xbf16>
    %get3A_2767 = arith.constant 3072 : index
    %get3A_2768 = arith.constant 0 : index
    %get3A_2769 = vector.load %arg2[%get3A_2767, %get3A_2768] : memref<4096x1xf32, #tpu.memory_space<vmem>>, vector<128x1xf32>
    %dot_general3A_2770 = arith.constant dense<0.000000e+00> : vector<128x2048xf32>
    %dot_general3A_2771 = tpu.matmul %get3A_2766, %get3A_3, %dot_general3A_2770 {dimension_numbers = #tpu.dot_dimension_numbers<[1], [1], [0], [0], [0, 0, 1, 0], [], []>, transpose_lhs_hint = false} : vector<128x256xbf16>, vector<2048x256xbf16>, vector<128x2048xf32> -> vector<128x2048xf32>
    %add3A_2772 = vector.broadcast %get3A_2769 : vector<128x1xf32> to vector<128x2048xf32>
    %add3A_2773 = vector.broadcast %get3A_6 : vector<1x2048xf32> to vector<128x2048xf32>
    %add3A_2774 = arith.addf %add3A_2772, %add3A_2773 : vector<128x2048xf32>
    %add3A_2775 = arith.addf %add3A_2774, %dot_general3A_2771 : vector<128x2048xf32>
    %reduce_min3A_2776 = arith.constant dense<0x7F800000> : vector<128xf32>
    %reduce_min3A_2777 = vector.multi_reduction <minimumf>, %add3A_2775, %reduce_min3A_2776 [1] : vector<128x2048xf32> to vector<128xf32>
    %broadcast_in_dim3A_2778 = vector.shape_cast %reduce_min3A_2777 : vector<128xf32> to vector<128x1xf32>
    %eq3A_2779 = vector.broadcast %broadcast_in_dim3A_2778 : vector<128x1xf32> to vector<128x2048xf32>
    %eq3A_2780 = arith.cmpf oeq, %add3A_2775, %eq3A_2779 : vector<128x2048xf32>
    %jit3A_2781 = arith.constant 1.07374182E+9 : f32
    %broadcast_in_dim3A_2782 = vector.broadcast %jit3A_2781 : f32 to vector<128x2048xf32>
    %select_n3A_2783 = arith.select %eq3A_2780, %add3A_10, %broadcast_in_dim3A_2782 : vector<128x2048xi1>, vector<128x2048xf32>
    %reduce_min3A_2784 = arith.constant dense<0x7F800000> : vector<128xf32>
    %reduce_min3A_2785 = vector.multi_reduction <minimumf>, %select_n3A_2783, %reduce_min3A_2784 [1] : vector<128x2048xf32> to vector<128xf32>
    %broadcast_in_dim3A_2786 = vector.shape_cast %reduce_min3A_2785 : vector<128xf32> to vector<128x1xf32>
    %eq3A_2787 = vector.broadcast %broadcast_in_dim3A_2786 : vector<128x1xf32> to vector<128x2048xf32>
    %eq3A_2788 = arith.cmpf oeq, %add3A_10, %eq3A_2787 : vector<128x2048xf32>
    %jit3A_2789 = arith.constant 1.000000e+30 : f32
    %broadcast_in_dim3A_2790 = vector.broadcast %jit3A_2789 : f32 to vector<128x2048xf32>
    %select_n3A_2791 = arith.select %eq3A_2788, %broadcast_in_dim3A_2790, %add3A_2775 : vector<128x2048xi1>, vector<128x2048xf32>
    %reduce_min3A_2792 = arith.constant dense<0x7F800000> : vector<128xf32>
    %reduce_min3A_2793 = vector.multi_reduction <minimumf>, %select_n3A_2791, %reduce_min3A_2792 [1] : vector<128x2048xf32> to vector<128xf32>
    %broadcast_in_dim3A_2794 = vector.shape_cast %reduce_min3A_2793 : vector<128xf32> to vector<128x1xf32>
    %eq3A_2795 = vector.broadcast %broadcast_in_dim3A_2794 : vector<128x1xf32> to vector<128x2048xf32>
    %eq3A_2796 = arith.cmpf oeq, %select_n3A_2791, %eq3A_2795 : vector<128x2048xf32>
    %jit3A_2797 = arith.constant 1.07374182E+9 : f32
    %broadcast_in_dim3A_2798 = vector.broadcast %jit3A_2797 : f32 to vector<128x2048xf32>
    %select_n3A_2799 = arith.select %eq3A_2796, %add3A_10, %broadcast_in_dim3A_2798 : vector<128x2048xi1>, vector<128x2048xf32>
    %reduce_min3A_2800 = arith.constant dense<0x7F800000> : vector<128xf32>
    %reduce_min3A_2801 = vector.multi_reduction <minimumf>, %select_n3A_2799, %reduce_min3A_2800 [1] : vector<128x2048xf32> to vector<128xf32>
    %broadcast_in_dim3A_2802 = vector.shape_cast %reduce_min3A_2801 : vector<128xf32> to vector<128x1xf32>
    %eq3A_2803 = vector.broadcast %broadcast_in_dim3A_2802 : vector<128x1xf32> to vector<128x2048xf32>
    %eq3A_2804 = arith.cmpf oeq, %add3A_10, %eq3A_2803 : vector<128x2048xf32>
    %jit3A_2805 = arith.constant 1.000000e+30 : f32
    %broadcast_in_dim3A_2806 = vector.broadcast %jit3A_2805 : f32 to vector<128x2048xf32>
    %select_n3A_2807 = arith.select %eq3A_2804, %broadcast_in_dim3A_2806, %select_n3A_2791 : vector<128x2048xi1>, vector<128x2048xf32>
    %reduce_min3A_2808 = arith.constant dense<0x7F800000> : vector<128xf32>
    %reduce_min3A_2809 = vector.multi_reduction <minimumf>, %select_n3A_2807, %reduce_min3A_2808 [1] : vector<128x2048xf32> to vector<128xf32>
    %broadcast_in_dim3A_2810 = vector.shape_cast %reduce_min3A_2809 : vector<128xf32> to vector<128x1xf32>
    %eq3A_2811 = vector.broadcast %broadcast_in_dim3A_2810 : vector<128x1xf32> to vector<128x2048xf32>
    %eq3A_2812 = arith.cmpf oeq, %select_n3A_2807, %eq3A_2811 : vector<128x2048xf32>
    %jit3A_2813 = arith.constant 1.07374182E+9 : f32
    %broadcast_in_dim3A_2814 = vector.broadcast %jit3A_2813 : f32 to vector<128x2048xf32>
    %select_n3A_2815 = arith.select %eq3A_2812, %add3A_10, %broadcast_in_dim3A_2814 : vector<128x2048xi1>, vector<128x2048xf32>
    %reduce_min3A_2816 = arith.constant dense<0x7F800000> : vector<128xf32>
    %reduce_min3A_2817 = vector.multi_reduction <minimumf>, %select_n3A_2815, %reduce_min3A_2816 [1] : vector<128x2048xf32> to vector<128xf32>
    %broadcast_in_dim3A_2818 = vector.shape_cast %reduce_min3A_2817 : vector<128xf32> to vector<128x1xf32>
    %get3A_2819 = arith.constant 3072 : index
    %get3A_2820 = arith.constant 0 : index
    %get3A_2821 = vector.load %arg5[%get3A_2819, %get3A_2820] : memref<4096x1xf32, #tpu.memory_space<vmem>>, vector<128x1xf32>
    %get3A_2822 = arith.constant 3072 : index
    %get3A_2823 = arith.constant 0 : index
    %get3A_2824 = vector.load %arg8[%get3A_2822, %get3A_2823] : memref<4096x1xf32, #tpu.memory_space<vmem>>, vector<128x1xf32>
    %get3A_2825 = arith.constant 3072 : index
    %get3A_2826 = arith.constant 0 : index
    %get3A_2827 = vector.load %arg6[%get3A_2825, %get3A_2826] : memref<4096x1xf32, #tpu.memory_space<vmem>>, vector<128x1xf32>
    %get3A_2828 = arith.constant 3072 : index
    %get3A_2829 = arith.constant 0 : index
    %get3A_2830 = vector.load %arg9[%get3A_2828, %get3A_2829] : memref<4096x1xf32, #tpu.memory_space<vmem>>, vector<128x1xf32>
    %get3A_2831 = arith.constant 3072 : index
    %get3A_2832 = arith.constant 0 : index
    %get3A_2833 = vector.load %arg7[%get3A_2831, %get3A_2832] : memref<4096x1xf32, #tpu.memory_space<vmem>>, vector<128x1xf32>
    %get3A_2834 = arith.constant 3072 : index
    %get3A_2835 = arith.constant 0 : index
    %get3A_2836 = vector.load %arg10[%get3A_2834, %get3A_2835] : memref<4096x1xf32, #tpu.memory_space<vmem>>, vector<128x1xf32>
    %le3A_2837 = arith.cmpf ole, %get3A_2833, %broadcast_in_dim3A_2778 : vector<128x1xf32>
    %select_n3A_2838 = arith.select %le3A_2837, %get3A_2833, %broadcast_in_dim3A_2778 : vector<128x1xi1>, vector<128x1xf32>
    %select_n3A_2839 = arith.select %le3A_2837, %get3A_2836, %broadcast_in_dim3A_2786 : vector<128x1xi1>, vector<128x1xf32>
    %le3A_2840 = arith.cmpf ole, %get3A_2827, %select_n3A_2838 : vector<128x1xf32>
    %select_n3A_2841 = arith.select %le3A_2840, %get3A_2827, %select_n3A_2838 : vector<128x1xi1>, vector<128x1xf32>
    %select_n3A_2842 = arith.select %le3A_2840, %get3A_2830, %select_n3A_2839 : vector<128x1xi1>, vector<128x1xf32>
    %select_n3A_2843 = arith.select %le3A_2840, %select_n3A_2838, %get3A_2827 : vector<128x1xi1>, vector<128x1xf32>
    %select_n3A_2844 = arith.select %le3A_2840, %select_n3A_2839, %get3A_2830 : vector<128x1xi1>, vector<128x1xf32>
    %le3A_2845 = arith.cmpf ole, %get3A_2821, %select_n3A_2841 : vector<128x1xf32>
    %select_n3A_2846 = arith.select %le3A_2845, %get3A_2821, %select_n3A_2841 : vector<128x1xi1>, vector<128x1xf32>
    %select_n3A_2847 = arith.select %le3A_2845, %get3A_2824, %select_n3A_2842 : vector<128x1xi1>, vector<128x1xf32>
    %select_n3A_2848 = arith.select %le3A_2845, %select_n3A_2841, %get3A_2821 : vector<128x1xi1>, vector<128x1xf32>
    %select_n3A_2849 = arith.select %le3A_2845, %select_n3A_2842, %get3A_2824 : vector<128x1xi1>, vector<128x1xf32>
    %le3A_2850 = arith.cmpf ole, %select_n3A_2843, %broadcast_in_dim3A_2794 : vector<128x1xf32>
    %select_n3A_2851 = arith.select %le3A_2850, %select_n3A_2843, %broadcast_in_dim3A_2794 : vector<128x1xi1>, vector<128x1xf32>
    %select_n3A_2852 = arith.select %le3A_2850, %select_n3A_2844, %broadcast_in_dim3A_2802 : vector<128x1xi1>, vector<128x1xf32>
    %le3A_2853 = arith.cmpf ole, %select_n3A_2848, %select_n3A_2851 : vector<128x1xf32>
    %select_n3A_2854 = arith.select %le3A_2853, %select_n3A_2848, %select_n3A_2851 : vector<128x1xi1>, vector<128x1xf32>
    %select_n3A_2855 = arith.select %le3A_2853, %select_n3A_2849, %select_n3A_2852 : vector<128x1xi1>, vector<128x1xf32>
    %select_n3A_2856 = arith.select %le3A_2853, %select_n3A_2851, %select_n3A_2848 : vector<128x1xi1>, vector<128x1xf32>
    %select_n3A_2857 = arith.select %le3A_2853, %select_n3A_2852, %select_n3A_2849 : vector<128x1xi1>, vector<128x1xf32>
    %le3A_2858 = arith.cmpf ole, %select_n3A_2856, %broadcast_in_dim3A_2810 : vector<128x1xf32>
    %select_n3A_2859 = arith.select %le3A_2858, %select_n3A_2856, %broadcast_in_dim3A_2810 : vector<128x1xi1>, vector<128x1xf32>
    %select_n3A_2860 = arith.select %le3A_2858, %select_n3A_2857, %broadcast_in_dim3A_2818 : vector<128x1xi1>, vector<128x1xf32>
    %swap3A_2861 = arith.constant 3072 : index
    %swap3A_2862 = arith.constant 0 : index
    %swap3A_2863 = vector.load %arg5[%swap3A_2861, %swap3A_2862] : memref<4096x1xf32, #tpu.memory_space<vmem>>, vector<128x1xf32>
    tpu.vector_store %arg5[%swap3A_2861, %swap3A_2862], %select_n3A_2846 {strides = array<i32>} : memref<4096x1xf32, #tpu.memory_space<vmem>>, vector<128x1xf32>,
    %swap3A_2864 = arith.constant 3072 : index
    %swap3A_2865 = arith.constant 0 : index
    %swap3A_2866 = vector.load %arg8[%swap3A_2864, %swap3A_2865] : memref<4096x1xf32, #tpu.memory_space<vmem>>, vector<128x1xf32>
    tpu.vector_store %arg8[%swap3A_2864, %swap3A_2865], %select_n3A_2847 {strides = array<i32>} : memref<4096x1xf32, #tpu.memory_space<vmem>>, vector<128x1xf32>,
    %swap3A_2867 = arith.constant 3072 : index
    %swap3A_2868 = arith.constant 0 : index
    %swap3A_2869 = vector.load %arg6[%swap3A_2867, %swap3A_2868] : memref<4096x1xf32, #tpu.memory_space<vmem>>, vector<128x1xf32>
    tpu.vector_store %arg6[%swap3A_2867, %swap3A_2868], %select_n3A_2854 {strides = array<i32>} : memref<4096x1xf32, #tpu.memory_space<vmem>>, vector<128x1xf32>,
    %swap3A_2870 = arith.constant 3072 : index
    %swap3A_2871 = arith.constant 0 : index
    %swap3A_2872 = vector.load %arg9[%swap3A_2870, %swap3A_2871] : memref<4096x1xf32, #tpu.memory_space<vmem>>, vector<128x1xf32>
    tpu.vector_store %arg9[%swap3A_2870, %swap3A_2871], %select_n3A_2855 {strides = array<i32>} : memref<4096x1xf32, #tpu.memory_space<vmem>>, vector<128x1xf32>,
    %swap3A_2873 = arith.constant 3072 : index
    %swap3A_2874 = arith.constant 0 : index
    %swap3A_2875 = vector.load %arg7[%swap3A_2873, %swap3A_2874] : memref<4096x1xf32, #tpu.memory_space<vmem>>, vector<128x1xf32>
    tpu.vector_store %arg7[%swap3A_2873, %swap3A_2874], %select_n3A_2859 {strides = array<i32>} : memref<4096x1xf32, #tpu.memory_space<vmem>>, vector<128x1xf32>,
    %swap3A_2876 = arith.constant 3072 : index
    %swap3A_2877 = arith.constant 0 : index
    %swap3A_2878 = vector.load %arg10[%swap3A_2876, %swap3A_2877] : memref<4096x1xf32, #tpu.memory_space<vmem>>, vector<128x1xf32>
    tpu.vector_store %arg10[%swap3A_2876, %swap3A_2877], %select_n3A_2860 {strides = array<i32>} : memref<4096x1xf32, #tpu.memory_space<vmem>>, vector<128x1xf32>,
    %get3A_2879 = arith.constant 3200 : index
    %get3A_2880 = arith.constant 0 : index
    %get3A_2881 = vector.load %arg1[%get3A_2879, %get3A_2880] : memref<4096x256xbf16, #tpu.memory_space<vmem>>, vector<128x256xbf16>
    %get3A_2882 = arith.constant 3200 : index
    %get3A_2883 = arith.constant 0 : index
    %get3A_2884 = vector.load %arg2[%get3A_2882, %get3A_2883] : memref<4096x1xf32, #tpu.memory_space<vmem>>, vector<128x1xf32>
    %dot_general3A_2885 = arith.constant dense<0.000000e+00> : vector<128x2048xf32>
    %dot_general3A_2886 = tpu.matmul %get3A_2881, %get3A_3, %dot_general3A_2885 {dimension_numbers = #tpu.dot_dimension_numbers<[1], [1], [0], [0], [0, 0, 1, 0], [], []>, transpose_lhs_hint = false} : vector<128x256xbf16>, vector<2048x256xbf16>, vector<128x2048xf32> -> vector<128x2048xf32>
    %add3A_2887 = vector.broadcast %get3A_2884 : vector<128x1xf32> to vector<128x2048xf32>
    %add3A_2888 = vector.broadcast %get3A_6 : vector<1x2048xf32> to vector<128x2048xf32>
    %add3A_2889 = arith.addf %add3A_2887, %add3A_2888 : vector<128x2048xf32>
    %add3A_2890 = arith.addf %add3A_2889, %dot_general3A_2886 : vector<128x2048xf32>
    %reduce_min3A_2891 = arith.constant dense<0x7F800000> : vector<128xf32>
    %reduce_min3A_2892 = vector.multi_reduction <minimumf>, %add3A_2890, %reduce_min3A_2891 [1] : vector<128x2048xf32> to vector<128xf32>
    %broadcast_in_dim3A_2893 = vector.shape_cast %reduce_min3A_2892 : vector<128xf32> to vector<128x1xf32>
    %eq3A_2894 = vector.broadcast %broadcast_in_dim3A_2893 : vector<128x1xf32> to vector<128x2048xf32>
    %eq3A_2895 = arith.cmpf oeq, %add3A_2890, %eq3A_2894 : vector<128x2048xf32>
    %jit3A_2896 = arith.constant 1.07374182E+9 : f32
    %broadcast_in_dim3A_2897 = vector.broadcast %jit3A_2896 : f32 to vector<128x2048xf32>
    %select_n3A_2898 = arith.select %eq3A_2895, %add3A_10, %broadcast_in_dim3A_2897 : vector<128x2048xi1>, vector<128x2048xf32>
    %reduce_min3A_2899 = arith.constant dense<0x7F800000> : vector<128xf32>
    %reduce_min3A_2900 = vector.multi_reduction <minimumf>, %select_n3A_2898, %reduce_min3A_2899 [1] : vector<128x2048xf32> to vector<128xf32>
    %broadcast_in_dim3A_2901 = vector.shape_cast %reduce_min3A_2900 : vector<128xf32> to vector<128x1xf32>
    %eq3A_2902 = vector.broadcast %broadcast_in_dim3A_2901 : vector<128x1xf32> to vector<128x2048xf32>
    %eq3A_2903 = arith.cmpf oeq, %add3A_10, %eq3A_2902 : vector<128x2048xf32>
    %jit3A_2904 = arith.constant 1.000000e+30 : f32
    %broadcast_in_dim3A_2905 = vector.broadcast %jit3A_2904 : f32 to vector<128x2048xf32>
    %select_n3A_2906 = arith.select %eq3A_2903, %broadcast_in_dim3A_2905, %add3A_2890 : vector<128x2048xi1>, vector<128x2048xf32>
    %reduce_min3A_2907 = arith.constant dense<0x7F800000> : vector<128xf32>
    %reduce_min3A_2908 = vector.multi_reduction <minimumf>, %select_n3A_2906, %reduce_min3A_2907 [1] : vector<128x2048xf32> to vector<128xf32>
    %broadcast_in_dim3A_2909 = vector.shape_cast %reduce_min3A_2908 : vector<128xf32> to vector<128x1xf32>
    %eq3A_2910 = vector.broadcast %broadcast_in_dim3A_2909 : vector<128x1xf32> to vector<128x2048xf32>
    %eq3A_2911 = arith.cmpf oeq, %select_n3A_2906, %eq3A_2910 : vector<128x2048xf32>
    %jit3A_2912 = arith.constant 1.07374182E+9 : f32
    %broadcast_in_dim3A_2913 = vector.broadcast %jit3A_2912 : f32 to vector<128x2048xf32>
    %select_n3A_2914 = arith.select %eq3A_2911, %add3A_10, %broadcast_in_dim3A_2913 : vector<128x2048xi1>, vector<128x2048xf32>
    %reduce_min3A_2915 = arith.constant dense<0x7F800000> : vector<128xf32>
    %reduce_min3A_2916 = vector.multi_reduction <minimumf>, %select_n3A_2914, %reduce_min3A_2915 [1] : vector<128x2048xf32> to vector<128xf32>
    %broadcast_in_dim3A_2917 = vector.shape_cast %reduce_min3A_2916 : vector<128xf32> to vector<128x1xf32>
    %eq3A_2918 = vector.broadcast %broadcast_in_dim3A_2917 : vector<128x1xf32> to vector<128x2048xf32>
    %eq3A_2919 = arith.cmpf oeq, %add3A_10, %eq3A_2918 : vector<128x2048xf32>
    %jit3A_2920 = arith.constant 1.000000e+30 : f32
    %broadcast_in_dim3A_2921 = vector.broadcast %jit3A_2920 : f32 to vector<128x2048xf32>
    %select_n3A_2922 = arith.select %eq3A_2919, %broadcast_in_dim3A_2921, %select_n3A_2906 : vector<128x2048xi1>, vector<128x2048xf32>
    %reduce_min3A_2923 = arith.constant dense<0x7F800000> : vector<128xf32>
    %reduce_min3A_2924 = vector.multi_reduction <minimumf>, %select_n3A_2922, %reduce_min3A_2923 [1] : vector<128x2048xf32> to vector<128xf32>
    %broadcast_in_dim3A_2925 = vector.shape_cast %reduce_min3A_2924 : vector<128xf32> to vector<128x1xf32>
    %eq3A_2926 = vector.broadcast %broadcast_in_dim3A_2925 : vector<128x1xf32> to vector<128x2048xf32>
    %eq3A_2927 = arith.cmpf oeq, %select_n3A_2922, %eq3A_2926 : vector<128x2048xf32>
    %jit3A_2928 = arith.constant 1.07374182E+9 : f32
    %broadcast_in_dim3A_2929 = vector.broadcast %jit3A_2928 : f32 to vector<128x2048xf32>
    %select_n3A_2930 = arith.select %eq3A_2927, %add3A_10, %broadcast_in_dim3A_2929 : vector<128x2048xi1>, vector<128x2048xf32>
    %reduce_min3A_2931 = arith.constant dense<0x7F800000> : vector<128xf32>
    %reduce_min3A_2932 = vector.multi_reduction <minimumf>, %select_n3A_2930, %reduce_min3A_2931 [1] : vector<128x2048xf32> to vector<128xf32>
    %broadcast_in_dim3A_2933 = vector.shape_cast %reduce_min3A_2932 : vector<128xf32> to vector<128x1xf32>
    %get3A_2934 = arith.constant 3200 : index
    %get3A_2935 = arith.constant 0 : index
    %get3A_2936 = vector.load %arg5[%get3A_2934, %get3A_2935] : memref<4096x1xf32, #tpu.memory_space<vmem>>, vector<128x1xf32>
    %get3A_2937 = arith.constant 3200 : index
    %get3A_2938 = arith.constant 0 : index
    %get3A_2939 = vector.load %arg8[%get3A_2937, %get3A_2938] : memref<4096x1xf32, #tpu.memory_space<vmem>>, vector<128x1xf32>
    %get3A_2940 = arith.constant 3200 : index
    %get3A_2941 = arith.constant 0 : index
    %get3A_2942 = vector.load %arg6[%get3A_2940, %get3A_2941] : memref<4096x1xf32, #tpu.memory_space<vmem>>, vector<128x1xf32>
    %get3A_2943 = arith.constant 3200 : index
    %get3A_2944 = arith.constant 0 : index
    %get3A_2945 = vector.load %arg9[%get3A_2943, %get3A_2944] : memref<4096x1xf32, #tpu.memory_space<vmem>>, vector<128x1xf32>
    %get3A_2946 = arith.constant 3200 : index
    %get3A_2947 = arith.constant 0 : index
    %get3A_2948 = vector.load %arg7[%get3A_2946, %get3A_2947] : memref<4096x1xf32, #tpu.memory_space<vmem>>, vector<128x1xf32>
    %get3A_2949 = arith.constant 3200 : index
    %get3A_2950 = arith.constant 0 : index
    %get3A_2951 = vector.load %arg10[%get3A_2949, %get3A_2950] : memref<4096x1xf32, #tpu.memory_space<vmem>>, vector<128x1xf32>
    %le3A_2952 = arith.cmpf ole, %get3A_2948, %broadcast_in_dim3A_2893 : vector<128x1xf32>
    %select_n3A_2953 = arith.select %le3A_2952, %get3A_2948, %broadcast_in_dim3A_2893 : vector<128x1xi1>, vector<128x1xf32>
    %select_n3A_2954 = arith.select %le3A_2952, %get3A_2951, %broadcast_in_dim3A_2901 : vector<128x1xi1>, vector<128x1xf32>
    %le3A_2955 = arith.cmpf ole, %get3A_2942, %select_n3A_2953 : vector<128x1xf32>
    %select_n3A_2956 = arith.select %le3A_2955, %get3A_2942, %select_n3A_2953 : vector<128x1xi1>, vector<128x1xf32>
    %select_n3A_2957 = arith.select %le3A_2955, %get3A_2945, %select_n3A_2954 : vector<128x1xi1>, vector<128x1xf32>
    %select_n3A_2958 = arith.select %le3A_2955, %select_n3A_2953, %get3A_2942 : vector<128x1xi1>, vector<128x1xf32>
    %select_n3A_2959 = arith.select %le3A_2955, %select_n3A_2954, %get3A_2945 : vector<128x1xi1>, vector<128x1xf32>
    %le3A_2960 = arith.cmpf ole, %get3A_2936, %select_n3A_2956 : vector<128x1xf32>
    %select_n3A_2961 = arith.select %le3A_2960, %get3A_2936, %select_n3A_2956 : vector<128x1xi1>, vector<128x1xf32>
    %select_n3A_2962 = arith.select %le3A_2960, %get3A_2939, %select_n3A_2957 : vector<128x1xi1>, vector<128x1xf32>
    %select_n3A_2963 = arith.select %le3A_2960, %select_n3A_2956, %get3A_2936 : vector<128x1xi1>, vector<128x1xf32>
    %select_n3A_2964 = arith.select %le3A_2960, %select_n3A_2957, %get3A_2939 : vector<128x1xi1>, vector<128x1xf32>
    %le3A_2965 = arith.cmpf ole, %select_n3A_2958, %broadcast_in_dim3A_2909 : vector<128x1xf32>
    %select_n3A_2966 = arith.select %le3A_2965, %select_n3A_2958, %broadcast_in_dim3A_2909 : vector<128x1xi1>, vector<128x1xf32>
    %select_n3A_2967 = arith.select %le3A_2965, %select_n3A_2959, %broadcast_in_dim3A_2917 : vector<128x1xi1>, vector<128x1xf32>
    %le3A_2968 = arith.cmpf ole, %select_n3A_2963, %select_n3A_2966 : vector<128x1xf32>
    %select_n3A_2969 = arith.select %le3A_2968, %select_n3A_2963, %select_n3A_2966 : vector<128x1xi1>, vector<128x1xf32>
    %select_n3A_2970 = arith.select %le3A_2968, %select_n3A_2964, %select_n3A_2967 : vector<128x1xi1>, vector<128x1xf32>
    %select_n3A_2971 = arith.select %le3A_2968, %select_n3A_2966, %select_n3A_2963 : vector<128x1xi1>, vector<128x1xf32>
    %select_n3A_2972 = arith.select %le3A_2968, %select_n3A_2967, %select_n3A_2964 : vector<128x1xi1>, vector<128x1xf32>
    %le3A_2973 = arith.cmpf ole, %select_n3A_2971, %broadcast_in_dim3A_2925 : vector<128x1xf32>
    %select_n3A_2974 = arith.select %le3A_2973, %select_n3A_2971, %broadcast_in_dim3A_2925 : vector<128x1xi1>, vector<128x1xf32>
    %select_n3A_2975 = arith.select %le3A_2973, %select_n3A_2972, %broadcast_in_dim3A_2933 : vector<128x1xi1>, vector<128x1xf32>
    %swap3A_2976 = arith.constant 3200 : index
    %swap3A_2977 = arith.constant 0 : index
    %swap3A_2978 = vector.load %arg5[%swap3A_2976, %swap3A_2977] : memref<4096x1xf32, #tpu.memory_space<vmem>>, vector<128x1xf32>
    tpu.vector_store %arg5[%swap3A_2976, %swap3A_2977], %select_n3A_2961 {strides = array<i32>} : memref<4096x1xf32, #tpu.memory_space<vmem>>, vector<128x1xf32>,
    %swap3A_2979 = arith.constant 3200 : index
    %swap3A_2980 = arith.constant 0 : index
    %swap3A_2981 = vector.load %arg8[%swap3A_2979, %swap3A_2980] : memref<4096x1xf32, #tpu.memory_space<vmem>>, vector<128x1xf32>
    tpu.vector_store %arg8[%swap3A_2979, %swap3A_2980], %select_n3A_2962 {strides = array<i32>} : memref<4096x1xf32, #tpu.memory_space<vmem>>, vector<128x1xf32>,
    %swap3A_2982 = arith.constant 3200 : index
    %swap3A_2983 = arith.constant 0 : index
    %swap3A_2984 = vector.load %arg6[%swap3A_2982, %swap3A_2983] : memref<4096x1xf32, #tpu.memory_space<vmem>>, vector<128x1xf32>
    tpu.vector_store %arg6[%swap3A_2982, %swap3A_2983], %select_n3A_2969 {strides = array<i32>} : memref<4096x1xf32, #tpu.memory_space<vmem>>, vector<128x1xf32>,
    %swap3A_2985 = arith.constant 3200 : index
    %swap3A_2986 = arith.constant 0 : index
    %swap3A_2987 = vector.load %arg9[%swap3A_2985, %swap3A_2986] : memref<4096x1xf32, #tpu.memory_space<vmem>>, vector<128x1xf32>
    tpu.vector_store %arg9[%swap3A_2985, %swap3A_2986], %select_n3A_2970 {strides = array<i32>} : memref<4096x1xf32, #tpu.memory_space<vmem>>, vector<128x1xf32>,
    %swap3A_2988 = arith.constant 3200 : index
    %swap3A_2989 = arith.constant 0 : index
    %swap3A_2990 = vector.load %arg7[%swap3A_2988, %swap3A_2989] : memref<4096x1xf32, #tpu.memory_space<vmem>>, vector<128x1xf32>
    tpu.vector_store %arg7[%swap3A_2988, %swap3A_2989], %select_n3A_2974 {strides = array<i32>} : memref<4096x1xf32, #tpu.memory_space<vmem>>, vector<128x1xf32>,
    %swap3A_2991 = arith.constant 3200 : index
    %swap3A_2992 = arith.constant 0 : index
    %swap3A_2993 = vector.load %arg10[%swap3A_2991, %swap3A_2992] : memref<4096x1xf32, #tpu.memory_space<vmem>>, vector<128x1xf32>
    tpu.vector_store %arg10[%swap3A_2991, %swap3A_2992], %select_n3A_2975 {strides = array<i32>} : memref<4096x1xf32, #tpu.memory_space<vmem>>, vector<128x1xf32>,
    %get3A_2994 = arith.constant 3328 : index
    %get3A_2995 = arith.constant 0 : index
    %get3A_2996 = vector.load %arg1[%get3A_2994, %get3A_2995] : memref<4096x256xbf16, #tpu.memory_space<vmem>>, vector<128x256xbf16>
    %get3A_2997 = arith.constant 3328 : index
    %get3A_2998 = arith.constant 0 : index
    %get3A_2999 = vector.load %arg2[%get3A_2997, %get3A_2998] : memref<4096x1xf32, #tpu.memory_space<vmem>>, vector<128x1xf32>
    %dot_general3A_3000 = arith.constant dense<0.000000e+00> : vector<128x2048xf32>
    %dot_general3A_3001 = tpu.matmul %get3A_2996, %get3A_3, %dot_general3A_3000 {dimension_numbers = #tpu.dot_dimension_numbers<[1], [1], [0], [0], [0, 0, 1, 0], [], []>, transpose_lhs_hint = false} : vector<128x256xbf16>, vector<2048x256xbf16>, vector<128x2048xf32> -> vector<128x2048xf32>
    %add3A_3002 = vector.broadcast %get3A_2999 : vector<128x1xf32> to vector<128x2048xf32>
    %add3A_3003 = vector.broadcast %get3A_6 : vector<1x2048xf32> to vector<128x2048xf32>
    %add3A_3004 = arith.addf %add3A_3002, %add3A_3003 : vector<128x2048xf32>
    %add3A_3005 = arith.addf %add3A_3004, %dot_general3A_3001 : vector<128x2048xf32>
    %reduce_min3A_3006 = arith.constant dense<0x7F800000> : vector<128xf32>
    %reduce_min3A_3007 = vector.multi_reduction <minimumf>, %add3A_3005, %reduce_min3A_3006 [1] : vector<128x2048xf32> to vector<128xf32>
    %broadcast_in_dim3A_3008 = vector.shape_cast %reduce_min3A_3007 : vector<128xf32> to vector<128x1xf32>
    %eq3A_3009 = vector.broadcast %broadcast_in_dim3A_3008 : vector<128x1xf32> to vector<128x2048xf32>
    %eq3A_3010 = arith.cmpf oeq, %add3A_3005, %eq3A_3009 : vector<128x2048xf32>
    %jit3A_3011 = arith.constant 1.07374182E+9 : f32
    %broadcast_in_dim3A_3012 = vector.broadcast %jit3A_3011 : f32 to vector<128x2048xf32>
    %select_n3A_3013 = arith.select %eq3A_3010, %add3A_10, %broadcast_in_dim3A_3012 : vector<128x2048xi1>, vector<128x2048xf32>
    %reduce_min3A_3014 = arith.constant dense<0x7F800000> : vector<128xf32>
    %reduce_min3A_3015 = vector.multi_reduction <minimumf>, %select_n3A_3013, %reduce_min3A_3014 [1] : vector<128x2048xf32> to vector<128xf32>
    %broadcast_in_dim3A_3016 = vector.shape_cast %reduce_min3A_3015 : vector<128xf32> to vector<128x1xf32>
    %eq3A_3017 = vector.broadcast %broadcast_in_dim3A_3016 : vector<128x1xf32> to vector<128x2048xf32>
    %eq3A_3018 = arith.cmpf oeq, %add3A_10, %eq3A_3017 : vector<128x2048xf32>
    %jit3A_3019 = arith.constant 1.000000e+30 : f32
    %broadcast_in_dim3A_3020 = vector.broadcast %jit3A_3019 : f32 to vector<128x2048xf32>
    %select_n3A_3021 = arith.select %eq3A_3018, %broadcast_in_dim3A_3020, %add3A_3005 : vector<128x2048xi1>, vector<128x2048xf32>
    %reduce_min3A_3022 = arith.constant dense<0x7F800000> : vector<128xf32>
    %reduce_min3A_3023 = vector.multi_reduction <minimumf>, %select_n3A_3021, %reduce_min3A_3022 [1] : vector<128x2048xf32> to vector<128xf32>
    %broadcast_in_dim3A_3024 = vector.shape_cast %reduce_min3A_3023 : vector<128xf32> to vector<128x1xf32>
    %eq3A_3025 = vector.broadcast %broadcast_in_dim3A_3024 : vector<128x1xf32> to vector<128x2048xf32>
    %eq3A_3026 = arith.cmpf oeq, %select_n3A_3021, %eq3A_3025 : vector<128x2048xf32>
    %jit3A_3027 = arith.constant 1.07374182E+9 : f32
    %broadcast_in_dim3A_3028 = vector.broadcast %jit3A_3027 : f32 to vector<128x2048xf32>
    %select_n3A_3029 = arith.select %eq3A_3026, %add3A_10, %broadcast_in_dim3A_3028 : vector<128x2048xi1>, vector<128x2048xf32>
    %reduce_min3A_3030 = arith.constant dense<0x7F800000> : vector<128xf32>
    %reduce_min3A_3031 = vector.multi_reduction <minimumf>, %select_n3A_3029, %reduce_min3A_3030 [1] : vector<128x2048xf32> to vector<128xf32>
    %broadcast_in_dim3A_3032 = vector.shape_cast %reduce_min3A_3031 : vector<128xf32> to vector<128x1xf32>
    %eq3A_3033 = vector.broadcast %broadcast_in_dim3A_3032 : vector<128x1xf32> to vector<128x2048xf32>
    %eq3A_3034 = arith.cmpf oeq, %add3A_10, %eq3A_3033 : vector<128x2048xf32>
    %jit3A_3035 = arith.constant 1.000000e+30 : f32
    %broadcast_in_dim3A_3036 = vector.broadcast %jit3A_3035 : f32 to vector<128x2048xf32>
    %select_n3A_3037 = arith.select %eq3A_3034, %broadcast_in_dim3A_3036, %select_n3A_3021 : vector<128x2048xi1>, vector<128x2048xf32>
    %reduce_min3A_3038 = arith.constant dense<0x7F800000> : vector<128xf32>
    %reduce_min3A_3039 = vector.multi_reduction <minimumf>, %select_n3A_3037, %reduce_min3A_3038 [1] : vector<128x2048xf32> to vector<128xf32>
    %broadcast_in_dim3A_3040 = vector.shape_cast %reduce_min3A_3039 : vector<128xf32> to vector<128x1xf32>
    %eq3A_3041 = vector.broadcast %broadcast_in_dim3A_3040 : vector<128x1xf32> to vector<128x2048xf32>
    %eq3A_3042 = arith.cmpf oeq, %select_n3A_3037, %eq3A_3041 : vector<128x2048xf32>
    %jit3A_3043 = arith.constant 1.07374182E+9 : f32
    %broadcast_in_dim3A_3044 = vector.broadcast %jit3A_3043 : f32 to vector<128x2048xf32>
    %select_n3A_3045 = arith.select %eq3A_3042, %add3A_10, %broadcast_in_dim3A_3044 : vector<128x2048xi1>, vector<128x2048xf32>
    %reduce_min3A_3046 = arith.constant dense<0x7F800000> : vector<128xf32>
    %reduce_min3A_3047 = vector.multi_reduction <minimumf>, %select_n3A_3045, %reduce_min3A_3046 [1] : vector<128x2048xf32> to vector<128xf32>
    %broadcast_in_dim3A_3048 = vector.shape_cast %reduce_min3A_3047 : vector<128xf32> to vector<128x1xf32>
    %get3A_3049 = arith.constant 3328 : index
    %get3A_3050 = arith.constant 0 : index
    %get3A_3051 = vector.load %arg5[%get3A_3049, %get3A_3050] : memref<4096x1xf32, #tpu.memory_space<vmem>>, vector<128x1xf32>
    %get3A_3052 = arith.constant 3328 : index
    %get3A_3053 = arith.constant 0 : index
    %get3A_3054 = vector.load %arg8[%get3A_3052, %get3A_3053] : memref<4096x1xf32, #tpu.memory_space<vmem>>, vector<128x1xf32>
    %get3A_3055 = arith.constant 3328 : index
    %get3A_3056 = arith.constant 0 : index
    %get3A_3057 = vector.load %arg6[%get3A_3055, %get3A_3056] : memref<4096x1xf32, #tpu.memory_space<vmem>>, vector<128x1xf32>
    %get3A_3058 = arith.constant 3328 : index
    %get3A_3059 = arith.constant 0 : index
    %get3A_3060 = vector.load %arg9[%get3A_3058, %get3A_3059] : memref<4096x1xf32, #tpu.memory_space<vmem>>, vector<128x1xf32>
    %get3A_3061 = arith.constant 3328 : index
    %get3A_3062 = arith.constant 0 : index
    %get3A_3063 = vector.load %arg7[%get3A_3061, %get3A_3062] : memref<4096x1xf32, #tpu.memory_space<vmem>>, vector<128x1xf32>
    %get3A_3064 = arith.constant 3328 : index
    %get3A_3065 = arith.constant 0 : index
    %get3A_3066 = vector.load %arg10[%get3A_3064, %get3A_3065] : memref<4096x1xf32, #tpu.memory_space<vmem>>, vector<128x1xf32>
    %le3A_3067 = arith.cmpf ole, %get3A_3063, %broadcast_in_dim3A_3008 : vector<128x1xf32>
    %select_n3A_3068 = arith.select %le3A_3067, %get3A_3063, %broadcast_in_dim3A_3008 : vector<128x1xi1>, vector<128x1xf32>
    %select_n3A_3069 = arith.select %le3A_3067, %get3A_3066, %broadcast_in_dim3A_3016 : vector<128x1xi1>, vector<128x1xf32>
    %le3A_3070 = arith.cmpf ole, %get3A_3057, %select_n3A_3068 : vector<128x1xf32>
    %select_n3A_3071 = arith.select %le3A_3070, %get3A_3057, %select_n3A_3068 : vector<128x1xi1>, vector<128x1xf32>
    %select_n3A_3072 = arith.select %le3A_3070, %get3A_3060, %select_n3A_3069 : vector<128x1xi1>, vector<128x1xf32>
    %select_n3A_3073 = arith.select %le3A_3070, %select_n3A_3068, %get3A_3057 : vector<128x1xi1>, vector<128x1xf32>
    %select_n3A_3074 = arith.select %le3A_3070, %select_n3A_3069, %get3A_3060 : vector<128x1xi1>, vector<128x1xf32>
    %le3A_3075 = arith.cmpf ole, %get3A_3051, %select_n3A_3071 : vector<128x1xf32>
    %select_n3A_3076 = arith.select %le3A_3075, %get3A_3051, %select_n3A_3071 : vector<128x1xi1>, vector<128x1xf32>
    %select_n3A_3077 = arith.select %le3A_3075, %get3A_3054, %select_n3A_3072 : vector<128x1xi1>, vector<128x1xf32>
    %select_n3A_3078 = arith.select %le3A_3075, %select_n3A_3071, %get3A_3051 : vector<128x1xi1>, vector<128x1xf32>
    %select_n3A_3079 = arith.select %le3A_3075, %select_n3A_3072, %get3A_3054 : vector<128x1xi1>, vector<128x1xf32>
    %le3A_3080 = arith.cmpf ole, %select_n3A_3073, %broadcast_in_dim3A_3024 : vector<128x1xf32>
    %select_n3A_3081 = arith.select %le3A_3080, %select_n3A_3073, %broadcast_in_dim3A_3024 : vector<128x1xi1>, vector<128x1xf32>
    %select_n3A_3082 = arith.select %le3A_3080, %select_n3A_3074, %broadcast_in_dim3A_3032 : vector<128x1xi1>, vector<128x1xf32>
    %le3A_3083 = arith.cmpf ole, %select_n3A_3078, %select_n3A_3081 : vector<128x1xf32>
    %select_n3A_3084 = arith.select %le3A_3083, %select_n3A_3078, %select_n3A_3081 : vector<128x1xi1>, vector<128x1xf32>
    %select_n3A_3085 = arith.select %le3A_3083, %select_n3A_3079, %select_n3A_3082 : vector<128x1xi1>, vector<128x1xf32>
    %select_n3A_3086 = arith.select %le3A_3083, %select_n3A_3081, %select_n3A_3078 : vector<128x1xi1>, vector<128x1xf32>
    %select_n3A_3087 = arith.select %le3A_3083, %select_n3A_3082, %select_n3A_3079 : vector<128x1xi1>, vector<128x1xf32>
    %le3A_3088 = arith.cmpf ole, %select_n3A_3086, %broadcast_in_dim3A_3040 : vector<128x1xf32>
    %select_n3A_3089 = arith.select %le3A_3088, %select_n3A_3086, %broadcast_in_dim3A_3040 : vector<128x1xi1>, vector<128x1xf32>
    %select_n3A_3090 = arith.select %le3A_3088, %select_n3A_3087, %broadcast_in_dim3A_3048 : vector<128x1xi1>, vector<128x1xf32>
    %swap3A_3091 = arith.constant 3328 : index
    %swap3A_3092 = arith.constant 0 : index
    %swap3A_3093 = vector.load %arg5[%swap3A_3091, %swap3A_3092] : memref<4096x1xf32, #tpu.memory_space<vmem>>, vector<128x1xf32>
    tpu.vector_store %arg5[%swap3A_3091, %swap3A_3092], %select_n3A_3076 {strides = array<i32>} : memref<4096x1xf32, #tpu.memory_space<vmem>>, vector<128x1xf32>,
    %swap3A_3094 = arith.constant 3328 : index
    %swap3A_3095 = arith.constant 0 : index
    %swap3A_3096 = vector.load %arg8[%swap3A_3094, %swap3A_3095] : memref<4096x1xf32, #tpu.memory_space<vmem>>, vector<128x1xf32>
    tpu.vector_store %arg8[%swap3A_3094, %swap3A_3095], %select_n3A_3077 {strides = array<i32>} : memref<4096x1xf32, #tpu.memory_space<vmem>>, vector<128x1xf32>,
    %swap3A_3097 = arith.constant 3328 : index
    %swap3A_3098 = arith.constant 0 : index
    %swap3A_3099 = vector.load %arg6[%swap3A_3097, %swap3A_3098] : memref<4096x1xf32, #tpu.memory_space<vmem>>, vector<128x1xf32>
    tpu.vector_store %arg6[%swap3A_3097, %swap3A_3098], %select_n3A_3084 {strides = array<i32>} : memref<4096x1xf32, #tpu.memory_space<vmem>>, vector<128x1xf32>,
    %swap3A_3100 = arith.constant 3328 : index
    %swap3A_3101 = arith.constant 0 : index
    %swap3A_3102 = vector.load %arg9[%swap3A_3100, %swap3A_3101] : memref<4096x1xf32, #tpu.memory_space<vmem>>, vector<128x1xf32>
    tpu.vector_store %arg9[%swap3A_3100, %swap3A_3101], %select_n3A_3085 {strides = array<i32>} : memref<4096x1xf32, #tpu.memory_space<vmem>>, vector<128x1xf32>,
    %swap3A_3103 = arith.constant 3328 : index
    %swap3A_3104 = arith.constant 0 : index
    %swap3A_3105 = vector.load %arg7[%swap3A_3103, %swap3A_3104] : memref<4096x1xf32, #tpu.memory_space<vmem>>, vector<128x1xf32>
    tpu.vector_store %arg7[%swap3A_3103, %swap3A_3104], %select_n3A_3089 {strides = array<i32>} : memref<4096x1xf32, #tpu.memory_space<vmem>>, vector<128x1xf32>,
    %swap3A_3106 = arith.constant 3328 : index
    %swap3A_3107 = arith.constant 0 : index
    %swap3A_3108 = vector.load %arg10[%swap3A_3106, %swap3A_3107] : memref<4096x1xf32, #tpu.memory_space<vmem>>, vector<128x1xf32>
    tpu.vector_store %arg10[%swap3A_3106, %swap3A_3107], %select_n3A_3090 {strides = array<i32>} : memref<4096x1xf32, #tpu.memory_space<vmem>>, vector<128x1xf32>,
    %get3A_3109 = arith.constant 3456 : index
    %get3A_3110 = arith.constant 0 : index
    %get3A_3111 = vector.load %arg1[%get3A_3109, %get3A_3110] : memref<4096x256xbf16, #tpu.memory_space<vmem>>, vector<128x256xbf16>
    %get3A_3112 = arith.constant 3456 : index
    %get3A_3113 = arith.constant 0 : index
    %get3A_3114 = vector.load %arg2[%get3A_3112, %get3A_3113] : memref<4096x1xf32, #tpu.memory_space<vmem>>, vector<128x1xf32>
    %dot_general3A_3115 = arith.constant dense<0.000000e+00> : vector<128x2048xf32>
    %dot_general3A_3116 = tpu.matmul %get3A_3111, %get3A_3, %dot_general3A_3115 {dimension_numbers = #tpu.dot_dimension_numbers<[1], [1], [0], [0], [0, 0, 1, 0], [], []>, transpose_lhs_hint = false} : vector<128x256xbf16>, vector<2048x256xbf16>, vector<128x2048xf32> -> vector<128x2048xf32>
    %add3A_3117 = vector.broadcast %get3A_3114 : vector<128x1xf32> to vector<128x2048xf32>
    %add3A_3118 = vector.broadcast %get3A_6 : vector<1x2048xf32> to vector<128x2048xf32>
    %add3A_3119 = arith.addf %add3A_3117, %add3A_3118 : vector<128x2048xf32>
    %add3A_3120 = arith.addf %add3A_3119, %dot_general3A_3116 : vector<128x2048xf32>
    %reduce_min3A_3121 = arith.constant dense<0x7F800000> : vector<128xf32>
    %reduce_min3A_3122 = vector.multi_reduction <minimumf>, %add3A_3120, %reduce_min3A_3121 [1] : vector<128x2048xf32> to vector<128xf32>
    %broadcast_in_dim3A_3123 = vector.shape_cast %reduce_min3A_3122 : vector<128xf32> to vector<128x1xf32>
    %eq3A_3124 = vector.broadcast %broadcast_in_dim3A_3123 : vector<128x1xf32> to vector<128x2048xf32>
    %eq3A_3125 = arith.cmpf oeq, %add3A_3120, %eq3A_3124 : vector<128x2048xf32>
    %jit3A_3126 = arith.constant 1.07374182E+9 : f32
    %broadcast_in_dim3A_3127 = vector.broadcast %jit3A_3126 : f32 to vector<128x2048xf32>
    %select_n3A_3128 = arith.select %eq3A_3125, %add3A_10, %broadcast_in_dim3A_3127 : vector<128x2048xi1>, vector<128x2048xf32>
    %reduce_min3A_3129 = arith.constant dense<0x7F800000> : vector<128xf32>
    %reduce_min3A_3130 = vector.multi_reduction <minimumf>, %select_n3A_3128, %reduce_min3A_3129 [1] : vector<128x2048xf32> to vector<128xf32>
    %broadcast_in_dim3A_3131 = vector.shape_cast %reduce_min3A_3130 : vector<128xf32> to vector<128x1xf32>
    %eq3A_3132 = vector.broadcast %broadcast_in_dim3A_3131 : vector<128x1xf32> to vector<128x2048xf32>
    %eq3A_3133 = arith.cmpf oeq, %add3A_10, %eq3A_3132 : vector<128x2048xf32>
    %jit3A_3134 = arith.constant 1.000000e+30 : f32
    %broadcast_in_dim3A_3135 = vector.broadcast %jit3A_3134 : f32 to vector<128x2048xf32>
    %select_n3A_3136 = arith.select %eq3A_3133, %broadcast_in_dim3A_3135, %add3A_3120 : vector<128x2048xi1>, vector<128x2048xf32>
    %reduce_min3A_3137 = arith.constant dense<0x7F800000> : vector<128xf32>
    %reduce_min3A_3138 = vector.multi_reduction <minimumf>, %select_n3A_3136, %reduce_min3A_3137 [1] : vector<128x2048xf32> to vector<128xf32>
    %broadcast_in_dim3A_3139 = vector.shape_cast %reduce_min3A_3138 : vector<128xf32> to vector<128x1xf32>
    %eq3A_3140 = vector.broadcast %broadcast_in_dim3A_3139 : vector<128x1xf32> to vector<128x2048xf32>
    %eq3A_3141 = arith.cmpf oeq, %select_n3A_3136, %eq3A_3140 : vector<128x2048xf32>
    %jit3A_3142 = arith.constant 1.07374182E+9 : f32
    %broadcast_in_dim3A_3143 = vector.broadcast %jit3A_3142 : f32 to vector<128x2048xf32>
    %select_n3A_3144 = arith.select %eq3A_3141, %add3A_10, %broadcast_in_dim3A_3143 : vector<128x2048xi1>, vector<128x2048xf32>
    %reduce_min3A_3145 = arith.constant dense<0x7F800000> : vector<128xf32>
    %reduce_min3A_3146 = vector.multi_reduction <minimumf>, %select_n3A_3144, %reduce_min3A_3145 [1] : vector<128x2048xf32> to vector<128xf32>
    %broadcast_in_dim3A_3147 = vector.shape_cast %reduce_min3A_3146 : vector<128xf32> to vector<128x1xf32>
    %eq3A_3148 = vector.broadcast %broadcast_in_dim3A_3147 : vector<128x1xf32> to vector<128x2048xf32>
    %eq3A_3149 = arith.cmpf oeq, %add3A_10, %eq3A_3148 : vector<128x2048xf32>
    %jit3A_3150 = arith.constant 1.000000e+30 : f32
    %broadcast_in_dim3A_3151 = vector.broadcast %jit3A_3150 : f32 to vector<128x2048xf32>
    %select_n3A_3152 = arith.select %eq3A_3149, %broadcast_in_dim3A_3151, %select_n3A_3136 : vector<128x2048xi1>, vector<128x2048xf32>
    %reduce_min3A_3153 = arith.constant dense<0x7F800000> : vector<128xf32>
    %reduce_min3A_3154 = vector.multi_reduction <minimumf>, %select_n3A_3152, %reduce_min3A_3153 [1] : vector<128x2048xf32> to vector<128xf32>
    %broadcast_in_dim3A_3155 = vector.shape_cast %reduce_min3A_3154 : vector<128xf32> to vector<128x1xf32>
    %eq3A_3156 = vector.broadcast %broadcast_in_dim3A_3155 : vector<128x1xf32> to vector<128x2048xf32>
    %eq3A_3157 = arith.cmpf oeq, %select_n3A_3152, %eq3A_3156 : vector<128x2048xf32>
    %jit3A_3158 = arith.constant 1.07374182E+9 : f32
    %broadcast_in_dim3A_3159 = vector.broadcast %jit3A_3158 : f32 to vector<128x2048xf32>
    %select_n3A_3160 = arith.select %eq3A_3157, %add3A_10, %broadcast_in_dim3A_3159 : vector<128x2048xi1>, vector<128x2048xf32>
    %reduce_min3A_3161 = arith.constant dense<0x7F800000> : vector<128xf32>
    %reduce_min3A_3162 = vector.multi_reduction <minimumf>, %select_n3A_3160, %reduce_min3A_3161 [1] : vector<128x2048xf32> to vector<128xf32>
    %broadcast_in_dim3A_3163 = vector.shape_cast %reduce_min3A_3162 : vector<128xf32> to vector<128x1xf32>
    %get3A_3164 = arith.constant 3456 : index
    %get3A_3165 = arith.constant 0 : index
    %get3A_3166 = vector.load %arg5[%get3A_3164, %get3A_3165] : memref<4096x1xf32, #tpu.memory_space<vmem>>, vector<128x1xf32>
    %get3A_3167 = arith.constant 3456 : index
    %get3A_3168 = arith.constant 0 : index
    %get3A_3169 = vector.load %arg8[%get3A_3167, %get3A_3168] : memref<4096x1xf32, #tpu.memory_space<vmem>>, vector<128x1xf32>
    %get3A_3170 = arith.constant 3456 : index
    %get3A_3171 = arith.constant 0 : index
    %get3A_3172 = vector.load %arg6[%get3A_3170, %get3A_3171] : memref<4096x1xf32, #tpu.memory_space<vmem>>, vector<128x1xf32>
    %get3A_3173 = arith.constant 3456 : index
    %get3A_3174 = arith.constant 0 : index
    %get3A_3175 = vector.load %arg9[%get3A_3173, %get3A_3174] : memref<4096x1xf32, #tpu.memory_space<vmem>>, vector<128x1xf32>
    %get3A_3176 = arith.constant 3456 : index
    %get3A_3177 = arith.constant 0 : index
    %get3A_3178 = vector.load %arg7[%get3A_3176, %get3A_3177] : memref<4096x1xf32, #tpu.memory_space<vmem>>, vector<128x1xf32>
    %get3A_3179 = arith.constant 3456 : index
    %get3A_3180 = arith.constant 0 : index
    %get3A_3181 = vector.load %arg10[%get3A_3179, %get3A_3180] : memref<4096x1xf32, #tpu.memory_space<vmem>>, vector<128x1xf32>
    %le3A_3182 = arith.cmpf ole, %get3A_3178, %broadcast_in_dim3A_3123 : vector<128x1xf32>
    %select_n3A_3183 = arith.select %le3A_3182, %get3A_3178, %broadcast_in_dim3A_3123 : vector<128x1xi1>, vector<128x1xf32>
    %select_n3A_3184 = arith.select %le3A_3182, %get3A_3181, %broadcast_in_dim3A_3131 : vector<128x1xi1>, vector<128x1xf32>
    %le3A_3185 = arith.cmpf ole, %get3A_3172, %select_n3A_3183 : vector<128x1xf32>
    %select_n3A_3186 = arith.select %le3A_3185, %get3A_3172, %select_n3A_3183 : vector<128x1xi1>, vector<128x1xf32>
    %select_n3A_3187 = arith.select %le3A_3185, %get3A_3175, %select_n3A_3184 : vector<128x1xi1>, vector<128x1xf32>
    %select_n3A_3188 = arith.select %le3A_3185, %select_n3A_3183, %get3A_3172 : vector<128x1xi1>, vector<128x1xf32>
    %select_n3A_3189 = arith.select %le3A_3185, %select_n3A_3184, %get3A_3175 : vector<128x1xi1>, vector<128x1xf32>
    %le3A_3190 = arith.cmpf ole, %get3A_3166, %select_n3A_3186 : vector<128x1xf32>
    %select_n3A_3191 = arith.select %le3A_3190, %get3A_3166, %select_n3A_3186 : vector<128x1xi1>, vector<128x1xf32>
    %select_n3A_3192 = arith.select %le3A_3190, %get3A_3169, %select_n3A_3187 : vector<128x1xi1>, vector<128x1xf32>
    %select_n3A_3193 = arith.select %le3A_3190, %select_n3A_3186, %get3A_3166 : vector<128x1xi1>, vector<128x1xf32>
    %select_n3A_3194 = arith.select %le3A_3190, %select_n3A_3187, %get3A_3169 : vector<128x1xi1>, vector<128x1xf32>
    %le3A_3195 = arith.cmpf ole, %select_n3A_3188, %broadcast_in_dim3A_3139 : vector<128x1xf32>
    %select_n3A_3196 = arith.select %le3A_3195, %select_n3A_3188, %broadcast_in_dim3A_3139 : vector<128x1xi1>, vector<128x1xf32>
    %select_n3A_3197 = arith.select %le3A_3195, %select_n3A_3189, %broadcast_in_dim3A_3147 : vector<128x1xi1>, vector<128x1xf32>
    %le3A_3198 = arith.cmpf ole, %select_n3A_3193, %select_n3A_3196 : vector<128x1xf32>
    %select_n3A_3199 = arith.select %le3A_3198, %select_n3A_3193, %select_n3A_3196 : vector<128x1xi1>, vector<128x1xf32>
    %select_n3A_3200 = arith.select %le3A_3198, %select_n3A_3194, %select_n3A_3197 : vector<128x1xi1>, vector<128x1xf32>
    %select_n3A_3201 = arith.select %le3A_3198, %select_n3A_3196, %select_n3A_3193 : vector<128x1xi1>, vector<128x1xf32>
    %select_n3A_3202 = arith.select %le3A_3198, %select_n3A_3197, %select_n3A_3194 : vector<128x1xi1>, vector<128x1xf32>
    %le3A_3203 = arith.cmpf ole, %select_n3A_3201, %broadcast_in_dim3A_3155 : vector<128x1xf32>
    %select_n3A_3204 = arith.select %le3A_3203, %select_n3A_3201, %broadcast_in_dim3A_3155 : vector<128x1xi1>, vector<128x1xf32>
    %select_n3A_3205 = arith.select %le3A_3203, %select_n3A_3202, %broadcast_in_dim3A_3163 : vector<128x1xi1>, vector<128x1xf32>
    %swap3A_3206 = arith.constant 3456 : index
    %swap3A_3207 = arith.constant 0 : index
    %swap3A_3208 = vector.load %arg5[%swap3A_3206, %swap3A_3207] : memref<4096x1xf32, #tpu.memory_space<vmem>>, vector<128x1xf32>
    tpu.vector_store %arg5[%swap3A_3206, %swap3A_3207], %select_n3A_3191 {strides = array<i32>} : memref<4096x1xf32, #tpu.memory_space<vmem>>, vector<128x1xf32>,
    %swap3A_3209 = arith.constant 3456 : index
    %swap3A_3210 = arith.constant 0 : index
    %swap3A_3211 = vector.load %arg8[%swap3A_3209, %swap3A_3210] : memref<4096x1xf32, #tpu.memory_space<vmem>>, vector<128x1xf32>
    tpu.vector_store %arg8[%swap3A_3209, %swap3A_3210], %select_n3A_3192 {strides = array<i32>} : memref<4096x1xf32, #tpu.memory_space<vmem>>, vector<128x1xf32>,
    %swap3A_3212 = arith.constant 3456 : index
    %swap3A_3213 = arith.constant 0 : index
    %swap3A_3214 = vector.load %arg6[%swap3A_3212, %swap3A_3213] : memref<4096x1xf32, #tpu.memory_space<vmem>>, vector<128x1xf32>
    tpu.vector_store %arg6[%swap3A_3212, %swap3A_3213], %select_n3A_3199 {strides = array<i32>} : memref<4096x1xf32, #tpu.memory_space<vmem>>, vector<128x1xf32>,
    %swap3A_3215 = arith.constant 3456 : index
    %swap3A_3216 = arith.constant 0 : index
    %swap3A_3217 = vector.load %arg9[%swap3A_3215, %swap3A_3216] : memref<4096x1xf32, #tpu.memory_space<vmem>>, vector<128x1xf32>
    tpu.vector_store %arg9[%swap3A_3215, %swap3A_3216], %select_n3A_3200 {strides = array<i32>} : memref<4096x1xf32, #tpu.memory_space<vmem>>, vector<128x1xf32>,
    %swap3A_3218 = arith.constant 3456 : index
    %swap3A_3219 = arith.constant 0 : index
    %swap3A_3220 = vector.load %arg7[%swap3A_3218, %swap3A_3219] : memref<4096x1xf32, #tpu.memory_space<vmem>>, vector<128x1xf32>
    tpu.vector_store %arg7[%swap3A_3218, %swap3A_3219], %select_n3A_3204 {strides = array<i32>} : memref<4096x1xf32, #tpu.memory_space<vmem>>, vector<128x1xf32>,
    %swap3A_3221 = arith.constant 3456 : index
    %swap3A_3222 = arith.constant 0 : index
    %swap3A_3223 = vector.load %arg10[%swap3A_3221, %swap3A_3222] : memref<4096x1xf32, #tpu.memory_space<vmem>>, vector<128x1xf32>
    tpu.vector_store %arg10[%swap3A_3221, %swap3A_3222], %select_n3A_3205 {strides = array<i32>} : memref<4096x1xf32, #tpu.memory_space<vmem>>, vector<128x1xf32>,
    %get3A_3224 = arith.constant 3584 : index
    %get3A_3225 = arith.constant 0 : index
    %get3A_3226 = vector.load %arg1[%get3A_3224, %get3A_3225] : memref<4096x256xbf16, #tpu.memory_space<vmem>>, vector<128x256xbf16>
    %get3A_3227 = arith.constant 3584 : index
    %get3A_3228 = arith.constant 0 : index
    %get3A_3229 = vector.load %arg2[%get3A_3227, %get3A_3228] : memref<4096x1xf32, #tpu.memory_space<vmem>>, vector<128x1xf32>
    %dot_general3A_3230 = arith.constant dense<0.000000e+00> : vector<128x2048xf32>
    %dot_general3A_3231 = tpu.matmul %get3A_3226, %get3A_3, %dot_general3A_3230 {dimension_numbers = #tpu.dot_dimension_numbers<[1], [1], [0], [0], [0, 0, 1, 0], [], []>, transpose_lhs_hint = false} : vector<128x256xbf16>, vector<2048x256xbf16>, vector<128x2048xf32> -> vector<128x2048xf32>
    %add3A_3232 = vector.broadcast %get3A_3229 : vector<128x1xf32> to vector<128x2048xf32>
    %add3A_3233 = vector.broadcast %get3A_6 : vector<1x2048xf32> to vector<128x2048xf32>
    %add3A_3234 = arith.addf %add3A_3232, %add3A_3233 : vector<128x2048xf32>
    %add3A_3235 = arith.addf %add3A_3234, %dot_general3A_3231 : vector<128x2048xf32>
    %reduce_min3A_3236 = arith.constant dense<0x7F800000> : vector<128xf32>
    %reduce_min3A_3237 = vector.multi_reduction <minimumf>, %add3A_3235, %reduce_min3A_3236 [1] : vector<128x2048xf32> to vector<128xf32>
    %broadcast_in_dim3A_3238 = vector.shape_cast %reduce_min3A_3237 : vector<128xf32> to vector<128x1xf32>
    %eq3A_3239 = vector.broadcast %broadcast_in_dim3A_3238 : vector<128x1xf32> to vector<128x2048xf32>
    %eq3A_3240 = arith.cmpf oeq, %add3A_3235, %eq3A_3239 : vector<128x2048xf32>
    %jit3A_3241 = arith.constant 1.07374182E+9 : f32
    %broadcast_in_dim3A_3242 = vector.broadcast %jit3A_3241 : f32 to vector<128x2048xf32>
    %select_n3A_3243 = arith.select %eq3A_3240, %add3A_10, %broadcast_in_dim3A_3242 : vector<128x2048xi1>, vector<128x2048xf32>
    %reduce_min3A_3244 = arith.constant dense<0x7F800000> : vector<128xf32>
    %reduce_min3A_3245 = vector.multi_reduction <minimumf>, %select_n3A_3243, %reduce_min3A_3244 [1] : vector<128x2048xf32> to vector<128xf32>
    %broadcast_in_dim3A_3246 = vector.shape_cast %reduce_min3A_3245 : vector<128xf32> to vector<128x1xf32>
    %eq3A_3247 = vector.broadcast %broadcast_in_dim3A_3246 : vector<128x1xf32> to vector<128x2048xf32>
    %eq3A_3248 = arith.cmpf oeq, %add3A_10, %eq3A_3247 : vector<128x2048xf32>
    %jit3A_3249 = arith.constant 1.000000e+30 : f32
    %broadcast_in_dim3A_3250 = vector.broadcast %jit3A_3249 : f32 to vector<128x2048xf32>
    %select_n3A_3251 = arith.select %eq3A_3248, %broadcast_in_dim3A_3250, %add3A_3235 : vector<128x2048xi1>, vector<128x2048xf32>
    %reduce_min3A_3252 = arith.constant dense<0x7F800000> : vector<128xf32>
    %reduce_min3A_3253 = vector.multi_reduction <minimumf>, %select_n3A_3251, %reduce_min3A_3252 [1] : vector<128x2048xf32> to vector<128xf32>
    %broadcast_in_dim3A_3254 = vector.shape_cast %reduce_min3A_3253 : vector<128xf32> to vector<128x1xf32>
    %eq3A_3255 = vector.broadcast %broadcast_in_dim3A_3254 : vector<128x1xf32> to vector<128x2048xf32>
    %eq3A_3256 = arith.cmpf oeq, %select_n3A_3251, %eq3A_3255 : vector<128x2048xf32>
    %jit3A_3257 = arith.constant 1.07374182E+9 : f32
    %broadcast_in_dim3A_3258 = vector.broadcast %jit3A_3257 : f32 to vector<128x2048xf32>
    %select_n3A_3259 = arith.select %eq3A_3256, %add3A_10, %broadcast_in_dim3A_3258 : vector<128x2048xi1>, vector<128x2048xf32>
    %reduce_min3A_3260 = arith.constant dense<0x7F800000> : vector<128xf32>
    %reduce_min3A_3261 = vector.multi_reduction <minimumf>, %select_n3A_3259, %reduce_min3A_3260 [1] : vector<128x2048xf32> to vector<128xf32>
    %broadcast_in_dim3A_3262 = vector.shape_cast %reduce_min3A_3261 : vector<128xf32> to vector<128x1xf32>
    %eq3A_3263 = vector.broadcast %broadcast_in_dim3A_3262 : vector<128x1xf32> to vector<128x2048xf32>
    %eq3A_3264 = arith.cmpf oeq, %add3A_10, %eq3A_3263 : vector<128x2048xf32>
    %jit3A_3265 = arith.constant 1.000000e+30 : f32
    %broadcast_in_dim3A_3266 = vector.broadcast %jit3A_3265 : f32 to vector<128x2048xf32>
    %select_n3A_3267 = arith.select %eq3A_3264, %broadcast_in_dim3A_3266, %select_n3A_3251 : vector<128x2048xi1>, vector<128x2048xf32>
    %reduce_min3A_3268 = arith.constant dense<0x7F800000> : vector<128xf32>
    %reduce_min3A_3269 = vector.multi_reduction <minimumf>, %select_n3A_3267, %reduce_min3A_3268 [1] : vector<128x2048xf32> to vector<128xf32>
    %broadcast_in_dim3A_3270 = vector.shape_cast %reduce_min3A_3269 : vector<128xf32> to vector<128x1xf32>
    %eq3A_3271 = vector.broadcast %broadcast_in_dim3A_3270 : vector<128x1xf32> to vector<128x2048xf32>
    %eq3A_3272 = arith.cmpf oeq, %select_n3A_3267, %eq3A_3271 : vector<128x2048xf32>
    %jit3A_3273 = arith.constant 1.07374182E+9 : f32
    %broadcast_in_dim3A_3274 = vector.broadcast %jit3A_3273 : f32 to vector<128x2048xf32>
    %select_n3A_3275 = arith.select %eq3A_3272, %add3A_10, %broadcast_in_dim3A_3274 : vector<128x2048xi1>, vector<128x2048xf32>
    %reduce_min3A_3276 = arith.constant dense<0x7F800000> : vector<128xf32>
    %reduce_min3A_3277 = vector.multi_reduction <minimumf>, %select_n3A_3275, %reduce_min3A_3276 [1] : vector<128x2048xf32> to vector<128xf32>
    %broadcast_in_dim3A_3278 = vector.shape_cast %reduce_min3A_3277 : vector<128xf32> to vector<128x1xf32>
    %get3A_3279 = arith.constant 3584 : index
    %get3A_3280 = arith.constant 0 : index
    %get3A_3281 = vector.load %arg5[%get3A_3279, %get3A_3280] : memref<4096x1xf32, #tpu.memory_space<vmem>>, vector<128x1xf32>
    %get3A_3282 = arith.constant 3584 : index
    %get3A_3283 = arith.constant 0 : index
    %get3A_3284 = vector.load %arg8[%get3A_3282, %get3A_3283] : memref<4096x1xf32, #tpu.memory_space<vmem>>, vector<128x1xf32>
    %get3A_3285 = arith.constant 3584 : index
    %get3A_3286 = arith.constant 0 : index
    %get3A_3287 = vector.load %arg6[%get3A_3285, %get3A_3286] : memref<4096x1xf32, #tpu.memory_space<vmem>>, vector<128x1xf32>
    %get3A_3288 = arith.constant 3584 : index
    %get3A_3289 = arith.constant 0 : index
    %get3A_3290 = vector.load %arg9[%get3A_3288, %get3A_3289] : memref<4096x1xf32, #tpu.memory_space<vmem>>, vector<128x1xf32>
    %get3A_3291 = arith.constant 3584 : index
    %get3A_3292 = arith.constant 0 : index
    %get3A_3293 = vector.load %arg7[%get3A_3291, %get3A_3292] : memref<4096x1xf32, #tpu.memory_space<vmem>>, vector<128x1xf32>
    %get3A_3294 = arith.constant 3584 : index
    %get3A_3295 = arith.constant 0 : index
    %get3A_3296 = vector.load %arg10[%get3A_3294, %get3A_3295] : memref<4096x1xf32, #tpu.memory_space<vmem>>, vector<128x1xf32>
    %le3A_3297 = arith.cmpf ole, %get3A_3293, %broadcast_in_dim3A_3238 : vector<128x1xf32>
    %select_n3A_3298 = arith.select %le3A_3297, %get3A_3293, %broadcast_in_dim3A_3238 : vector<128x1xi1>, vector<128x1xf32>
    %select_n3A_3299 = arith.select %le3A_3297, %get3A_3296, %broadcast_in_dim3A_3246 : vector<128x1xi1>, vector<128x1xf32>
    %le3A_3300 = arith.cmpf ole, %get3A_3287, %select_n3A_3298 : vector<128x1xf32>
    %select_n3A_3301 = arith.select %le3A_3300, %get3A_3287, %select_n3A_3298 : vector<128x1xi1>, vector<128x1xf32>
    %select_n3A_3302 = arith.select %le3A_3300, %get3A_3290, %select_n3A_3299 : vector<128x1xi1>, vector<128x1xf32>
    %select_n3A_3303 = arith.select %le3A_3300, %select_n3A_3298, %get3A_3287 : vector<128x1xi1>, vector<128x1xf32>
    %select_n3A_3304 = arith.select %le3A_3300, %select_n3A_3299, %get3A_3290 : vector<128x1xi1>, vector<128x1xf32>
    %le3A_3305 = arith.cmpf ole, %get3A_3281, %select_n3A_3301 : vector<128x1xf32>
    %select_n3A_3306 = arith.select %le3A_3305, %get3A_3281, %select_n3A_3301 : vector<128x1xi1>, vector<128x1xf32>
    %select_n3A_3307 = arith.select %le3A_3305, %get3A_3284, %select_n3A_3302 : vector<128x1xi1>, vector<128x1xf32>
    %select_n3A_3308 = arith.select %le3A_3305, %select_n3A_3301, %get3A_3281 : vector<128x1xi1>, vector<128x1xf32>
    %select_n3A_3309 = arith.select %le3A_3305, %select_n3A_3302, %get3A_3284 : vector<128x1xi1>, vector<128x1xf32>
    %le3A_3310 = arith.cmpf ole, %select_n3A_3303, %broadcast_in_dim3A_3254 : vector<128x1xf32>
    %select_n3A_3311 = arith.select %le3A_3310, %select_n3A_3303, %broadcast_in_dim3A_3254 : vector<128x1xi1>, vector<128x1xf32>
    %select_n3A_3312 = arith.select %le3A_3310, %select_n3A_3304, %broadcast_in_dim3A_3262 : vector<128x1xi1>, vector<128x1xf32>
    %le3A_3313 = arith.cmpf ole, %select_n3A_3308, %select_n3A_3311 : vector<128x1xf32>
    %select_n3A_3314 = arith.select %le3A_3313, %select_n3A_3308, %select_n3A_3311 : vector<128x1xi1>, vector<128x1xf32>
    %select_n3A_3315 = arith.select %le3A_3313, %select_n3A_3309, %select_n3A_3312 : vector<128x1xi1>, vector<128x1xf32>
    %select_n3A_3316 = arith.select %le3A_3313, %select_n3A_3311, %select_n3A_3308 : vector<128x1xi1>, vector<128x1xf32>
    %select_n3A_3317 = arith.select %le3A_3313, %select_n3A_3312, %select_n3A_3309 : vector<128x1xi1>, vector<128x1xf32>
    %le3A_3318 = arith.cmpf ole, %select_n3A_3316, %broadcast_in_dim3A_3270 : vector<128x1xf32>
    %select_n3A_3319 = arith.select %le3A_3318, %select_n3A_3316, %broadcast_in_dim3A_3270 : vector<128x1xi1>, vector<128x1xf32>
    %select_n3A_3320 = arith.select %le3A_3318, %select_n3A_3317, %broadcast_in_dim3A_3278 : vector<128x1xi1>, vector<128x1xf32>
    %swap3A_3321 = arith.constant 3584 : index
    %swap3A_3322 = arith.constant 0 : index
    %swap3A_3323 = vector.load %arg5[%swap3A_3321, %swap3A_3322] : memref<4096x1xf32, #tpu.memory_space<vmem>>, vector<128x1xf32>
    tpu.vector_store %arg5[%swap3A_3321, %swap3A_3322], %select_n3A_3306 {strides = array<i32>} : memref<4096x1xf32, #tpu.memory_space<vmem>>, vector<128x1xf32>,
    %swap3A_3324 = arith.constant 3584 : index
    %swap3A_3325 = arith.constant 0 : index
    %swap3A_3326 = vector.load %arg8[%swap3A_3324, %swap3A_3325] : memref<4096x1xf32, #tpu.memory_space<vmem>>, vector<128x1xf32>
    tpu.vector_store %arg8[%swap3A_3324, %swap3A_3325], %select_n3A_3307 {strides = array<i32>} : memref<4096x1xf32, #tpu.memory_space<vmem>>, vector<128x1xf32>,
    %swap3A_3327 = arith.constant 3584 : index
    %swap3A_3328 = arith.constant 0 : index
    %swap3A_3329 = vector.load %arg6[%swap3A_3327, %swap3A_3328] : memref<4096x1xf32, #tpu.memory_space<vmem>>, vector<128x1xf32>
    tpu.vector_store %arg6[%swap3A_3327, %swap3A_3328], %select_n3A_3314 {strides = array<i32>} : memref<4096x1xf32, #tpu.memory_space<vmem>>, vector<128x1xf32>,
    %swap3A_3330 = arith.constant 3584 : index
    %swap3A_3331 = arith.constant 0 : index
    %swap3A_3332 = vector.load %arg9[%swap3A_3330, %swap3A_3331] : memref<4096x1xf32, #tpu.memory_space<vmem>>, vector<128x1xf32>
    tpu.vector_store %arg9[%swap3A_3330, %swap3A_3331], %select_n3A_3315 {strides = array<i32>} : memref<4096x1xf32, #tpu.memory_space<vmem>>, vector<128x1xf32>,
    %swap3A_3333 = arith.constant 3584 : index
    %swap3A_3334 = arith.constant 0 : index
    %swap3A_3335 = vector.load %arg7[%swap3A_3333, %swap3A_3334] : memref<4096x1xf32, #tpu.memory_space<vmem>>, vector<128x1xf32>
    tpu.vector_store %arg7[%swap3A_3333, %swap3A_3334], %select_n3A_3319 {strides = array<i32>} : memref<4096x1xf32, #tpu.memory_space<vmem>>, vector<128x1xf32>,
    %swap3A_3336 = arith.constant 3584 : index
    %swap3A_3337 = arith.constant 0 : index
    %swap3A_3338 = vector.load %arg10[%swap3A_3336, %swap3A_3337] : memref<4096x1xf32, #tpu.memory_space<vmem>>, vector<128x1xf32>
    tpu.vector_store %arg10[%swap3A_3336, %swap3A_3337], %select_n3A_3320 {strides = array<i32>} : memref<4096x1xf32, #tpu.memory_space<vmem>>, vector<128x1xf32>,
    %get3A_3339 = arith.constant 3712 : index
    %get3A_3340 = arith.constant 0 : index
    %get3A_3341 = vector.load %arg1[%get3A_3339, %get3A_3340] : memref<4096x256xbf16, #tpu.memory_space<vmem>>, vector<128x256xbf16>
    %get3A_3342 = arith.constant 3712 : index
    %get3A_3343 = arith.constant 0 : index
    %get3A_3344 = vector.load %arg2[%get3A_3342, %get3A_3343] : memref<4096x1xf32, #tpu.memory_space<vmem>>, vector<128x1xf32>
    %dot_general3A_3345 = arith.constant dense<0.000000e+00> : vector<128x2048xf32>
    %dot_general3A_3346 = tpu.matmul %get3A_3341, %get3A_3, %dot_general3A_3345 {dimension_numbers = #tpu.dot_dimension_numbers<[1], [1], [0], [0], [0, 0, 1, 0], [], []>, transpose_lhs_hint = false} : vector<128x256xbf16>, vector<2048x256xbf16>, vector<128x2048xf32> -> vector<128x2048xf32>
    %add3A_3347 = vector.broadcast %get3A_3344 : vector<128x1xf32> to vector<128x2048xf32>
    %add3A_3348 = vector.broadcast %get3A_6 : vector<1x2048xf32> to vector<128x2048xf32>
    %add3A_3349 = arith.addf %add3A_3347, %add3A_3348 : vector<128x2048xf32>
    %add3A_3350 = arith.addf %add3A_3349, %dot_general3A_3346 : vector<128x2048xf32>
    %reduce_min3A_3351 = arith.constant dense<0x7F800000> : vector<128xf32>
    %reduce_min3A_3352 = vector.multi_reduction <minimumf>, %add3A_3350, %reduce_min3A_3351 [1] : vector<128x2048xf32> to vector<128xf32>
    %broadcast_in_dim3A_3353 = vector.shape_cast %reduce_min3A_3352 : vector<128xf32> to vector<128x1xf32>
    %eq3A_3354 = vector.broadcast %broadcast_in_dim3A_3353 : vector<128x1xf32> to vector<128x2048xf32>
    %eq3A_3355 = arith.cmpf oeq, %add3A_3350, %eq3A_3354 : vector<128x2048xf32>
    %jit3A_3356 = arith.constant 1.07374182E+9 : f32
    %broadcast_in_dim3A_3357 = vector.broadcast %jit3A_3356 : f32 to vector<128x2048xf32>
    %select_n3A_3358 = arith.select %eq3A_3355, %add3A_10, %broadcast_in_dim3A_3357 : vector<128x2048xi1>, vector<128x2048xf32>
    %reduce_min3A_3359 = arith.constant dense<0x7F800000> : vector<128xf32>
    %reduce_min3A_3360 = vector.multi_reduction <minimumf>, %select_n3A_3358, %reduce_min3A_3359 [1] : vector<128x2048xf32> to vector<128xf32>
    %broadcast_in_dim3A_3361 = vector.shape_cast %reduce_min3A_3360 : vector<128xf32> to vector<128x1xf32>
    %eq3A_3362 = vector.broadcast %broadcast_in_dim3A_3361 : vector<128x1xf32> to vector<128x2048xf32>
    %eq3A_3363 = arith.cmpf oeq, %add3A_10, %eq3A_3362 : vector<128x2048xf32>
    %jit3A_3364 = arith.constant 1.000000e+30 : f32
    %broadcast_in_dim3A_3365 = vector.broadcast %jit3A_3364 : f32 to vector<128x2048xf32>
    %select_n3A_3366 = arith.select %eq3A_3363, %broadcast_in_dim3A_3365, %add3A_3350 : vector<128x2048xi1>, vector<128x2048xf32>
    %reduce_min3A_3367 = arith.constant dense<0x7F800000> : vector<128xf32>
    %reduce_min3A_3368 = vector.multi_reduction <minimumf>, %select_n3A_3366, %reduce_min3A_3367 [1] : vector<128x2048xf32> to vector<128xf32>
    %broadcast_in_dim3A_3369 = vector.shape_cast %reduce_min3A_3368 : vector<128xf32> to vector<128x1xf32>
    %eq3A_3370 = vector.broadcast %broadcast_in_dim3A_3369 : vector<128x1xf32> to vector<128x2048xf32>
    %eq3A_3371 = arith.cmpf oeq, %select_n3A_3366, %eq3A_3370 : vector<128x2048xf32>
    %jit3A_3372 = arith.constant 1.07374182E+9 : f32
    %broadcast_in_dim3A_3373 = vector.broadcast %jit3A_3372 : f32 to vector<128x2048xf32>
    %select_n3A_3374 = arith.select %eq3A_3371, %add3A_10, %broadcast_in_dim3A_3373 : vector<128x2048xi1>, vector<128x2048xf32>
    %reduce_min3A_3375 = arith.constant dense<0x7F800000> : vector<128xf32>
    %reduce_min3A_3376 = vector.multi_reduction <minimumf>, %select_n3A_3374, %reduce_min3A_3375 [1] : vector<128x2048xf32> to vector<128xf32>
    %broadcast_in_dim3A_3377 = vector.shape_cast %reduce_min3A_3376 : vector<128xf32> to vector<128x1xf32>
    %eq3A_3378 = vector.broadcast %broadcast_in_dim3A_3377 : vector<128x1xf32> to vector<128x2048xf32>
    %eq3A_3379 = arith.cmpf oeq, %add3A_10, %eq3A_3378 : vector<128x2048xf32>
    %jit3A_3380 = arith.constant 1.000000e+30 : f32
    %broadcast_in_dim3A_3381 = vector.broadcast %jit3A_3380 : f32 to vector<128x2048xf32>
    %select_n3A_3382 = arith.select %eq3A_3379, %broadcast_in_dim3A_3381, %select_n3A_3366 : vector<128x2048xi1>, vector<128x2048xf32>
    %reduce_min3A_3383 = arith.constant dense<0x7F800000> : vector<128xf32>
    %reduce_min3A_3384 = vector.multi_reduction <minimumf>, %select_n3A_3382, %reduce_min3A_3383 [1] : vector<128x2048xf32> to vector<128xf32>
    %broadcast_in_dim3A_3385 = vector.shape_cast %reduce_min3A_3384 : vector<128xf32> to vector<128x1xf32>
    %eq3A_3386 = vector.broadcast %broadcast_in_dim3A_3385 : vector<128x1xf32> to vector<128x2048xf32>
    %eq3A_3387 = arith.cmpf oeq, %select_n3A_3382, %eq3A_3386 : vector<128x2048xf32>
    %jit3A_3388 = arith.constant 1.07374182E+9 : f32
    %broadcast_in_dim3A_3389 = vector.broadcast %jit3A_3388 : f32 to vector<128x2048xf32>
    %select_n3A_3390 = arith.select %eq3A_3387, %add3A_10, %broadcast_in_dim3A_3389 : vector<128x2048xi1>, vector<128x2048xf32>
    %reduce_min3A_3391 = arith.constant dense<0x7F800000> : vector<128xf32>
    %reduce_min3A_3392 = vector.multi_reduction <minimumf>, %select_n3A_3390, %reduce_min3A_3391 [1] : vector<128x2048xf32> to vector<128xf32>
    %broadcast_in_dim3A_3393 = vector.shape_cast %reduce_min3A_3392 : vector<128xf32> to vector<128x1xf32>
    %get3A_3394 = arith.constant 3712 : index
    %get3A_3395 = arith.constant 0 : index
    %get3A_3396 = vector.load %arg5[%get3A_3394, %get3A_3395] : memref<4096x1xf32, #tpu.memory_space<vmem>>, vector<128x1xf32>
    %get3A_3397 = arith.constant 3712 : index
    %get3A_3398 = arith.constant 0 : index
    %get3A_3399 = vector.load %arg8[%get3A_3397, %get3A_3398] : memref<4096x1xf32, #tpu.memory_space<vmem>>, vector<128x1xf32>
    %get3A_3400 = arith.constant 3712 : index
    %get3A_3401 = arith.constant 0 : index
    %get3A_3402 = vector.load %arg6[%get3A_3400, %get3A_3401] : memref<4096x1xf32, #tpu.memory_space<vmem>>, vector<128x1xf32>
    %get3A_3403 = arith.constant 3712 : index
    %get3A_3404 = arith.constant 0 : index
    %get3A_3405 = vector.load %arg9[%get3A_3403, %get3A_3404] : memref<4096x1xf32, #tpu.memory_space<vmem>>, vector<128x1xf32>
    %get3A_3406 = arith.constant 3712 : index
    %get3A_3407 = arith.constant 0 : index
    %get3A_3408 = vector.load %arg7[%get3A_3406, %get3A_3407] : memref<4096x1xf32, #tpu.memory_space<vmem>>, vector<128x1xf32>
    %get3A_3409 = arith.constant 3712 : index
    %get3A_3410 = arith.constant 0 : index
    %get3A_3411 = vector.load %arg10[%get3A_3409, %get3A_3410] : memref<4096x1xf32, #tpu.memory_space<vmem>>, vector<128x1xf32>
    %le3A_3412 = arith.cmpf ole, %get3A_3408, %broadcast_in_dim3A_3353 : vector<128x1xf32>
    %select_n3A_3413 = arith.select %le3A_3412, %get3A_3408, %broadcast_in_dim3A_3353 : vector<128x1xi1>, vector<128x1xf32>
    %select_n3A_3414 = arith.select %le3A_3412, %get3A_3411, %broadcast_in_dim3A_3361 : vector<128x1xi1>, vector<128x1xf32>
    %le3A_3415 = arith.cmpf ole, %get3A_3402, %select_n3A_3413 : vector<128x1xf32>
    %select_n3A_3416 = arith.select %le3A_3415, %get3A_3402, %select_n3A_3413 : vector<128x1xi1>, vector<128x1xf32>
    %select_n3A_3417 = arith.select %le3A_3415, %get3A_3405, %select_n3A_3414 : vector<128x1xi1>, vector<128x1xf32>
    %select_n3A_3418 = arith.select %le3A_3415, %select_n3A_3413, %get3A_3402 : vector<128x1xi1>, vector<128x1xf32>
    %select_n3A_3419 = arith.select %le3A_3415, %select_n3A_3414, %get3A_3405 : vector<128x1xi1>, vector<128x1xf32>
    %le3A_3420 = arith.cmpf ole, %get3A_3396, %select_n3A_3416 : vector<128x1xf32>
    %select_n3A_3421 = arith.select %le3A_3420, %get3A_3396, %select_n3A_3416 : vector<128x1xi1>, vector<128x1xf32>
    %select_n3A_3422 = arith.select %le3A_3420, %get3A_3399, %select_n3A_3417 : vector<128x1xi1>, vector<128x1xf32>
    %select_n3A_3423 = arith.select %le3A_3420, %select_n3A_3416, %get3A_3396 : vector<128x1xi1>, vector<128x1xf32>
    %select_n3A_3424 = arith.select %le3A_3420, %select_n3A_3417, %get3A_3399 : vector<128x1xi1>, vector<128x1xf32>
    %le3A_3425 = arith.cmpf ole, %select_n3A_3418, %broadcast_in_dim3A_3369 : vector<128x1xf32>
    %select_n3A_3426 = arith.select %le3A_3425, %select_n3A_3418, %broadcast_in_dim3A_3369 : vector<128x1xi1>, vector<128x1xf32>
    %select_n3A_3427 = arith.select %le3A_3425, %select_n3A_3419, %broadcast_in_dim3A_3377 : vector<128x1xi1>, vector<128x1xf32>
    %le3A_3428 = arith.cmpf ole, %select_n3A_3423, %select_n3A_3426 : vector<128x1xf32>
    %select_n3A_3429 = arith.select %le3A_3428, %select_n3A_3423, %select_n3A_3426 : vector<128x1xi1>, vector<128x1xf32>
    %select_n3A_3430 = arith.select %le3A_3428, %select_n3A_3424, %select_n3A_3427 : vector<128x1xi1>, vector<128x1xf32>
    %select_n3A_3431 = arith.select %le3A_3428, %select_n3A_3426, %select_n3A_3423 : vector<128x1xi1>, vector<128x1xf32>
    %select_n3A_3432 = arith.select %le3A_3428, %select_n3A_3427, %select_n3A_3424 : vector<128x1xi1>, vector<128x1xf32>
    %le3A_3433 = arith.cmpf ole, %select_n3A_3431, %broadcast_in_dim3A_3385 : vector<128x1xf32>
    %select_n3A_3434 = arith.select %le3A_3433, %select_n3A_3431, %broadcast_in_dim3A_3385 : vector<128x1xi1>, vector<128x1xf32>
    %select_n3A_3435 = arith.select %le3A_3433, %select_n3A_3432, %broadcast_in_dim3A_3393 : vector<128x1xi1>, vector<128x1xf32>
    %swap3A_3436 = arith.constant 3712 : index
    %swap3A_3437 = arith.constant 0 : index
    %swap3A_3438 = vector.load %arg5[%swap3A_3436, %swap3A_3437] : memref<4096x1xf32, #tpu.memory_space<vmem>>, vector<128x1xf32>
    tpu.vector_store %arg5[%swap3A_3436, %swap3A_3437], %select_n3A_3421 {strides = array<i32>} : memref<4096x1xf32, #tpu.memory_space<vmem>>, vector<128x1xf32>,
    %swap3A_3439 = arith.constant 3712 : index
    %swap3A_3440 = arith.constant 0 : index
    %swap3A_3441 = vector.load %arg8[%swap3A_3439, %swap3A_3440] : memref<4096x1xf32, #tpu.memory_space<vmem>>, vector<128x1xf32>
    tpu.vector_store %arg8[%swap3A_3439, %swap3A_3440], %select_n3A_3422 {strides = array<i32>} : memref<4096x1xf32, #tpu.memory_space<vmem>>, vector<128x1xf32>,
    %swap3A_3442 = arith.constant 3712 : index
    %swap3A_3443 = arith.constant 0 : index
    %swap3A_3444 = vector.load %arg6[%swap3A_3442, %swap3A_3443] : memref<4096x1xf32, #tpu.memory_space<vmem>>, vector<128x1xf32>
    tpu.vector_store %arg6[%swap3A_3442, %swap3A_3443], %select_n3A_3429 {strides = array<i32>} : memref<4096x1xf32, #tpu.memory_space<vmem>>, vector<128x1xf32>,
    %swap3A_3445 = arith.constant 3712 : index
    %swap3A_3446 = arith.constant 0 : index
    %swap3A_3447 = vector.load %arg9[%swap3A_3445, %swap3A_3446] : memref<4096x1xf32, #tpu.memory_space<vmem>>, vector<128x1xf32>
    tpu.vector_store %arg9[%swap3A_3445, %swap3A_3446], %select_n3A_3430 {strides = array<i32>} : memref<4096x1xf32, #tpu.memory_space<vmem>>, vector<128x1xf32>,
    %swap3A_3448 = arith.constant 3712 : index
    %swap3A_3449 = arith.constant 0 : index
    %swap3A_3450 = vector.load %arg7[%swap3A_3448, %swap3A_3449] : memref<4096x1xf32, #tpu.memory_space<vmem>>, vector<128x1xf32>
    tpu.vector_store %arg7[%swap3A_3448, %swap3A_3449], %select_n3A_3434 {strides = array<i32>} : memref<4096x1xf32, #tpu.memory_space<vmem>>, vector<128x1xf32>,
    %swap3A_3451 = arith.constant 3712 : index
    %swap3A_3452 = arith.constant 0 : index
    %swap3A_3453 = vector.load %arg10[%swap3A_3451, %swap3A_3452] : memref<4096x1xf32, #tpu.memory_space<vmem>>, vector<128x1xf32>
    tpu.vector_store %arg10[%swap3A_3451, %swap3A_3452], %select_n3A_3435 {strides = array<i32>} : memref<4096x1xf32, #tpu.memory_space<vmem>>, vector<128x1xf32>,
    %get3A_3454 = arith.constant 3840 : index
    %get3A_3455 = arith.constant 0 : index
    %get3A_3456 = vector.load %arg1[%get3A_3454, %get3A_3455] : memref<4096x256xbf16, #tpu.memory_space<vmem>>, vector<128x256xbf16>
    %get3A_3457 = arith.constant 3840 : index
    %get3A_3458 = arith.constant 0 : index
    %get3A_3459 = vector.load %arg2[%get3A_3457, %get3A_3458] : memref<4096x1xf32, #tpu.memory_space<vmem>>, vector<128x1xf32>
    %dot_general3A_3460 = arith.constant dense<0.000000e+00> : vector<128x2048xf32>
    %dot_general3A_3461 = tpu.matmul %get3A_3456, %get3A_3, %dot_general3A_3460 {dimension_numbers = #tpu.dot_dimension_numbers<[1], [1], [0], [0], [0, 0, 1, 0], [], []>, transpose_lhs_hint = false} : vector<128x256xbf16>, vector<2048x256xbf16>, vector<128x2048xf32> -> vector<128x2048xf32>
    %add3A_3462 = vector.broadcast %get3A_3459 : vector<128x1xf32> to vector<128x2048xf32>
    %add3A_3463 = vector.broadcast %get3A_6 : vector<1x2048xf32> to vector<128x2048xf32>
    %add3A_3464 = arith.addf %add3A_3462, %add3A_3463 : vector<128x2048xf32>
    %add3A_3465 = arith.addf %add3A_3464, %dot_general3A_3461 : vector<128x2048xf32>
    %reduce_min3A_3466 = arith.constant dense<0x7F800000> : vector<128xf32>
    %reduce_min3A_3467 = vector.multi_reduction <minimumf>, %add3A_3465, %reduce_min3A_3466 [1] : vector<128x2048xf32> to vector<128xf32>
    %broadcast_in_dim3A_3468 = vector.shape_cast %reduce_min3A_3467 : vector<128xf32> to vector<128x1xf32>
    %eq3A_3469 = vector.broadcast %broadcast_in_dim3A_3468 : vector<128x1xf32> to vector<128x2048xf32>
    %eq3A_3470 = arith.cmpf oeq, %add3A_3465, %eq3A_3469 : vector<128x2048xf32>
    %jit3A_3471 = arith.constant 1.07374182E+9 : f32
    %broadcast_in_dim3A_3472 = vector.broadcast %jit3A_3471 : f32 to vector<128x2048xf32>
    %select_n3A_3473 = arith.select %eq3A_3470, %add3A_10, %broadcast_in_dim3A_3472 : vector<128x2048xi1>, vector<128x2048xf32>
    %reduce_min3A_3474 = arith.constant dense<0x7F800000> : vector<128xf32>
    %reduce_min3A_3475 = vector.multi_reduction <minimumf>, %select_n3A_3473, %reduce_min3A_3474 [1] : vector<128x2048xf32> to vector<128xf32>
    %broadcast_in_dim3A_3476 = vector.shape_cast %reduce_min3A_3475 : vector<128xf32> to vector<128x1xf32>
    %eq3A_3477 = vector.broadcast %broadcast_in_dim3A_3476 : vector<128x1xf32> to vector<128x2048xf32>
    %eq3A_3478 = arith.cmpf oeq, %add3A_10, %eq3A_3477 : vector<128x2048xf32>
    %jit3A_3479 = arith.constant 1.000000e+30 : f32
    %broadcast_in_dim3A_3480 = vector.broadcast %jit3A_3479 : f32 to vector<128x2048xf32>
    %select_n3A_3481 = arith.select %eq3A_3478, %broadcast_in_dim3A_3480, %add3A_3465 : vector<128x2048xi1>, vector<128x2048xf32>
    %reduce_min3A_3482 = arith.constant dense<0x7F800000> : vector<128xf32>
    %reduce_min3A_3483 = vector.multi_reduction <minimumf>, %select_n3A_3481, %reduce_min3A_3482 [1] : vector<128x2048xf32> to vector<128xf32>
    %broadcast_in_dim3A_3484 = vector.shape_cast %reduce_min3A_3483 : vector<128xf32> to vector<128x1xf32>
    %eq3A_3485 = vector.broadcast %broadcast_in_dim3A_3484 : vector<128x1xf32> to vector<128x2048xf32>
    %eq3A_3486 = arith.cmpf oeq, %select_n3A_3481, %eq3A_3485 : vector<128x2048xf32>
    %jit3A_3487 = arith.constant 1.07374182E+9 : f32
    %broadcast_in_dim3A_3488 = vector.broadcast %jit3A_3487 : f32 to vector<128x2048xf32>
    %select_n3A_3489 = arith.select %eq3A_3486, %add3A_10, %broadcast_in_dim3A_3488 : vector<128x2048xi1>, vector<128x2048xf32>
    %reduce_min3A_3490 = arith.constant dense<0x7F800000> : vector<128xf32>
    %reduce_min3A_3491 = vector.multi_reduction <minimumf>, %select_n3A_3489, %reduce_min3A_3490 [1] : vector<128x2048xf32> to vector<128xf32>
    %broadcast_in_dim3A_3492 = vector.shape_cast %reduce_min3A_3491 : vector<128xf32> to vector<128x1xf32>
    %eq3A_3493 = vector.broadcast %broadcast_in_dim3A_3492 : vector<128x1xf32> to vector<128x2048xf32>
    %eq3A_3494 = arith.cmpf oeq, %add3A_10, %eq3A_3493 : vector<128x2048xf32>
    %jit3A_3495 = arith.constant 1.000000e+30 : f32
    %broadcast_in_dim3A_3496 = vector.broadcast %jit3A_3495 : f32 to vector<128x2048xf32>
    %select_n3A_3497 = arith.select %eq3A_3494, %broadcast_in_dim3A_3496, %select_n3A_3481 : vector<128x2048xi1>, vector<128x2048xf32>
    %reduce_min3A_3498 = arith.constant dense<0x7F800000> : vector<128xf32>
    %reduce_min3A_3499 = vector.multi_reduction <minimumf>, %select_n3A_3497, %reduce_min3A_3498 [1] : vector<128x2048xf32> to vector<128xf32>
    %broadcast_in_dim3A_3500 = vector.shape_cast %reduce_min3A_3499 : vector<128xf32> to vector<128x1xf32>
    %eq3A_3501 = vector.broadcast %broadcast_in_dim3A_3500 : vector<128x1xf32> to vector<128x2048xf32>
    %eq3A_3502 = arith.cmpf oeq, %select_n3A_3497, %eq3A_3501 : vector<128x2048xf32>
    %jit3A_3503 = arith.constant 1.07374182E+9 : f32
    %broadcast_in_dim3A_3504 = vector.broadcast %jit3A_3503 : f32 to vector<128x2048xf32>
    %select_n3A_3505 = arith.select %eq3A_3502, %add3A_10, %broadcast_in_dim3A_3504 : vector<128x2048xi1>, vector<128x2048xf32>
    %reduce_min3A_3506 = arith.constant dense<0x7F800000> : vector<128xf32>
    %reduce_min3A_3507 = vector.multi_reduction <minimumf>, %select_n3A_3505, %reduce_min3A_3506 [1] : vector<128x2048xf32> to vector<128xf32>
    %broadcast_in_dim3A_3508 = vector.shape_cast %reduce_min3A_3507 : vector<128xf32> to vector<128x1xf32>
    %get3A_3509 = arith.constant 3840 : index
    %get3A_3510 = arith.constant 0 : index
    %get3A_3511 = vector.load %arg5[%get3A_3509, %get3A_3510] : memref<4096x1xf32, #tpu.memory_space<vmem>>, vector<128x1xf32>
    %get3A_3512 = arith.constant 3840 : index
    %get3A_3513 = arith.constant 0 : index
    %get3A_3514 = vector.load %arg8[%get3A_3512, %get3A_3513] : memref<4096x1xf32, #tpu.memory_space<vmem>>, vector<128x1xf32>
    %get3A_3515 = arith.constant 3840 : index
    %get3A_3516 = arith.constant 0 : index
    %get3A_3517 = vector.load %arg6[%get3A_3515, %get3A_3516] : memref<4096x1xf32, #tpu.memory_space<vmem>>, vector<128x1xf32>
    %get3A_3518 = arith.constant 3840 : index
    %get3A_3519 = arith.constant 0 : index
    %get3A_3520 = vector.load %arg9[%get3A_3518, %get3A_3519] : memref<4096x1xf32, #tpu.memory_space<vmem>>, vector<128x1xf32>
    %get3A_3521 = arith.constant 3840 : index
    %get3A_3522 = arith.constant 0 : index
    %get3A_3523 = vector.load %arg7[%get3A_3521, %get3A_3522] : memref<4096x1xf32, #tpu.memory_space<vmem>>, vector<128x1xf32>
    %get3A_3524 = arith.constant 3840 : index
    %get3A_3525 = arith.constant 0 : index
    %get3A_3526 = vector.load %arg10[%get3A_3524, %get3A_3525] : memref<4096x1xf32, #tpu.memory_space<vmem>>, vector<128x1xf32>
    %le3A_3527 = arith.cmpf ole, %get3A_3523, %broadcast_in_dim3A_3468 : vector<128x1xf32>
    %select_n3A_3528 = arith.select %le3A_3527, %get3A_3523, %broadcast_in_dim3A_3468 : vector<128x1xi1>, vector<128x1xf32>
    %select_n3A_3529 = arith.select %le3A_3527, %get3A_3526, %broadcast_in_dim3A_3476 : vector<128x1xi1>, vector<128x1xf32>
    %le3A_3530 = arith.cmpf ole, %get3A_3517, %select_n3A_3528 : vector<128x1xf32>
    %select_n3A_3531 = arith.select %le3A_3530, %get3A_3517, %select_n3A_3528 : vector<128x1xi1>, vector<128x1xf32>
    %select_n3A_3532 = arith.select %le3A_3530, %get3A_3520, %select_n3A_3529 : vector<128x1xi1>, vector<128x1xf32>
    %select_n3A_3533 = arith.select %le3A_3530, %select_n3A_3528, %get3A_3517 : vector<128x1xi1>, vector<128x1xf32>
    %select_n3A_3534 = arith.select %le3A_3530, %select_n3A_3529, %get3A_3520 : vector<128x1xi1>, vector<128x1xf32>
    %le3A_3535 = arith.cmpf ole, %get3A_3511, %select_n3A_3531 : vector<128x1xf32>
    %select_n3A_3536 = arith.select %le3A_3535, %get3A_3511, %select_n3A_3531 : vector<128x1xi1>, vector<128x1xf32>
    %select_n3A_3537 = arith.select %le3A_3535, %get3A_3514, %select_n3A_3532 : vector<128x1xi1>, vector<128x1xf32>
    %select_n3A_3538 = arith.select %le3A_3535, %select_n3A_3531, %get3A_3511 : vector<128x1xi1>, vector<128x1xf32>
    %select_n3A_3539 = arith.select %le3A_3535, %select_n3A_3532, %get3A_3514 : vector<128x1xi1>, vector<128x1xf32>
    %le3A_3540 = arith.cmpf ole, %select_n3A_3533, %broadcast_in_dim3A_3484 : vector<128x1xf32>
    %select_n3A_3541 = arith.select %le3A_3540, %select_n3A_3533, %broadcast_in_dim3A_3484 : vector<128x1xi1>, vector<128x1xf32>
    %select_n3A_3542 = arith.select %le3A_3540, %select_n3A_3534, %broadcast_in_dim3A_3492 : vector<128x1xi1>, vector<128x1xf32>
    %le3A_3543 = arith.cmpf ole, %select_n3A_3538, %select_n3A_3541 : vector<128x1xf32>
    %select_n3A_3544 = arith.select %le3A_3543, %select_n3A_3538, %select_n3A_3541 : vector<128x1xi1>, vector<128x1xf32>
    %select_n3A_3545 = arith.select %le3A_3543, %select_n3A_3539, %select_n3A_3542 : vector<128x1xi1>, vector<128x1xf32>
    %select_n3A_3546 = arith.select %le3A_3543, %select_n3A_3541, %select_n3A_3538 : vector<128x1xi1>, vector<128x1xf32>
    %select_n3A_3547 = arith.select %le3A_3543, %select_n3A_3542, %select_n3A_3539 : vector<128x1xi1>, vector<128x1xf32>
    %le3A_3548 = arith.cmpf ole, %select_n3A_3546, %broadcast_in_dim3A_3500 : vector<128x1xf32>
    %select_n3A_3549 = arith.select %le3A_3548, %select_n3A_3546, %broadcast_in_dim3A_3500 : vector<128x1xi1>, vector<128x1xf32>
    %select_n3A_3550 = arith.select %le3A_3548, %select_n3A_3547, %broadcast_in_dim3A_3508 : vector<128x1xi1>, vector<128x1xf32>
    %swap3A_3551 = arith.constant 3840 : index
    %swap3A_3552 = arith.constant 0 : index
    %swap3A_3553 = vector.load %arg5[%swap3A_3551, %swap3A_3552] : memref<4096x1xf32, #tpu.memory_space<vmem>>, vector<128x1xf32>
    tpu.vector_store %arg5[%swap3A_3551, %swap3A_3552], %select_n3A_3536 {strides = array<i32>} : memref<4096x1xf32, #tpu.memory_space<vmem>>, vector<128x1xf32>,
    %swap3A_3554 = arith.constant 3840 : index
    %swap3A_3555 = arith.constant 0 : index
    %swap3A_3556 = vector.load %arg8[%swap3A_3554, %swap3A_3555] : memref<4096x1xf32, #tpu.memory_space<vmem>>, vector<128x1xf32>
    tpu.vector_store %arg8[%swap3A_3554, %swap3A_3555], %select_n3A_3537 {strides = array<i32>} : memref<4096x1xf32, #tpu.memory_space<vmem>>, vector<128x1xf32>,
    %swap3A_3557 = arith.constant 3840 : index
    %swap3A_3558 = arith.constant 0 : index
    %swap3A_3559 = vector.load %arg6[%swap3A_3557, %swap3A_3558] : memref<4096x1xf32, #tpu.memory_space<vmem>>, vector<128x1xf32>
    tpu.vector_store %arg6[%swap3A_3557, %swap3A_3558], %select_n3A_3544 {strides = array<i32>} : memref<4096x1xf32, #tpu.memory_space<vmem>>, vector<128x1xf32>,
    %swap3A_3560 = arith.constant 3840 : index
    %swap3A_3561 = arith.constant 0 : index
    %swap3A_3562 = vector.load %arg9[%swap3A_3560, %swap3A_3561] : memref<4096x1xf32, #tpu.memory_space<vmem>>, vector<128x1xf32>
    tpu.vector_store %arg9[%swap3A_3560, %swap3A_3561], %select_n3A_3545 {strides = array<i32>} : memref<4096x1xf32, #tpu.memory_space<vmem>>, vector<128x1xf32>,
    %swap3A_3563 = arith.constant 3840 : index
    %swap3A_3564 = arith.constant 0 : index
    %swap3A_3565 = vector.load %arg7[%swap3A_3563, %swap3A_3564] : memref<4096x1xf32, #tpu.memory_space<vmem>>, vector<128x1xf32>
    tpu.vector_store %arg7[%swap3A_3563, %swap3A_3564], %select_n3A_3549 {strides = array<i32>} : memref<4096x1xf32, #tpu.memory_space<vmem>>, vector<128x1xf32>,
    %swap3A_3566 = arith.constant 3840 : index
    %swap3A_3567 = arith.constant 0 : index
    %swap3A_3568 = vector.load %arg10[%swap3A_3566, %swap3A_3567] : memref<4096x1xf32, #tpu.memory_space<vmem>>, vector<128x1xf32>
    tpu.vector_store %arg10[%swap3A_3566, %swap3A_3567], %select_n3A_3550 {strides = array<i32>} : memref<4096x1xf32, #tpu.memory_space<vmem>>, vector<128x1xf32>,
    %get3A_3569 = arith.constant 3968 : index
    %get3A_3570 = arith.constant 0 : index
    %get3A_3571 = vector.load %arg1[%get3A_3569, %get3A_3570] : memref<4096x256xbf16, #tpu.memory_space<vmem>>, vector<128x256xbf16>
    %get3A_3572 = arith.constant 3968 : index
    %get3A_3573 = arith.constant 0 : index
    %get3A_3574 = vector.load %arg2[%get3A_3572, %get3A_3573] : memref<4096x1xf32, #tpu.memory_space<vmem>>, vector<128x1xf32>
    %dot_general3A_3575 = arith.constant dense<0.000000e+00> : vector<128x2048xf32>
    %dot_general3A_3576 = tpu.matmul %get3A_3571, %get3A_3, %dot_general3A_3575 {dimension_numbers = #tpu.dot_dimension_numbers<[1], [1], [0], [0], [0, 0, 1, 0], [], []>, transpose_lhs_hint = false} : vector<128x256xbf16>, vector<2048x256xbf16>, vector<128x2048xf32> -> vector<128x2048xf32>
    %add3A_3577 = vector.broadcast %get3A_3574 : vector<128x1xf32> to vector<128x2048xf32>
    %add3A_3578 = vector.broadcast %get3A_6 : vector<1x2048xf32> to vector<128x2048xf32>
    %add3A_3579 = arith.addf %add3A_3577, %add3A_3578 : vector<128x2048xf32>
    %add3A_3580 = arith.addf %add3A_3579, %dot_general3A_3576 : vector<128x2048xf32>
    %reduce_min3A_3581 = arith.constant dense<0x7F800000> : vector<128xf32>
    %reduce_min3A_3582 = vector.multi_reduction <minimumf>, %add3A_3580, %reduce_min3A_3581 [1] : vector<128x2048xf32> to vector<128xf32>
    %broadcast_in_dim3A_3583 = vector.shape_cast %reduce_min3A_3582 : vector<128xf32> to vector<128x1xf32>
    %eq3A_3584 = vector.broadcast %broadcast_in_dim3A_3583 : vector<128x1xf32> to vector<128x2048xf32>
    %eq3A_3585 = arith.cmpf oeq, %add3A_3580, %eq3A_3584 : vector<128x2048xf32>
    %jit3A_3586 = arith.constant 1.07374182E+9 : f32
    %broadcast_in_dim3A_3587 = vector.broadcast %jit3A_3586 : f32 to vector<128x2048xf32>
    %select_n3A_3588 = arith.select %eq3A_3585, %add3A_10, %broadcast_in_dim3A_3587 : vector<128x2048xi1>, vector<128x2048xf32>
    %reduce_min3A_3589 = arith.constant dense<0x7F800000> : vector<128xf32>
    %reduce_min3A_3590 = vector.multi_reduction <minimumf>, %select_n3A_3588, %reduce_min3A_3589 [1] : vector<128x2048xf32> to vector<128xf32>
    %broadcast_in_dim3A_3591 = vector.shape_cast %reduce_min3A_3590 : vector<128xf32> to vector<128x1xf32>
    %eq3A_3592 = vector.broadcast %broadcast_in_dim3A_3591 : vector<128x1xf32> to vector<128x2048xf32>
    %eq3A_3593 = arith.cmpf oeq, %add3A_10, %eq3A_3592 : vector<128x2048xf32>
    %jit3A_3594 = arith.constant 1.000000e+30 : f32
    %broadcast_in_dim3A_3595 = vector.broadcast %jit3A_3594 : f32 to vector<128x2048xf32>
    %select_n3A_3596 = arith.select %eq3A_3593, %broadcast_in_dim3A_3595, %add3A_3580 : vector<128x2048xi1>, vector<128x2048xf32>
    %reduce_min3A_3597 = arith.constant dense<0x7F800000> : vector<128xf32>
    %reduce_min3A_3598 = vector.multi_reduction <minimumf>, %select_n3A_3596, %reduce_min3A_3597 [1] : vector<128x2048xf32> to vector<128xf32>
    %broadcast_in_dim3A_3599 = vector.shape_cast %reduce_min3A_3598 : vector<128xf32> to vector<128x1xf32>
    %eq3A_3600 = vector.broadcast %broadcast_in_dim3A_3599 : vector<128x1xf32> to vector<128x2048xf32>
    %eq3A_3601 = arith.cmpf oeq, %select_n3A_3596, %eq3A_3600 : vector<128x2048xf32>
    %jit3A_3602 = arith.constant 1.07374182E+9 : f32
    %broadcast_in_dim3A_3603 = vector.broadcast %jit3A_3602 : f32 to vector<128x2048xf32>
    %select_n3A_3604 = arith.select %eq3A_3601, %add3A_10, %broadcast_in_dim3A_3603 : vector<128x2048xi1>, vector<128x2048xf32>
    %reduce_min3A_3605 = arith.constant dense<0x7F800000> : vector<128xf32>
    %reduce_min3A_3606 = vector.multi_reduction <minimumf>, %select_n3A_3604, %reduce_min3A_3605 [1] : vector<128x2048xf32> to vector<128xf32>
    %broadcast_in_dim3A_3607 = vector.shape_cast %reduce_min3A_3606 : vector<128xf32> to vector<128x1xf32>
    %eq3A_3608 = vector.broadcast %broadcast_in_dim3A_3607 : vector<128x1xf32> to vector<128x2048xf32>
    %eq3A_3609 = arith.cmpf oeq, %add3A_10, %eq3A_3608 : vector<128x2048xf32>
    %jit3A_3610 = arith.constant 1.000000e+30 : f32
    %broadcast_in_dim3A_3611 = vector.broadcast %jit3A_3610 : f32 to vector<128x2048xf32>
    %select_n3A_3612 = arith.select %eq3A_3609, %broadcast_in_dim3A_3611, %select_n3A_3596 : vector<128x2048xi1>, vector<128x2048xf32>
    %reduce_min3A_3613 = arith.constant dense<0x7F800000> : vector<128xf32>
    %reduce_min3A_3614 = vector.multi_reduction <minimumf>, %select_n3A_3612, %reduce_min3A_3613 [1] : vector<128x2048xf32> to vector<128xf32>
    %broadcast_in_dim3A_3615 = vector.shape_cast %reduce_min3A_3614 : vector<128xf32> to vector<128x1xf32>
    %eq3A_3616 = vector.broadcast %broadcast_in_dim3A_3615 : vector<128x1xf32> to vector<128x2048xf32>
    %eq3A_3617 = arith.cmpf oeq, %select_n3A_3612, %eq3A_3616 : vector<128x2048xf32>
    %jit3A_3618 = arith.constant 1.07374182E+9 : f32
    %broadcast_in_dim3A_3619 = vector.broadcast %jit3A_3618 : f32 to vector<128x2048xf32>
    %select_n3A_3620 = arith.select %eq3A_3617, %add3A_10, %broadcast_in_dim3A_3619 : vector<128x2048xi1>, vector<128x2048xf32>
    %reduce_min3A_3621 = arith.constant dense<0x7F800000> : vector<128xf32>
    %reduce_min3A_3622 = vector.multi_reduction <minimumf>, %select_n3A_3620, %reduce_min3A_3621 [1] : vector<128x2048xf32> to vector<128xf32>
    %broadcast_in_dim3A_3623 = vector.shape_cast %reduce_min3A_3622 : vector<128xf32> to vector<128x1xf32>
    %get3A_3624 = arith.constant 3968 : index
    %get3A_3625 = arith.constant 0 : index
    %get3A_3626 = vector.load %arg5[%get3A_3624, %get3A_3625] : memref<4096x1xf32, #tpu.memory_space<vmem>>, vector<128x1xf32>
    %get3A_3627 = arith.constant 3968 : index
    %get3A_3628 = arith.constant 0 : index
    %get3A_3629 = vector.load %arg8[%get3A_3627, %get3A_3628] : memref<4096x1xf32, #tpu.memory_space<vmem>>, vector<128x1xf32>
    %get3A_3630 = arith.constant 3968 : index
    %get3A_3631 = arith.constant 0 : index
    %get3A_3632 = vector.load %arg6[%get3A_3630, %get3A_3631] : memref<4096x1xf32, #tpu.memory_space<vmem>>, vector<128x1xf32>
    %get3A_3633 = arith.constant 3968 : index
    %get3A_3634 = arith.constant 0 : index
    %get3A_3635 = vector.load %arg9[%get3A_3633, %get3A_3634] : memref<4096x1xf32, #tpu.memory_space<vmem>>, vector<128x1xf32>
    %get3A_3636 = arith.constant 3968 : index
    %get3A_3637 = arith.constant 0 : index
    %get3A_3638 = vector.load %arg7[%get3A_3636, %get3A_3637] : memref<4096x1xf32, #tpu.memory_space<vmem>>, vector<128x1xf32>
    %get3A_3639 = arith.constant 3968 : index
    %get3A_3640 = arith.constant 0 : index
    %get3A_3641 = vector.load %arg10[%get3A_3639, %get3A_3640] : memref<4096x1xf32, #tpu.memory_space<vmem>>, vector<128x1xf32>
    %le3A_3642 = arith.cmpf ole, %get3A_3638, %broadcast_in_dim3A_3583 : vector<128x1xf32>
    %select_n3A_3643 = arith.select %le3A_3642, %get3A_3638, %broadcast_in_dim3A_3583 : vector<128x1xi1>, vector<128x1xf32>
    %select_n3A_3644 = arith.select %le3A_3642, %get3A_3641, %broadcast_in_dim3A_3591 : vector<128x1xi1>, vector<128x1xf32>
    %le3A_3645 = arith.cmpf ole, %get3A_3632, %select_n3A_3643 : vector<128x1xf32>
    %select_n3A_3646 = arith.select %le3A_3645, %get3A_3632, %select_n3A_3643 : vector<128x1xi1>, vector<128x1xf32>
    %select_n3A_3647 = arith.select %le3A_3645, %get3A_3635, %select_n3A_3644 : vector<128x1xi1>, vector<128x1xf32>
    %select_n3A_3648 = arith.select %le3A_3645, %select_n3A_3643, %get3A_3632 : vector<128x1xi1>, vector<128x1xf32>
    %select_n3A_3649 = arith.select %le3A_3645, %select_n3A_3644, %get3A_3635 : vector<128x1xi1>, vector<128x1xf32>
    %le3A_3650 = arith.cmpf ole, %get3A_3626, %select_n3A_3646 : vector<128x1xf32>
    %select_n3A_3651 = arith.select %le3A_3650, %get3A_3626, %select_n3A_3646 : vector<128x1xi1>, vector<128x1xf32>
    %select_n3A_3652 = arith.select %le3A_3650, %get3A_3629, %select_n3A_3647 : vector<128x1xi1>, vector<128x1xf32>
    %select_n3A_3653 = arith.select %le3A_3650, %select_n3A_3646, %get3A_3626 : vector<128x1xi1>, vector<128x1xf32>
    %select_n3A_3654 = arith.select %le3A_3650, %select_n3A_3647, %get3A_3629 : vector<128x1xi1>, vector<128x1xf32>
    %le3A_3655 = arith.cmpf ole, %select_n3A_3648, %broadcast_in_dim3A_3599 : vector<128x1xf32>
    %select_n3A_3656 = arith.select %le3A_3655, %select_n3A_3648, %broadcast_in_dim3A_3599 : vector<128x1xi1>, vector<128x1xf32>
    %select_n3A_3657 = arith.select %le3A_3655, %select_n3A_3649, %broadcast_in_dim3A_3607 : vector<128x1xi1>, vector<128x1xf32>
    %le3A_3658 = arith.cmpf ole, %select_n3A_3653, %select_n3A_3656 : vector<128x1xf32>
    %select_n3A_3659 = arith.select %le3A_3658, %select_n3A_3653, %select_n3A_3656 : vector<128x1xi1>, vector<128x1xf32>
    %select_n3A_3660 = arith.select %le3A_3658, %select_n3A_3654, %select_n3A_3657 : vector<128x1xi1>, vector<128x1xf32>
    %select_n3A_3661 = arith.select %le3A_3658, %select_n3A_3656, %select_n3A_3653 : vector<128x1xi1>, vector<128x1xf32>
    %select_n3A_3662 = arith.select %le3A_3658, %select_n3A_3657, %select_n3A_3654 : vector<128x1xi1>, vector<128x1xf32>
    %le3A_3663 = arith.cmpf ole, %select_n3A_3661, %broadcast_in_dim3A_3615 : vector<128x1xf32>
    %select_n3A_3664 = arith.select %le3A_3663, %select_n3A_3661, %broadcast_in_dim3A_3615 : vector<128x1xi1>, vector<128x1xf32>
    %select_n3A_3665 = arith.select %le3A_3663, %select_n3A_3662, %broadcast_in_dim3A_3623 : vector<128x1xi1>, vector<128x1xf32>
    %swap3A_3666 = arith.constant 3968 : index
    %swap3A_3667 = arith.constant 0 : index
    %swap3A_3668 = vector.load %arg5[%swap3A_3666, %swap3A_3667] : memref<4096x1xf32, #tpu.memory_space<vmem>>, vector<128x1xf32>
    tpu.vector_store %arg5[%swap3A_3666, %swap3A_3667], %select_n3A_3651 {strides = array<i32>} : memref<4096x1xf32, #tpu.memory_space<vmem>>, vector<128x1xf32>,
    %swap3A_3669 = arith.constant 3968 : index
    %swap3A_3670 = arith.constant 0 : index
    %swap3A_3671 = vector.load %arg8[%swap3A_3669, %swap3A_3670] : memref<4096x1xf32, #tpu.memory_space<vmem>>, vector<128x1xf32>
    tpu.vector_store %arg8[%swap3A_3669, %swap3A_3670], %select_n3A_3652 {strides = array<i32>} : memref<4096x1xf32, #tpu.memory_space<vmem>>, vector<128x1xf32>,
    %swap3A_3672 = arith.constant 3968 : index
    %swap3A_3673 = arith.constant 0 : index
    %swap3A_3674 = vector.load %arg6[%swap3A_3672, %swap3A_3673] : memref<4096x1xf32, #tpu.memory_space<vmem>>, vector<128x1xf32>
    tpu.vector_store %arg6[%swap3A_3672, %swap3A_3673], %select_n3A_3659 {strides = array<i32>} : memref<4096x1xf32, #tpu.memory_space<vmem>>, vector<128x1xf32>,
    %swap3A_3675 = arith.constant 3968 : index
    %swap3A_3676 = arith.constant 0 : index
    %swap3A_3677 = vector.load %arg9[%swap3A_3675, %swap3A_3676] : memref<4096x1xf32, #tpu.memory_space<vmem>>, vector<128x1xf32>
    tpu.vector_store %arg9[%swap3A_3675, %swap3A_3676], %select_n3A_3660 {strides = array<i32>} : memref<4096x1xf32, #tpu.memory_space<vmem>>, vector<128x1xf32>,
    %swap3A_3678 = arith.constant 3968 : index
    %swap3A_3679 = arith.constant 0 : index
    %swap3A_3680 = vector.load %arg7[%swap3A_3678, %swap3A_3679] : memref<4096x1xf32, #tpu.memory_space<vmem>>, vector<128x1xf32>
    tpu.vector_store %arg7[%swap3A_3678, %swap3A_3679], %select_n3A_3664 {strides = array<i32>} : memref<4096x1xf32, #tpu.memory_space<vmem>>, vector<128x1xf32>,
    %swap3A_3681 = arith.constant 3968 : index
    %swap3A_3682 = arith.constant 0 : index
    %swap3A_3683 = vector.load %arg10[%swap3A_3681, %swap3A_3682] : memref<4096x1xf32, #tpu.memory_space<vmem>>, vector<128x1xf32>
    tpu.vector_store %arg10[%swap3A_3681, %swap3A_3682], %select_n3A_3665 {strides = array<i32>} : memref<4096x1xf32, #tpu.memory_space<vmem>>, vector<128x1xf32>,
    return
  }
  func.func @transform_0(%arg0: i32) -> (i32, i32) {
    %c0_i32 = arith.constant 0 : i32
    %c0_i32_0 = arith.constant 0 : i32
    %c0_i32_1 = arith.constant 0 : i32
    return %c0_i32, %c0_i32_0 : i32, i32
  }
  func.func @transform_1(%arg0: i32) -> (i32, i32) {
    %c0_i32 = arith.constant 0 : i32
    %c0_i32_0 = arith.constant 0 : i32
    %c0_i32_1 = arith.constant 0 : i32
    return %c0_i32, %c0_i32_0 : i32, i32
  }
  func.func @transform_2(%arg0: i32) -> (i32, i32) {
    %c0_i32 = arith.constant 0 : i32
    %c0_i32_0 = arith.constant 0 : i32
    return %arg0, %c0_i32 : i32, i32
  }
  func.func @transform_3(%arg0: i32) -> (i32, i32) {
    %c0_i32 = arith.constant 0 : i32
    %c0_i32_0 = arith.constant 0 : i32
    return %c0_i32, %arg0 : i32, i32
  }
  func.func @transform_4(%arg0: i32) -> (i32, i32) {
    %c0_i32 = arith.constant 0 : i32
    %c0_i32_0 = arith.constant 0 : i32
    %c0_i32_1 = arith.constant 0 : i32
    return %c0_i32, %c0_i32_0 : i32, i32
  }
  func.func @transform_5(%arg0: i32) -> (i32, i32) {
    %c0_i32 = arith.constant 0 : i32
    %c0_i32_0 = arith.constant 0 : i32
    %c0_i32_1 = arith.constant 0 : i32
    return %c0_i32, %c0_i32_0 : i32, i32
  }
  func.func @transform_6(%arg0: i32) -> (i32, i32) {
    %c0_i32 = arith.constant 0 : i32
    %c0_i32_0 = arith.constant 0 : i32
    %c0_i32_1 = arith.constant 0 : i32
    return %c0_i32, %c0_i32_0 : i32, i32
  }
  func.func @transform_7(%arg0: i32) -> (i32, i32) {
    %c0_i32 = arith.constant 0 : i32
    %c0_i32_0 = arith.constant 0 : i32
    %c0_i32_1 = arith.constant 0 : i32
    return %c0_i32, %c0_i32_0 : i32, i32
  }
  func.func @transform_8(%arg0: i32) -> (i32, i32) {
    %c0_i32 = arith.constant 0 : i32
    %c0_i32_0 = arith.constant 0 : i32
    %c0_i32_1 = arith.constant 0 : i32
    return %c0_i32, %c0_i32_0 : i32, i32
  }
  func.func @transform_9(%arg0: i32) -> (i32, i32) {
    %c0_i32 = arith.constant 0 : i32
    %c0_i32_0 = arith.constant 0 : i32
    %c0_i32_1 = arith.constant 0 : i32
    return %c0_i32, %c0_i32_0 : i32, i32
  }
}

</mosaic_0001>

<sc_bundles>
// kernel: kernel.4.cloned.1.call-start
scs
__scs_entry_jumppad:
0x0: {  	(pc) =	sbr.rel $0x88, $3  }
0x1: {  	(tag) =	ssettag $0x0;
	lr =	simm.s32 $0x1  }
0x2: {  	[smem:$0x3F9E] =	sst lr;
	_ =	strace $0xD0000000  }
0x3: {  	_ = 	snop  }
0x4: {  	_ = 	snop  }
0x5: {  	_ = 	snop  }
0x6: {  	_ = 	snop  }
0x7: {  	_ = 	snop  }
__scs_overlays_trampoline_lowered:
0x8: {  	[smem:$0x3FAD] =	sst s0  }
0x9: {  	[smem:$0x3FAE] =	sst s1  }
0xa: {  	[smem:$0x3FAF] =	sst s2  }
0xb: {  	[smem:$0x3FB0] =	sst s3  }
0xc: {  	[smem:$0x3FB1] =	sst s4  }
0xd: {  	[smem:$0x3FB2] =	sst s5  }
0xe: {  	[smem:$0x3FB3] =	sst s6  }
0xf: {  	[smem:$0x3FB4] =	sst s7  }
0x10: {  	[smem:$0x3FB5] =	sst s8  }
0x11: {  	[smem:$0x3FB6] =	sst s9;
	s0 =	simm.s32 @!p0 $0x0  }
0x12: {  	s1 =	sld [smem:$0x3F9C];
	s0 =	simm.s32 @p0 $0x1  }
0x13: {  	[smem:$0x3FB7] =	sst s0;
	s0 =	simm.s32 @!p1 $0x0  }
0x14: {  	s2 =	sld [smem:$0x3F9B];
	s0 =	simm.s32 @p1 $0x1  }
0x15: {  	[smem:$0x3FB8] =	sst s0;
	s0 =	simm.s32 @!p2 $0x0  }
0x16: {  	s3 =	sld [smem:$0x3FDB];
	s0 =	simm.s32 @p2 $0x1  }
0x17: {  	s4 =	simm.s32 $0x1BF5;
	[smem:$0x3FBA] =	sst s0  }
0x18: {  	s0 =	sld [smem:$0x3F9D];
	_ =	swait.ge [sflag:s4], $0x0  }
0x19: {  	s7 =	sld [smem:$0x3F9E]  }
0x1a: {  	s8 =	sadd.s32 $0xFFFFE003, lr  }
0x1b: {  	s9 =	sadd.s32 $0xFFFFFEF7, lr;
	s5 =	simm.s32 $0xFFFFFFFF;
	p2 =	slt.u32 s8, $0xFFFFF086  }
0x1c: {  	p1 =	slt.u32 s9, $0xF7A;
	s5 =	simm.s32 @!p2 $0x0  }
0x1d: {  	s5 =	simm.s32 @p1 $0x1;
	p0 =	seq.s32 s7, s2  }
0x1e: {  	s7 =	smul.u32 @!p0 $0xF7A, s2;
	p2 =	seq.s32 @!p0 s5, $0x0  }
0x1f: {  	s9 =	smul.u32 $0xF7A, s1;
	s8 =	simm.s32 @!p0 $0x1BF5;
	p2 =	por !p2, p0  }
0x20: {  	[sflag:s8] =	ssyncset.s32 @!p0 $0xFFFFF086;
	s6 =	sadd.s32 @!p0 s3, s7;
	s7 =	simm.s32 @!p0 $0x108  }
0x21: {  	s3 =	sadd.s32 s3, s9;
	s6 =	sadd.s32 @!p0 $0x88, s6;
	s7 =	simm.s32 @p2 $0x1082  }
0x22: {  	[simem:s7], [sflag:s8] =	dma.local @!p0 [hbm:s6], $0xF7A  }
0x23: {  	s9 =	sor.u32 $0xD0000000, s2;
	s6 =	simm.s32 $0x108;
	_ =	swait.ge @!p0 [sflag:s8], $0x0  }
0x24: {  	s3 =	sadd.s32 $0x88, s3;
	s6 =	simm.s32 @!p1 $0x1082;
	[sflag:s4] =	ssyncset.s32 $0xFFFFF086  }
0x25: {  	[simem:s6], [sflag:s4] =	dma.local [hbm:s3], $0xF7A  }
0x26: {  	[smem:$0x3F9E] =	sst s1;
	(tag) =	ssettag s2;
	_ =	strace s9  }
0x27: {  	s1 =	sld [smem:$0x3FAE]  }
0x28: {  	s2 =	sld [smem:$0x3FAF]  }
0x29: {  	s4 =	sld [smem:$0x3FB1]  }
0x2a: {  	p0 =	seq.s32 s5, $0x0;
	s5 =	sld [smem:$0x3FB2]  }
0x2b: {  	s6 =	sld [smem:$0x3FB3]  }
0x2c: {  	s7 =	sld [smem:$0x3FB4]  }
0x2d: {  	s3 =	simm.s32 $0x108;
	s8 =	sld [smem:$0x3FB5]  }
0x2e: {  	s3 =	simm.s32 @!p0 $0x1082;
	s9 =	sld [smem:$0x3FB6]  }
0x2f: {  	lr =	sadd.s32 s0, s3;
	s0 =	sld [smem:$0x3FAD]  }
0x30: {  	s3 =	sld [smem:$0x3FB0]  }
0x31: {  	[smem:$0x3FB9] =	sst s10  }
0x32: {  	s10 =	sld [smem:$0x3FB7];
	_ =	sdelay $0x3  }
0x33: {  	p0 =	seq.s32 s10, $0x1;
	s10 =	sld [smem:$0x3FB9];
	_ =	sdelay $0x3  }
0x34: {  	[smem:$0x3FB9] =	sst s10  }
0x35: {  	s10 =	sld [smem:$0x3FB8];
	_ =	sdelay $0x3  }
0x36: {  	p1 =	seq.s32 s10, $0x1;
	s10 =	sld [smem:$0x3FB9];
	_ =	sdelay $0x3  }
0x37: {  	[smem:$0x3FB9] =	sst s10  }
0x38: {  	s10 =	sld [smem:$0x3FBA]  }
0x39: {  	_ = 	snop;
	(pc) =	sbr.ind lr, $3  }
0x3a: {  	_ = 	snop  }
0x3b: {  	_ = 	snop  }
0x3c: {  	p2 =	seq.s32 s10, $0x1;
	s10 =	sld [smem:$0x3FB9]  }
0x3d: {  	_ =	shalt  }
0x3e: {  	_ =	shalt  }
0x3f: {  	_ =	shalt  }
0x40: {  	_ =	shalt  }
0x41: {  	_ =	shalt  }
0x42: {  	_ =	shalt  }
0x43: {  	_ =	shalt  }
0x44: {  	_ =	shalt  }
0x45: {  	_ =	shalt  }
0x46: {  	_ =	shalt  }
0x47: {  	_ =	shalt  }
0x48: {  	_ =	shalt  }
0x49: {  	_ =	shalt  }
0x4a: {  	_ =	shalt  }
0x4b: {  	_ =	shalt  }
0x4c: {  	_ =	shalt  }
0x4d: {  	_ =	shalt  }
0x4e: {  	_ =	shalt  }
0x4f: {  	_ =	shalt  }
0x50: {  	_ =	shalt  }
0x51: {  	_ =	shalt  }
0x52: {  	_ =	shalt  }
0x53: {  	_ =	shalt  }
0x54: {  	_ =	shalt  }
0x55: {  	_ =	shalt  }
0x56: {  	_ =	shalt  }
0x57: {  	_ =	shalt  }
0x58: {  	_ =	shalt  }
0x59: {  	_ =	shalt  }
0x5a: {  	_ =	shalt  }
0x5b: {  	_ =	shalt  }
0x5c: {  	_ =	shalt  }
0x5d: {  	_ =	shalt  }
0x5e: {  	_ =	shalt  }
0x5f: {  	_ =	shalt  }
0x60: {  	_ =	shalt  }
0x61: {  	_ =	shalt  }
0x62: {  	_ =	shalt  }
0x63: {  	_ =	shalt  }
0x64: {  	_ =	shalt  }
0x65: {  	_ =	shalt  }
0x66: {  	_ =	shalt  }
0x67: {  	_ =	shalt  }
0x68: {  	_ =	shalt  }
0x69: {  	_ =	shalt  }
0x6a: {  	_ =	shalt  }
0x6b: {  	_ =	shalt  }
0x6c: {  	_ =	shalt  }
0x6d: {  	_ =	shalt  }
0x6e: {  	_ =	shalt  }
0x6f: {  	_ =	shalt  }
0x70: {  	_ =	shalt  }
0x71: {  	_ =	shalt  }
0x72: {  	_ =	shalt  }
0x73: {  	_ =	shalt  }
0x74: {  	_ =	shalt  }
0x75: {  	_ =	shalt  }
0x76: {  	_ =	shalt  }
0x77: {  	_ =	shalt  }
0x78: {  	_ =	shalt  }
0x79: {  	_ =	shalt  }
0x7a: {  	_ =	shalt  }
0x7b: {  	_ =	shalt  }
0x7c: {  	_ =	shalt  }
0x7d: {  	_ =	shalt  }
0x7e: {  	_ =	shalt  }
0x7f: {  	_ =	shalt  }
0x80: {  	_ =	shalt  }
0x81: {  	_ =	shalt  }
0x82: {  	_ =	shalt  }
0x83: {  	_ =	shalt  }
0x84: {  	_ =	shalt  }
0x85: {  	_ =	shalt  }
0x86: {  	_ =	shalt  }
0x87: {  	_ =	shalt  }
.Lfunc_end0:
.L_simem_size_0:
called_computation_lowered:
.L_overlay_start_0:
0x88: {  	s2 =	sld [smem:$0x3FD9]  }
0x89: {  	s3 =	sld [smem:$0x3FFE];
	_ =	sdelay $0x1  }
0x8a: {  	s1 =	srdreg.scid  }
0x8b: {  	s0 =	sand.u32 $0x1, s1  }
0x8c: {  	s17 =	sshll.u32 s0, $0xA;
	s2 =	sadd.s32 s3, s2  }
0x8d: {  	s2 =	sadd.s32 s2, s17  }
0x8e: {  	[smem:$0x3FC5] =	sst s2  }
0x8f: {  	_ = 	snop  }
0x90: {  	s2 =	sld [smem:$0x3FC7];
	(tm) =	ssettm $0x1  }
0x91: {  	s18 =	sld [smem:$0x3FFB];
	_ =	sdelay $0x3  }
0x92: {  	_ =	strace s18  }
0x93: {  	s3 =	sld [smem:$0x3FFC];
	_ =	sdelay $0x3  }
0x94: {  	_ =	strace s3  }
0x95: {  	s3 =	sld [smem:$0x3FFD];
	_ =	sdelay $0x3  }
0x96: {  	_ =	strace s3  }
0x97: {  	_ =	strace $0x8FFFFFFF  }
0x98: {  	s19 =	sld [smem:$0x3FDB];
	_ =	sdelay $0x1  }
0x99: {  	s4 =	simm.s32 $_scs_section_size  }
0x9a: {  	s5 =	simm.s32 $_size__tile_overlayer_lowered;
	s6 =	simm.s32 $_tile_overlayer_lowered  }
0x9b: {  	s22 =	simm.s32 $0x1BFF;
	s21 =	sshll.u32 s6, $0x1;
	s3 =	sadd.s32 s4, s19  }
0x9c: {  	s7 =	simm.s32 $0x0;
	s20 =	sshll.u32 s5, $0x1;
	s5 =	sadd.s32 s21, s3  }
0x9d: {  	[timem:s7], [sflag:s22] =	dma.local [hbm:s5], s20  }
0x9e: {  	_ =	swait.ge [sflag:s22], s20  }
0x9f: {  	s4 =	ssub.s32 $0x0, s20;
	[sflag:s22] =	ssyncset.done $0x0  }
0xa0: {  	[sflag:s22] =	ssyncadd.s32 s4;
	_ =	sdelay $0x1  }
0xa1: {  	s23 =	simm.s32 $0x1B8B  }
0xa2: {  	_ =	swait.ge [sflag:s23], $0x1  }
0xa3: {  	[sflag:s23] =	ssyncset.done $0x0  }
0xa4: {  	s25 =	simm.s32 $0x1B8E;
	s24 =	sld [smem:$0x3FFE];
	[sflag:s23] =	ssyncadd.s32 $0xFFFFFFFF  }
0xa5: {  	s26 =	simm.s32 $execute0_lowered;
	[smem:$0x3FD2] =	sst s25  }
0xa6: {  	s5 =	sshll.u32 s26, $0x1;
	_ =	strace $0x80000046;
	[dreg:$0x1] =	wrdreg $0xFFFFFFFF  }
0xa7: {  	s28 =	simm.s32 $_size_execute0_lowered;
	s3 =	sadd.s32 s3, s5;
	[dreg:$0x0] =	wrdreg $0x0  }
0xa8: {  	s5 =	sshll.u32 s28, $0x1;
	[dreg:$0x2] =	wrdreg s3  }
0xa9: {  	[dreg:$0x3] =	wrdreg s5  }
0xaa: {  	[dreg:$0x4] =	wrdreg $0xC0  }
0xab: {  	_ =	task [dreg:s7], $0x5FFFF  }
0xac: {  	[dreg:$0x1] =	wrdreg $0xFFFFFFFF  }
0xad: {  	[dreg:$0x0] =	wrdreg $0x60  }
0xae: {  	[dreg:$0x2] =	wrdreg s24  }
0xaf: {  	[dreg:$0x3] =	wrdreg s2  }
0xb0: {  	[dreg:$0x4] =	wrdreg $0x9  }
0xb1: {  	_ =	task.clear_ibuf [dreg:s7], $0x5FFFF;
	_ =	strace $0x90000046  }
0xb2: {  	s29 =	simm.s32 $0x9;
	_ =	strace $0x80000048  }
0xb3: {  	_ =	swait.ge [sflag:s29], $0x1  }
0xb4: {  	[sflag:s29] =	ssyncadd.s32 $0xFFFFFFFF  }
0xb5: {  	_ =	strace $0x90000048  }
0xb6: {  	_ =	sfence  }
0xb7: {  	s30 =	sld [smem:$0x0];
	_ =	sdelay $0x2  }
0xb8: {  	s31 =	sshll.u32 s1, $0xD;
	s1 =	sshrl.u32 s1, $0x2  }
0xb9: {  	s3 =	sand.u32 $0x4000, s31;
	s1 =	sadd.s32 s1, s30  }
0xba: {  	s0 =	sor.u32 s3, s0;
	s1 =	sshll.u32 s1, $0x11  }
0xbb: {  	s0 =	sor.u32 s1, s0  }
0xbc: {  	s0 =	sadd.s32 $0x8F2B, s0  }
0xbd: {  	[sflag:s0] =	ssyncadd.remote.s32 $0x1  }
0xbe: {  	_ =	sfence.sel $0xFFFF  }
0xbf: {  	[dreg:$0x0] =	wrdreg $0xFFFFFFFF;
	(pc) =	sbr.abs _section_cstart, $3  }
0xc0: {  	[dreg:$0x1] =	wrdreg $0xFFFFFFFF  }
0xc1: {  	_ =	task.clear_ibuf [dreg:s7], $0x2FFFF;
	_ =	strace $0x9FFFFFFF  }
0xc2: {  	(tm) =	ssettm $0x7FFFFFFF  }
0xc3: {  	_ =	shalt  }
tec
execute0_lowered:
.L_overlay_start_1:
0x0: {  	(tag) =	ssettag $0x1  }
0x1: {  	s1 =	srdreg.scid;
	s0 =	stileid.u32  }
0x2: {  	s15 =	sand.u32 $0x1, s1;
	s30 =	sshll.u32 s0, $0x1  }
0x3: {  	s14 =	rddreg [dreg:$0x0];
	s16 =	sor.u32 s15, s30  }
0x4: {  	s2 =	rddreg [dreg:$0x1];
	s4 =	smul.u32 $0x180, s16  }
0x5: {  	s3 =	simm.s32 $0x0;
	s1 =	rddreg [dreg:$0x2]  }
0x6: {  	[smem:$0x7FF] =	sst s3;
	s4 =	sshrl.u32 s4, $0x3  }
0x7: {  	_ =	strace $0x80000047;
	s5 =	sadd.s32 s14, s4;
	s4 =	simm.s32 $0x2  }
0x8: {  	[tilespmem:s3], [sflag:$0x2] =	stream.linear.gather [hbm4b:s5+s3], $0x80, $0x38;
	[tilespmem:$0x480] =	vst v63  }
0x9: {  	_ =	swait.ge [sflag:s4], $0x80  }
0xa: {  	[sflag:s4] =	ssyncset.done $0x0  }
0xb: {  	s7 =	simm.s32 $0x80;
	s6 =	sadd.s32 $0x10, s5;
	[sflag:s4] =	ssyncadd.s32 $0xFFFFFF80  }
0xc: {  	[tilespmem:s7], [sflag:$0x2] =	stream.linear.gather [hbm4b:s6+s3], $0x80, $0x38;
	[tilespmem:$0x480] =	vst v63  }
0xd: {  	_ =	swait.ge [sflag:s4], $0x80  }
0xe: {  	[sflag:s4] =	ssyncset.done $0x0  }
0xf: {  	s9 =	simm.s32 $0x100;
	s8 =	sadd.s32 $0x20, s5;
	[sflag:s4] =	ssyncadd.s32 $0xFFFFFF80  }
0x10: {  	[tilespmem:s9], [sflag:$0x2] =	stream.linear.gather [hbm4b:s8+s3], $0x80, $0x38;
	[tilespmem:$0x480] =	vst v63  }
0x11: {  	_ =	swait.ge [sflag:s4], $0x80  }
0x12: {  	[sflag:s4] =	ssyncset.done $0x0  }
0x13: {  	s10 =	simm.s32 $0x200;
	[sflag:s4] =	ssyncadd.s32 $0xFFFFFF80  }
0x14: {  	[tilespmem:s10], [sflag:$0x1] =	stream.indirect.gather [hbm4b:s2+s7], $0x1, s3, s7, $0xb8;
	[tilespmem:$0x480] =	vst v63  }
0x15: {  	s11 =	simm.s32 $0x280  }
0x16: {  	[tilespmem:s11], [sflag:$0x1] =	stream.indirect.gather [hbm4b:s2+s7], $0x1, s7, s7, $0xb8;
	[tilespmem:$0x480] =	vst v63  }
0x17: {  	s12 =	simm.s32 $0x300;
	s13 =	simm.s32 $0x1  }
0x18: {  	[tilespmem:s12], [sflag:$0x1] =	stream.indirect.gather [hbm4b:s2+s7], $0x1, s9, s7, $0xb8;
	[tilespmem:$0x480] =	vst v63  }
0x19: {  	_ =	swait.ge [sflag:s13], $0x80  }
0x1a: {  	[sflag:s13] =	ssyncset.done $0x0  }
0x1b: {  	[sflag:s13] =	ssyncadd.s32 $0xFFFFFF80  }
0x1c: {  	_ =	swait.ge [sflag:s13], $0x80  }
0x1d: {  	[sflag:s13] =	ssyncset.done $0x0  }
0x1e: {  	[sflag:s13] =	ssyncadd.s32 $0xFFFFFF80  }
0x1f: {  	_ =	swait.ge [sflag:s13], $0x80  }
0x20: {  	[sflag:s13] =	ssyncset.done $0x0  }
0x21: {  	[sflag:s13] =	ssyncadd.s32 $0xFFFFFF80  }
0x22: {  	v0 =	vld [tilespmem:$0x200];
	_ =	sdelay $0x1  }
0x23: {  	v1 =	vld [tilespmem:$0x210];
	_ =	sdelay $0x1  }
0x24: {  	v2 =	vld [tilespmem:$0x220]  }
0x25: {  	v0 =	vadd.f32 $0.0e+00, v0  }
0x26: {  	v3 =	vld [tilespmem:$0x230]  }
0x27: {  	v0 =	vadd.f32 v1, v0  }
0x28: {  	v44 =	vld [tilespmem:$0x240]  }
0x29: {  	v0 =	vadd.f32 v2, v0  }
0x2a: {  	v45 =	vld [tilespmem:$0x250]  }
0x2b: {  	v0 =	vadd.f32 v3, v0  }
0x2c: {  	v46 =	vld [tilespmem:$0x260]  }
0x2d: {  	v0 =	vadd.f32 v44, v0  }
0x2e: {  	v47 =	vld [tilespmem:$0x270]  }
0x2f: {  	v0 =	vadd.f32 v45, v0  }
0x30: {  	v48 =	vld [tilespmem:$0x280]  }
0x31: {  	v0 =	vadd.f32 v46, v0  }
0x32: {  	v49 =	vld [tilespmem:$0x290]  }
0x33: {  	v0 =	vadd.f32 v47, v0  }
0x34: {  	v50 =	vld [tilespmem:$0x2A0]  }
0x35: {  	v0 =	vadd.f32 v48, v0  }
0x36: {  	v51 =	vld [tilespmem:$0x2B0]  }
0x37: {  	v0 =	vadd.f32 v49, v0  }
0x38: {  	v52 =	vld [tilespmem:$0x2C0]  }
0x39: {  	v0 =	vadd.f32 v50, v0  }
0x3a: {  	v53 =	vld [tilespmem:$0x2D0]  }
0x3b: {  	v0 =	vadd.f32 v51, v0  }
0x3c: {  	v54 =	vld [tilespmem:$0x2E0]  }
0x3d: {  	v0 =	vadd.f32 v52, v0  }
0x3e: {  	v55 =	vld [tilespmem:$0x2F0]  }
0x3f: {  	v0 =	vadd.f32 v53, v0  }
0x40: {  	v56 =	vld [tilespmem:$0x300]  }
0x41: {  	v0 =	vadd.f32 v54, v0  }
0x42: {  	v57 =	vld [tilespmem:$0x310]  }
0x43: {  	v0 =	vadd.f32 v55, v0  }
0x44: {  	v58 =	vld [tilespmem:$0x320]  }
0x45: {  	v0 =	vadd.f32 v56, v0  }
0x46: {  	v59 =	vld [tilespmem:$0x330]  }
0x47: {  	v0 =	vadd.f32 v57, v0  }
0x48: {  	v60 =	vld [tilespmem:$0x340]  }
0x49: {  	v0 =	vadd.f32 v58, v0  }
0x4a: {  	v61 =	vld [tilespmem:$0x350]  }
0x4b: {  	v0 =	vadd.f32 v59, v0  }
0x4c: {  	v62 =	vld [tilespmem:$0x360]  }
0x4d: {  	v0 =	vadd.f32 v60, v0  }
0x4e: {  	v63 =	vld [tilespmem:$0x370]  }
0x4f: {  	s15 =	ssub.s32 $0x2, s15;
	v0 =	vadd.f32 v61, v0  }
0x50: {  	s17 =	sshrl.u32 s15, $0x1  }
0x51: {  	s15 =	ssub.s32 s15, s17;
	v0 =	vadd.f32 v62, v0  }
0x52: {  	s31 =	smax.u32 s15, $0x1  }
0x53: {  	s16 =	sshll.u32 s16, $0x1;
	p0 =	sne.s32 s31, $0x1;
	v0 =	vadd.f32 v63, v0  }
.Ltmp0:
0x54: {  	s14 =	sadd.s32 s16, s14;
	(pc) =	sbr.rel @!p0 .LBB2_2-.Ltmp0, $4  }
0x55: {  	s15 =	simm.s32 $0x400;
	s14 =	sadd.s32 $0x600, s14;
	[tilespmem:$0x400] =	vst v0  }
0x56: {  	[hbm4b:s14+s3] =	stream.linear.scatter [tilespmem:s15], [sflag:$0x2], $0x10, $0x38;
	[tilespmem:$0x480] =	vst v63  }
0x57: {  	_ =	swait.ge [sflag:s4], $0x10  }
0x58: {  	s16 =	sadd.s32 $0xFFFFFFFF, s31;
	[sflag:s4] =	ssyncset.done $0x0  }
.LBB2_1:
0x59: {  	p0 =	sne.s32 s16, $0x1;
	s16 =	sadd.s32 $0xFFFFFFFF, s16;
	[sflag:s4] =	ssyncadd.s32 $0xFFFFFFF0  }
0x5a: {  	[tilespmem:s3], [sflag:$0x2] =	stream.linear.gather [hbm4b:s5+s3], $0x80, $0x38;
	[tilespmem:$0x480] =	vst v63  }
0x5b: {  	_ =	swait.ge [sflag:s4], $0x80  }
0x5c: {  	[sflag:s4] =	ssyncset.done $0x0  }
0x5d: {  	[sflag:s4] =	ssyncadd.s32 $0xFFFFFF80  }
0x5e: {  	[tilespmem:s7], [sflag:$0x2] =	stream.linear.gather [hbm4b:s6+s3], $0x80, $0x38;
	[tilespmem:$0x480] =	vst v63  }
0x5f: {  	_ =	swait.ge [sflag:s4], $0x80  }
0x60: {  	[sflag:s4] =	ssyncset.done $0x0  }
0x61: {  	[sflag:s4] =	ssyncadd.s32 $0xFFFFFF80  }
0x62: {  	[tilespmem:s9], [sflag:$0x2] =	stream.linear.gather [hbm4b:s8+s3], $0x80, $0x38;
	[tilespmem:$0x480] =	vst v63  }
0x63: {  	_ =	swait.ge [sflag:s4], $0x80  }
0x64: {  	[sflag:s4] =	ssyncset.done $0x0  }
0x65: {  	[sflag:s4] =	ssyncadd.s32 $0xFFFFFF80  }
0x66: {  	[tilespmem:s10], [sflag:$0x1] =	stream.indirect.gather [hbm4b:s2+s7], $0x1, s3, s7, $0xb8;
	[tilespmem:$0x480] =	vst v63  }
0x67: {  	_ = 	snop  }
0x68: {  	[tilespmem:s11], [sflag:$0x1] =	stream.indirect.gather [hbm4b:s2+s7], $0x1, s7, s7, $0xb8;
	[tilespmem:$0x480] =	vst v63  }
0x69: {  	_ = 	snop  }
0x6a: {  	[tilespmem:s12], [sflag:$0x1] =	stream.indirect.gather [hbm4b:s2+s7], $0x1, s9, s7, $0xb8;
	[tilespmem:$0x480] =	vst v63  }
0x6b: {  	_ =	swait.ge [sflag:s13], $0x80  }
0x6c: {  	[sflag:s13] =	ssyncset.done $0x0  }
0x6d: {  	[sflag:s13] =	ssyncadd.s32 $0xFFFFFF80  }
0x6e: {  	_ =	swait.ge [sflag:s13], $0x80  }
0x6f: {  	[sflag:s13] =	ssyncset.done $0x0  }
0x70: {  	[sflag:s13] =	ssyncadd.s32 $0xFFFFFF80  }
0x71: {  	_ =	swait.ge [sflag:s13], $0x80  }
0x72: {  	[sflag:s13] =	ssyncset.done $0x0  }
0x73: {  	[sflag:s13] =	ssyncadd.s32 $0xFFFFFF80  }
0x74: {  	v0 =	vld [tilespmem:$0x200];
	_ =	sdelay $0x1  }
0x75: {  	v1 =	vld [tilespmem:$0x210];
	_ =	sdelay $0x1  }
0x76: {  	v2 =	vld [tilespmem:$0x220]  }
0x77: {  	v0 =	vadd.f32 $0.0e+00, v0  }
0x78: {  	v3 =	vld [tilespmem:$0x230]  }
0x79: {  	v0 =	vadd.f32 v1, v0  }
0x7a: {  	v1 =	vld [tilespmem:$0x240]  }
0x7b: {  	v0 =	vadd.f32 v2, v0  }
0x7c: {  	v2 =	vld [tilespmem:$0x250]  }
0x7d: {  	v0 =	vadd.f32 v3, v0  }
0x7e: {  	v3 =	vld [tilespmem:$0x260]  }
0x7f: {  	v0 =	vadd.f32 v1, v0  }
0x80: {  	v1 =	vld [tilespmem:$0x270]  }
0x81: {  	v0 =	vadd.f32 v2, v0  }
0x82: {  	v2 =	vld [tilespmem:$0x280]  }
0x83: {  	v0 =	vadd.f32 v3, v0  }
0x84: {  	v3 =	vld [tilespmem:$0x290]  }
0x85: {  	v0 =	vadd.f32 v1, v0  }
0x86: {  	v1 =	vld [tilespmem:$0x2A0]  }
0x87: {  	v0 =	vadd.f32 v2, v0  }
0x88: {  	v2 =	vld [tilespmem:$0x2B0]  }
0x89: {  	v0 =	vadd.f32 v3, v0  }
0x8a: {  	v3 =	vld [tilespmem:$0x2C0]  }
0x8b: {  	v0 =	vadd.f32 v1, v0  }
0x8c: {  	v1 =	vld [tilespmem:$0x2D0]  }
0x8d: {  	v0 =	vadd.f32 v2, v0  }
0x8e: {  	v2 =	vld [tilespmem:$0x2E0]  }
0x8f: {  	v0 =	vadd.f32 v3, v0  }
0x90: {  	v3 =	vld [tilespmem:$0x2F0]  }
0x91: {  	v0 =	vadd.f32 v1, v0  }
0x92: {  	v1 =	vld [tilespmem:$0x300]  }
0x93: {  	v0 =	vadd.f32 v2, v0  }
0x94: {  	v2 =	vld [tilespmem:$0x310]  }
0x95: {  	v0 =	vadd.f32 v3, v0  }
0x96: {  	v3 =	vld [tilespmem:$0x320]  }
0x97: {  	v0 =	vadd.f32 v1, v0  }
0x98: {  	v1 =	vld [tilespmem:$0x330]  }
0x99: {  	v0 =	vadd.f32 v2, v0  }
0x9a: {  	v2 =	vld [tilespmem:$0x340]  }
0x9b: {  	v0 =	vadd.f32 v3, v0  }
0x9c: {  	v3 =	vld [tilespmem:$0x350]  }
0x9d: {  	v0 =	vadd.f32 v1, v0  }
0x9e: {  	v1 =	vld [tilespmem:$0x360]  }
0x9f: {  	v0 =	vadd.f32 v2, v0  }
0xa0: {  	v2 =	vld [tilespmem:$0x370]  }
0xa1: {  	v0 =	vadd.f32 v3, v0;
	_ =	sdelay $0x1  }
0xa2: {  	v0 =	vadd.f32 v1, v0;
	_ =	sdelay $0x1  }
0xa3: {  	v0 =	vadd.f32 v2, v0  }
.Ltmp1:
0xa4: {  	(pc) =	sbr.rel @p0 .LBB2_1-.Ltmp1, $4  }
0xa5: {  	[tilespmem:$0x400] =	vst v0  }
0xa6: {  	[hbm4b:s14+s3] =	stream.linear.scatter [tilespmem:s15], [sflag:$0x2], $0x10, $0x38;
	[tilespmem:$0x480] =	vst v63  }
0xa7: {  	_ =	swait.ge [sflag:s4], $0x10  }
0xa8: {  	[sflag:s4] =	ssyncset.done $0x0  }
.LBB2_2:
0xa9: {  	[sflag:s4] =	ssyncadd.s32 $0xFFFFFFF0  }
0xaa: {  	_ =	sfence.sel $0x180000  }
0xab: {  	[bflag:$0x0] =	sbarrier.arrive $0xFFFF  }
0xac: {  	p0 =	sne.s32 s0, $0x0;
	_ =	strace $0x90000047  }
0xad: {  	s0 =	sadd.s32 @!p0 $0x100000, s1;
	[bflag:$0x2] =	sbarrier.arrive $0xFFFF  }
0xae: {  	[sflag:s0] =	ssyncadd.tile.s32 @!p0 $0x1;
	_ =	shalt  }
.Lfunc_end2:
_tile_overlayer_lowered:
.L_overlay_start_2:
0xaf: {  	(tag) =	ssettag $0x2  }
0xb0: {  	s0 =	rddreg [dreg:$0x0];
	s2 =	stileid.u32  }
0xb1: {  	s1 =	rddreg [dreg:$0x1];
	p0 =	sne.s32 s2, $0x0  }
0xb2: {  	s3 =	rddreg [dreg:$0x2];
	[bflag:$0x3] =	sbarrier.arrive $0xFFFF;
	s2 =	simm.s32 @!p0 $0x1C02  }
0xb3: {  	[timem:s3], [sflag:s2] =	dma.local @!p0 [hbm:s0], s1  }
0xb4: {  	s0 =	simm.s32 @!p0 $0x2  }
0xb5: {  	_ =	swait.ge @!p0 [sflag:s0], s1  }
0xb6: {  	s1 =	ssub.s32 @!p0 $0x0, s1;
	[sflag:s0] =	ssyncset.done @!p0 $0x0  }
0xb7: {  	[sflag:s0] =	ssyncadd.s32 @!p0 s1  }
0xb8: {  	[bflag:$0x3] =	sbarrier.arrive $0xFFFF  }
0xb9: {  	_ =	shalt  }

</sc_bundles>
